<compile_context>
chip_gen: v7x
topology: tpu7x:2x2x1
jax: 0.10.2.dev20260603
libtpu: 0.0.44.dev20260713+nightly
codegen_flags: <defaults>
</compile_context>

<pallas_src>
import functools

import jax
import jax.numpy as jnp
from jax import lax
from jax.experimental import pallas as pl
from jax.experimental.pallas import tpu as pltpu
from jax.experimental.pallas import tpu_sc as plsc

NC = 2
NS = 16
NW = NC * NS
LANES = 16
CHUNK = 128
SUP = 8


def _make_sc_agg(n_pad, d, steps0, steps1, with_cnt):
  rows_per_tile = n_pad // NS
  mesh = plsc.VectorSubcoreMesh(
      core_axis_name="c", subcore_axis_name="s",
      num_cores=NC, num_subcores=NS)

  out_type = [jax.ShapeDtypeStruct((NC, n_pad, d), jnp.float32)]
  scratch = [
      pltpu.VMEM_SHARED((n_pad, d), jnp.float32),
      pltpu.VMEM((SUP, CHUNK), jnp.int32),
      pltpu.VMEM((SUP, CHUNK), jnp.int32),
      pltpu.VMEM((2, CHUNK, d), jnp.float32),
      pltpu.SemaphoreType.DMA,
      pltpu.SemaphoreType.DMA,
      pltpu.SemaphoreType.DMA,
  ]
  if with_cnt:
    out_type.append(jax.ShapeDtypeStruct((NC * n_pad,), jnp.float32))
    scratch.append(pltpu.VMEM_SHARED((n_pad,), jnp.float32))
    scratch.append(pltpu.VMEM((CHUNK,), jnp.float32))

  def body(feat, src3, dst3, z2d, z1d, *rest):
    if with_cnt:
      (agg_out, cnt_out, agg_sh, src_v, dst_v, rows_v, semg, sems, semc,
       cnt_sh, ones_v) = rest
    else:
      agg_out, agg_sh, src_v, dst_v, rows_v, semg, sems, semc = rest
    c = lax.axis_index("c")
    s = lax.axis_index("s")
    wid = s * NC + c
    sl = pl.ds(s * rows_per_tile, rows_per_tile)

    pltpu.sync_copy(z2d, agg_sh.at[sl])
    if with_cnt:
      pltpu.sync_copy(z1d, cnt_sh.at[sl])
      ones16 = jnp.ones((LANES,), jnp.float32)

      def fill_ones(i, carry):
        ones_v[pl.ds(i * LANES, LANES)] = ones16
        return carry
      lax.fori_loop(0, CHUNK // LANES, fill_ones, 0)
    plsc.subcore_barrier()

    nsup_c = jnp.where(c == 0, steps0 // SUP, steps1 // SUP)

    def sup_step(g, carry):
      pltpu.sync_copy(src3.at[wid, pl.ds(g * SUP, SUP)], src_v)
      pltpu.sync_copy(dst3.at[wid, pl.ds(g * SUP, SUP)], dst_v)

      hg = [None] * SUP
      hs = [None] * SUP
      hc = [None] * SUP
      hg[0] = pltpu.async_copy(feat.at[src_v.at[0]], rows_v.at[0], semg)
      for k in range(SUP):
        hg[k].wait()
        if k > 0:
          hs[k - 1].wait()
        if k + 1 < SUP:
          hg[k + 1] = pltpu.async_copy(
              feat.at[src_v.at[k + 1]], rows_v.at[(k + 1) % 2], semg)
        hs[k] = pltpu.async_copy(
            rows_v.at[k % 2], agg_sh.at[dst_v.at[k]], sems, add=True)
        if with_cnt:
          hc[k] = pltpu.async_copy(
              ones_v, cnt_sh.at[dst_v.at[k]], semc, add=True)
      hs[SUP - 1].wait()
      if with_cnt:
        for k in range(SUP):
          hc[k].wait()
      return carry
    lax.fori_loop(0, nsup_c, sup_step, 0)

    plsc.subcore_barrier()
    pltpu.sync_copy(agg_sh.at[sl], agg_out.at[c, sl])
    if with_cnt:
      pltpu.sync_copy(
          cnt_sh.at[sl],
          cnt_out.at[pl.ds(c * n_pad + s * rows_per_tile, rows_per_tile)])

  return pl.kernel(body, out_type=tuple(out_type), mesh=mesh,
                   scratch_types=tuple(scratch))


def _tc_body(relu, p0, p1, cp, x, wl, wr, b, out):
  cnt = jnp.sum(cp[...], axis=0)
  inv = 1.0 / jnp.maximum(cnt, 1.0)
  mean = (p0[...] + p1[...]) * inv[:, None]
  acc = jnp.dot(mean, wl[...], preferred_element_type=jnp.float32)
  acc = acc + jnp.dot(x[...], wr[...], preferred_element_type=jnp.float32)
  acc = acc + b[...]
  if relu:
    acc = jnp.maximum(acc, 0.0)
  out[...] = acc


def _make_tc_layer(n, d, relu, blk=1024):
  grid = n // blk
  return pl.pallas_call(
      functools.partial(_tc_body, relu),
      grid=(grid,),
      in_specs=[
          pl.BlockSpec((blk, d), lambda i: (i, 0)),
          pl.BlockSpec((blk, d), lambda i: (i, 0)),
          pl.BlockSpec((NC, blk), lambda i: (0, i)),
          pl.BlockSpec((blk, d), lambda i: (i, 0)),
          pl.BlockSpec((d, d), lambda i: (0, 0)),
          pl.BlockSpec((d, d), lambda i: (0, 0)),
          pl.BlockSpec((1, d), lambda i: (0, 0)),
      ],
      out_specs=pl.BlockSpec((blk, d), lambda i: (i, 0)),
      out_shape=jax.ShapeDtypeStruct((n, d), jnp.float32),
  )


def kernel(x, edge_index, W1l, W1r, b1, W2l, W2r, b2):
  n, d = x.shape
  e = edge_index.shape[1]
  n_pad = ((n + 1 + 2047) // 2048) * 2048
  rows_per_tile = n_pad // NS
  steps = -(-e // (NW * CHUNK * SUP)) * SUP
  e_pad = steps * NW * CHUNK
  steps0 = (2 * steps * 3 // 4) // SUP * SUP
  steps1 = 2 * steps - steps0

  def pack(flat, fill):
    flat = jnp.pad(flat, (0, e_pad - e), constant_values=fill)
    a = flat[:NS * steps0 * CHUNK].reshape(NS, steps0, CHUNK)
    b = flat[NS * steps0 * CHUNK:].reshape(NS, steps1, CHUNK)
    b = jnp.pad(b, ((0, 0), (0, steps0 - steps1), (0, 0)))
    return jnp.stack([a, b], axis=1).reshape(NW, steps0, CHUNK)

  src = pack(edge_index[0], 0)
  dst = pack(edge_index[1], n)
  z2d = jnp.zeros((rows_per_tile, d), jnp.float32)
  z1d = jnp.zeros((rows_per_tile,), jnp.float32)
  xp = jnp.pad(x, ((0, n_pad - n), (0, 0)))
  b1r = b1.reshape(1, d)
  b2r = b2.reshape(1, d)

  sc1 = _make_sc_agg(n_pad, d, steps0, steps1, with_cnt=True)
  sc2 = _make_sc_agg(n_pad, d, steps0, steps1, with_cnt=False)
  tc1 = _make_tc_layer(n_pad, d, relu=True)
  tc2 = _make_tc_layer(n_pad, d, relu=False)

  agg1, cnt = sc1(x, src, dst, z2d, z1d)
  cnt2 = cnt.reshape(NC, n_pad)
  h = tc1(agg1[0], agg1[1], cnt2, xp, W1l, W1r, b1r)
  (agg2,) = sc2(h, src, dst, z2d, z1d)
  out = tc2(agg2[0], agg2[1], cnt2, h, W2l, W2r, b2r)
  return out[:n]

# --- scband reference (transcript-rebuilt; emitter-appended) ---
"""Pipeline reference for scband-gnn-44684839748189 (READ-ONLY COPY).

The authoritative reference and input builder live on the scoring server;
editing this copy changes nothing except your own understanding.
"""

import jax, jax.numpy as jnp
import numpy as np

N = 10000
E = 320000
D_IN = 128
D_HID = 128
D_OUT = 128


def _glorot(key, shape):
    fan_in, fan_out = shape[0], shape[1]
    lim = np.sqrt(6.0 / (fan_in + fan_out))
    return jax.random.uniform(key, shape, jnp.float32, -lim, lim)


def setup_inputs(seed: int = 0) -> dict:
    key = jax.random.key(seed)
    ks = jax.random.split(key, 8)
    x = jax.random.normal(ks[0], (N, D_IN), dtype=jnp.float32)
    edge_index = jax.random.randint(ks[1], (2, E), 0, N, dtype=jnp.int32)
    # SAGEConv layer 1 params (lin_l acts on aggregated neighbors, lin_r on root)
    W1l = _glorot(ks[2], (D_IN, D_HID))
    W1r = _glorot(ks[3], (D_IN, D_HID))
    b1 = jnp.zeros((D_HID,), jnp.float32)
    # SAGEConv layer 2 params
    W2l = _glorot(ks[4], (D_HID, D_OUT))
    W2r = _glorot(ks[5], (D_HID, D_OUT))
    b2 = jnp.zeros((D_OUT,), jnp.float32)
    return {"x": x, "edge_index": edge_index, "W1l": W1l, "W1r": W1r, "b1": b1,
            "W2l": W2l, "W2r": W2r, "b2": b2}


def _sage_conv(x, src, dst, Wl, Wr, b):
    # mean aggregation of neighbor messages (src -> dst)
    msg = jnp.take(x, src, axis=0)
    agg = jnp.zeros((N, x.shape[1]), x.dtype).at[dst].add(msg)
    cnt = jnp.zeros((N,), x.dtype).at[dst].add(1.0)
    mean = agg / jnp.clip(cnt, 1.0, None)[:, None]
    return mean @ Wl + x @ Wr + b


def reference(x, edge_index, W1l, W1r, b1, W2l, W2r, b2):
    src = edge_index[0]
    dst = edge_index[1]
    h = _sage_conv(x, src, dst, W1l, W1r, b1)
    h = jax.nn.relu(h)
    # dropout=0.0 -> identity
    out = _sage_conv(h, src, dst, W2l, W2r, b2)
    # plain_last=True -> no final norm/activation
    return out

if __name__ == "__main__":
    import jax
    _d = setup_inputs()
    print(jax.jit(kernel)(*tuple(_d.values())))

</pallas_src>

<mosaic_0001>
#map = affine_map<(d0, d1) -> (0, 0)>
#map1 = affine_map<(d0, d1) -> (0, 0, 0)>
#map2 = affine_map<(d0, d1) -> (0)>
module attributes {stable_mosaic.version = 14 : i64} {
  func.func @body(%arg0: i32, %arg1: i32, %arg2: memref<10240x128xf32, #tpu.memory_space<hbm>>, %arg3: memref<32x120x128xi32, #tpu.memory_space<hbm>>, %arg4: memref<32x120x128xi32, #tpu.memory_space<hbm>>, %arg5: memref<640x128xf32, #tpu.memory_space<hbm>>, %arg6: memref<640xf32, #tpu.memory_space<hbm>>, %arg7: memref<2x10240x128xf32, #tpu.memory_space<hbm>>, %arg8: memref<10240x128xf32, #tpu.memory_space<vmem_shared>>, %arg9: memref<8x128xi32, #tpu.memory_space<vmem>>, %arg10: memref<8x128xi32, #tpu.memory_space<vmem>>, %arg11: memref<2x128x128xf32, #tpu.memory_space<vmem>>, %arg12: memref<!tpu.dma_semaphore, #tpu.memory_space<semaphore_mem>>, %arg13: memref<!tpu.dma_semaphore, #tpu.memory_space<semaphore_mem>>, %arg14: memref<!tpu.dma_semaphore, #tpu.memory_space<semaphore_mem>>) attributes {dimension_semantics = [#tpu.dimension_semantics<core_parallel>, #tpu.dimension_semantics<subcore_parallel>], iteration_bounds = array<i64: 2, 16>, scalar_prefetch = 0 : i64, scratch_operands = 7 : i64, tpu.core_type = #tpu.core_type<sc_vector_subcore>, window_params = [{transform_indices = #map}, {transform_indices = #map1}, {transform_indices = #map1}, {transform_indices = #map}, {transform_indices = #map2}, {transform_indices = #map1}]} {
    %mul3A = arith.constant 2 : i32
    %mul3A_0 = arith.muli %arg1, %mul3A : i32
    %add3A = arith.addi %mul3A_0, %arg0 : i32
    %mul3A_1 = arith.constant 640 : i32
    %mul3A_2 = arith.muli %arg1, %mul3A_1 : i32
    "tpu.region"() ({
      %run_scoped3A = tpu.sem_alloc : memref<!tpu.dma_semaphore, #tpu.memory_space<semaphore_mem>>
      %dma_start3A = arith.constant 0 : i32
      %dma_start3A_15 = tpu.memref_slice %arg8[%mul3A_2, %dma_start3A] : memref<10240x128xf32, #tpu.memory_space<vmem_shared>> -> memref<640x128xf32, #tpu.memory_space<vmem_shared>>
      tpu.enqueue_dma source(%arg5 : memref<640x128xf32, #tpu.memory_space<hbm>>) target(%dma_start3A_15 : memref<640x128xf32, #tpu.memory_space<vmem_shared>>) target_semaphore(%run_scoped3A : memref<!tpu.dma_semaphore, #tpu.memory_space<semaphore_mem>>)
      %dma_wait3A = arith.constant 0 : i32
      %dma_wait3A_16 = tpu.memref_slice %arg8[%mul3A_2, %dma_wait3A] : memref<10240x128xf32, #tpu.memory_space<vmem_shared>> -> memref<640x128xf32, #tpu.memory_space<vmem_shared>>
      tpu.wait_dma2 semaphore(%run_scoped3A : memref<!tpu.dma_semaphore, #tpu.memory_space<semaphore_mem>>) src(%arg5 : memref<640x128xf32, #tpu.memory_space<hbm>>) dst(%dma_wait3A_16 : memref<640x128xf32, #tpu.memory_space<vmem_shared>>)
      tpu.yield
    }) : () -> ()
    %barrier3A = arith.constant 0 : index
    tpu.barrier barrier_id(%barrier3A)
    %eq3A = arith.constant 0 : i32
    %eq3A_3 = arith.cmpi eq, %arg0, %eq3A : i32
    %jit3A = arith.constant 15 : i32
    %jit3A_4 = arith.constant 5 : i32
    %select_n3A = arith.select %eq3A_3, %jit3A, %jit3A_4 : i32
    %while3A = arith.constant 0 : i32
    %while3A_5 = arith.constant 0 : i32
    %while3A_6 = arith.subi %select_n3A, %while3A_5 : i32
    %while3A_7 = arith.addi %while3A_5, %while3A_6 : i32
    %while3A_8 = arith.constant 1 : i32
    %while3A_9 = arith.divsi %while3A_6, %while3A_8 : i32
    %while3A_10 = arith.muli %while3A_9, %while3A_8 : i32
    %while3A_11 = arith.addi %while3A_5, %while3A_10 : i32
    %while3A_12 = arith.constant 1 : i32
    scf.for %while3A_15 = %while3A_5 to %while3A_11 step %while3A_12  : i32 {
      %mul3A_16 = arith.constant 8 : i32
      %mul3A_17 = arith.muli %while3A_15, %mul3A_16 : i32
      "tpu.region"() ({
        %run_scoped3A = tpu.sem_alloc : memref<!tpu.dma_semaphore, #tpu.memory_space<semaphore_mem>>
        %dma_start3A_402 = arith.constant 0 : i32
        %dma_start3A_403 = tpu.memref_slice %arg3[%add3A, %mul3A_17, %dma_start3A_402] : memref<32x120x128xi32, #tpu.memory_space<hbm>> -> memref<1x8x128xi32, #tpu.memory_space<hbm>>
        %dma_start3A_404 = tpu.memref_squeeze %dma_start3A_403 : memref<1x8x128xi32, #tpu.memory_space<hbm>> -> memref<8x128xi32, #tpu.memory_space<hbm>>
        %dma_start3A_405 = arith.constant 0 : i32
        %dma_start3A_406 = tpu.memref_slice %arg3[%add3A, %mul3A_17, %dma_start3A_405] : memref<32x120x128xi32, #tpu.memory_space<hbm>> -> memref<1x8x128xi32, #tpu.memory_space<hbm>>
        %dma_start3A_407 = tpu.memref_squeeze %dma_start3A_406 : memref<1x8x128xi32, #tpu.memory_space<hbm>> -> memref<8x128xi32, #tpu.memory_space<hbm>>
        tpu.enqueue_dma source(%dma_start3A_407 : memref<8x128xi32, #tpu.memory_space<hbm>>) target(%arg9 : memref<8x128xi32, #tpu.memory_space<vmem>>) target_semaphore(%run_scoped3A : memref<!tpu.dma_semaphore, #tpu.memory_space<semaphore_mem>>)
        %dma_wait3A_408 = arith.constant 0 : i32
        %dma_wait3A_409 = tpu.memref_slice %arg3[%add3A, %mul3A_17, %dma_wait3A_408] : memref<32x120x128xi32, #tpu.memory_space<hbm>> -> memref<1x8x128xi32, #tpu.memory_space<hbm>>
        %dma_wait3A_410 = tpu.memref_squeeze %dma_wait3A_409 : memref<1x8x128xi32, #tpu.memory_space<hbm>> -> memref<8x128xi32, #tpu.memory_space<hbm>>
        %dma_wait3A_411 = arith.constant 0 : i32
        %dma_wait3A_412 = tpu.memref_slice %arg3[%add3A, %mul3A_17, %dma_wait3A_411] : memref<32x120x128xi32, #tpu.memory_space<hbm>> -> memref<1x8x128xi32, #tpu.memory_space<hbm>>
        %dma_wait3A_413 = tpu.memref_squeeze %dma_wait3A_412 : memref<1x8x128xi32, #tpu.memory_space<hbm>> -> memref<8x128xi32, #tpu.memory_space<hbm>>
        tpu.wait_dma2 semaphore(%run_scoped3A : memref<!tpu.dma_semaphore, #tpu.memory_space<semaphore_mem>>) src(%dma_wait3A_413 : memref<8x128xi32, #tpu.memory_space<hbm>>) dst(%arg9 : memref<8x128xi32, #tpu.memory_space<vmem>>)
        tpu.yield
      }) : () -> ()
      %mul3A_18 = arith.constant 8 : i32
      %mul3A_19 = arith.muli %while3A_15, %mul3A_18 : i32
      "tpu.region"() ({
        %run_scoped3A = tpu.sem_alloc : memref<!tpu.dma_semaphore, #tpu.memory_space<semaphore_mem>>
        %dma_start3A_402 = arith.constant 0 : i32
        %dma_start3A_403 = tpu.memref_slice %arg4[%add3A, %mul3A_19, %dma_start3A_402] : memref<32x120x128xi32, #tpu.memory_space<hbm>> -> memref<1x8x128xi32, #tpu.memory_space<hbm>>
        %dma_start3A_404 = tpu.memref_squeeze %dma_start3A_403 : memref<1x8x128xi32, #tpu.memory_space<hbm>> -> memref<8x128xi32, #tpu.memory_space<hbm>>
        %dma_start3A_405 = arith.constant 0 : i32
        %dma_start3A_406 = tpu.memref_slice %arg4[%add3A, %mul3A_19, %dma_start3A_405] : memref<32x120x128xi32, #tpu.memory_space<hbm>> -> memref<1x8x128xi32, #tpu.memory_space<hbm>>
        %dma_start3A_407 = tpu.memref_squeeze %dma_start3A_406 : memref<1x8x128xi32, #tpu.memory_space<hbm>> -> memref<8x128xi32, #tpu.memory_space<hbm>>
        tpu.enqueue_dma source(%dma_start3A_407 : memref<8x128xi32, #tpu.memory_space<hbm>>) target(%arg10 : memref<8x128xi32, #tpu.memory_space<vmem>>) target_semaphore(%run_scoped3A : memref<!tpu.dma_semaphore, #tpu.memory_space<semaphore_mem>>)
        %dma_wait3A_408 = arith.constant 0 : i32
        %dma_wait3A_409 = tpu.memref_slice %arg4[%add3A, %mul3A_19, %dma_wait3A_408] : memref<32x120x128xi32, #tpu.memory_space<hbm>> -> memref<1x8x128xi32, #tpu.memory_space<hbm>>
        %dma_wait3A_410 = tpu.memref_squeeze %dma_wait3A_409 : memref<1x8x128xi32, #tpu.memory_space<hbm>> -> memref<8x128xi32, #tpu.memory_space<hbm>>
        %dma_wait3A_411 = arith.constant 0 : i32
        %dma_wait3A_412 = tpu.memref_slice %arg4[%add3A, %mul3A_19, %dma_wait3A_411] : memref<32x120x128xi32, #tpu.memory_space<hbm>> -> memref<1x8x128xi32, #tpu.memory_space<hbm>>
        %dma_wait3A_413 = tpu.memref_squeeze %dma_wait3A_412 : memref<1x8x128xi32, #tpu.memory_space<hbm>> -> memref<8x128xi32, #tpu.memory_space<hbm>>
        tpu.wait_dma2 semaphore(%run_scoped3A : memref<!tpu.dma_semaphore, #tpu.memory_space<semaphore_mem>>) src(%dma_wait3A_413 : memref<8x128xi32, #tpu.memory_space<hbm>>) dst(%arg10 : memref<8x128xi32, #tpu.memory_space<vmem>>)
        tpu.yield
      }) : () -> ()
      %dma_start3A = arith.constant 0 : i32
      %dma_start3A_20 = arith.constant 0 : i32
      %dma_start3A_21 = arith.constant 0 : i32
      %dma_start3A_22 = arith.constant 0 : i32
      %dma_start3A_23 = tpu.memref_slice %arg11[%dma_start3A_20, %dma_start3A_21, %dma_start3A_22] : memref<2x128x128xf32, #tpu.memory_space<vmem>> -> memref<1x128x128xf32, #tpu.memory_space<vmem>>
      %dma_start3A_24 = tpu.memref_squeeze %dma_start3A_23 : memref<1x128x128xf32, #tpu.memory_space<vmem>> -> memref<128x128xf32, #tpu.memory_space<vmem>>
      %dma_start3A_25 = arith.constant 0 : i32
      %dma_start3A_26 = tpu.memref_slice %arg9[%dma_start3A, %dma_start3A_25] : memref<8x128xi32, #tpu.memory_space<vmem>> -> memref<1x128xi32, #tpu.memory_space<vmem>>
      %dma_start3A_27 = tpu.memref_squeeze %dma_start3A_26 : memref<1x128xi32, #tpu.memory_space<vmem>> -> memref<128xi32, #tpu.memory_space<vmem>>
      %dma_start3A_28 = arith.constant 0 : i32
      %dma_start3A_29 = arith.constant 0 : i32
      %dma_start3A_30 = tpu.memref_slice %arg2[%dma_start3A_28, %dma_start3A_29] : memref<10240x128xf32, #tpu.memory_space<hbm>> -> memref<10240x128xf32, #tpu.memory_space<hbm>>
      tpu.enqueue_indirect_dma source(%dma_start3A_30 : memref<10240x128xf32, #tpu.memory_space<hbm>>) target(%dma_start3A_24 : memref<128x128xf32, #tpu.memory_space<vmem>>) offsets(%dma_start3A_27 : memref<128xi32, #tpu.memory_space<vmem>>) semaphore(%arg12 : memref<!tpu.dma_semaphore, #tpu.memory_space<semaphore_mem>>)
      %dma_wait3A = arith.constant 0 : i32
      %dma_wait3A_31 = arith.constant 0 : i32
      %dma_wait3A_32 = arith.constant 0 : i32
      %dma_wait3A_33 = arith.constant 0 : i32
      %dma_wait3A_34 = tpu.memref_slice %arg11[%dma_wait3A_31, %dma_wait3A_32, %dma_wait3A_33] : memref<2x128x128xf32, #tpu.memory_space<vmem>> -> memref<1x128x128xf32, #tpu.memory_space<vmem>>
      %dma_wait3A_35 = tpu.memref_squeeze %dma_wait3A_34 : memref<1x128x128xf32, #tpu.memory_space<vmem>> -> memref<128x128xf32, #tpu.memory_space<vmem>>
      %dma_wait3A_36 = arith.constant 0 : i32
      %dma_wait3A_37 = tpu.memref_slice %arg9[%dma_wait3A, %dma_wait3A_36] : memref<8x128xi32, #tpu.memory_space<vmem>> -> memref<1x128xi32, #tpu.memory_space<vmem>>
      %dma_wait3A_38 = tpu.memref_squeeze %dma_wait3A_37 : memref<1x128xi32, #tpu.memory_space<vmem>> -> memref<128xi32, #tpu.memory_space<vmem>>
      %dma_wait3A_39 = arith.constant 0 : i32
      %dma_wait3A_40 = arith.constant 0 : i32
      %dma_wait3A_41 = tpu.memref_slice %arg2[%dma_wait3A_39, %dma_wait3A_40] : memref<10240x128xf32, #tpu.memory_space<hbm>> -> memref<10240x128xf32, #tpu.memory_space<hbm>>
      tpu.wait_indirect_dma semaphore(%arg12 : memref<!tpu.dma_semaphore, #tpu.memory_space<semaphore_mem>>) src(%dma_wait3A_41 : memref<10240x128xf32, #tpu.memory_space<hbm>>) dst(%dma_wait3A_35 : memref<128x128xf32, #tpu.memory_space<vmem>>)
      %dma_start3A_42 = arith.constant 1 : i32
      %dma_start3A_43 = arith.constant 1 : i32
      %dma_start3A_44 = arith.constant 0 : i32
      %dma_start3A_45 = arith.constant 0 : i32
      %dma_start3A_46 = tpu.memref_slice %arg11[%dma_start3A_43, %dma_start3A_44, %dma_start3A_45] : memref<2x128x128xf32, #tpu.memory_space<vmem>> -> memref<1x128x128xf32, #tpu.memory_space<vmem>>
      %dma_start3A_47 = tpu.memref_squeeze %dma_start3A_46 : memref<1x128x128xf32, #tpu.memory_space<vmem>> -> memref<128x128xf32, #tpu.memory_space<vmem>>
      %dma_start3A_48 = arith.constant 0 : i32
      %dma_start3A_49 = tpu.memref_slice %arg9[%dma_start3A_42, %dma_start3A_48] : memref<8x128xi32, #tpu.memory_space<vmem>> -> memref<1x128xi32, #tpu.memory_space<vmem>>
      %dma_start3A_50 = tpu.memref_squeeze %dma_start3A_49 : memref<1x128xi32, #tpu.memory_space<vmem>> -> memref<128xi32, #tpu.memory_space<vmem>>
      %dma_start3A_51 = arith.constant 0 : i32
      %dma_start3A_52 = arith.constant 0 : i32
      %dma_start3A_53 = tpu.memref_slice %arg2[%dma_start3A_51, %dma_start3A_52] : memref<10240x128xf32, #tpu.memory_space<hbm>> -> memref<10240x128xf32, #tpu.memory_space<hbm>>
      tpu.enqueue_indirect_dma source(%dma_start3A_53 : memref<10240x128xf32, #tpu.memory_space<hbm>>) target(%dma_start3A_47 : memref<128x128xf32, #tpu.memory_space<vmem>>) offsets(%dma_start3A_50 : memref<128xi32, #tpu.memory_space<vmem>>) semaphore(%arg12 : memref<!tpu.dma_semaphore, #tpu.memory_space<semaphore_mem>>)
      %dma_start3A_54 = arith.constant 0 : i32
      %dma_start3A_55 = arith.constant 0 : i32
      %dma_start3A_56 = arith.constant 0 : i32
      %dma_start3A_57 = arith.constant 0 : i32
      %dma_start3A_58 = tpu.memref_slice %arg11[%dma_start3A_54, %dma_start3A_56, %dma_start3A_57] : memref<2x128x128xf32, #tpu.memory_space<vmem>> -> memref<1x128x128xf32, #tpu.memory_space<vmem>>
      %dma_start3A_59 = tpu.memref_squeeze %dma_start3A_58 : memref<1x128x128xf32, #tpu.memory_space<vmem>> -> memref<128x128xf32, #tpu.memory_space<vmem>>
      %dma_start3A_60 = arith.constant 0 : i32
      %dma_start3A_61 = tpu.memref_slice %arg10[%dma_start3A_55, %dma_start3A_60] : memref<8x128xi32, #tpu.memory_space<vmem>> -> memref<1x128xi32, #tpu.memory_space<vmem>>
      %dma_start3A_62 = tpu.memref_squeeze %dma_start3A_61 : memref<1x128xi32, #tpu.memory_space<vmem>> -> memref<128xi32, #tpu.memory_space<vmem>>
      %dma_start3A_63 = arith.constant 0 : i32
      %dma_start3A_64 = arith.constant 0 : i32
      %dma_start3A_65 = tpu.memref_slice %arg8[%dma_start3A_63, %dma_start3A_64] : memref<10240x128xf32, #tpu.memory_space<vmem_shared>> -> memref<10240x128xf32, #tpu.memory_space<vmem_shared>>
      tpu.enqueue_indirect_dma source(%dma_start3A_59 : memref<128x128xf32, #tpu.memory_space<vmem>>) target(%dma_start3A_65 : memref<10240x128xf32, #tpu.memory_space<vmem_shared>>) offsets(%dma_start3A_62 : memref<128xi32, #tpu.memory_space<vmem>>) semaphore(%arg13 : memref<!tpu.dma_semaphore, #tpu.memory_space<semaphore_mem>>) {add = true}
      %dma_wait3A_66 = arith.constant 1 : i32
      %dma_wait3A_67 = arith.constant 1 : i32
      %dma_wait3A_68 = arith.constant 0 : i32
      %dma_wait3A_69 = arith.constant 0 : i32
      %dma_wait3A_70 = tpu.memref_slice %arg11[%dma_wait3A_67, %dma_wait3A_68, %dma_wait3A_69] : memref<2x128x128xf32, #tpu.memory_space<vmem>> -> memref<1x128x128xf32, #tpu.memory_space<vmem>>
      %dma_wait3A_71 = tpu.memref_squeeze %dma_wait3A_70 : memref<1x128x128xf32, #tpu.memory_space<vmem>> -> memref<128x128xf32, #tpu.memory_space<vmem>>
      %dma_wait3A_72 = arith.constant 0 : i32
      %dma_wait3A_73 = tpu.memref_slice %arg9[%dma_wait3A_66, %dma_wait3A_72] : memref<8x128xi32, #tpu.memory_space<vmem>> -> memref<1x128xi32, #tpu.memory_space<vmem>>
      %dma_wait3A_74 = tpu.memref_squeeze %dma_wait3A_73 : memref<1x128xi32, #tpu.memory_space<vmem>> -> memref<128xi32, #tpu.memory_space<vmem>>
      %dma_wait3A_75 = arith.constant 0 : i32
      %dma_wait3A_76 = arith.constant 0 : i32
      %dma_wait3A_77 = tpu.memref_slice %arg2[%dma_wait3A_75, %dma_wait3A_76] : memref<10240x128xf32, #tpu.memory_space<hbm>> -> memref<10240x128xf32, #tpu.memory_space<hbm>>
      tpu.wait_indirect_dma semaphore(%arg12 : memref<!tpu.dma_semaphore, #tpu.memory_space<semaphore_mem>>) src(%dma_wait3A_77 : memref<10240x128xf32, #tpu.memory_space<hbm>>) dst(%dma_wait3A_71 : memref<128x128xf32, #tpu.memory_space<vmem>>)
      %dma_wait3A_78 = arith.constant 0 : i32
      %dma_wait3A_79 = arith.constant 0 : i32
      %dma_wait3A_80 = arith.constant 0 : i32
      %dma_wait3A_81 = arith.constant 0 : i32
      %dma_wait3A_82 = tpu.memref_slice %arg11[%dma_wait3A_78, %dma_wait3A_80, %dma_wait3A_81] : memref<2x128x128xf32, #tpu.memory_space<vmem>> -> memref<1x128x128xf32, #tpu.memory_space<vmem>>
      %dma_wait3A_83 = tpu.memref_squeeze %dma_wait3A_82 : memref<1x128x128xf32, #tpu.memory_space<vmem>> -> memref<128x128xf32, #tpu.memory_space<vmem>>
      %dma_wait3A_84 = arith.constant 0 : i32
      %dma_wait3A_85 = tpu.memref_slice %arg10[%dma_wait3A_79, %dma_wait3A_84] : memref<8x128xi32, #tpu.memory_space<vmem>> -> memref<1x128xi32, #tpu.memory_space<vmem>>
      %dma_wait3A_86 = tpu.memref_squeeze %dma_wait3A_85 : memref<1x128xi32, #tpu.memory_space<vmem>> -> memref<128xi32, #tpu.memory_space<vmem>>
      %dma_wait3A_87 = arith.constant 0 : i32
      %dma_wait3A_88 = arith.constant 0 : i32
      %dma_wait3A_89 = tpu.memref_slice %arg8[%dma_wait3A_87, %dma_wait3A_88] : memref<10240x128xf32, #tpu.memory_space<vmem_shared>> -> memref<10240x128xf32, #tpu.memory_space<vmem_shared>>
      tpu.wait_indirect_dma semaphore(%arg13 : memref<!tpu.dma_semaphore, #tpu.memory_space<semaphore_mem>>) src(%dma_wait3A_83 : memref<128x128xf32, #tpu.memory_space<vmem>>) dst(%dma_wait3A_89 : memref<10240x128xf32, #tpu.memory_space<vmem_shared>>)
      %dma_start3A_90 = arith.constant 2 : i32
      %dma_start3A_91 = arith.constant 0 : i32
      %dma_start3A_92 = arith.constant 0 : i32
      %dma_start3A_93 = arith.constant 0 : i32
      %dma_start3A_94 = tpu.memref_slice %arg11[%dma_start3A_91, %dma_start3A_92, %dma_start3A_93] : memref<2x128x128xf32, #tpu.memory_space<vmem>> -> memref<1x128x128xf32, #tpu.memory_space<vmem>>
      %dma_start3A_95 = tpu.memref_squeeze %dma_start3A_94 : memref<1x128x128xf32, #tpu.memory_space<vmem>> -> memref<128x128xf32, #tpu.memory_space<vmem>>
      %dma_start3A_96 = arith.constant 0 : i32
      %dma_start3A_97 = tpu.memref_slice %arg9[%dma_start3A_90, %dma_start3A_96] : memref<8x128xi32, #tpu.memory_space<vmem>> -> memref<1x128xi32, #tpu.memory_space<vmem>>
      %dma_start3A_98 = tpu.memref_squeeze %dma_start3A_97 : memref<1x128xi32, #tpu.memory_space<vmem>> -> memref<128xi32, #tpu.memory_space<vmem>>
      %dma_start3A_99 = arith.constant 0 : i32
      %dma_start3A_100 = arith.constant 0 : i32
      %dma_start3A_101 = tpu.memref_slice %arg2[%dma_start3A_99, %dma_start3A_100] : memref<10240x128xf32, #tpu.memory_space<hbm>> -> memref<10240x128xf32, #tpu.memory_space<hbm>>
      tpu.enqueue_indirect_dma source(%dma_start3A_101 : memref<10240x128xf32, #tpu.memory_space<hbm>>) target(%dma_start3A_95 : memref<128x128xf32, #tpu.memory_space<vmem>>) offsets(%dma_start3A_98 : memref<128xi32, #tpu.memory_space<vmem>>) semaphore(%arg12 : memref<!tpu.dma_semaphore, #tpu.memory_space<semaphore_mem>>)
      %dma_start3A_102 = arith.constant 1 : i32
      %dma_start3A_103 = arith.constant 1 : i32
      %dma_start3A_104 = arith.constant 0 : i32
      %dma_start3A_105 = arith.constant 0 : i32
      %dma_start3A_106 = tpu.memref_slice %arg11[%dma_start3A_102, %dma_start3A_104, %dma_start3A_105] : memref<2x128x128xf32, #tpu.memory_space<vmem>> -> memref<1x128x128xf32, #tpu.memory_space<vmem>>
      %dma_start3A_107 = tpu.memref_squeeze %dma_start3A_106 : memref<1x128x128xf32, #tpu.memory_space<vmem>> -> memref<128x128xf32, #tpu.memory_space<vmem>>
      %dma_start3A_108 = arith.constant 0 : i32
      %dma_start3A_109 = tpu.memref_slice %arg10[%dma_start3A_103, %dma_start3A_108] : memref<8x128xi32, #tpu.memory_space<vmem>> -> memref<1x128xi32, #tpu.memory_space<vmem>>
      %dma_start3A_110 = tpu.memref_squeeze %dma_start3A_109 : memref<1x128xi32, #tpu.memory_space<vmem>> -> memref<128xi32, #tpu.memory_space<vmem>>
      %dma_start3A_111 = arith.constant 0 : i32
      %dma_start3A_112 = arith.constant 0 : i32
      %dma_start3A_113 = tpu.memref_slice %arg8[%dma_start3A_111, %dma_start3A_112] : memref<10240x128xf32, #tpu.memory_space<vmem_shared>> -> memref<10240x128xf32, #tpu.memory_space<vmem_shared>>
      tpu.enqueue_indirect_dma source(%dma_start3A_107 : memref<128x128xf32, #tpu.memory_space<vmem>>) target(%dma_start3A_113 : memref<10240x128xf32, #tpu.memory_space<vmem_shared>>) offsets(%dma_start3A_110 : memref<128xi32, #tpu.memory_space<vmem>>) semaphore(%arg13 : memref<!tpu.dma_semaphore, #tpu.memory_space<semaphore_mem>>) {add = true}
      %dma_wait3A_114 = arith.constant 2 : i32
      %dma_wait3A_115 = arith.constant 0 : i32
      %dma_wait3A_116 = arith.constant 0 : i32
      %dma_wait3A_117 = arith.constant 0 : i32
      %dma_wait3A_118 = tpu.memref_slice %arg11[%dma_wait3A_115, %dma_wait3A_116, %dma_wait3A_117] : memref<2x128x128xf32, #tpu.memory_space<vmem>> -> memref<1x128x128xf32, #tpu.memory_space<vmem>>
      %dma_wait3A_119 = tpu.memref_squeeze %dma_wait3A_118 : memref<1x128x128xf32, #tpu.memory_space<vmem>> -> memref<128x128xf32, #tpu.memory_space<vmem>>
      %dma_wait3A_120 = arith.constant 0 : i32
      %dma_wait3A_121 = tpu.memref_slice %arg9[%dma_wait3A_114, %dma_wait3A_120] : memref<8x128xi32, #tpu.memory_space<vmem>> -> memref<1x128xi32, #tpu.memory_space<vmem>>
      %dma_wait3A_122 = tpu.memref_squeeze %dma_wait3A_121 : memref<1x128xi32, #tpu.memory_space<vmem>> -> memref<128xi32, #tpu.memory_space<vmem>>
      %dma_wait3A_123 = arith.constant 0 : i32
      %dma_wait3A_124 = arith.constant 0 : i32
      %dma_wait3A_125 = tpu.memref_slice %arg2[%dma_wait3A_123, %dma_wait3A_124] : memref<10240x128xf32, #tpu.memory_space<hbm>> -> memref<10240x128xf32, #tpu.memory_space<hbm>>
      tpu.wait_indirect_dma semaphore(%arg12 : memref<!tpu.dma_semaphore, #tpu.memory_space<semaphore_mem>>) src(%dma_wait3A_125 : memref<10240x128xf32, #tpu.memory_space<hbm>>) dst(%dma_wait3A_119 : memref<128x128xf32, #tpu.memory_space<vmem>>)
      %dma_wait3A_126 = arith.constant 1 : i32
      %dma_wait3A_127 = arith.constant 1 : i32
      %dma_wait3A_128 = arith.constant 0 : i32
      %dma_wait3A_129 = arith.constant 0 : i32
      %dma_wait3A_130 = tpu.memref_slice %arg11[%dma_wait3A_126, %dma_wait3A_128, %dma_wait3A_129] : memref<2x128x128xf32, #tpu.memory_space<vmem>> -> memref<1x128x128xf32, #tpu.memory_space<vmem>>
      %dma_wait3A_131 = tpu.memref_squeeze %dma_wait3A_130 : memref<1x128x128xf32, #tpu.memory_space<vmem>> -> memref<128x128xf32, #tpu.memory_space<vmem>>
      %dma_wait3A_132 = arith.constant 0 : i32
      %dma_wait3A_133 = tpu.memref_slice %arg10[%dma_wait3A_127, %dma_wait3A_132] : memref<8x128xi32, #tpu.memory_space<vmem>> -> memref<1x128xi32, #tpu.memory_space<vmem>>
      %dma_wait3A_134 = tpu.memref_squeeze %dma_wait3A_133 : memref<1x128xi32, #tpu.memory_space<vmem>> -> memref<128xi32, #tpu.memory_space<vmem>>
      %dma_wait3A_135 = arith.constant 0 : i32
      %dma_wait3A_136 = arith.constant 0 : i32
      %dma_wait3A_137 = tpu.memref_slice %arg8[%dma_wait3A_135, %dma_wait3A_136] : memref<10240x128xf32, #tpu.memory_space<vmem_shared>> -> memref<10240x128xf32, #tpu.memory_space<vmem_shared>>
      tpu.wait_indirect_dma semaphore(%arg13 : memref<!tpu.dma_semaphore, #tpu.memory_space<semaphore_mem>>) src(%dma_wait3A_131 : memref<128x128xf32, #tpu.memory_space<vmem>>) dst(%dma_wait3A_137 : memref<10240x128xf32, #tpu.memory_space<vmem_shared>>)
      %dma_start3A_138 = arith.constant 3 : i32
      %dma_start3A_139 = arith.constant 1 : i32
      %dma_start3A_140 = arith.constant 0 : i32
      %dma_start3A_141 = arith.constant 0 : i32
      %dma_start3A_142 = tpu.memref_slice %arg11[%dma_start3A_139, %dma_start3A_140, %dma_start3A_141] : memref<2x128x128xf32, #tpu.memory_space<vmem>> -> memref<1x128x128xf32, #tpu.memory_space<vmem>>
      %dma_start3A_143 = tpu.memref_squeeze %dma_start3A_142 : memref<1x128x128xf32, #tpu.memory_space<vmem>> -> memref<128x128xf32, #tpu.memory_space<vmem>>
      %dma_start3A_144 = arith.constant 0 : i32
      %dma_start3A_145 = tpu.memref_slice %arg9[%dma_start3A_138, %dma_start3A_144] : memref<8x128xi32, #tpu.memory_space<vmem>> -> memref<1x128xi32, #tpu.memory_space<vmem>>
      %dma_start3A_146 = tpu.memref_squeeze %dma_start3A_145 : memref<1x128xi32, #tpu.memory_space<vmem>> -> memref<128xi32, #tpu.memory_space<vmem>>
      %dma_start3A_147 = arith.constant 0 : i32
      %dma_start3A_148 = arith.constant 0 : i32
      %dma_start3A_149 = tpu.memref_slice %arg2[%dma_start3A_147, %dma_start3A_148] : memref<10240x128xf32, #tpu.memory_space<hbm>> -> memref<10240x128xf32, #tpu.memory_space<hbm>>
      tpu.enqueue_indirect_dma source(%dma_start3A_149 : memref<10240x128xf32, #tpu.memory_space<hbm>>) target(%dma_start3A_143 : memref<128x128xf32, #tpu.memory_space<vmem>>) offsets(%dma_start3A_146 : memref<128xi32, #tpu.memory_space<vmem>>) semaphore(%arg12 : memref<!tpu.dma_semaphore, #tpu.memory_space<semaphore_mem>>)
      %dma_start3A_150 = arith.constant 0 : i32
      %dma_start3A_151 = arith.constant 2 : i32
      %dma_start3A_152 = arith.constant 0 : i32
      %dma_start3A_153 = arith.constant 0 : i32
      %dma_start3A_154 = tpu.memref_slice %arg11[%dma_start3A_150, %dma_start3A_152, %dma_start3A_153] : memref<2x128x128xf32, #tpu.memory_space<vmem>> -> memref<1x128x128xf32, #tpu.memory_space<vmem>>
      %dma_start3A_155 = tpu.memref_squeeze %dma_start3A_154 : memref<1x128x128xf32, #tpu.memory_space<vmem>> -> memref<128x128xf32, #tpu.memory_space<vmem>>
      %dma_start3A_156 = arith.constant 0 : i32
      %dma_start3A_157 = tpu.memref_slice %arg10[%dma_start3A_151, %dma_start3A_156] : memref<8x128xi32, #tpu.memory_space<vmem>> -> memref<1x128xi32, #tpu.memory_space<vmem>>
      %dma_start3A_158 = tpu.memref_squeeze %dma_start3A_157 : memref<1x128xi32, #tpu.memory_space<vmem>> -> memref<128xi32, #tpu.memory_space<vmem>>
      %dma_start3A_159 = arith.constant 0 : i32
      %dma_start3A_160 = arith.constant 0 : i32
      %dma_start3A_161 = tpu.memref_slice %arg8[%dma_start3A_159, %dma_start3A_160] : memref<10240x128xf32, #tpu.memory_space<vmem_shared>> -> memref<10240x128xf32, #tpu.memory_space<vmem_shared>>
      tpu.enqueue_indirect_dma source(%dma_start3A_155 : memref<128x128xf32, #tpu.memory_space<vmem>>) target(%dma_start3A_161 : memref<10240x128xf32, #tpu.memory_space<vmem_shared>>) offsets(%dma_start3A_158 : memref<128xi32, #tpu.memory_space<vmem>>) semaphore(%arg13 : memref<!tpu.dma_semaphore, #tpu.memory_space<semaphore_mem>>) {add = true}
      %dma_wait3A_162 = arith.constant 3 : i32
      %dma_wait3A_163 = arith.constant 1 : i32
      %dma_wait3A_164 = arith.constant 0 : i32
      %dma_wait3A_165 = arith.constant 0 : i32
      %dma_wait3A_166 = tpu.memref_slice %arg11[%dma_wait3A_163, %dma_wait3A_164, %dma_wait3A_165] : memref<2x128x128xf32, #tpu.memory_space<vmem>> -> memref<1x128x128xf32, #tpu.memory_space<vmem>>
      %dma_wait3A_167 = tpu.memref_squeeze %dma_wait3A_166 : memref<1x128x128xf32, #tpu.memory_space<vmem>> -> memref<128x128xf32, #tpu.memory_space<vmem>>
      %dma_wait3A_168 = arith.constant 0 : i32
      %dma_wait3A_169 = tpu.memref_slice %arg9[%dma_wait3A_162, %dma_wait3A_168] : memref<8x128xi32, #tpu.memory_space<vmem>> -> memref<1x128xi32, #tpu.memory_space<vmem>>
      %dma_wait3A_170 = tpu.memref_squeeze %dma_wait3A_169 : memref<1x128xi32, #tpu.memory_space<vmem>> -> memref<128xi32, #tpu.memory_space<vmem>>
      %dma_wait3A_171 = arith.constant 0 : i32
      %dma_wait3A_172 = arith.constant 0 : i32
      %dma_wait3A_173 = tpu.memref_slice %arg2[%dma_wait3A_171, %dma_wait3A_172] : memref<10240x128xf32, #tpu.memory_space<hbm>> -> memref<10240x128xf32, #tpu.memory_space<hbm>>
      tpu.wait_indirect_dma semaphore(%arg12 : memref<!tpu.dma_semaphore, #tpu.memory_space<semaphore_mem>>) src(%dma_wait3A_173 : memref<10240x128xf32, #tpu.memory_space<hbm>>) dst(%dma_wait3A_167 : memref<128x128xf32, #tpu.memory_space<vmem>>)
      %dma_wait3A_174 = arith.constant 0 : i32
      %dma_wait3A_175 = arith.constant 2 : i32
      %dma_wait3A_176 = arith.constant 0 : i32
      %dma_wait3A_177 = arith.constant 0 : i32
      %dma_wait3A_178 = tpu.memref_slice %arg11[%dma_wait3A_174, %dma_wait3A_176, %dma_wait3A_177] : memref<2x128x128xf32, #tpu.memory_space<vmem>> -> memref<1x128x128xf32, #tpu.memory_space<vmem>>
      %dma_wait3A_179 = tpu.memref_squeeze %dma_wait3A_178 : memref<1x128x128xf32, #tpu.memory_space<vmem>> -> memref<128x128xf32, #tpu.memory_space<vmem>>
      %dma_wait3A_180 = arith.constant 0 : i32
      %dma_wait3A_181 = tpu.memref_slice %arg10[%dma_wait3A_175, %dma_wait3A_180] : memref<8x128xi32, #tpu.memory_space<vmem>> -> memref<1x128xi32, #tpu.memory_space<vmem>>
      %dma_wait3A_182 = tpu.memref_squeeze %dma_wait3A_181 : memref<1x128xi32, #tpu.memory_space<vmem>> -> memref<128xi32, #tpu.memory_space<vmem>>
      %dma_wait3A_183 = arith.constant 0 : i32
      %dma_wait3A_184 = arith.constant 0 : i32
      %dma_wait3A_185 = tpu.memref_slice %arg8[%dma_wait3A_183, %dma_wait3A_184] : memref<10240x128xf32, #tpu.memory_space<vmem_shared>> -> memref<10240x128xf32, #tpu.memory_space<vmem_shared>>
      tpu.wait_indirect_dma semaphore(%arg13 : memref<!tpu.dma_semaphore, #tpu.memory_space<semaphore_mem>>) src(%dma_wait3A_179 : memref<128x128xf32, #tpu.memory_space<vmem>>) dst(%dma_wait3A_185 : memref<10240x128xf32, #tpu.memory_space<vmem_shared>>)
      %dma_start3A_186 = arith.constant 4 : i32
      %dma_start3A_187 = arith.constant 0 : i32
      %dma_start3A_188 = arith.constant 0 : i32
      %dma_start3A_189 = arith.constant 0 : i32
      %dma_start3A_190 = tpu.memref_slice %arg11[%dma_start3A_187, %dma_start3A_188, %dma_start3A_189] : memref<2x128x128xf32, #tpu.memory_space<vmem>> -> memref<1x128x128xf32, #tpu.memory_space<vmem>>
      %dma_start3A_191 = tpu.memref_squeeze %dma_start3A_190 : memref<1x128x128xf32, #tpu.memory_space<vmem>> -> memref<128x128xf32, #tpu.memory_space<vmem>>
      %dma_start3A_192 = arith.constant 0 : i32
      %dma_start3A_193 = tpu.memref_slice %arg9[%dma_start3A_186, %dma_start3A_192] : memref<8x128xi32, #tpu.memory_space<vmem>> -> memref<1x128xi32, #tpu.memory_space<vmem>>
      %dma_start3A_194 = tpu.memref_squeeze %dma_start3A_193 : memref<1x128xi32, #tpu.memory_space<vmem>> -> memref<128xi32, #tpu.memory_space<vmem>>
      %dma_start3A_195 = arith.constant 0 : i32
      %dma_start3A_196 = arith.constant 0 : i32
      %dma_start3A_197 = tpu.memref_slice %arg2[%dma_start3A_195, %dma_start3A_196] : memref<10240x128xf32, #tpu.memory_space<hbm>> -> memref<10240x128xf32, #tpu.memory_space<hbm>>
      tpu.enqueue_indirect_dma source(%dma_start3A_197 : memref<10240x128xf32, #tpu.memory_space<hbm>>) target(%dma_start3A_191 : memref<128x128xf32, #tpu.memory_space<vmem>>) offsets(%dma_start3A_194 : memref<128xi32, #tpu.memory_space<vmem>>) semaphore(%arg12 : memref<!tpu.dma_semaphore, #tpu.memory_space<semaphore_mem>>)
      %dma_start3A_198 = arith.constant 1 : i32
      %dma_start3A_199 = arith.constant 3 : i32
      %dma_start3A_200 = arith.constant 0 : i32
      %dma_start3A_201 = arith.constant 0 : i32
      %dma_start3A_202 = tpu.memref_slice %arg11[%dma_start3A_198, %dma_start3A_200, %dma_start3A_201] : memref<2x128x128xf32, #tpu.memory_space<vmem>> -> memref<1x128x128xf32, #tpu.memory_space<vmem>>
      %dma_start3A_203 = tpu.memref_squeeze %dma_start3A_202 : memref<1x128x128xf32, #tpu.memory_space<vmem>> -> memref<128x128xf32, #tpu.memory_space<vmem>>
      %dma_start3A_204 = arith.constant 0 : i32
      %dma_start3A_205 = tpu.memref_slice %arg10[%dma_start3A_199, %dma_start3A_204] : memref<8x128xi32, #tpu.memory_space<vmem>> -> memref<1x128xi32, #tpu.memory_space<vmem>>
      %dma_start3A_206 = tpu.memref_squeeze %dma_start3A_205 : memref<1x128xi32, #tpu.memory_space<vmem>> -> memref<128xi32, #tpu.memory_space<vmem>>
      %dma_start3A_207 = arith.constant 0 : i32
      %dma_start3A_208 = arith.constant 0 : i32
      %dma_start3A_209 = tpu.memref_slice %arg8[%dma_start3A_207, %dma_start3A_208] : memref<10240x128xf32, #tpu.memory_space<vmem_shared>> -> memref<10240x128xf32, #tpu.memory_space<vmem_shared>>
      tpu.enqueue_indirect_dma source(%dma_start3A_203 : memref<128x128xf32, #tpu.memory_space<vmem>>) target(%dma_start3A_209 : memref<10240x128xf32, #tpu.memory_space<vmem_shared>>) offsets(%dma_start3A_206 : memref<128xi32, #tpu.memory_space<vmem>>) semaphore(%arg13 : memref<!tpu.dma_semaphore, #tpu.memory_space<semaphore_mem>>) {add = true}
      %dma_wait3A_210 = arith.constant 4 : i32
      %dma_wait3A_211 = arith.constant 0 : i32
      %dma_wait3A_212 = arith.constant 0 : i32
      %dma_wait3A_213 = arith.constant 0 : i32
      %dma_wait3A_214 = tpu.memref_slice %arg11[%dma_wait3A_211, %dma_wait3A_212, %dma_wait3A_213] : memref<2x128x128xf32, #tpu.memory_space<vmem>> -> memref<1x128x128xf32, #tpu.memory_space<vmem>>
      %dma_wait3A_215 = tpu.memref_squeeze %dma_wait3A_214 : memref<1x128x128xf32, #tpu.memory_space<vmem>> -> memref<128x128xf32, #tpu.memory_space<vmem>>
      %dma_wait3A_216 = arith.constant 0 : i32
      %dma_wait3A_217 = tpu.memref_slice %arg9[%dma_wait3A_210, %dma_wait3A_216] : memref<8x128xi32, #tpu.memory_space<vmem>> -> memref<1x128xi32, #tpu.memory_space<vmem>>
      %dma_wait3A_218 = tpu.memref_squeeze %dma_wait3A_217 : memref<1x128xi32, #tpu.memory_space<vmem>> -> memref<128xi32, #tpu.memory_space<vmem>>
      %dma_wait3A_219 = arith.constant 0 : i32
      %dma_wait3A_220 = arith.constant 0 : i32
      %dma_wait3A_221 = tpu.memref_slice %arg2[%dma_wait3A_219, %dma_wait3A_220] : memref<10240x128xf32, #tpu.memory_space<hbm>> -> memref<10240x128xf32, #tpu.memory_space<hbm>>
      tpu.wait_indirect_dma semaphore(%arg12 : memref<!tpu.dma_semaphore, #tpu.memory_space<semaphore_mem>>) src(%dma_wait3A_221 : memref<10240x128xf32, #tpu.memory_space<hbm>>) dst(%dma_wait3A_215 : memref<128x128xf32, #tpu.memory_space<vmem>>)
      %dma_wait3A_222 = arith.constant 1 : i32
      %dma_wait3A_223 = arith.constant 3 : i32
      %dma_wait3A_224 = arith.constant 0 : i32
      %dma_wait3A_225 = arith.constant 0 : i32
      %dma_wait3A_226 = tpu.memref_slice %arg11[%dma_wait3A_222, %dma_wait3A_224, %dma_wait3A_225] : memref<2x128x128xf32, #tpu.memory_space<vmem>> -> memref<1x128x128xf32, #tpu.memory_space<vmem>>
      %dma_wait3A_227 = tpu.memref_squeeze %dma_wait3A_226 : memref<1x128x128xf32, #tpu.memory_space<vmem>> -> memref<128x128xf32, #tpu.memory_space<vmem>>
      %dma_wait3A_228 = arith.constant 0 : i32
      %dma_wait3A_229 = tpu.memref_slice %arg10[%dma_wait3A_223, %dma_wait3A_228] : memref<8x128xi32, #tpu.memory_space<vmem>> -> memref<1x128xi32, #tpu.memory_space<vmem>>
      %dma_wait3A_230 = tpu.memref_squeeze %dma_wait3A_229 : memref<1x128xi32, #tpu.memory_space<vmem>> -> memref<128xi32, #tpu.memory_space<vmem>>
      %dma_wait3A_231 = arith.constant 0 : i32
      %dma_wait3A_232 = arith.constant 0 : i32
      %dma_wait3A_233 = tpu.memref_slice %arg8[%dma_wait3A_231, %dma_wait3A_232] : memref<10240x128xf32, #tpu.memory_space<vmem_shared>> -> memref<10240x128xf32, #tpu.memory_space<vmem_shared>>
      tpu.wait_indirect_dma semaphore(%arg13 : memref<!tpu.dma_semaphore, #tpu.memory_space<semaphore_mem>>) src(%dma_wait3A_227 : memref<128x128xf32, #tpu.memory_space<vmem>>) dst(%dma_wait3A_233 : memref<10240x128xf32, #tpu.memory_space<vmem_shared>>)
      %dma_start3A_234 = arith.constant 5 : i32
      %dma_start3A_235 = arith.constant 1 : i32
      %dma_start3A_236 = arith.constant 0 : i32
      %dma_start3A_237 = arith.constant 0 : i32
      %dma_start3A_238 = tpu.memref_slice %arg11[%dma_start3A_235, %dma_start3A_236, %dma_start3A_237] : memref<2x128x128xf32, #tpu.memory_space<vmem>> -> memref<1x128x128xf32, #tpu.memory_space<vmem>>
      %dma_start3A_239 = tpu.memref_squeeze %dma_start3A_238 : memref<1x128x128xf32, #tpu.memory_space<vmem>> -> memref<128x128xf32, #tpu.memory_space<vmem>>
      %dma_start3A_240 = arith.constant 0 : i32
      %dma_start3A_241 = tpu.memref_slice %arg9[%dma_start3A_234, %dma_start3A_240] : memref<8x128xi32, #tpu.memory_space<vmem>> -> memref<1x128xi32, #tpu.memory_space<vmem>>
      %dma_start3A_242 = tpu.memref_squeeze %dma_start3A_241 : memref<1x128xi32, #tpu.memory_space<vmem>> -> memref<128xi32, #tpu.memory_space<vmem>>
      %dma_start3A_243 = arith.constant 0 : i32
      %dma_start3A_244 = arith.constant 0 : i32
      %dma_start3A_245 = tpu.memref_slice %arg2[%dma_start3A_243, %dma_start3A_244] : memref<10240x128xf32, #tpu.memory_space<hbm>> -> memref<10240x128xf32, #tpu.memory_space<hbm>>
      tpu.enqueue_indirect_dma source(%dma_start3A_245 : memref<10240x128xf32, #tpu.memory_space<hbm>>) target(%dma_start3A_239 : memref<128x128xf32, #tpu.memory_space<vmem>>) offsets(%dma_start3A_242 : memref<128xi32, #tpu.memory_space<vmem>>) semaphore(%arg12 : memref<!tpu.dma_semaphore, #tpu.memory_space<semaphore_mem>>)
      %dma_start3A_246 = arith.constant 0 : i32
      %dma_start3A_247 = arith.constant 4 : i32
      %dma_start3A_248 = arith.constant 0 : i32
      %dma_start3A_249 = arith.constant 0 : i32
      %dma_start3A_250 = tpu.memref_slice %arg11[%dma_start3A_246, %dma_start3A_248, %dma_start3A_249] : memref<2x128x128xf32, #tpu.memory_space<vmem>> -> memref<1x128x128xf32, #tpu.memory_space<vmem>>
      %dma_start3A_251 = tpu.memref_squeeze %dma_start3A_250 : memref<1x128x128xf32, #tpu.memory_space<vmem>> -> memref<128x128xf32, #tpu.memory_space<vmem>>
      %dma_start3A_252 = arith.constant 0 : i32
      %dma_start3A_253 = tpu.memref_slice %arg10[%dma_start3A_247, %dma_start3A_252] : memref<8x128xi32, #tpu.memory_space<vmem>> -> memref<1x128xi32, #tpu.memory_space<vmem>>
      %dma_start3A_254 = tpu.memref_squeeze %dma_start3A_253 : memref<1x128xi32, #tpu.memory_space<vmem>> -> memref<128xi32, #tpu.memory_space<vmem>>
      %dma_start3A_255 = arith.constant 0 : i32
      %dma_start3A_256 = arith.constant 0 : i32
      %dma_start3A_257 = tpu.memref_slice %arg8[%dma_start3A_255, %dma_start3A_256] : memref<10240x128xf32, #tpu.memory_space<vmem_shared>> -> memref<10240x128xf32, #tpu.memory_space<vmem_shared>>
      tpu.enqueue_indirect_dma source(%dma_start3A_251 : memref<128x128xf32, #tpu.memory_space<vmem>>) target(%dma_start3A_257 : memref<10240x128xf32, #tpu.memory_space<vmem_shared>>) offsets(%dma_start3A_254 : memref<128xi32, #tpu.memory_space<vmem>>) semaphore(%arg13 : memref<!tpu.dma_semaphore, #tpu.memory_space<semaphore_mem>>) {add = true}
      %dma_wait3A_258 = arith.constant 5 : i32
      %dma_wait3A_259 = arith.constant 1 : i32
      %dma_wait3A_260 = arith.constant 0 : i32
      %dma_wait3A_261 = arith.constant 0 : i32
      %dma_wait3A_262 = tpu.memref_slice %arg11[%dma_wait3A_259, %dma_wait3A_260, %dma_wait3A_261] : memref<2x128x128xf32, #tpu.memory_space<vmem>> -> memref<1x128x128xf32, #tpu.memory_space<vmem>>
      %dma_wait3A_263 = tpu.memref_squeeze %dma_wait3A_262 : memref<1x128x128xf32, #tpu.memory_space<vmem>> -> memref<128x128xf32, #tpu.memory_space<vmem>>
      %dma_wait3A_264 = arith.constant 0 : i32
      %dma_wait3A_265 = tpu.memref_slice %arg9[%dma_wait3A_258, %dma_wait3A_264] : memref<8x128xi32, #tpu.memory_space<vmem>> -> memref<1x128xi32, #tpu.memory_space<vmem>>
      %dma_wait3A_266 = tpu.memref_squeeze %dma_wait3A_265 : memref<1x128xi32, #tpu.memory_space<vmem>> -> memref<128xi32, #tpu.memory_space<vmem>>
      %dma_wait3A_267 = arith.constant 0 : i32
      %dma_wait3A_268 = arith.constant 0 : i32
      %dma_wait3A_269 = tpu.memref_slice %arg2[%dma_wait3A_267, %dma_wait3A_268] : memref<10240x128xf32, #tpu.memory_space<hbm>> -> memref<10240x128xf32, #tpu.memory_space<hbm>>
      tpu.wait_indirect_dma semaphore(%arg12 : memref<!tpu.dma_semaphore, #tpu.memory_space<semaphore_mem>>) src(%dma_wait3A_269 : memref<10240x128xf32, #tpu.memory_space<hbm>>) dst(%dma_wait3A_263 : memref<128x128xf32, #tpu.memory_space<vmem>>)
      %dma_wait3A_270 = arith.constant 0 : i32
      %dma_wait3A_271 = arith.constant 4 : i32
      %dma_wait3A_272 = arith.constant 0 : i32
      %dma_wait3A_273 = arith.constant 0 : i32
      %dma_wait3A_274 = tpu.memref_slice %arg11[%dma_wait3A_270, %dma_wait3A_272, %dma_wait3A_273] : memref<2x128x128xf32, #tpu.memory_space<vmem>> -> memref<1x128x128xf32, #tpu.memory_space<vmem>>
      %dma_wait3A_275 = tpu.memref_squeeze %dma_wait3A_274 : memref<1x128x128xf32, #tpu.memory_space<vmem>> -> memref<128x128xf32, #tpu.memory_space<vmem>>
      %dma_wait3A_276 = arith.constant 0 : i32
      %dma_wait3A_277 = tpu.memref_slice %arg10[%dma_wait3A_271, %dma_wait3A_276] : memref<8x128xi32, #tpu.memory_space<vmem>> -> memref<1x128xi32, #tpu.memory_space<vmem>>
      %dma_wait3A_278 = tpu.memref_squeeze %dma_wait3A_277 : memref<1x128xi32, #tpu.memory_space<vmem>> -> memref<128xi32, #tpu.memory_space<vmem>>
      %dma_wait3A_279 = arith.constant 0 : i32
      %dma_wait3A_280 = arith.constant 0 : i32
      %dma_wait3A_281 = tpu.memref_slice %arg8[%dma_wait3A_279, %dma_wait3A_280] : memref<10240x128xf32, #tpu.memory_space<vmem_shared>> -> memref<10240x128xf32, #tpu.memory_space<vmem_shared>>
      tpu.wait_indirect_dma semaphore(%arg13 : memref<!tpu.dma_semaphore, #tpu.memory_space<semaphore_mem>>) src(%dma_wait3A_275 : memref<128x128xf32, #tpu.memory_space<vmem>>) dst(%dma_wait3A_281 : memref<10240x128xf32, #tpu.memory_space<vmem_shared>>)
      %dma_start3A_282 = arith.constant 6 : i32
      %dma_start3A_283 = arith.constant 0 : i32
      %dma_start3A_284 = arith.constant 0 : i32
      %dma_start3A_285 = arith.constant 0 : i32
      %dma_start3A_286 = tpu.memref_slice %arg11[%dma_start3A_283, %dma_start3A_284, %dma_start3A_285] : memref<2x128x128xf32, #tpu.memory_space<vmem>> -> memref<1x128x128xf32, #tpu.memory_space<vmem>>
      %dma_start3A_287 = tpu.memref_squeeze %dma_start3A_286 : memref<1x128x128xf32, #tpu.memory_space<vmem>> -> memref<128x128xf32, #tpu.memory_space<vmem>>
      %dma_start3A_288 = arith.constant 0 : i32
      %dma_start3A_289 = tpu.memref_slice %arg9[%dma_start3A_282, %dma_start3A_288] : memref<8x128xi32, #tpu.memory_space<vmem>> -> memref<1x128xi32, #tpu.memory_space<vmem>>
      %dma_start3A_290 = tpu.memref_squeeze %dma_start3A_289 : memref<1x128xi32, #tpu.memory_space<vmem>> -> memref<128xi32, #tpu.memory_space<vmem>>
      %dma_start3A_291 = arith.constant 0 : i32
      %dma_start3A_292 = arith.constant 0 : i32
      %dma_start3A_293 = tpu.memref_slice %arg2[%dma_start3A_291, %dma_start3A_292] : memref<10240x128xf32, #tpu.memory_space<hbm>> -> memref<10240x128xf32, #tpu.memory_space<hbm>>
      tpu.enqueue_indirect_dma source(%dma_start3A_293 : memref<10240x128xf32, #tpu.memory_space<hbm>>) target(%dma_start3A_287 : memref<128x128xf32, #tpu.memory_space<vmem>>) offsets(%dma_start3A_290 : memref<128xi32, #tpu.memory_space<vmem>>) semaphore(%arg12 : memref<!tpu.dma_semaphore, #tpu.memory_space<semaphore_mem>>)
      %dma_start3A_294 = arith.constant 1 : i32
      %dma_start3A_295 = arith.constant 5 : i32
      %dma_start3A_296 = arith.constant 0 : i32
      %dma_start3A_297 = arith.constant 0 : i32
      %dma_start3A_298 = tpu.memref_slice %arg11[%dma_start3A_294, %dma_start3A_296, %dma_start3A_297] : memref<2x128x128xf32, #tpu.memory_space<vmem>> -> memref<1x128x128xf32, #tpu.memory_space<vmem>>
      %dma_start3A_299 = tpu.memref_squeeze %dma_start3A_298 : memref<1x128x128xf32, #tpu.memory_space<vmem>> -> memref<128x128xf32, #tpu.memory_space<vmem>>
      %dma_start3A_300 = arith.constant 0 : i32
      %dma_start3A_301 = tpu.memref_slice %arg10[%dma_start3A_295, %dma_start3A_300] : memref<8x128xi32, #tpu.memory_space<vmem>> -> memref<1x128xi32, #tpu.memory_space<vmem>>
      %dma_start3A_302 = tpu.memref_squeeze %dma_start3A_301 : memref<1x128xi32, #tpu.memory_space<vmem>> -> memref<128xi32, #tpu.memory_space<vmem>>
      %dma_start3A_303 = arith.constant 0 : i32
      %dma_start3A_304 = arith.constant 0 : i32
      %dma_start3A_305 = tpu.memref_slice %arg8[%dma_start3A_303, %dma_start3A_304] : memref<10240x128xf32, #tpu.memory_space<vmem_shared>> -> memref<10240x128xf32, #tpu.memory_space<vmem_shared>>
      tpu.enqueue_indirect_dma source(%dma_start3A_299 : memref<128x128xf32, #tpu.memory_space<vmem>>) target(%dma_start3A_305 : memref<10240x128xf32, #tpu.memory_space<vmem_shared>>) offsets(%dma_start3A_302 : memref<128xi32, #tpu.memory_space<vmem>>) semaphore(%arg13 : memref<!tpu.dma_semaphore, #tpu.memory_space<semaphore_mem>>) {add = true}
      %dma_wait3A_306 = arith.constant 6 : i32
      %dma_wait3A_307 = arith.constant 0 : i32
      %dma_wait3A_308 = arith.constant 0 : i32
      %dma_wait3A_309 = arith.constant 0 : i32
      %dma_wait3A_310 = tpu.memref_slice %arg11[%dma_wait3A_307, %dma_wait3A_308, %dma_wait3A_309] : memref<2x128x128xf32, #tpu.memory_space<vmem>> -> memref<1x128x128xf32, #tpu.memory_space<vmem>>
      %dma_wait3A_311 = tpu.memref_squeeze %dma_wait3A_310 : memref<1x128x128xf32, #tpu.memory_space<vmem>> -> memref<128x128xf32, #tpu.memory_space<vmem>>
      %dma_wait3A_312 = arith.constant 0 : i32
      %dma_wait3A_313 = tpu.memref_slice %arg9[%dma_wait3A_306, %dma_wait3A_312] : memref<8x128xi32, #tpu.memory_space<vmem>> -> memref<1x128xi32, #tpu.memory_space<vmem>>
      %dma_wait3A_314 = tpu.memref_squeeze %dma_wait3A_313 : memref<1x128xi32, #tpu.memory_space<vmem>> -> memref<128xi32, #tpu.memory_space<vmem>>
      %dma_wait3A_315 = arith.constant 0 : i32
      %dma_wait3A_316 = arith.constant 0 : i32
      %dma_wait3A_317 = tpu.memref_slice %arg2[%dma_wait3A_315, %dma_wait3A_316] : memref<10240x128xf32, #tpu.memory_space<hbm>> -> memref<10240x128xf32, #tpu.memory_space<hbm>>
      tpu.wait_indirect_dma semaphore(%arg12 : memref<!tpu.dma_semaphore, #tpu.memory_space<semaphore_mem>>) src(%dma_wait3A_317 : memref<10240x128xf32, #tpu.memory_space<hbm>>) dst(%dma_wait3A_311 : memref<128x128xf32, #tpu.memory_space<vmem>>)
      %dma_wait3A_318 = arith.constant 1 : i32
      %dma_wait3A_319 = arith.constant 5 : i32
      %dma_wait3A_320 = arith.constant 0 : i32
      %dma_wait3A_321 = arith.constant 0 : i32
      %dma_wait3A_322 = tpu.memref_slice %arg11[%dma_wait3A_318, %dma_wait3A_320, %dma_wait3A_321] : memref<2x128x128xf32, #tpu.memory_space<vmem>> -> memref<1x128x128xf32, #tpu.memory_space<vmem>>
      %dma_wait3A_323 = tpu.memref_squeeze %dma_wait3A_322 : memref<1x128x128xf32, #tpu.memory_space<vmem>> -> memref<128x128xf32, #tpu.memory_space<vmem>>
      %dma_wait3A_324 = arith.constant 0 : i32
      %dma_wait3A_325 = tpu.memref_slice %arg10[%dma_wait3A_319, %dma_wait3A_324] : memref<8x128xi32, #tpu.memory_space<vmem>> -> memref<1x128xi32, #tpu.memory_space<vmem>>
      %dma_wait3A_326 = tpu.memref_squeeze %dma_wait3A_325 : memref<1x128xi32, #tpu.memory_space<vmem>> -> memref<128xi32, #tpu.memory_space<vmem>>
      %dma_wait3A_327 = arith.constant 0 : i32
      %dma_wait3A_328 = arith.constant 0 : i32
      %dma_wait3A_329 = tpu.memref_slice %arg8[%dma_wait3A_327, %dma_wait3A_328] : memref<10240x128xf32, #tpu.memory_space<vmem_shared>> -> memref<10240x128xf32, #tpu.memory_space<vmem_shared>>
      tpu.wait_indirect_dma semaphore(%arg13 : memref<!tpu.dma_semaphore, #tpu.memory_space<semaphore_mem>>) src(%dma_wait3A_323 : memref<128x128xf32, #tpu.memory_space<vmem>>) dst(%dma_wait3A_329 : memref<10240x128xf32, #tpu.memory_space<vmem_shared>>)
      %dma_start3A_330 = arith.constant 7 : i32
      %dma_start3A_331 = arith.constant 1 : i32
      %dma_start3A_332 = arith.constant 0 : i32
      %dma_start3A_333 = arith.constant 0 : i32
      %dma_start3A_334 = tpu.memref_slice %arg11[%dma_start3A_331, %dma_start3A_332, %dma_start3A_333] : memref<2x128x128xf32, #tpu.memory_space<vmem>> -> memref<1x128x128xf32, #tpu.memory_space<vmem>>
      %dma_start3A_335 = tpu.memref_squeeze %dma_start3A_334 : memref<1x128x128xf32, #tpu.memory_space<vmem>> -> memref<128x128xf32, #tpu.memory_space<vmem>>
      %dma_start3A_336 = arith.constant 0 : i32
      %dma_start3A_337 = tpu.memref_slice %arg9[%dma_start3A_330, %dma_start3A_336] : memref<8x128xi32, #tpu.memory_space<vmem>> -> memref<1x128xi32, #tpu.memory_space<vmem>>
      %dma_start3A_338 = tpu.memref_squeeze %dma_start3A_337 : memref<1x128xi32, #tpu.memory_space<vmem>> -> memref<128xi32, #tpu.memory_space<vmem>>
      %dma_start3A_339 = arith.constant 0 : i32
      %dma_start3A_340 = arith.constant 0 : i32
      %dma_start3A_341 = tpu.memref_slice %arg2[%dma_start3A_339, %dma_start3A_340] : memref<10240x128xf32, #tpu.memory_space<hbm>> -> memref<10240x128xf32, #tpu.memory_space<hbm>>
      tpu.enqueue_indirect_dma source(%dma_start3A_341 : memref<10240x128xf32, #tpu.memory_space<hbm>>) target(%dma_start3A_335 : memref<128x128xf32, #tpu.memory_space<vmem>>) offsets(%dma_start3A_338 : memref<128xi32, #tpu.memory_space<vmem>>) semaphore(%arg12 : memref<!tpu.dma_semaphore, #tpu.memory_space<semaphore_mem>>)
      %dma_start3A_342 = arith.constant 0 : i32
      %dma_start3A_343 = arith.constant 6 : i32
      %dma_start3A_344 = arith.constant 0 : i32
      %dma_start3A_345 = arith.constant 0 : i32
      %dma_start3A_346 = tpu.memref_slice %arg11[%dma_start3A_342, %dma_start3A_344, %dma_start3A_345] : memref<2x128x128xf32, #tpu.memory_space<vmem>> -> memref<1x128x128xf32, #tpu.memory_space<vmem>>
      %dma_start3A_347 = tpu.memref_squeeze %dma_start3A_346 : memref<1x128x128xf32, #tpu.memory_space<vmem>> -> memref<128x128xf32, #tpu.memory_space<vmem>>
      %dma_start3A_348 = arith.constant 0 : i32
      %dma_start3A_349 = tpu.memref_slice %arg10[%dma_start3A_343, %dma_start3A_348] : memref<8x128xi32, #tpu.memory_space<vmem>> -> memref<1x128xi32, #tpu.memory_space<vmem>>
      %dma_start3A_350 = tpu.memref_squeeze %dma_start3A_349 : memref<1x128xi32, #tpu.memory_space<vmem>> -> memref<128xi32, #tpu.memory_space<vmem>>
      %dma_start3A_351 = arith.constant 0 : i32
      %dma_start3A_352 = arith.constant 0 : i32
      %dma_start3A_353 = tpu.memref_slice %arg8[%dma_start3A_351, %dma_start3A_352] : memref<10240x128xf32, #tpu.memory_space<vmem_shared>> -> memref<10240x128xf32, #tpu.memory_space<vmem_shared>>
      tpu.enqueue_indirect_dma source(%dma_start3A_347 : memref<128x128xf32, #tpu.memory_space<vmem>>) target(%dma_start3A_353 : memref<10240x128xf32, #tpu.memory_space<vmem_shared>>) offsets(%dma_start3A_350 : memref<128xi32, #tpu.memory_space<vmem>>) semaphore(%arg13 : memref<!tpu.dma_semaphore, #tpu.memory_space<semaphore_mem>>) {add = true}
      %dma_wait3A_354 = arith.constant 7 : i32
      %dma_wait3A_355 = arith.constant 1 : i32
      %dma_wait3A_356 = arith.constant 0 : i32
      %dma_wait3A_357 = arith.constant 0 : i32
      %dma_wait3A_358 = tpu.memref_slice %arg11[%dma_wait3A_355, %dma_wait3A_356, %dma_wait3A_357] : memref<2x128x128xf32, #tpu.memory_space<vmem>> -> memref<1x128x128xf32, #tpu.memory_space<vmem>>
      %dma_wait3A_359 = tpu.memref_squeeze %dma_wait3A_358 : memref<1x128x128xf32, #tpu.memory_space<vmem>> -> memref<128x128xf32, #tpu.memory_space<vmem>>
      %dma_wait3A_360 = arith.constant 0 : i32
      %dma_wait3A_361 = tpu.memref_slice %arg9[%dma_wait3A_354, %dma_wait3A_360] : memref<8x128xi32, #tpu.memory_space<vmem>> -> memref<1x128xi32, #tpu.memory_space<vmem>>
      %dma_wait3A_362 = tpu.memref_squeeze %dma_wait3A_361 : memref<1x128xi32, #tpu.memory_space<vmem>> -> memref<128xi32, #tpu.memory_space<vmem>>
      %dma_wait3A_363 = arith.constant 0 : i32
      %dma_wait3A_364 = arith.constant 0 : i32
      %dma_wait3A_365 = tpu.memref_slice %arg2[%dma_wait3A_363, %dma_wait3A_364] : memref<10240x128xf32, #tpu.memory_space<hbm>> -> memref<10240x128xf32, #tpu.memory_space<hbm>>
      tpu.wait_indirect_dma semaphore(%arg12 : memref<!tpu.dma_semaphore, #tpu.memory_space<semaphore_mem>>) src(%dma_wait3A_365 : memref<10240x128xf32, #tpu.memory_space<hbm>>) dst(%dma_wait3A_359 : memref<128x128xf32, #tpu.memory_space<vmem>>)
      %dma_wait3A_366 = arith.constant 0 : i32
      %dma_wait3A_367 = arith.constant 6 : i32
      %dma_wait3A_368 = arith.constant 0 : i32
      %dma_wait3A_369 = arith.constant 0 : i32
      %dma_wait3A_370 = tpu.memref_slice %arg11[%dma_wait3A_366, %dma_wait3A_368, %dma_wait3A_369] : memref<2x128x128xf32, #tpu.memory_space<vmem>> -> memref<1x128x128xf32, #tpu.memory_space<vmem>>
      %dma_wait3A_371 = tpu.memref_squeeze %dma_wait3A_370 : memref<1x128x128xf32, #tpu.memory_space<vmem>> -> memref<128x128xf32, #tpu.memory_space<vmem>>
      %dma_wait3A_372 = arith.constant 0 : i32
      %dma_wait3A_373 = tpu.memref_slice %arg10[%dma_wait3A_367, %dma_wait3A_372] : memref<8x128xi32, #tpu.memory_space<vmem>> -> memref<1x128xi32, #tpu.memory_space<vmem>>
      %dma_wait3A_374 = tpu.memref_squeeze %dma_wait3A_373 : memref<1x128xi32, #tpu.memory_space<vmem>> -> memref<128xi32, #tpu.memory_space<vmem>>
      %dma_wait3A_375 = arith.constant 0 : i32
      %dma_wait3A_376 = arith.constant 0 : i32
      %dma_wait3A_377 = tpu.memref_slice %arg8[%dma_wait3A_375, %dma_wait3A_376] : memref<10240x128xf32, #tpu.memory_space<vmem_shared>> -> memref<10240x128xf32, #tpu.memory_space<vmem_shared>>
      tpu.wait_indirect_dma semaphore(%arg13 : memref<!tpu.dma_semaphore, #tpu.memory_space<semaphore_mem>>) src(%dma_wait3A_371 : memref<128x128xf32, #tpu.memory_space<vmem>>) dst(%dma_wait3A_377 : memref<10240x128xf32, #tpu.memory_space<vmem_shared>>)
      %dma_start3A_378 = arith.constant 1 : i32
      %dma_start3A_379 = arith.constant 7 : i32
      %dma_start3A_380 = arith.constant 0 : i32
      %dma_start3A_381 = arith.constant 0 : i32
      %dma_start3A_382 = tpu.memref_slice %arg11[%dma_start3A_378, %dma_start3A_380, %dma_start3A_381] : memref<2x128x128xf32, #tpu.memory_space<vmem>> -> memref<1x128x128xf32, #tpu.memory_space<vmem>>
      %dma_start3A_383 = tpu.memref_squeeze %dma_start3A_382 : memref<1x128x128xf32, #tpu.memory_space<vmem>> -> memref<128x128xf32, #tpu.memory_space<vmem>>
      %dma_start3A_384 = arith.constant 0 : i32
      %dma_start3A_385 = tpu.memref_slice %arg10[%dma_start3A_379, %dma_start3A_384] : memref<8x128xi32, #tpu.memory_space<vmem>> -> memref<1x128xi32, #tpu.memory_space<vmem>>
      %dma_start3A_386 = tpu.memref_squeeze %dma_start3A_385 : memref<1x128xi32, #tpu.memory_space<vmem>> -> memref<128xi32, #tpu.memory_space<vmem>>
      %dma_start3A_387 = arith.constant 0 : i32
      %dma_start3A_388 = arith.constant 0 : i32
      %dma_start3A_389 = tpu.memref_slice %arg8[%dma_start3A_387, %dma_start3A_388] : memref<10240x128xf32, #tpu.memory_space<vmem_shared>> -> memref<10240x128xf32, #tpu.memory_space<vmem_shared>>
      tpu.enqueue_indirect_dma source(%dma_start3A_383 : memref<128x128xf32, #tpu.memory_space<vmem>>) target(%dma_start3A_389 : memref<10240x128xf32, #tpu.memory_space<vmem_shared>>) offsets(%dma_start3A_386 : memref<128xi32, #tpu.memory_space<vmem>>) semaphore(%arg13 : memref<!tpu.dma_semaphore, #tpu.memory_space<semaphore_mem>>) {add = true}
      %dma_wait3A_390 = arith.constant 1 : i32
      %dma_wait3A_391 = arith.constant 7 : i32
      %dma_wait3A_392 = arith.constant 0 : i32
      %dma_wait3A_393 = arith.constant 0 : i32
      %dma_wait3A_394 = tpu.memref_slice %arg11[%dma_wait3A_390, %dma_wait3A_392, %dma_wait3A_393] : memref<2x128x128xf32, #tpu.memory_space<vmem>> -> memref<1x128x128xf32, #tpu.memory_space<vmem>>
      %dma_wait3A_395 = tpu.memref_squeeze %dma_wait3A_394 : memref<1x128x128xf32, #tpu.memory_space<vmem>> -> memref<128x128xf32, #tpu.memory_space<vmem>>
      %dma_wait3A_396 = arith.constant 0 : i32
      %dma_wait3A_397 = tpu.memref_slice %arg10[%dma_wait3A_391, %dma_wait3A_396] : memref<8x128xi32, #tpu.memory_space<vmem>> -> memref<1x128xi32, #tpu.memory_space<vmem>>
      %dma_wait3A_398 = tpu.memref_squeeze %dma_wait3A_397 : memref<1x128xi32, #tpu.memory_space<vmem>> -> memref<128xi32, #tpu.memory_space<vmem>>
      %dma_wait3A_399 = arith.constant 0 : i32
      %dma_wait3A_400 = arith.constant 0 : i32
      %dma_wait3A_401 = tpu.memref_slice %arg8[%dma_wait3A_399, %dma_wait3A_400] : memref<10240x128xf32, #tpu.memory_space<vmem_shared>> -> memref<10240x128xf32, #tpu.memory_space<vmem_shared>>
      tpu.wait_indirect_dma semaphore(%arg13 : memref<!tpu.dma_semaphore, #tpu.memory_space<semaphore_mem>>) src(%dma_wait3A_395 : memref<128x128xf32, #tpu.memory_space<vmem>>) dst(%dma_wait3A_401 : memref<10240x128xf32, #tpu.memory_space<vmem_shared>>)
    }
    %while3A_13 = arith.constant 1 : i32
    scf.for %while3A_15 = %while3A_11 to %while3A_7 step %while3A_13  : i32 {
      %mul3A_16 = arith.constant 8 : i32
      %mul3A_17 = arith.muli %while3A_15, %mul3A_16 : i32
      "tpu.region"() ({
        %run_scoped3A = tpu.sem_alloc : memref<!tpu.dma_semaphore, #tpu.memory_space<semaphore_mem>>
        %dma_start3A_402 = arith.constant 0 : i32
        %dma_start3A_403 = tpu.memref_slice %arg3[%add3A, %mul3A_17, %dma_start3A_402] : memref<32x120x128xi32, #tpu.memory_space<hbm>> -> memref<1x8x128xi32, #tpu.memory_space<hbm>>
        %dma_start3A_404 = tpu.memref_squeeze %dma_start3A_403 : memref<1x8x128xi32, #tpu.memory_space<hbm>> -> memref<8x128xi32, #tpu.memory_space<hbm>>
        %dma_start3A_405 = arith.constant 0 : i32
        %dma_start3A_406 = tpu.memref_slice %arg3[%add3A, %mul3A_17, %dma_start3A_405] : memref<32x120x128xi32, #tpu.memory_space<hbm>> -> memref<1x8x128xi32, #tpu.memory_space<hbm>>
        %dma_start3A_407 = tpu.memref_squeeze %dma_start3A_406 : memref<1x8x128xi32, #tpu.memory_space<hbm>> -> memref<8x128xi32, #tpu.memory_space<hbm>>
        tpu.enqueue_dma source(%dma_start3A_407 : memref<8x128xi32, #tpu.memory_space<hbm>>) target(%arg9 : memref<8x128xi32, #tpu.memory_space<vmem>>) target_semaphore(%run_scoped3A : memref<!tpu.dma_semaphore, #tpu.memory_space<semaphore_mem>>)
        %dma_wait3A_408 = arith.constant 0 : i32
        %dma_wait3A_409 = tpu.memref_slice %arg3[%add3A, %mul3A_17, %dma_wait3A_408] : memref<32x120x128xi32, #tpu.memory_space<hbm>> -> memref<1x8x128xi32, #tpu.memory_space<hbm>>
        %dma_wait3A_410 = tpu.memref_squeeze %dma_wait3A_409 : memref<1x8x128xi32, #tpu.memory_space<hbm>> -> memref<8x128xi32, #tpu.memory_space<hbm>>
        %dma_wait3A_411 = arith.constant 0 : i32
        %dma_wait3A_412 = tpu.memref_slice %arg3[%add3A, %mul3A_17, %dma_wait3A_411] : memref<32x120x128xi32, #tpu.memory_space<hbm>> -> memref<1x8x128xi32, #tpu.memory_space<hbm>>
        %dma_wait3A_413 = tpu.memref_squeeze %dma_wait3A_412 : memref<1x8x128xi32, #tpu.memory_space<hbm>> -> memref<8x128xi32, #tpu.memory_space<hbm>>
        tpu.wait_dma2 semaphore(%run_scoped3A : memref<!tpu.dma_semaphore, #tpu.memory_space<semaphore_mem>>) src(%dma_wait3A_413 : memref<8x128xi32, #tpu.memory_space<hbm>>) dst(%arg9 : memref<8x128xi32, #tpu.memory_space<vmem>>)
        tpu.yield
      }) : () -> ()
      %mul3A_18 = arith.constant 8 : i32
      %mul3A_19 = arith.muli %while3A_15, %mul3A_18 : i32
      "tpu.region"() ({
        %run_scoped3A = tpu.sem_alloc : memref<!tpu.dma_semaphore, #tpu.memory_space<semaphore_mem>>
        %dma_start3A_402 = arith.constant 0 : i32
        %dma_start3A_403 = tpu.memref_slice %arg4[%add3A, %mul3A_19, %dma_start3A_402] : memref<32x120x128xi32, #tpu.memory_space<hbm>> -> memref<1x8x128xi32, #tpu.memory_space<hbm>>
        %dma_start3A_404 = tpu.memref_squeeze %dma_start3A_403 : memref<1x8x128xi32, #tpu.memory_space<hbm>> -> memref<8x128xi32, #tpu.memory_space<hbm>>
        %dma_start3A_405 = arith.constant 0 : i32
        %dma_start3A_406 = tpu.memref_slice %arg4[%add3A, %mul3A_19, %dma_start3A_405] : memref<32x120x128xi32, #tpu.memory_space<hbm>> -> memref<1x8x128xi32, #tpu.memory_space<hbm>>
        %dma_start3A_407 = tpu.memref_squeeze %dma_start3A_406 : memref<1x8x128xi32, #tpu.memory_space<hbm>> -> memref<8x128xi32, #tpu.memory_space<hbm>>
        tpu.enqueue_dma source(%dma_start3A_407 : memref<8x128xi32, #tpu.memory_space<hbm>>) target(%arg10 : memref<8x128xi32, #tpu.memory_space<vmem>>) target_semaphore(%run_scoped3A : memref<!tpu.dma_semaphore, #tpu.memory_space<semaphore_mem>>)
        %dma_wait3A_408 = arith.constant 0 : i32
        %dma_wait3A_409 = tpu.memref_slice %arg4[%add3A, %mul3A_19, %dma_wait3A_408] : memref<32x120x128xi32, #tpu.memory_space<hbm>> -> memref<1x8x128xi32, #tpu.memory_space<hbm>>
        %dma_wait3A_410 = tpu.memref_squeeze %dma_wait3A_409 : memref<1x8x128xi32, #tpu.memory_space<hbm>> -> memref<8x128xi32, #tpu.memory_space<hbm>>
        %dma_wait3A_411 = arith.constant 0 : i32
        %dma_wait3A_412 = tpu.memref_slice %arg4[%add3A, %mul3A_19, %dma_wait3A_411] : memref<32x120x128xi32, #tpu.memory_space<hbm>> -> memref<1x8x128xi32, #tpu.memory_space<hbm>>
        %dma_wait3A_413 = tpu.memref_squeeze %dma_wait3A_412 : memref<1x8x128xi32, #tpu.memory_space<hbm>> -> memref<8x128xi32, #tpu.memory_space<hbm>>
        tpu.wait_dma2 semaphore(%run_scoped3A : memref<!tpu.dma_semaphore, #tpu.memory_space<semaphore_mem>>) src(%dma_wait3A_413 : memref<8x128xi32, #tpu.memory_space<hbm>>) dst(%arg10 : memref<8x128xi32, #tpu.memory_space<vmem>>)
        tpu.yield
      }) : () -> ()
      %dma_start3A = arith.constant 0 : i32
      %dma_start3A_20 = arith.constant 0 : i32
      %dma_start3A_21 = arith.constant 0 : i32
      %dma_start3A_22 = arith.constant 0 : i32
      %dma_start3A_23 = tpu.memref_slice %arg11[%dma_start3A_20, %dma_start3A_21, %dma_start3A_22] : memref<2x128x128xf32, #tpu.memory_space<vmem>> -> memref<1x128x128xf32, #tpu.memory_space<vmem>>
      %dma_start3A_24 = tpu.memref_squeeze %dma_start3A_23 : memref<1x128x128xf32, #tpu.memory_space<vmem>> -> memref<128x128xf32, #tpu.memory_space<vmem>>
      %dma_start3A_25 = arith.constant 0 : i32
      %dma_start3A_26 = tpu.memref_slice %arg9[%dma_start3A, %dma_start3A_25] : memref<8x128xi32, #tpu.memory_space<vmem>> -> memref<1x128xi32, #tpu.memory_space<vmem>>
      %dma_start3A_27 = tpu.memref_squeeze %dma_start3A_26 : memref<1x128xi32, #tpu.memory_space<vmem>> -> memref<128xi32, #tpu.memory_space<vmem>>
      %dma_start3A_28 = arith.constant 0 : i32
      %dma_start3A_29 = arith.constant 0 : i32
      %dma_start3A_30 = tpu.memref_slice %arg2[%dma_start3A_28, %dma_start3A_29] : memref<10240x128xf32, #tpu.memory_space<hbm>> -> memref<10240x128xf32, #tpu.memory_space<hbm>>
      tpu.enqueue_indirect_dma source(%dma_start3A_30 : memref<10240x128xf32, #tpu.memory_space<hbm>>) target(%dma_start3A_24 : memref<128x128xf32, #tpu.memory_space<vmem>>) offsets(%dma_start3A_27 : memref<128xi32, #tpu.memory_space<vmem>>) semaphore(%arg12 : memref<!tpu.dma_semaphore, #tpu.memory_space<semaphore_mem>>)
      %dma_wait3A = arith.constant 0 : i32
      %dma_wait3A_31 = arith.constant 0 : i32
      %dma_wait3A_32 = arith.constant 0 : i32
      %dma_wait3A_33 = arith.constant 0 : i32
      %dma_wait3A_34 = tpu.memref_slice %arg11[%dma_wait3A_31, %dma_wait3A_32, %dma_wait3A_33] : memref<2x128x128xf32, #tpu.memory_space<vmem>> -> memref<1x128x128xf32, #tpu.memory_space<vmem>>
      %dma_wait3A_35 = tpu.memref_squeeze %dma_wait3A_34 : memref<1x128x128xf32, #tpu.memory_space<vmem>> -> memref<128x128xf32, #tpu.memory_space<vmem>>
      %dma_wait3A_36 = arith.constant 0 : i32
      %dma_wait3A_37 = tpu.memref_slice %arg9[%dma_wait3A, %dma_wait3A_36] : memref<8x128xi32, #tpu.memory_space<vmem>> -> memref<1x128xi32, #tpu.memory_space<vmem>>
      %dma_wait3A_38 = tpu.memref_squeeze %dma_wait3A_37 : memref<1x128xi32, #tpu.memory_space<vmem>> -> memref<128xi32, #tpu.memory_space<vmem>>
      %dma_wait3A_39 = arith.constant 0 : i32
      %dma_wait3A_40 = arith.constant 0 : i32
      %dma_wait3A_41 = tpu.memref_slice %arg2[%dma_wait3A_39, %dma_wait3A_40] : memref<10240x128xf32, #tpu.memory_space<hbm>> -> memref<10240x128xf32, #tpu.memory_space<hbm>>
      tpu.wait_indirect_dma semaphore(%arg12 : memref<!tpu.dma_semaphore, #tpu.memory_space<semaphore_mem>>) src(%dma_wait3A_41 : memref<10240x128xf32, #tpu.memory_space<hbm>>) dst(%dma_wait3A_35 : memref<128x128xf32, #tpu.memory_space<vmem>>)
      %dma_start3A_42 = arith.constant 1 : i32
      %dma_start3A_43 = arith.constant 1 : i32
      %dma_start3A_44 = arith.constant 0 : i32
      %dma_start3A_45 = arith.constant 0 : i32
      %dma_start3A_46 = tpu.memref_slice %arg11[%dma_start3A_43, %dma_start3A_44, %dma_start3A_45] : memref<2x128x128xf32, #tpu.memory_space<vmem>> -> memref<1x128x128xf32, #tpu.memory_space<vmem>>
      %dma_start3A_47 = tpu.memref_squeeze %dma_start3A_46 : memref<1x128x128xf32, #tpu.memory_space<vmem>> -> memref<128x128xf32, #tpu.memory_space<vmem>>
      %dma_start3A_48 = arith.constant 0 : i32
      %dma_start3A_49 = tpu.memref_slice %arg9[%dma_start3A_42, %dma_start3A_48] : memref<8x128xi32, #tpu.memory_space<vmem>> -> memref<1x128xi32, #tpu.memory_space<vmem>>
      %dma_start3A_50 = tpu.memref_squeeze %dma_start3A_49 : memref<1x128xi32, #tpu.memory_space<vmem>> -> memref<128xi32, #tpu.memory_space<vmem>>
      %dma_start3A_51 = arith.constant 0 : i32
      %dma_start3A_52 = arith.constant 0 : i32
      %dma_start3A_53 = tpu.memref_slice %arg2[%dma_start3A_51, %dma_start3A_52] : memref<10240x128xf32, #tpu.memory_space<hbm>> -> memref<10240x128xf32, #tpu.memory_space<hbm>>
      tpu.enqueue_indirect_dma source(%dma_start3A_53 : memref<10240x128xf32, #tpu.memory_space<hbm>>) target(%dma_start3A_47 : memref<128x128xf32, #tpu.memory_space<vmem>>) offsets(%dma_start3A_50 : memref<128xi32, #tpu.memory_space<vmem>>) semaphore(%arg12 : memref<!tpu.dma_semaphore, #tpu.memory_space<semaphore_mem>>)
      %dma_start3A_54 = arith.constant 0 : i32
      %dma_start3A_55 = arith.constant 0 : i32
      %dma_start3A_56 = arith.constant 0 : i32
      %dma_start3A_57 = arith.constant 0 : i32
      %dma_start3A_58 = tpu.memref_slice %arg11[%dma_start3A_54, %dma_start3A_56, %dma_start3A_57] : memref<2x128x128xf32, #tpu.memory_space<vmem>> -> memref<1x128x128xf32, #tpu.memory_space<vmem>>
      %dma_start3A_59 = tpu.memref_squeeze %dma_start3A_58 : memref<1x128x128xf32, #tpu.memory_space<vmem>> -> memref<128x128xf32, #tpu.memory_space<vmem>>
      %dma_start3A_60 = arith.constant 0 : i32
      %dma_start3A_61 = tpu.memref_slice %arg10[%dma_start3A_55, %dma_start3A_60] : memref<8x128xi32, #tpu.memory_space<vmem>> -> memref<1x128xi32, #tpu.memory_space<vmem>>
      %dma_start3A_62 = tpu.memref_squeeze %dma_start3A_61 : memref<1x128xi32, #tpu.memory_space<vmem>> -> memref<128xi32, #tpu.memory_space<vmem>>
      %dma_start3A_63 = arith.constant 0 : i32
      %dma_start3A_64 = arith.constant 0 : i32
      %dma_start3A_65 = tpu.memref_slice %arg8[%dma_start3A_63, %dma_start3A_64] : memref<10240x128xf32, #tpu.memory_space<vmem_shared>> -> memref<10240x128xf32, #tpu.memory_space<vmem_shared>>
      tpu.enqueue_indirect_dma source(%dma_start3A_59 : memref<128x128xf32, #tpu.memory_space<vmem>>) target(%dma_start3A_65 : memref<10240x128xf32, #tpu.memory_space<vmem_shared>>) offsets(%dma_start3A_62 : memref<128xi32, #tpu.memory_space<vmem>>) semaphore(%arg13 : memref<!tpu.dma_semaphore, #tpu.memory_space<semaphore_mem>>) {add = true}
      %dma_wait3A_66 = arith.constant 1 : i32
      %dma_wait3A_67 = arith.constant 1 : i32
      %dma_wait3A_68 = arith.constant 0 : i32
      %dma_wait3A_69 = arith.constant 0 : i32
      %dma_wait3A_70 = tpu.memref_slice %arg11[%dma_wait3A_67, %dma_wait3A_68, %dma_wait3A_69] : memref<2x128x128xf32, #tpu.memory_space<vmem>> -> memref<1x128x128xf32, #tpu.memory_space<vmem>>
      %dma_wait3A_71 = tpu.memref_squeeze %dma_wait3A_70 : memref<1x128x128xf32, #tpu.memory_space<vmem>> -> memref<128x128xf32, #tpu.memory_space<vmem>>
      %dma_wait3A_72 = arith.constant 0 : i32
      %dma_wait3A_73 = tpu.memref_slice %arg9[%dma_wait3A_66, %dma_wait3A_72] : memref<8x128xi32, #tpu.memory_space<vmem>> -> memref<1x128xi32, #tpu.memory_space<vmem>>
      %dma_wait3A_74 = tpu.memref_squeeze %dma_wait3A_73 : memref<1x128xi32, #tpu.memory_space<vmem>> -> memref<128xi32, #tpu.memory_space<vmem>>
      %dma_wait3A_75 = arith.constant 0 : i32
      %dma_wait3A_76 = arith.constant 0 : i32
      %dma_wait3A_77 = tpu.memref_slice %arg2[%dma_wait3A_75, %dma_wait3A_76] : memref<10240x128xf32, #tpu.memory_space<hbm>> -> memref<10240x128xf32, #tpu.memory_space<hbm>>
      tpu.wait_indirect_dma semaphore(%arg12 : memref<!tpu.dma_semaphore, #tpu.memory_space<semaphore_mem>>) src(%dma_wait3A_77 : memref<10240x128xf32, #tpu.memory_space<hbm>>) dst(%dma_wait3A_71 : memref<128x128xf32, #tpu.memory_space<vmem>>)
      %dma_wait3A_78 = arith.constant 0 : i32
      %dma_wait3A_79 = arith.constant 0 : i32
      %dma_wait3A_80 = arith.constant 0 : i32
      %dma_wait3A_81 = arith.constant 0 : i32
      %dma_wait3A_82 = tpu.memref_slice %arg11[%dma_wait3A_78, %dma_wait3A_80, %dma_wait3A_81] : memref<2x128x128xf32, #tpu.memory_space<vmem>> -> memref<1x128x128xf32, #tpu.memory_space<vmem>>
      %dma_wait3A_83 = tpu.memref_squeeze %dma_wait3A_82 : memref<1x128x128xf32, #tpu.memory_space<vmem>> -> memref<128x128xf32, #tpu.memory_space<vmem>>
      %dma_wait3A_84 = arith.constant 0 : i32
      %dma_wait3A_85 = tpu.memref_slice %arg10[%dma_wait3A_79, %dma_wait3A_84] : memref<8x128xi32, #tpu.memory_space<vmem>> -> memref<1x128xi32, #tpu.memory_space<vmem>>
      %dma_wait3A_86 = tpu.memref_squeeze %dma_wait3A_85 : memref<1x128xi32, #tpu.memory_space<vmem>> -> memref<128xi32, #tpu.memory_space<vmem>>
      %dma_wait3A_87 = arith.constant 0 : i32
      %dma_wait3A_88 = arith.constant 0 : i32
      %dma_wait3A_89 = tpu.memref_slice %arg8[%dma_wait3A_87, %dma_wait3A_88] : memref<10240x128xf32, #tpu.memory_space<vmem_shared>> -> memref<10240x128xf32, #tpu.memory_space<vmem_shared>>
      tpu.wait_indirect_dma semaphore(%arg13 : memref<!tpu.dma_semaphore, #tpu.memory_space<semaphore_mem>>) src(%dma_wait3A_83 : memref<128x128xf32, #tpu.memory_space<vmem>>) dst(%dma_wait3A_89 : memref<10240x128xf32, #tpu.memory_space<vmem_shared>>)
      %dma_start3A_90 = arith.constant 2 : i32
      %dma_start3A_91 = arith.constant 0 : i32
      %dma_start3A_92 = arith.constant 0 : i32
      %dma_start3A_93 = arith.constant 0 : i32
      %dma_start3A_94 = tpu.memref_slice %arg11[%dma_start3A_91, %dma_start3A_92, %dma_start3A_93] : memref<2x128x128xf32, #tpu.memory_space<vmem>> -> memref<1x128x128xf32, #tpu.memory_space<vmem>>
      %dma_start3A_95 = tpu.memref_squeeze %dma_start3A_94 : memref<1x128x128xf32, #tpu.memory_space<vmem>> -> memref<128x128xf32, #tpu.memory_space<vmem>>
      %dma_start3A_96 = arith.constant 0 : i32
      %dma_start3A_97 = tpu.memref_slice %arg9[%dma_start3A_90, %dma_start3A_96] : memref<8x128xi32, #tpu.memory_space<vmem>> -> memref<1x128xi32, #tpu.memory_space<vmem>>
      %dma_start3A_98 = tpu.memref_squeeze %dma_start3A_97 : memref<1x128xi32, #tpu.memory_space<vmem>> -> memref<128xi32, #tpu.memory_space<vmem>>
      %dma_start3A_99 = arith.constant 0 : i32
      %dma_start3A_100 = arith.constant 0 : i32
      %dma_start3A_101 = tpu.memref_slice %arg2[%dma_start3A_99, %dma_start3A_100] : memref<10240x128xf32, #tpu.memory_space<hbm>> -> memref<10240x128xf32, #tpu.memory_space<hbm>>
      tpu.enqueue_indirect_dma source(%dma_start3A_101 : memref<10240x128xf32, #tpu.memory_space<hbm>>) target(%dma_start3A_95 : memref<128x128xf32, #tpu.memory_space<vmem>>) offsets(%dma_start3A_98 : memref<128xi32, #tpu.memory_space<vmem>>) semaphore(%arg12 : memref<!tpu.dma_semaphore, #tpu.memory_space<semaphore_mem>>)
      %dma_start3A_102 = arith.constant 1 : i32
      %dma_start3A_103 = arith.constant 1 : i32
      %dma_start3A_104 = arith.constant 0 : i32
      %dma_start3A_105 = arith.constant 0 : i32
      %dma_start3A_106 = tpu.memref_slice %arg11[%dma_start3A_102, %dma_start3A_104, %dma_start3A_105] : memref<2x128x128xf32, #tpu.memory_space<vmem>> -> memref<1x128x128xf32, #tpu.memory_space<vmem>>
      %dma_start3A_107 = tpu.memref_squeeze %dma_start3A_106 : memref<1x128x128xf32, #tpu.memory_space<vmem>> -> memref<128x128xf32, #tpu.memory_space<vmem>>
      %dma_start3A_108 = arith.constant 0 : i32
      %dma_start3A_109 = tpu.memref_slice %arg10[%dma_start3A_103, %dma_start3A_108] : memref<8x128xi32, #tpu.memory_space<vmem>> -> memref<1x128xi32, #tpu.memory_space<vmem>>
      %dma_start3A_110 = tpu.memref_squeeze %dma_start3A_109 : memref<1x128xi32, #tpu.memory_space<vmem>> -> memref<128xi32, #tpu.memory_space<vmem>>
      %dma_start3A_111 = arith.constant 0 : i32
      %dma_start3A_112 = arith.constant 0 : i32
      %dma_start3A_113 = tpu.memref_slice %arg8[%dma_start3A_111, %dma_start3A_112] : memref<10240x128xf32, #tpu.memory_space<vmem_shared>> -> memref<10240x128xf32, #tpu.memory_space<vmem_shared>>
      tpu.enqueue_indirect_dma source(%dma_start3A_107 : memref<128x128xf32, #tpu.memory_space<vmem>>) target(%dma_start3A_113 : memref<10240x128xf32, #tpu.memory_space<vmem_shared>>) offsets(%dma_start3A_110 : memref<128xi32, #tpu.memory_space<vmem>>) semaphore(%arg13 : memref<!tpu.dma_semaphore, #tpu.memory_space<semaphore_mem>>) {add = true}
      %dma_wait3A_114 = arith.constant 2 : i32
      %dma_wait3A_115 = arith.constant 0 : i32
      %dma_wait3A_116 = arith.constant 0 : i32
      %dma_wait3A_117 = arith.constant 0 : i32
      %dma_wait3A_118 = tpu.memref_slice %arg11[%dma_wait3A_115, %dma_wait3A_116, %dma_wait3A_117] : memref<2x128x128xf32, #tpu.memory_space<vmem>> -> memref<1x128x128xf32, #tpu.memory_space<vmem>>
      %dma_wait3A_119 = tpu.memref_squeeze %dma_wait3A_118 : memref<1x128x128xf32, #tpu.memory_space<vmem>> -> memref<128x128xf32, #tpu.memory_space<vmem>>
      %dma_wait3A_120 = arith.constant 0 : i32
      %dma_wait3A_121 = tpu.memref_slice %arg9[%dma_wait3A_114, %dma_wait3A_120] : memref<8x128xi32, #tpu.memory_space<vmem>> -> memref<1x128xi32, #tpu.memory_space<vmem>>
      %dma_wait3A_122 = tpu.memref_squeeze %dma_wait3A_121 : memref<1x128xi32, #tpu.memory_space<vmem>> -> memref<128xi32, #tpu.memory_space<vmem>>
      %dma_wait3A_123 = arith.constant 0 : i32
      %dma_wait3A_124 = arith.constant 0 : i32
      %dma_wait3A_125 = tpu.memref_slice %arg2[%dma_wait3A_123, %dma_wait3A_124] : memref<10240x128xf32, #tpu.memory_space<hbm>> -> memref<10240x128xf32, #tpu.memory_space<hbm>>
      tpu.wait_indirect_dma semaphore(%arg12 : memref<!tpu.dma_semaphore, #tpu.memory_space<semaphore_mem>>) src(%dma_wait3A_125 : memref<10240x128xf32, #tpu.memory_space<hbm>>) dst(%dma_wait3A_119 : memref<128x128xf32, #tpu.memory_space<vmem>>)
      %dma_wait3A_126 = arith.constant 1 : i32
      %dma_wait3A_127 = arith.constant 1 : i32
      %dma_wait3A_128 = arith.constant 0 : i32
      %dma_wait3A_129 = arith.constant 0 : i32
      %dma_wait3A_130 = tpu.memref_slice %arg11[%dma_wait3A_126, %dma_wait3A_128, %dma_wait3A_129] : memref<2x128x128xf32, #tpu.memory_space<vmem>> -> memref<1x128x128xf32, #tpu.memory_space<vmem>>
      %dma_wait3A_131 = tpu.memref_squeeze %dma_wait3A_130 : memref<1x128x128xf32, #tpu.memory_space<vmem>> -> memref<128x128xf32, #tpu.memory_space<vmem>>
      %dma_wait3A_132 = arith.constant 0 : i32
      %dma_wait3A_133 = tpu.memref_slice %arg10[%dma_wait3A_127, %dma_wait3A_132] : memref<8x128xi32, #tpu.memory_space<vmem>> -> memref<1x128xi32, #tpu.memory_space<vmem>>
      %dma_wait3A_134 = tpu.memref_squeeze %dma_wait3A_133 : memref<1x128xi32, #tpu.memory_space<vmem>> -> memref<128xi32, #tpu.memory_space<vmem>>
      %dma_wait3A_135 = arith.constant 0 : i32
      %dma_wait3A_136 = arith.constant 0 : i32
      %dma_wait3A_137 = tpu.memref_slice %arg8[%dma_wait3A_135, %dma_wait3A_136] : memref<10240x128xf32, #tpu.memory_space<vmem_shared>> -> memref<10240x128xf32, #tpu.memory_space<vmem_shared>>
      tpu.wait_indirect_dma semaphore(%arg13 : memref<!tpu.dma_semaphore, #tpu.memory_space<semaphore_mem>>) src(%dma_wait3A_131 : memref<128x128xf32, #tpu.memory_space<vmem>>) dst(%dma_wait3A_137 : memref<10240x128xf32, #tpu.memory_space<vmem_shared>>)
      %dma_start3A_138 = arith.constant 3 : i32
      %dma_start3A_139 = arith.constant 1 : i32
      %dma_start3A_140 = arith.constant 0 : i32
      %dma_start3A_141 = arith.constant 0 : i32
      %dma_start3A_142 = tpu.memref_slice %arg11[%dma_start3A_139, %dma_start3A_140, %dma_start3A_141] : memref<2x128x128xf32, #tpu.memory_space<vmem>> -> memref<1x128x128xf32, #tpu.memory_space<vmem>>
      %dma_start3A_143 = tpu.memref_squeeze %dma_start3A_142 : memref<1x128x128xf32, #tpu.memory_space<vmem>> -> memref<128x128xf32, #tpu.memory_space<vmem>>
      %dma_start3A_144 = arith.constant 0 : i32
      %dma_start3A_145 = tpu.memref_slice %arg9[%dma_start3A_138, %dma_start3A_144] : memref<8x128xi32, #tpu.memory_space<vmem>> -> memref<1x128xi32, #tpu.memory_space<vmem>>
      %dma_start3A_146 = tpu.memref_squeeze %dma_start3A_145 : memref<1x128xi32, #tpu.memory_space<vmem>> -> memref<128xi32, #tpu.memory_space<vmem>>
      %dma_start3A_147 = arith.constant 0 : i32
      %dma_start3A_148 = arith.constant 0 : i32
      %dma_start3A_149 = tpu.memref_slice %arg2[%dma_start3A_147, %dma_start3A_148] : memref<10240x128xf32, #tpu.memory_space<hbm>> -> memref<10240x128xf32, #tpu.memory_space<hbm>>
      tpu.enqueue_indirect_dma source(%dma_start3A_149 : memref<10240x128xf32, #tpu.memory_space<hbm>>) target(%dma_start3A_143 : memref<128x128xf32, #tpu.memory_space<vmem>>) offsets(%dma_start3A_146 : memref<128xi32, #tpu.memory_space<vmem>>) semaphore(%arg12 : memref<!tpu.dma_semaphore, #tpu.memory_space<semaphore_mem>>)
      %dma_start3A_150 = arith.constant 0 : i32
      %dma_start3A_151 = arith.constant 2 : i32
      %dma_start3A_152 = arith.constant 0 : i32
      %dma_start3A_153 = arith.constant 0 : i32
      %dma_start3A_154 = tpu.memref_slice %arg11[%dma_start3A_150, %dma_start3A_152, %dma_start3A_153] : memref<2x128x128xf32, #tpu.memory_space<vmem>> -> memref<1x128x128xf32, #tpu.memory_space<vmem>>
      %dma_start3A_155 = tpu.memref_squeeze %dma_start3A_154 : memref<1x128x128xf32, #tpu.memory_space<vmem>> -> memref<128x128xf32, #tpu.memory_space<vmem>>
      %dma_start3A_156 = arith.constant 0 : i32
      %dma_start3A_157 = tpu.memref_slice %arg10[%dma_start3A_151, %dma_start3A_156] : memref<8x128xi32, #tpu.memory_space<vmem>> -> memref<1x128xi32, #tpu.memory_space<vmem>>
      %dma_start3A_158 = tpu.memref_squeeze %dma_start3A_157 : memref<1x128xi32, #tpu.memory_space<vmem>> -> memref<128xi32, #tpu.memory_space<vmem>>
      %dma_start3A_159 = arith.constant 0 : i32
      %dma_start3A_160 = arith.constant 0 : i32
      %dma_start3A_161 = tpu.memref_slice %arg8[%dma_start3A_159, %dma_start3A_160] : memref<10240x128xf32, #tpu.memory_space<vmem_shared>> -> memref<10240x128xf32, #tpu.memory_space<vmem_shared>>
      tpu.enqueue_indirect_dma source(%dma_start3A_155 : memref<128x128xf32, #tpu.memory_space<vmem>>) target(%dma_start3A_161 : memref<10240x128xf32, #tpu.memory_space<vmem_shared>>) offsets(%dma_start3A_158 : memref<128xi32, #tpu.memory_space<vmem>>) semaphore(%arg13 : memref<!tpu.dma_semaphore, #tpu.memory_space<semaphore_mem>>) {add = true}
      %dma_wait3A_162 = arith.constant 3 : i32
      %dma_wait3A_163 = arith.constant 1 : i32
      %dma_wait3A_164 = arith.constant 0 : i32
      %dma_wait3A_165 = arith.constant 0 : i32
      %dma_wait3A_166 = tpu.memref_slice %arg11[%dma_wait3A_163, %dma_wait3A_164, %dma_wait3A_165] : memref<2x128x128xf32, #tpu.memory_space<vmem>> -> memref<1x128x128xf32, #tpu.memory_space<vmem>>
      %dma_wait3A_167 = tpu.memref_squeeze %dma_wait3A_166 : memref<1x128x128xf32, #tpu.memory_space<vmem>> -> memref<128x128xf32, #tpu.memory_space<vmem>>
      %dma_wait3A_168 = arith.constant 0 : i32
      %dma_wait3A_169 = tpu.memref_slice %arg9[%dma_wait3A_162, %dma_wait3A_168] : memref<8x128xi32, #tpu.memory_space<vmem>> -> memref<1x128xi32, #tpu.memory_space<vmem>>
      %dma_wait3A_170 = tpu.memref_squeeze %dma_wait3A_169 : memref<1x128xi32, #tpu.memory_space<vmem>> -> memref<128xi32, #tpu.memory_space<vmem>>
      %dma_wait3A_171 = arith.constant 0 : i32
      %dma_wait3A_172 = arith.constant 0 : i32
      %dma_wait3A_173 = tpu.memref_slice %arg2[%dma_wait3A_171, %dma_wait3A_172] : memref<10240x128xf32, #tpu.memory_space<hbm>> -> memref<10240x128xf32, #tpu.memory_space<hbm>>
      tpu.wait_indirect_dma semaphore(%arg12 : memref<!tpu.dma_semaphore, #tpu.memory_space<semaphore_mem>>) src(%dma_wait3A_173 : memref<10240x128xf32, #tpu.memory_space<hbm>>) dst(%dma_wait3A_167 : memref<128x128xf32, #tpu.memory_space<vmem>>)
      %dma_wait3A_174 = arith.constant 0 : i32
      %dma_wait3A_175 = arith.constant 2 : i32
      %dma_wait3A_176 = arith.constant 0 : i32
      %dma_wait3A_177 = arith.constant 0 : i32
      %dma_wait3A_178 = tpu.memref_slice %arg11[%dma_wait3A_174, %dma_wait3A_176, %dma_wait3A_177] : memref<2x128x128xf32, #tpu.memory_space<vmem>> -> memref<1x128x128xf32, #tpu.memory_space<vmem>>
      %dma_wait3A_179 = tpu.memref_squeeze %dma_wait3A_178 : memref<1x128x128xf32, #tpu.memory_space<vmem>> -> memref<128x128xf32, #tpu.memory_space<vmem>>
      %dma_wait3A_180 = arith.constant 0 : i32
      %dma_wait3A_181 = tpu.memref_slice %arg10[%dma_wait3A_175, %dma_wait3A_180] : memref<8x128xi32, #tpu.memory_space<vmem>> -> memref<1x128xi32, #tpu.memory_space<vmem>>
      %dma_wait3A_182 = tpu.memref_squeeze %dma_wait3A_181 : memref<1x128xi32, #tpu.memory_space<vmem>> -> memref<128xi32, #tpu.memory_space<vmem>>
      %dma_wait3A_183 = arith.constant 0 : i32
      %dma_wait3A_184 = arith.constant 0 : i32
      %dma_wait3A_185 = tpu.memref_slice %arg8[%dma_wait3A_183, %dma_wait3A_184] : memref<10240x128xf32, #tpu.memory_space<vmem_shared>> -> memref<10240x128xf32, #tpu.memory_space<vmem_shared>>
      tpu.wait_indirect_dma semaphore(%arg13 : memref<!tpu.dma_semaphore, #tpu.memory_space<semaphore_mem>>) src(%dma_wait3A_179 : memref<128x128xf32, #tpu.memory_space<vmem>>) dst(%dma_wait3A_185 : memref<10240x128xf32, #tpu.memory_space<vmem_shared>>)
      %dma_start3A_186 = arith.constant 4 : i32
      %dma_start3A_187 = arith.constant 0 : i32
      %dma_start3A_188 = arith.constant 0 : i32
      %dma_start3A_189 = arith.constant 0 : i32
      %dma_start3A_190 = tpu.memref_slice %arg11[%dma_start3A_187, %dma_start3A_188, %dma_start3A_189] : memref<2x128x128xf32, #tpu.memory_space<vmem>> -> memref<1x128x128xf32, #tpu.memory_space<vmem>>
      %dma_start3A_191 = tpu.memref_squeeze %dma_start3A_190 : memref<1x128x128xf32, #tpu.memory_space<vmem>> -> memref<128x128xf32, #tpu.memory_space<vmem>>
      %dma_start3A_192 = arith.constant 0 : i32
      %dma_start3A_193 = tpu.memref_slice %arg9[%dma_start3A_186, %dma_start3A_192] : memref<8x128xi32, #tpu.memory_space<vmem>> -> memref<1x128xi32, #tpu.memory_space<vmem>>
      %dma_start3A_194 = tpu.memref_squeeze %dma_start3A_193 : memref<1x128xi32, #tpu.memory_space<vmem>> -> memref<128xi32, #tpu.memory_space<vmem>>
      %dma_start3A_195 = arith.constant 0 : i32
      %dma_start3A_196 = arith.constant 0 : i32
      %dma_start3A_197 = tpu.memref_slice %arg2[%dma_start3A_195, %dma_start3A_196] : memref<10240x128xf32, #tpu.memory_space<hbm>> -> memref<10240x128xf32, #tpu.memory_space<hbm>>
      tpu.enqueue_indirect_dma source(%dma_start3A_197 : memref<10240x128xf32, #tpu.memory_space<hbm>>) target(%dma_start3A_191 : memref<128x128xf32, #tpu.memory_space<vmem>>) offsets(%dma_start3A_194 : memref<128xi32, #tpu.memory_space<vmem>>) semaphore(%arg12 : memref<!tpu.dma_semaphore, #tpu.memory_space<semaphore_mem>>)
      %dma_start3A_198 = arith.constant 1 : i32
      %dma_start3A_199 = arith.constant 3 : i32
      %dma_start3A_200 = arith.constant 0 : i32
      %dma_start3A_201 = arith.constant 0 : i32
      %dma_start3A_202 = tpu.memref_slice %arg11[%dma_start3A_198, %dma_start3A_200, %dma_start3A_201] : memref<2x128x128xf32, #tpu.memory_space<vmem>> -> memref<1x128x128xf32, #tpu.memory_space<vmem>>
      %dma_start3A_203 = tpu.memref_squeeze %dma_start3A_202 : memref<1x128x128xf32, #tpu.memory_space<vmem>> -> memref<128x128xf32, #tpu.memory_space<vmem>>
      %dma_start3A_204 = arith.constant 0 : i32
      %dma_start3A_205 = tpu.memref_slice %arg10[%dma_start3A_199, %dma_start3A_204] : memref<8x128xi32, #tpu.memory_space<vmem>> -> memref<1x128xi32, #tpu.memory_space<vmem>>
      %dma_start3A_206 = tpu.memref_squeeze %dma_start3A_205 : memref<1x128xi32, #tpu.memory_space<vmem>> -> memref<128xi32, #tpu.memory_space<vmem>>
      %dma_start3A_207 = arith.constant 0 : i32
      %dma_start3A_208 = arith.constant 0 : i32
      %dma_start3A_209 = tpu.memref_slice %arg8[%dma_start3A_207, %dma_start3A_208] : memref<10240x128xf32, #tpu.memory_space<vmem_shared>> -> memref<10240x128xf32, #tpu.memory_space<vmem_shared>>
      tpu.enqueue_indirect_dma source(%dma_start3A_203 : memref<128x128xf32, #tpu.memory_space<vmem>>) target(%dma_start3A_209 : memref<10240x128xf32, #tpu.memory_space<vmem_shared>>) offsets(%dma_start3A_206 : memref<128xi32, #tpu.memory_space<vmem>>) semaphore(%arg13 : memref<!tpu.dma_semaphore, #tpu.memory_space<semaphore_mem>>) {add = true}
      %dma_wait3A_210 = arith.constant 4 : i32
      %dma_wait3A_211 = arith.constant 0 : i32
      %dma_wait3A_212 = arith.constant 0 : i32
      %dma_wait3A_213 = arith.constant 0 : i32
      %dma_wait3A_214 = tpu.memref_slice %arg11[%dma_wait3A_211, %dma_wait3A_212, %dma_wait3A_213] : memref<2x128x128xf32, #tpu.memory_space<vmem>> -> memref<1x128x128xf32, #tpu.memory_space<vmem>>
      %dma_wait3A_215 = tpu.memref_squeeze %dma_wait3A_214 : memref<1x128x128xf32, #tpu.memory_space<vmem>> -> memref<128x128xf32, #tpu.memory_space<vmem>>
      %dma_wait3A_216 = arith.constant 0 : i32
      %dma_wait3A_217 = tpu.memref_slice %arg9[%dma_wait3A_210, %dma_wait3A_216] : memref<8x128xi32, #tpu.memory_space<vmem>> -> memref<1x128xi32, #tpu.memory_space<vmem>>
      %dma_wait3A_218 = tpu.memref_squeeze %dma_wait3A_217 : memref<1x128xi32, #tpu.memory_space<vmem>> -> memref<128xi32, #tpu.memory_space<vmem>>
      %dma_wait3A_219 = arith.constant 0 : i32
      %dma_wait3A_220 = arith.constant 0 : i32
      %dma_wait3A_221 = tpu.memref_slice %arg2[%dma_wait3A_219, %dma_wait3A_220] : memref<10240x128xf32, #tpu.memory_space<hbm>> -> memref<10240x128xf32, #tpu.memory_space<hbm>>
      tpu.wait_indirect_dma semaphore(%arg12 : memref<!tpu.dma_semaphore, #tpu.memory_space<semaphore_mem>>) src(%dma_wait3A_221 : memref<10240x128xf32, #tpu.memory_space<hbm>>) dst(%dma_wait3A_215 : memref<128x128xf32, #tpu.memory_space<vmem>>)
      %dma_wait3A_222 = arith.constant 1 : i32
      %dma_wait3A_223 = arith.constant 3 : i32
      %dma_wait3A_224 = arith.constant 0 : i32
      %dma_wait3A_225 = arith.constant 0 : i32
      %dma_wait3A_226 = tpu.memref_slice %arg11[%dma_wait3A_222, %dma_wait3A_224, %dma_wait3A_225] : memref<2x128x128xf32, #tpu.memory_space<vmem>> -> memref<1x128x128xf32, #tpu.memory_space<vmem>>
      %dma_wait3A_227 = tpu.memref_squeeze %dma_wait3A_226 : memref<1x128x128xf32, #tpu.memory_space<vmem>> -> memref<128x128xf32, #tpu.memory_space<vmem>>
      %dma_wait3A_228 = arith.constant 0 : i32
      %dma_wait3A_229 = tpu.memref_slice %arg10[%dma_wait3A_223, %dma_wait3A_228] : memref<8x128xi32, #tpu.memory_space<vmem>> -> memref<1x128xi32, #tpu.memory_space<vmem>>
      %dma_wait3A_230 = tpu.memref_squeeze %dma_wait3A_229 : memref<1x128xi32, #tpu.memory_space<vmem>> -> memref<128xi32, #tpu.memory_space<vmem>>
      %dma_wait3A_231 = arith.constant 0 : i32
      %dma_wait3A_232 = arith.constant 0 : i32
      %dma_wait3A_233 = tpu.memref_slice %arg8[%dma_wait3A_231, %dma_wait3A_232] : memref<10240x128xf32, #tpu.memory_space<vmem_shared>> -> memref<10240x128xf32, #tpu.memory_space<vmem_shared>>
      tpu.wait_indirect_dma semaphore(%arg13 : memref<!tpu.dma_semaphore, #tpu.memory_space<semaphore_mem>>) src(%dma_wait3A_227 : memref<128x128xf32, #tpu.memory_space<vmem>>) dst(%dma_wait3A_233 : memref<10240x128xf32, #tpu.memory_space<vmem_shared>>)
      %dma_start3A_234 = arith.constant 5 : i32
      %dma_start3A_235 = arith.constant 1 : i32
      %dma_start3A_236 = arith.constant 0 : i32
      %dma_start3A_237 = arith.constant 0 : i32
      %dma_start3A_238 = tpu.memref_slice %arg11[%dma_start3A_235, %dma_start3A_236, %dma_start3A_237] : memref<2x128x128xf32, #tpu.memory_space<vmem>> -> memref<1x128x128xf32, #tpu.memory_space<vmem>>
      %dma_start3A_239 = tpu.memref_squeeze %dma_start3A_238 : memref<1x128x128xf32, #tpu.memory_space<vmem>> -> memref<128x128xf32, #tpu.memory_space<vmem>>
      %dma_start3A_240 = arith.constant 0 : i32
      %dma_start3A_241 = tpu.memref_slice %arg9[%dma_start3A_234, %dma_start3A_240] : memref<8x128xi32, #tpu.memory_space<vmem>> -> memref<1x128xi32, #tpu.memory_space<vmem>>
      %dma_start3A_242 = tpu.memref_squeeze %dma_start3A_241 : memref<1x128xi32, #tpu.memory_space<vmem>> -> memref<128xi32, #tpu.memory_space<vmem>>
      %dma_start3A_243 = arith.constant 0 : i32
      %dma_start3A_244 = arith.constant 0 : i32
      %dma_start3A_245 = tpu.memref_slice %arg2[%dma_start3A_243, %dma_start3A_244] : memref<10240x128xf32, #tpu.memory_space<hbm>> -> memref<10240x128xf32, #tpu.memory_space<hbm>>
      tpu.enqueue_indirect_dma source(%dma_start3A_245 : memref<10240x128xf32, #tpu.memory_space<hbm>>) target(%dma_start3A_239 : memref<128x128xf32, #tpu.memory_space<vmem>>) offsets(%dma_start3A_242 : memref<128xi32, #tpu.memory_space<vmem>>) semaphore(%arg12 : memref<!tpu.dma_semaphore, #tpu.memory_space<semaphore_mem>>)
      %dma_start3A_246 = arith.constant 0 : i32
      %dma_start3A_247 = arith.constant 4 : i32
      %dma_start3A_248 = arith.constant 0 : i32
      %dma_start3A_249 = arith.constant 0 : i32
      %dma_start3A_250 = tpu.memref_slice %arg11[%dma_start3A_246, %dma_start3A_248, %dma_start3A_249] : memref<2x128x128xf32, #tpu.memory_space<vmem>> -> memref<1x128x128xf32, #tpu.memory_space<vmem>>
      %dma_start3A_251 = tpu.memref_squeeze %dma_start3A_250 : memref<1x128x128xf32, #tpu.memory_space<vmem>> -> memref<128x128xf32, #tpu.memory_space<vmem>>
      %dma_start3A_252 = arith.constant 0 : i32
      %dma_start3A_253 = tpu.memref_slice %arg10[%dma_start3A_247, %dma_start3A_252] : memref<8x128xi32, #tpu.memory_space<vmem>> -> memref<1x128xi32, #tpu.memory_space<vmem>>
      %dma_start3A_254 = tpu.memref_squeeze %dma_start3A_253 : memref<1x128xi32, #tpu.memory_space<vmem>> -> memref<128xi32, #tpu.memory_space<vmem>>
      %dma_start3A_255 = arith.constant 0 : i32
      %dma_start3A_256 = arith.constant 0 : i32
      %dma_start3A_257 = tpu.memref_slice %arg8[%dma_start3A_255, %dma_start3A_256] : memref<10240x128xf32, #tpu.memory_space<vmem_shared>> -> memref<10240x128xf32, #tpu.memory_space<vmem_shared>>
      tpu.enqueue_indirect_dma source(%dma_start3A_251 : memref<128x128xf32, #tpu.memory_space<vmem>>) target(%dma_start3A_257 : memref<10240x128xf32, #tpu.memory_space<vmem_shared>>) offsets(%dma_start3A_254 : memref<128xi32, #tpu.memory_space<vmem>>) semaphore(%arg13 : memref<!tpu.dma_semaphore, #tpu.memory_space<semaphore_mem>>) {add = true}
      %dma_wait3A_258 = arith.constant 5 : i32
      %dma_wait3A_259 = arith.constant 1 : i32
      %dma_wait3A_260 = arith.constant 0 : i32
      %dma_wait3A_261 = arith.constant 0 : i32
      %dma_wait3A_262 = tpu.memref_slice %arg11[%dma_wait3A_259, %dma_wait3A_260, %dma_wait3A_261] : memref<2x128x128xf32, #tpu.memory_space<vmem>> -> memref<1x128x128xf32, #tpu.memory_space<vmem>>
      %dma_wait3A_263 = tpu.memref_squeeze %dma_wait3A_262 : memref<1x128x128xf32, #tpu.memory_space<vmem>> -> memref<128x128xf32, #tpu.memory_space<vmem>>
      %dma_wait3A_264 = arith.constant 0 : i32
      %dma_wait3A_265 = tpu.memref_slice %arg9[%dma_wait3A_258, %dma_wait3A_264] : memref<8x128xi32, #tpu.memory_space<vmem>> -> memref<1x128xi32, #tpu.memory_space<vmem>>
      %dma_wait3A_266 = tpu.memref_squeeze %dma_wait3A_265 : memref<1x128xi32, #tpu.memory_space<vmem>> -> memref<128xi32, #tpu.memory_space<vmem>>
      %dma_wait3A_267 = arith.constant 0 : i32
      %dma_wait3A_268 = arith.constant 0 : i32
      %dma_wait3A_269 = tpu.memref_slice %arg2[%dma_wait3A_267, %dma_wait3A_268] : memref<10240x128xf32, #tpu.memory_space<hbm>> -> memref<10240x128xf32, #tpu.memory_space<hbm>>
      tpu.wait_indirect_dma semaphore(%arg12 : memref<!tpu.dma_semaphore, #tpu.memory_space<semaphore_mem>>) src(%dma_wait3A_269 : memref<10240x128xf32, #tpu.memory_space<hbm>>) dst(%dma_wait3A_263 : memref<128x128xf32, #tpu.memory_space<vmem>>)
      %dma_wait3A_270 = arith.constant 0 : i32
      %dma_wait3A_271 = arith.constant 4 : i32
      %dma_wait3A_272 = arith.constant 0 : i32
      %dma_wait3A_273 = arith.constant 0 : i32
      %dma_wait3A_274 = tpu.memref_slice %arg11[%dma_wait3A_270, %dma_wait3A_272, %dma_wait3A_273] : memref<2x128x128xf32, #tpu.memory_space<vmem>> -> memref<1x128x128xf32, #tpu.memory_space<vmem>>
      %dma_wait3A_275 = tpu.memref_squeeze %dma_wait3A_274 : memref<1x128x128xf32, #tpu.memory_space<vmem>> -> memref<128x128xf32, #tpu.memory_space<vmem>>
      %dma_wait3A_276 = arith.constant 0 : i32
      %dma_wait3A_277 = tpu.memref_slice %arg10[%dma_wait3A_271, %dma_wait3A_276] : memref<8x128xi32, #tpu.memory_space<vmem>> -> memref<1x128xi32, #tpu.memory_space<vmem>>
      %dma_wait3A_278 = tpu.memref_squeeze %dma_wait3A_277 : memref<1x128xi32, #tpu.memory_space<vmem>> -> memref<128xi32, #tpu.memory_space<vmem>>
      %dma_wait3A_279 = arith.constant 0 : i32
      %dma_wait3A_280 = arith.constant 0 : i32
      %dma_wait3A_281 = tpu.memref_slice %arg8[%dma_wait3A_279, %dma_wait3A_280] : memref<10240x128xf32, #tpu.memory_space<vmem_shared>> -> memref<10240x128xf32, #tpu.memory_space<vmem_shared>>
      tpu.wait_indirect_dma semaphore(%arg13 : memref<!tpu.dma_semaphore, #tpu.memory_space<semaphore_mem>>) src(%dma_wait3A_275 : memref<128x128xf32, #tpu.memory_space<vmem>>) dst(%dma_wait3A_281 : memref<10240x128xf32, #tpu.memory_space<vmem_shared>>)
      %dma_start3A_282 = arith.constant 6 : i32
      %dma_start3A_283 = arith.constant 0 : i32
      %dma_start3A_284 = arith.constant 0 : i32
      %dma_start3A_285 = arith.constant 0 : i32
      %dma_start3A_286 = tpu.memref_slice %arg11[%dma_start3A_283, %dma_start3A_284, %dma_start3A_285] : memref<2x128x128xf32, #tpu.memory_space<vmem>> -> memref<1x128x128xf32, #tpu.memory_space<vmem>>
      %dma_start3A_287 = tpu.memref_squeeze %dma_start3A_286 : memref<1x128x128xf32, #tpu.memory_space<vmem>> -> memref<128x128xf32, #tpu.memory_space<vmem>>
      %dma_start3A_288 = arith.constant 0 : i32
      %dma_start3A_289 = tpu.memref_slice %arg9[%dma_start3A_282, %dma_start3A_288] : memref<8x128xi32, #tpu.memory_space<vmem>> -> memref<1x128xi32, #tpu.memory_space<vmem>>
      %dma_start3A_290 = tpu.memref_squeeze %dma_start3A_289 : memref<1x128xi32, #tpu.memory_space<vmem>> -> memref<128xi32, #tpu.memory_space<vmem>>
      %dma_start3A_291 = arith.constant 0 : i32
      %dma_start3A_292 = arith.constant 0 : i32
      %dma_start3A_293 = tpu.memref_slice %arg2[%dma_start3A_291, %dma_start3A_292] : memref<10240x128xf32, #tpu.memory_space<hbm>> -> memref<10240x128xf32, #tpu.memory_space<hbm>>
      tpu.enqueue_indirect_dma source(%dma_start3A_293 : memref<10240x128xf32, #tpu.memory_space<hbm>>) target(%dma_start3A_287 : memref<128x128xf32, #tpu.memory_space<vmem>>) offsets(%dma_start3A_290 : memref<128xi32, #tpu.memory_space<vmem>>) semaphore(%arg12 : memref<!tpu.dma_semaphore, #tpu.memory_space<semaphore_mem>>)
      %dma_start3A_294 = arith.constant 1 : i32
      %dma_start3A_295 = arith.constant 5 : i32
      %dma_start3A_296 = arith.constant 0 : i32
      %dma_start3A_297 = arith.constant 0 : i32
      %dma_start3A_298 = tpu.memref_slice %arg11[%dma_start3A_294, %dma_start3A_296, %dma_start3A_297] : memref<2x128x128xf32, #tpu.memory_space<vmem>> -> memref<1x128x128xf32, #tpu.memory_space<vmem>>
      %dma_start3A_299 = tpu.memref_squeeze %dma_start3A_298 : memref<1x128x128xf32, #tpu.memory_space<vmem>> -> memref<128x128xf32, #tpu.memory_space<vmem>>
      %dma_start3A_300 = arith.constant 0 : i32
      %dma_start3A_301 = tpu.memref_slice %arg10[%dma_start3A_295, %dma_start3A_300] : memref<8x128xi32, #tpu.memory_space<vmem>> -> memref<1x128xi32, #tpu.memory_space<vmem>>
      %dma_start3A_302 = tpu.memref_squeeze %dma_start3A_301 : memref<1x128xi32, #tpu.memory_space<vmem>> -> memref<128xi32, #tpu.memory_space<vmem>>
      %dma_start3A_303 = arith.constant 0 : i32
      %dma_start3A_304 = arith.constant 0 : i32
      %dma_start3A_305 = tpu.memref_slice %arg8[%dma_start3A_303, %dma_start3A_304] : memref<10240x128xf32, #tpu.memory_space<vmem_shared>> -> memref<10240x128xf32, #tpu.memory_space<vmem_shared>>
      tpu.enqueue_indirect_dma source(%dma_start3A_299 : memref<128x128xf32, #tpu.memory_space<vmem>>) target(%dma_start3A_305 : memref<10240x128xf32, #tpu.memory_space<vmem_shared>>) offsets(%dma_start3A_302 : memref<128xi32, #tpu.memory_space<vmem>>) semaphore(%arg13 : memref<!tpu.dma_semaphore, #tpu.memory_space<semaphore_mem>>) {add = true}
      %dma_wait3A_306 = arith.constant 6 : i32
      %dma_wait3A_307 = arith.constant 0 : i32
      %dma_wait3A_308 = arith.constant 0 : i32
      %dma_wait3A_309 = arith.constant 0 : i32
      %dma_wait3A_310 = tpu.memref_slice %arg11[%dma_wait3A_307, %dma_wait3A_308, %dma_wait3A_309] : memref<2x128x128xf32, #tpu.memory_space<vmem>> -> memref<1x128x128xf32, #tpu.memory_space<vmem>>
      %dma_wait3A_311 = tpu.memref_squeeze %dma_wait3A_310 : memref<1x128x128xf32, #tpu.memory_space<vmem>> -> memref<128x128xf32, #tpu.memory_space<vmem>>
      %dma_wait3A_312 = arith.constant 0 : i32
      %dma_wait3A_313 = tpu.memref_slice %arg9[%dma_wait3A_306, %dma_wait3A_312] : memref<8x128xi32, #tpu.memory_space<vmem>> -> memref<1x128xi32, #tpu.memory_space<vmem>>
      %dma_wait3A_314 = tpu.memref_squeeze %dma_wait3A_313 : memref<1x128xi32, #tpu.memory_space<vmem>> -> memref<128xi32, #tpu.memory_space<vmem>>
      %dma_wait3A_315 = arith.constant 0 : i32
      %dma_wait3A_316 = arith.constant 0 : i32
      %dma_wait3A_317 = tpu.memref_slice %arg2[%dma_wait3A_315, %dma_wait3A_316] : memref<10240x128xf32, #tpu.memory_space<hbm>> -> memref<10240x128xf32, #tpu.memory_space<hbm>>
      tpu.wait_indirect_dma semaphore(%arg12 : memref<!tpu.dma_semaphore, #tpu.memory_space<semaphore_mem>>) src(%dma_wait3A_317 : memref<10240x128xf32, #tpu.memory_space<hbm>>) dst(%dma_wait3A_311 : memref<128x128xf32, #tpu.memory_space<vmem>>)
      %dma_wait3A_318 = arith.constant 1 : i32
      %dma_wait3A_319 = arith.constant 5 : i32
      %dma_wait3A_320 = arith.constant 0 : i32
      %dma_wait3A_321 = arith.constant 0 : i32
      %dma_wait3A_322 = tpu.memref_slice %arg11[%dma_wait3A_318, %dma_wait3A_320, %dma_wait3A_321] : memref<2x128x128xf32, #tpu.memory_space<vmem>> -> memref<1x128x128xf32, #tpu.memory_space<vmem>>
      %dma_wait3A_323 = tpu.memref_squeeze %dma_wait3A_322 : memref<1x128x128xf32, #tpu.memory_space<vmem>> -> memref<128x128xf32, #tpu.memory_space<vmem>>
      %dma_wait3A_324 = arith.constant 0 : i32
      %dma_wait3A_325 = tpu.memref_slice %arg10[%dma_wait3A_319, %dma_wait3A_324] : memref<8x128xi32, #tpu.memory_space<vmem>> -> memref<1x128xi32, #tpu.memory_space<vmem>>
      %dma_wait3A_326 = tpu.memref_squeeze %dma_wait3A_325 : memref<1x128xi32, #tpu.memory_space<vmem>> -> memref<128xi32, #tpu.memory_space<vmem>>
      %dma_wait3A_327 = arith.constant 0 : i32
      %dma_wait3A_328 = arith.constant 0 : i32
      %dma_wait3A_329 = tpu.memref_slice %arg8[%dma_wait3A_327, %dma_wait3A_328] : memref<10240x128xf32, #tpu.memory_space<vmem_shared>> -> memref<10240x128xf32, #tpu.memory_space<vmem_shared>>
      tpu.wait_indirect_dma semaphore(%arg13 : memref<!tpu.dma_semaphore, #tpu.memory_space<semaphore_mem>>) src(%dma_wait3A_323 : memref<128x128xf32, #tpu.memory_space<vmem>>) dst(%dma_wait3A_329 : memref<10240x128xf32, #tpu.memory_space<vmem_shared>>)
      %dma_start3A_330 = arith.constant 7 : i32
      %dma_start3A_331 = arith.constant 1 : i32
      %dma_start3A_332 = arith.constant 0 : i32
      %dma_start3A_333 = arith.constant 0 : i32
      %dma_start3A_334 = tpu.memref_slice %arg11[%dma_start3A_331, %dma_start3A_332, %dma_start3A_333] : memref<2x128x128xf32, #tpu.memory_space<vmem>> -> memref<1x128x128xf32, #tpu.memory_space<vmem>>
      %dma_start3A_335 = tpu.memref_squeeze %dma_start3A_334 : memref<1x128x128xf32, #tpu.memory_space<vmem>> -> memref<128x128xf32, #tpu.memory_space<vmem>>
      %dma_start3A_336 = arith.constant 0 : i32
      %dma_start3A_337 = tpu.memref_slice %arg9[%dma_start3A_330, %dma_start3A_336] : memref<8x128xi32, #tpu.memory_space<vmem>> -> memref<1x128xi32, #tpu.memory_space<vmem>>
      %dma_start3A_338 = tpu.memref_squeeze %dma_start3A_337 : memref<1x128xi32, #tpu.memory_space<vmem>> -> memref<128xi32, #tpu.memory_space<vmem>>
      %dma_start3A_339 = arith.constant 0 : i32
      %dma_start3A_340 = arith.constant 0 : i32
      %dma_start3A_341 = tpu.memref_slice %arg2[%dma_start3A_339, %dma_start3A_340] : memref<10240x128xf32, #tpu.memory_space<hbm>> -> memref<10240x128xf32, #tpu.memory_space<hbm>>
      tpu.enqueue_indirect_dma source(%dma_start3A_341 : memref<10240x128xf32, #tpu.memory_space<hbm>>) target(%dma_start3A_335 : memref<128x128xf32, #tpu.memory_space<vmem>>) offsets(%dma_start3A_338 : memref<128xi32, #tpu.memory_space<vmem>>) semaphore(%arg12 : memref<!tpu.dma_semaphore, #tpu.memory_space<semaphore_mem>>)
      %dma_start3A_342 = arith.constant 0 : i32
      %dma_start3A_343 = arith.constant 6 : i32
      %dma_start3A_344 = arith.constant 0 : i32
      %dma_start3A_345 = arith.constant 0 : i32
      %dma_start3A_346 = tpu.memref_slice %arg11[%dma_start3A_342, %dma_start3A_344, %dma_start3A_345] : memref<2x128x128xf32, #tpu.memory_space<vmem>> -> memref<1x128x128xf32, #tpu.memory_space<vmem>>
      %dma_start3A_347 = tpu.memref_squeeze %dma_start3A_346 : memref<1x128x128xf32, #tpu.memory_space<vmem>> -> memref<128x128xf32, #tpu.memory_space<vmem>>
      %dma_start3A_348 = arith.constant 0 : i32
      %dma_start3A_349 = tpu.memref_slice %arg10[%dma_start3A_343, %dma_start3A_348] : memref<8x128xi32, #tpu.memory_space<vmem>> -> memref<1x128xi32, #tpu.memory_space<vmem>>
      %dma_start3A_350 = tpu.memref_squeeze %dma_start3A_349 : memref<1x128xi32, #tpu.memory_space<vmem>> -> memref<128xi32, #tpu.memory_space<vmem>>
      %dma_start3A_351 = arith.constant 0 : i32
      %dma_start3A_352 = arith.constant 0 : i32
      %dma_start3A_353 = tpu.memref_slice %arg8[%dma_start3A_351, %dma_start3A_352] : memref<10240x128xf32, #tpu.memory_space<vmem_shared>> -> memref<10240x128xf32, #tpu.memory_space<vmem_shared>>
      tpu.enqueue_indirect_dma source(%dma_start3A_347 : memref<128x128xf32, #tpu.memory_space<vmem>>) target(%dma_start3A_353 : memref<10240x128xf32, #tpu.memory_space<vmem_shared>>) offsets(%dma_start3A_350 : memref<128xi32, #tpu.memory_space<vmem>>) semaphore(%arg13 : memref<!tpu.dma_semaphore, #tpu.memory_space<semaphore_mem>>) {add = true}
      %dma_wait3A_354 = arith.constant 7 : i32
      %dma_wait3A_355 = arith.constant 1 : i32
      %dma_wait3A_356 = arith.constant 0 : i32
      %dma_wait3A_357 = arith.constant 0 : i32
      %dma_wait3A_358 = tpu.memref_slice %arg11[%dma_wait3A_355, %dma_wait3A_356, %dma_wait3A_357] : memref<2x128x128xf32, #tpu.memory_space<vmem>> -> memref<1x128x128xf32, #tpu.memory_space<vmem>>
      %dma_wait3A_359 = tpu.memref_squeeze %dma_wait3A_358 : memref<1x128x128xf32, #tpu.memory_space<vmem>> -> memref<128x128xf32, #tpu.memory_space<vmem>>
      %dma_wait3A_360 = arith.constant 0 : i32
      %dma_wait3A_361 = tpu.memref_slice %arg9[%dma_wait3A_354, %dma_wait3A_360] : memref<8x128xi32, #tpu.memory_space<vmem>> -> memref<1x128xi32, #tpu.memory_space<vmem>>
      %dma_wait3A_362 = tpu.memref_squeeze %dma_wait3A_361 : memref<1x128xi32, #tpu.memory_space<vmem>> -> memref<128xi32, #tpu.memory_space<vmem>>
      %dma_wait3A_363 = arith.constant 0 : i32
      %dma_wait3A_364 = arith.constant 0 : i32
      %dma_wait3A_365 = tpu.memref_slice %arg2[%dma_wait3A_363, %dma_wait3A_364] : memref<10240x128xf32, #tpu.memory_space<hbm>> -> memref<10240x128xf32, #tpu.memory_space<hbm>>
      tpu.wait_indirect_dma semaphore(%arg12 : memref<!tpu.dma_semaphore, #tpu.memory_space<semaphore_mem>>) src(%dma_wait3A_365 : memref<10240x128xf32, #tpu.memory_space<hbm>>) dst(%dma_wait3A_359 : memref<128x128xf32, #tpu.memory_space<vmem>>)
      %dma_wait3A_366 = arith.constant 0 : i32
      %dma_wait3A_367 = arith.constant 6 : i32
      %dma_wait3A_368 = arith.constant 0 : i32
      %dma_wait3A_369 = arith.constant 0 : i32
      %dma_wait3A_370 = tpu.memref_slice %arg11[%dma_wait3A_366, %dma_wait3A_368, %dma_wait3A_369] : memref<2x128x128xf32, #tpu.memory_space<vmem>> -> memref<1x128x128xf32, #tpu.memory_space<vmem>>
      %dma_wait3A_371 = tpu.memref_squeeze %dma_wait3A_370 : memref<1x128x128xf32, #tpu.memory_space<vmem>> -> memref<128x128xf32, #tpu.memory_space<vmem>>
      %dma_wait3A_372 = arith.constant 0 : i32
      %dma_wait3A_373 = tpu.memref_slice %arg10[%dma_wait3A_367, %dma_wait3A_372] : memref<8x128xi32, #tpu.memory_space<vmem>> -> memref<1x128xi32, #tpu.memory_space<vmem>>
      %dma_wait3A_374 = tpu.memref_squeeze %dma_wait3A_373 : memref<1x128xi32, #tpu.memory_space<vmem>> -> memref<128xi32, #tpu.memory_space<vmem>>
      %dma_wait3A_375 = arith.constant 0 : i32
      %dma_wait3A_376 = arith.constant 0 : i32
      %dma_wait3A_377 = tpu.memref_slice %arg8[%dma_wait3A_375, %dma_wait3A_376] : memref<10240x128xf32, #tpu.memory_space<vmem_shared>> -> memref<10240x128xf32, #tpu.memory_space<vmem_shared>>
      tpu.wait_indirect_dma semaphore(%arg13 : memref<!tpu.dma_semaphore, #tpu.memory_space<semaphore_mem>>) src(%dma_wait3A_371 : memref<128x128xf32, #tpu.memory_space<vmem>>) dst(%dma_wait3A_377 : memref<10240x128xf32, #tpu.memory_space<vmem_shared>>)
      %dma_start3A_378 = arith.constant 1 : i32
      %dma_start3A_379 = arith.constant 7 : i32
      %dma_start3A_380 = arith.constant 0 : i32
      %dma_start3A_381 = arith.constant 0 : i32
      %dma_start3A_382 = tpu.memref_slice %arg11[%dma_start3A_378, %dma_start3A_380, %dma_start3A_381] : memref<2x128x128xf32, #tpu.memory_space<vmem>> -> memref<1x128x128xf32, #tpu.memory_space<vmem>>
      %dma_start3A_383 = tpu.memref_squeeze %dma_start3A_382 : memref<1x128x128xf32, #tpu.memory_space<vmem>> -> memref<128x128xf32, #tpu.memory_space<vmem>>
      %dma_start3A_384 = arith.constant 0 : i32
      %dma_start3A_385 = tpu.memref_slice %arg10[%dma_start3A_379, %dma_start3A_384] : memref<8x128xi32, #tpu.memory_space<vmem>> -> memref<1x128xi32, #tpu.memory_space<vmem>>
      %dma_start3A_386 = tpu.memref_squeeze %dma_start3A_385 : memref<1x128xi32, #tpu.memory_space<vmem>> -> memref<128xi32, #tpu.memory_space<vmem>>
      %dma_start3A_387 = arith.constant 0 : i32
      %dma_start3A_388 = arith.constant 0 : i32
      %dma_start3A_389 = tpu.memref_slice %arg8[%dma_start3A_387, %dma_start3A_388] : memref<10240x128xf32, #tpu.memory_space<vmem_shared>> -> memref<10240x128xf32, #tpu.memory_space<vmem_shared>>
      tpu.enqueue_indirect_dma source(%dma_start3A_383 : memref<128x128xf32, #tpu.memory_space<vmem>>) target(%dma_start3A_389 : memref<10240x128xf32, #tpu.memory_space<vmem_shared>>) offsets(%dma_start3A_386 : memref<128xi32, #tpu.memory_space<vmem>>) semaphore(%arg13 : memref<!tpu.dma_semaphore, #tpu.memory_space<semaphore_mem>>) {add = true}
      %dma_wait3A_390 = arith.constant 1 : i32
      %dma_wait3A_391 = arith.constant 7 : i32
      %dma_wait3A_392 = arith.constant 0 : i32
      %dma_wait3A_393 = arith.constant 0 : i32
      %dma_wait3A_394 = tpu.memref_slice %arg11[%dma_wait3A_390, %dma_wait3A_392, %dma_wait3A_393] : memref<2x128x128xf32, #tpu.memory_space<vmem>> -> memref<1x128x128xf32, #tpu.memory_space<vmem>>
      %dma_wait3A_395 = tpu.memref_squeeze %dma_wait3A_394 : memref<1x128x128xf32, #tpu.memory_space<vmem>> -> memref<128x128xf32, #tpu.memory_space<vmem>>
      %dma_wait3A_396 = arith.constant 0 : i32
      %dma_wait3A_397 = tpu.memref_slice %arg10[%dma_wait3A_391, %dma_wait3A_396] : memref<8x128xi32, #tpu.memory_space<vmem>> -> memref<1x128xi32, #tpu.memory_space<vmem>>
      %dma_wait3A_398 = tpu.memref_squeeze %dma_wait3A_397 : memref<1x128xi32, #tpu.memory_space<vmem>> -> memref<128xi32, #tpu.memory_space<vmem>>
      %dma_wait3A_399 = arith.constant 0 : i32
      %dma_wait3A_400 = arith.constant 0 : i32
      %dma_wait3A_401 = tpu.memref_slice %arg8[%dma_wait3A_399, %dma_wait3A_400] : memref<10240x128xf32, #tpu.memory_space<vmem_shared>> -> memref<10240x128xf32, #tpu.memory_space<vmem_shared>>
      tpu.wait_indirect_dma semaphore(%arg13 : memref<!tpu.dma_semaphore, #tpu.memory_space<semaphore_mem>>) src(%dma_wait3A_395 : memref<128x128xf32, #tpu.memory_space<vmem>>) dst(%dma_wait3A_401 : memref<10240x128xf32, #tpu.memory_space<vmem_shared>>)
    }
    %barrier3A_14 = arith.constant 0 : index
    tpu.barrier barrier_id(%barrier3A_14)
    "tpu.region"() ({
      %run_scoped3A = tpu.sem_alloc : memref<!tpu.dma_semaphore, #tpu.memory_space<semaphore_mem>>
      %dma_start3A = arith.constant 0 : i32
      %dma_start3A_15 = tpu.memref_slice %arg7[%arg0, %mul3A_2, %dma_start3A] : memref<2x10240x128xf32, #tpu.memory_space<hbm>> -> memref<1x640x128xf32, #tpu.memory_space<hbm>>
      %dma_start3A_16 = tpu.memref_squeeze %dma_start3A_15 : memref<1x640x128xf32, #tpu.memory_space<hbm>> -> memref<640x128xf32, #tpu.memory_space<hbm>>
      %dma_start3A_17 = arith.constant 0 : i32
      %dma_start3A_18 = tpu.memref_slice %arg8[%mul3A_2, %dma_start3A_17] : memref<10240x128xf32, #tpu.memory_space<vmem_shared>> -> memref<640x128xf32, #tpu.memory_space<vmem_shared>>
      tpu.enqueue_dma source(%dma_start3A_18 : memref<640x128xf32, #tpu.memory_space<vmem_shared>>) target(%dma_start3A_16 : memref<640x128xf32, #tpu.memory_space<hbm>>) target_semaphore(%run_scoped3A : memref<!tpu.dma_semaphore, #tpu.memory_space<semaphore_mem>>)
      %dma_wait3A = arith.constant 0 : i32
      %dma_wait3A_19 = tpu.memref_slice %arg7[%arg0, %mul3A_2, %dma_wait3A] : memref<2x10240x128xf32, #tpu.memory_space<hbm>> -> memref<1x640x128xf32, #tpu.memory_space<hbm>>
      %dma_wait3A_20 = tpu.memref_squeeze %dma_wait3A_19 : memref<1x640x128xf32, #tpu.memory_space<hbm>> -> memref<640x128xf32, #tpu.memory_space<hbm>>
      %dma_wait3A_21 = arith.constant 0 : i32
      %dma_wait3A_22 = tpu.memref_slice %arg8[%mul3A_2, %dma_wait3A_21] : memref<10240x128xf32, #tpu.memory_space<vmem_shared>> -> memref<640x128xf32, #tpu.memory_space<vmem_shared>>
      tpu.wait_dma2 semaphore(%run_scoped3A : memref<!tpu.dma_semaphore, #tpu.memory_space<semaphore_mem>>) src(%dma_wait3A_22 : memref<640x128xf32, #tpu.memory_space<vmem_shared>>) dst(%dma_wait3A_20 : memref<640x128xf32, #tpu.memory_space<hbm>>)
      tpu.yield
    }) : () -> ()
    return
  }
}

#map = affine_map<(d0, d1) -> (0, 0)>
#map1 = affine_map<(d0, d1) -> (0, 0, 0)>
#map2 = affine_map<(d0, d1) -> (0)>
module attributes {stable_mosaic.version = 14 : i64} {
  func.func @body(%arg0: i32, %arg1: i32, %arg2: memref<10000x128xf32, #tpu.memory_space<hbm>>, %arg3: memref<32x120x128xi32, #tpu.memory_space<hbm>>, %arg4: memref<32x120x128xi32, #tpu.memory_space<hbm>>, %arg5: memref<640x128xf32, #tpu.memory_space<hbm>>, %arg6: memref<640xf32, #tpu.memory_space<hbm>>, %arg7: memref<2x10240x128xf32, #tpu.memory_space<hbm>>, %arg8: memref<20480xf32, #tpu.memory_space<hbm>>, %arg9: memref<10240x128xf32, #tpu.memory_space<vmem_shared>>, %arg10: memref<8x128xi32, #tpu.memory_space<vmem>>, %arg11: memref<8x128xi32, #tpu.memory_space<vmem>>, %arg12: memref<2x128x128xf32, #tpu.memory_space<vmem>>, %arg13: memref<!tpu.dma_semaphore, #tpu.memory_space<semaphore_mem>>, %arg14: memref<!tpu.dma_semaphore, #tpu.memory_space<semaphore_mem>>, %arg15: memref<!tpu.dma_semaphore, #tpu.memory_space<semaphore_mem>>, %arg16: memref<10240xf32, #tpu.memory_space<vmem_shared>>, %arg17: memref<128xf32, #tpu.memory_space<vmem>>) attributes {dimension_semantics = [#tpu.dimension_semantics<core_parallel>, #tpu.dimension_semantics<subcore_parallel>], iteration_bounds = array<i64: 2, 16>, scalar_prefetch = 0 : i64, scratch_operands = 9 : i64, tpu.core_type = #tpu.core_type<sc_vector_subcore>, window_params = [{transform_indices = #map}, {transform_indices = #map1}, {transform_indices = #map1}, {transform_indices = #map}, {transform_indices = #map2}, {transform_indices = #map1}, {transform_indices = #map2}]} {
    %mul3A = arith.constant 2 : i32
    %mul3A_0 = arith.muli %arg1, %mul3A : i32
    %add3A = arith.addi %mul3A_0, %arg0 : i32
    %mul3A_1 = arith.constant 640 : i32
    %mul3A_2 = arith.muli %arg1, %mul3A_1 : i32
    "tpu.region"() ({
      %run_scoped3A = tpu.sem_alloc : memref<!tpu.dma_semaphore, #tpu.memory_space<semaphore_mem>>
      %dma_start3A = arith.constant 0 : i32
      %dma_start3A_26 = tpu.memref_slice %arg9[%mul3A_2, %dma_start3A] : memref<10240x128xf32, #tpu.memory_space<vmem_shared>> -> memref<640x128xf32, #tpu.memory_space<vmem_shared>>
      tpu.enqueue_dma source(%arg5 : memref<640x128xf32, #tpu.memory_space<hbm>>) target(%dma_start3A_26 : memref<640x128xf32, #tpu.memory_space<vmem_shared>>) target_semaphore(%run_scoped3A : memref<!tpu.dma_semaphore, #tpu.memory_space<semaphore_mem>>)
      %dma_wait3A = arith.constant 0 : i32
      %dma_wait3A_27 = tpu.memref_slice %arg9[%mul3A_2, %dma_wait3A] : memref<10240x128xf32, #tpu.memory_space<vmem_shared>> -> memref<640x128xf32, #tpu.memory_space<vmem_shared>>
      tpu.wait_dma2 semaphore(%run_scoped3A : memref<!tpu.dma_semaphore, #tpu.memory_space<semaphore_mem>>) src(%arg5 : memref<640x128xf32, #tpu.memory_space<hbm>>) dst(%dma_wait3A_27 : memref<640x128xf32, #tpu.memory_space<vmem_shared>>)
      tpu.yield
    }) : () -> ()
    "tpu.region"() ({
      %run_scoped3A = tpu.sem_alloc : memref<!tpu.dma_semaphore, #tpu.memory_space<semaphore_mem>>
      %dma_start3A = tpu.memref_slice %arg16[%mul3A_2] : memref<10240xf32, #tpu.memory_space<vmem_shared>> -> memref<640xf32, #tpu.memory_space<vmem_shared>>
      tpu.enqueue_dma source(%arg6 : memref<640xf32, #tpu.memory_space<hbm>>) target(%dma_start3A : memref<640xf32, #tpu.memory_space<vmem_shared>>) target_semaphore(%run_scoped3A : memref<!tpu.dma_semaphore, #tpu.memory_space<semaphore_mem>>)
      %dma_wait3A = tpu.memref_slice %arg16[%mul3A_2] : memref<10240xf32, #tpu.memory_space<vmem_shared>> -> memref<640xf32, #tpu.memory_space<vmem_shared>>
      tpu.wait_dma2 semaphore(%run_scoped3A : memref<!tpu.dma_semaphore, #tpu.memory_space<semaphore_mem>>) src(%arg6 : memref<640xf32, #tpu.memory_space<hbm>>) dst(%dma_wait3A : memref<640xf32, #tpu.memory_space<vmem_shared>>)
      tpu.yield
    }) : () -> ()
    %broadcast_in_dim3A = arith.constant 1.000000e+00 : f32
    %broadcast_in_dim3A_3 = vector.broadcast %broadcast_in_dim3A : f32 to vector<16xf32>
    %scan3A = arith.constant 0 : i32
    %scan3A_4 = arith.constant 0 : i32
    %scan3A_5 = arith.constant 8 : i32
    %scan3A_6 = arith.addi %scan3A_4, %scan3A_5 : i32
    %scan3A_7 = arith.constant 1 : i32
    scf.for %scan3A_26 = %scan3A_4 to %scan3A_6 step %scan3A_7  : i32 {
      %mul3A_27 = arith.constant 16 : i32
      %mul3A_28 = arith.muli %scan3A_26, %mul3A_27 : i32
      %swap3A = arith.index_cast %mul3A_28 : i32 to index
      %swap3A_29 = tpu.vector_load %arg17[%swap3A] {strides = array<i32>} : memref<128xf32, #tpu.memory_space<vmem>>, vector<16xf32>,
      %swap3A_30 = vector.shape_cast %swap3A_29 : vector<16xf32> to vector<16xf32>
      %swap3A_31 = vector.shape_cast %broadcast_in_dim3A_3 : vector<16xf32> to vector<16xf32>
      tpu.vector_store %arg17[%swap3A], %swap3A_31 {strides = array<i32>} : memref<128xf32, #tpu.memory_space<vmem>>, vector<16xf32>,
    }
    %scan3A_8 = arith.constant 8 : i32
    %barrier3A = arith.constant 0 : index
    tpu.barrier barrier_id(%barrier3A)
    %eq3A = arith.constant 0 : i32
    %eq3A_9 = arith.cmpi eq, %arg0, %eq3A : i32
    %jit3A = arith.constant 15 : i32
    %jit3A_10 = arith.constant 5 : i32
    %select_n3A = arith.select %eq3A_9, %jit3A, %jit3A_10 : i32
    %while3A = arith.constant 0 : i32
    %while3A_11 = arith.constant 0 : i32
    %while3A_12 = arith.subi %select_n3A, %while3A_11 : i32
    %while3A_13 = arith.addi %while3A_11, %while3A_12 : i32
    %while3A_14 = arith.constant 1 : i32
    %while3A_15 = arith.divsi %while3A_12, %while3A_14 : i32
    %while3A_16 = arith.muli %while3A_15, %while3A_14 : i32
    %while3A_17 = arith.addi %while3A_11, %while3A_16 : i32
    %while3A_18 = arith.constant 1 : i32
    scf.for %while3A_26 = %while3A_11 to %while3A_17 step %while3A_18  : i32 {
      %mul3A_27 = arith.constant 8 : i32
      %mul3A_28 = arith.muli %while3A_26, %mul3A_27 : i32
      "tpu.region"() ({
        %run_scoped3A = tpu.sem_alloc : memref<!tpu.dma_semaphore, #tpu.memory_space<semaphore_mem>>
        %dma_start3A_509 = arith.constant 0 : i32
        %dma_start3A_510 = tpu.memref_slice %arg3[%add3A, %mul3A_28, %dma_start3A_509] : memref<32x120x128xi32, #tpu.memory_space<hbm>> -> memref<1x8x128xi32, #tpu.memory_space<hbm>>
        %dma_start3A_511 = tpu.memref_squeeze %dma_start3A_510 : memref<1x8x128xi32, #tpu.memory_space<hbm>> -> memref<8x128xi32, #tpu.memory_space<hbm>>
        %dma_start3A_512 = arith.constant 0 : i32
        %dma_start3A_513 = tpu.memref_slice %arg3[%add3A, %mul3A_28, %dma_start3A_512] : memref<32x120x128xi32, #tpu.memory_space<hbm>> -> memref<1x8x128xi32, #tpu.memory_space<hbm>>
        %dma_start3A_514 = tpu.memref_squeeze %dma_start3A_513 : memref<1x8x128xi32, #tpu.memory_space<hbm>> -> memref<8x128xi32, #tpu.memory_space<hbm>>
        tpu.enqueue_dma source(%dma_start3A_514 : memref<8x128xi32, #tpu.memory_space<hbm>>) target(%arg10 : memref<8x128xi32, #tpu.memory_space<vmem>>) target_semaphore(%run_scoped3A : memref<!tpu.dma_semaphore, #tpu.memory_space<semaphore_mem>>)
        %dma_wait3A_515 = arith.constant 0 : i32
        %dma_wait3A_516 = tpu.memref_slice %arg3[%add3A, %mul3A_28, %dma_wait3A_515] : memref<32x120x128xi32, #tpu.memory_space<hbm>> -> memref<1x8x128xi32, #tpu.memory_space<hbm>>
        %dma_wait3A_517 = tpu.memref_squeeze %dma_wait3A_516 : memref<1x8x128xi32, #tpu.memory_space<hbm>> -> memref<8x128xi32, #tpu.memory_space<hbm>>
        %dma_wait3A_518 = arith.constant 0 : i32
        %dma_wait3A_519 = tpu.memref_slice %arg3[%add3A, %mul3A_28, %dma_wait3A_518] : memref<32x120x128xi32, #tpu.memory_space<hbm>> -> memref<1x8x128xi32, #tpu.memory_space<hbm>>
        %dma_wait3A_520 = tpu.memref_squeeze %dma_wait3A_519 : memref<1x8x128xi32, #tpu.memory_space<hbm>> -> memref<8x128xi32, #tpu.memory_space<hbm>>
        tpu.wait_dma2 semaphore(%run_scoped3A : memref<!tpu.dma_semaphore, #tpu.memory_space<semaphore_mem>>) src(%dma_wait3A_520 : memref<8x128xi32, #tpu.memory_space<hbm>>) dst(%arg10 : memref<8x128xi32, #tpu.memory_space<vmem>>)
        tpu.yield
      }) : () -> ()
      %mul3A_29 = arith.constant 8 : i32
      %mul3A_30 = arith.muli %while3A_26, %mul3A_29 : i32
      "tpu.region"() ({
        %run_scoped3A = tpu.sem_alloc : memref<!tpu.dma_semaphore, #tpu.memory_space<semaphore_mem>>
        %dma_start3A_509 = arith.constant 0 : i32
        %dma_start3A_510 = tpu.memref_slice %arg4[%add3A, %mul3A_30, %dma_start3A_509] : memref<32x120x128xi32, #tpu.memory_space<hbm>> -> memref<1x8x128xi32, #tpu.memory_space<hbm>>
        %dma_start3A_511 = tpu.memref_squeeze %dma_start3A_510 : memref<1x8x128xi32, #tpu.memory_space<hbm>> -> memref<8x128xi32, #tpu.memory_space<hbm>>
        %dma_start3A_512 = arith.constant 0 : i32
        %dma_start3A_513 = tpu.memref_slice %arg4[%add3A, %mul3A_30, %dma_start3A_512] : memref<32x120x128xi32, #tpu.memory_space<hbm>> -> memref<1x8x128xi32, #tpu.memory_space<hbm>>
        %dma_start3A_514 = tpu.memref_squeeze %dma_start3A_513 : memref<1x8x128xi32, #tpu.memory_space<hbm>> -> memref<8x128xi32, #tpu.memory_space<hbm>>
        tpu.enqueue_dma source(%dma_start3A_514 : memref<8x128xi32, #tpu.memory_space<hbm>>) target(%arg11 : memref<8x128xi32, #tpu.memory_space<vmem>>) target_semaphore(%run_scoped3A : memref<!tpu.dma_semaphore, #tpu.memory_space<semaphore_mem>>)
        %dma_wait3A_515 = arith.constant 0 : i32
        %dma_wait3A_516 = tpu.memref_slice %arg4[%add3A, %mul3A_30, %dma_wait3A_515] : memref<32x120x128xi32, #tpu.memory_space<hbm>> -> memref<1x8x128xi32, #tpu.memory_space<hbm>>
        %dma_wait3A_517 = tpu.memref_squeeze %dma_wait3A_516 : memref<1x8x128xi32, #tpu.memory_space<hbm>> -> memref<8x128xi32, #tpu.memory_space<hbm>>
        %dma_wait3A_518 = arith.constant 0 : i32
        %dma_wait3A_519 = tpu.memref_slice %arg4[%add3A, %mul3A_30, %dma_wait3A_518] : memref<32x120x128xi32, #tpu.memory_space<hbm>> -> memref<1x8x128xi32, #tpu.memory_space<hbm>>
        %dma_wait3A_520 = tpu.memref_squeeze %dma_wait3A_519 : memref<1x8x128xi32, #tpu.memory_space<hbm>> -> memref<8x128xi32, #tpu.memory_space<hbm>>
        tpu.wait_dma2 semaphore(%run_scoped3A : memref<!tpu.dma_semaphore, #tpu.memory_space<semaphore_mem>>) src(%dma_wait3A_520 : memref<8x128xi32, #tpu.memory_space<hbm>>) dst(%arg11 : memref<8x128xi32, #tpu.memory_space<vmem>>)
        tpu.yield
      }) : () -> ()
      %dma_start3A = arith.constant 0 : i32
      %dma_start3A_31 = arith.constant 0 : i32
      %dma_start3A_32 = arith.constant 0 : i32
      %dma_start3A_33 = arith.constant 0 : i32
      %dma_start3A_34 = tpu.memref_slice %arg12[%dma_start3A_31, %dma_start3A_32, %dma_start3A_33] : memref<2x128x128xf32, #tpu.memory_space<vmem>> -> memref<1x128x128xf32, #tpu.memory_space<vmem>>
      %dma_start3A_35 = tpu.memref_squeeze %dma_start3A_34 : memref<1x128x128xf32, #tpu.memory_space<vmem>> -> memref<128x128xf32, #tpu.memory_space<vmem>>
      %dma_start3A_36 = arith.constant 0 : i32
      %dma_start3A_37 = tpu.memref_slice %arg10[%dma_start3A, %dma_start3A_36] : memref<8x128xi32, #tpu.memory_space<vmem>> -> memref<1x128xi32, #tpu.memory_space<vmem>>
      %dma_start3A_38 = tpu.memref_squeeze %dma_start3A_37 : memref<1x128xi32, #tpu.memory_space<vmem>> -> memref<128xi32, #tpu.memory_space<vmem>>
      %dma_start3A_39 = arith.constant 0 : i32
      %dma_start3A_40 = arith.constant 0 : i32
      %dma_start3A_41 = tpu.memref_slice %arg2[%dma_start3A_39, %dma_start3A_40] : memref<10000x128xf32, #tpu.memory_space<hbm>> -> memref<10000x128xf32, #tpu.memory_space<hbm>>
      tpu.enqueue_indirect_dma source(%dma_start3A_41 : memref<10000x128xf32, #tpu.memory_space<hbm>>) target(%dma_start3A_35 : memref<128x128xf32, #tpu.memory_space<vmem>>) offsets(%dma_start3A_38 : memref<128xi32, #tpu.memory_space<vmem>>) semaphore(%arg13 : memref<!tpu.dma_semaphore, #tpu.memory_space<semaphore_mem>>)
      %dma_wait3A = arith.constant 0 : i32
      %dma_wait3A_42 = arith.constant 0 : i32
      %dma_wait3A_43 = arith.constant 0 : i32
      %dma_wait3A_44 = arith.constant 0 : i32
      %dma_wait3A_45 = tpu.memref_slice %arg12[%dma_wait3A_42, %dma_wait3A_43, %dma_wait3A_44] : memref<2x128x128xf32, #tpu.memory_space<vmem>> -> memref<1x128x128xf32, #tpu.memory_space<vmem>>
      %dma_wait3A_46 = tpu.memref_squeeze %dma_wait3A_45 : memref<1x128x128xf32, #tpu.memory_space<vmem>> -> memref<128x128xf32, #tpu.memory_space<vmem>>
      %dma_wait3A_47 = arith.constant 0 : i32
      %dma_wait3A_48 = tpu.memref_slice %arg10[%dma_wait3A, %dma_wait3A_47] : memref<8x128xi32, #tpu.memory_space<vmem>> -> memref<1x128xi32, #tpu.memory_space<vmem>>
      %dma_wait3A_49 = tpu.memref_squeeze %dma_wait3A_48 : memref<1x128xi32, #tpu.memory_space<vmem>> -> memref<128xi32, #tpu.memory_space<vmem>>
      %dma_wait3A_50 = arith.constant 0 : i32
      %dma_wait3A_51 = arith.constant 0 : i32
      %dma_wait3A_52 = tpu.memref_slice %arg2[%dma_wait3A_50, %dma_wait3A_51] : memref<10000x128xf32, #tpu.memory_space<hbm>> -> memref<10000x128xf32, #tpu.memory_space<hbm>>
      tpu.wait_indirect_dma semaphore(%arg13 : memref<!tpu.dma_semaphore, #tpu.memory_space<semaphore_mem>>) src(%dma_wait3A_52 : memref<10000x128xf32, #tpu.memory_space<hbm>>) dst(%dma_wait3A_46 : memref<128x128xf32, #tpu.memory_space<vmem>>)
      %dma_start3A_53 = arith.constant 1 : i32
      %dma_start3A_54 = arith.constant 1 : i32
      %dma_start3A_55 = arith.constant 0 : i32
      %dma_start3A_56 = arith.constant 0 : i32
      %dma_start3A_57 = tpu.memref_slice %arg12[%dma_start3A_54, %dma_start3A_55, %dma_start3A_56] : memref<2x128x128xf32, #tpu.memory_space<vmem>> -> memref<1x128x128xf32, #tpu.memory_space<vmem>>
      %dma_start3A_58 = tpu.memref_squeeze %dma_start3A_57 : memref<1x128x128xf32, #tpu.memory_space<vmem>> -> memref<128x128xf32, #tpu.memory_space<vmem>>
      %dma_start3A_59 = arith.constant 0 : i32
      %dma_start3A_60 = tpu.memref_slice %arg10[%dma_start3A_53, %dma_start3A_59] : memref<8x128xi32, #tpu.memory_space<vmem>> -> memref<1x128xi32, #tpu.memory_space<vmem>>
      %dma_start3A_61 = tpu.memref_squeeze %dma_start3A_60 : memref<1x128xi32, #tpu.memory_space<vmem>> -> memref<128xi32, #tpu.memory_space<vmem>>
      %dma_start3A_62 = arith.constant 0 : i32
      %dma_start3A_63 = arith.constant 0 : i32
      %dma_start3A_64 = tpu.memref_slice %arg2[%dma_start3A_62, %dma_start3A_63] : memref<10000x128xf32, #tpu.memory_space<hbm>> -> memref<10000x128xf32, #tpu.memory_space<hbm>>
      tpu.enqueue_indirect_dma source(%dma_start3A_64 : memref<10000x128xf32, #tpu.memory_space<hbm>>) target(%dma_start3A_58 : memref<128x128xf32, #tpu.memory_space<vmem>>) offsets(%dma_start3A_61 : memref<128xi32, #tpu.memory_space<vmem>>) semaphore(%arg13 : memref<!tpu.dma_semaphore, #tpu.memory_space<semaphore_mem>>)
      %dma_start3A_65 = arith.constant 0 : i32
      %dma_start3A_66 = arith.constant 0 : i32
      %dma_start3A_67 = arith.constant 0 : i32
      %dma_start3A_68 = arith.constant 0 : i32
      %dma_start3A_69 = tpu.memref_slice %arg12[%dma_start3A_65, %dma_start3A_67, %dma_start3A_68] : memref<2x128x128xf32, #tpu.memory_space<vmem>> -> memref<1x128x128xf32, #tpu.memory_space<vmem>>
      %dma_start3A_70 = tpu.memref_squeeze %dma_start3A_69 : memref<1x128x128xf32, #tpu.memory_space<vmem>> -> memref<128x128xf32, #tpu.memory_space<vmem>>
      %dma_start3A_71 = arith.constant 0 : i32
      %dma_start3A_72 = tpu.memref_slice %arg11[%dma_start3A_66, %dma_start3A_71] : memref<8x128xi32, #tpu.memory_space<vmem>> -> memref<1x128xi32, #tpu.memory_space<vmem>>
      %dma_start3A_73 = tpu.memref_squeeze %dma_start3A_72 : memref<1x128xi32, #tpu.memory_space<vmem>> -> memref<128xi32, #tpu.memory_space<vmem>>
      %dma_start3A_74 = arith.constant 0 : i32
      %dma_start3A_75 = arith.constant 0 : i32
      %dma_start3A_76 = tpu.memref_slice %arg9[%dma_start3A_74, %dma_start3A_75] : memref<10240x128xf32, #tpu.memory_space<vmem_shared>> -> memref<10240x128xf32, #tpu.memory_space<vmem_shared>>
      tpu.enqueue_indirect_dma source(%dma_start3A_70 : memref<128x128xf32, #tpu.memory_space<vmem>>) target(%dma_start3A_76 : memref<10240x128xf32, #tpu.memory_space<vmem_shared>>) offsets(%dma_start3A_73 : memref<128xi32, #tpu.memory_space<vmem>>) semaphore(%arg14 : memref<!tpu.dma_semaphore, #tpu.memory_space<semaphore_mem>>) {add = true}
      %dma_start3A_77 = arith.constant 0 : i32
      %dma_start3A_78 = arith.constant 0 : i32
      %dma_start3A_79 = tpu.memref_slice %arg11[%dma_start3A_77, %dma_start3A_78] : memref<8x128xi32, #tpu.memory_space<vmem>> -> memref<1x128xi32, #tpu.memory_space<vmem>>
      %dma_start3A_80 = tpu.memref_squeeze %dma_start3A_79 : memref<1x128xi32, #tpu.memory_space<vmem>> -> memref<128xi32, #tpu.memory_space<vmem>>
      %dma_start3A_81 = arith.constant 0 : i32
      %dma_start3A_82 = tpu.memref_slice %arg16[%dma_start3A_81] : memref<10240xf32, #tpu.memory_space<vmem_shared>> -> memref<10240xf32, #tpu.memory_space<vmem_shared>>
      tpu.enqueue_indirect_dma source(%arg17 : memref<128xf32, #tpu.memory_space<vmem>>) target(%dma_start3A_82 : memref<10240xf32, #tpu.memory_space<vmem_shared>>) offsets(%dma_start3A_80 : memref<128xi32, #tpu.memory_space<vmem>>) semaphore(%arg15 : memref<!tpu.dma_semaphore, #tpu.memory_space<semaphore_mem>>) {add = true}
      %dma_wait3A_83 = arith.constant 1 : i32
      %dma_wait3A_84 = arith.constant 1 : i32
      %dma_wait3A_85 = arith.constant 0 : i32
      %dma_wait3A_86 = arith.constant 0 : i32
      %dma_wait3A_87 = tpu.memref_slice %arg12[%dma_wait3A_84, %dma_wait3A_85, %dma_wait3A_86] : memref<2x128x128xf32, #tpu.memory_space<vmem>> -> memref<1x128x128xf32, #tpu.memory_space<vmem>>
      %dma_wait3A_88 = tpu.memref_squeeze %dma_wait3A_87 : memref<1x128x128xf32, #tpu.memory_space<vmem>> -> memref<128x128xf32, #tpu.memory_space<vmem>>
      %dma_wait3A_89 = arith.constant 0 : i32
      %dma_wait3A_90 = tpu.memref_slice %arg10[%dma_wait3A_83, %dma_wait3A_89] : memref<8x128xi32, #tpu.memory_space<vmem>> -> memref<1x128xi32, #tpu.memory_space<vmem>>
      %dma_wait3A_91 = tpu.memref_squeeze %dma_wait3A_90 : memref<1x128xi32, #tpu.memory_space<vmem>> -> memref<128xi32, #tpu.memory_space<vmem>>
      %dma_wait3A_92 = arith.constant 0 : i32
      %dma_wait3A_93 = arith.constant 0 : i32
      %dma_wait3A_94 = tpu.memref_slice %arg2[%dma_wait3A_92, %dma_wait3A_93] : memref<10000x128xf32, #tpu.memory_space<hbm>> -> memref<10000x128xf32, #tpu.memory_space<hbm>>
      tpu.wait_indirect_dma semaphore(%arg13 : memref<!tpu.dma_semaphore, #tpu.memory_space<semaphore_mem>>) src(%dma_wait3A_94 : memref<10000x128xf32, #tpu.memory_space<hbm>>) dst(%dma_wait3A_88 : memref<128x128xf32, #tpu.memory_space<vmem>>)
      %dma_wait3A_95 = arith.constant 0 : i32
      %dma_wait3A_96 = arith.constant 0 : i32
      %dma_wait3A_97 = arith.constant 0 : i32
      %dma_wait3A_98 = arith.constant 0 : i32
      %dma_wait3A_99 = tpu.memref_slice %arg12[%dma_wait3A_95, %dma_wait3A_97, %dma_wait3A_98] : memref<2x128x128xf32, #tpu.memory_space<vmem>> -> memref<1x128x128xf32, #tpu.memory_space<vmem>>
      %dma_wait3A_100 = tpu.memref_squeeze %dma_wait3A_99 : memref<1x128x128xf32, #tpu.memory_space<vmem>> -> memref<128x128xf32, #tpu.memory_space<vmem>>
      %dma_wait3A_101 = arith.constant 0 : i32
      %dma_wait3A_102 = tpu.memref_slice %arg11[%dma_wait3A_96, %dma_wait3A_101] : memref<8x128xi32, #tpu.memory_space<vmem>> -> memref<1x128xi32, #tpu.memory_space<vmem>>
      %dma_wait3A_103 = tpu.memref_squeeze %dma_wait3A_102 : memref<1x128xi32, #tpu.memory_space<vmem>> -> memref<128xi32, #tpu.memory_space<vmem>>
      %dma_wait3A_104 = arith.constant 0 : i32
      %dma_wait3A_105 = arith.constant 0 : i32
      %dma_wait3A_106 = tpu.memref_slice %arg9[%dma_wait3A_104, %dma_wait3A_105] : memref<10240x128xf32, #tpu.memory_space<vmem_shared>> -> memref<10240x128xf32, #tpu.memory_space<vmem_shared>>
      tpu.wait_indirect_dma semaphore(%arg14 : memref<!tpu.dma_semaphore, #tpu.memory_space<semaphore_mem>>) src(%dma_wait3A_100 : memref<128x128xf32, #tpu.memory_space<vmem>>) dst(%dma_wait3A_106 : memref<10240x128xf32, #tpu.memory_space<vmem_shared>>)
      %dma_start3A_107 = arith.constant 2 : i32
      %dma_start3A_108 = arith.constant 0 : i32
      %dma_start3A_109 = arith.constant 0 : i32
      %dma_start3A_110 = arith.constant 0 : i32
      %dma_start3A_111 = tpu.memref_slice %arg12[%dma_start3A_108, %dma_start3A_109, %dma_start3A_110] : memref<2x128x128xf32, #tpu.memory_space<vmem>> -> memref<1x128x128xf32, #tpu.memory_space<vmem>>
      %dma_start3A_112 = tpu.memref_squeeze %dma_start3A_111 : memref<1x128x128xf32, #tpu.memory_space<vmem>> -> memref<128x128xf32, #tpu.memory_space<vmem>>
      %dma_start3A_113 = arith.constant 0 : i32
      %dma_start3A_114 = tpu.memref_slice %arg10[%dma_start3A_107, %dma_start3A_113] : memref<8x128xi32, #tpu.memory_space<vmem>> -> memref<1x128xi32, #tpu.memory_space<vmem>>
      %dma_start3A_115 = tpu.memref_squeeze %dma_start3A_114 : memref<1x128xi32, #tpu.memory_space<vmem>> -> memref<128xi32, #tpu.memory_space<vmem>>
      %dma_start3A_116 = arith.constant 0 : i32
      %dma_start3A_117 = arith.constant 0 : i32
      %dma_start3A_118 = tpu.memref_slice %arg2[%dma_start3A_116, %dma_start3A_117] : memref<10000x128xf32, #tpu.memory_space<hbm>> -> memref<10000x128xf32, #tpu.memory_space<hbm>>
      tpu.enqueue_indirect_dma source(%dma_start3A_118 : memref<10000x128xf32, #tpu.memory_space<hbm>>) target(%dma_start3A_112 : memref<128x128xf32, #tpu.memory_space<vmem>>) offsets(%dma_start3A_115 : memref<128xi32, #tpu.memory_space<vmem>>) semaphore(%arg13 : memref<!tpu.dma_semaphore, #tpu.memory_space<semaphore_mem>>)
      %dma_start3A_119 = arith.constant 1 : i32
      %dma_start3A_120 = arith.constant 1 : i32
      %dma_start3A_121 = arith.constant 0 : i32
      %dma_start3A_122 = arith.constant 0 : i32
      %dma_start3A_123 = tpu.memref_slice %arg12[%dma_start3A_119, %dma_start3A_121, %dma_start3A_122] : memref<2x128x128xf32, #tpu.memory_space<vmem>> -> memref<1x128x128xf32, #tpu.memory_space<vmem>>
      %dma_start3A_124 = tpu.memref_squeeze %dma_start3A_123 : memref<1x128x128xf32, #tpu.memory_space<vmem>> -> memref<128x128xf32, #tpu.memory_space<vmem>>
      %dma_start3A_125 = arith.constant 0 : i32
      %dma_start3A_126 = tpu.memref_slice %arg11[%dma_start3A_120, %dma_start3A_125] : memref<8x128xi32, #tpu.memory_space<vmem>> -> memref<1x128xi32, #tpu.memory_space<vmem>>
      %dma_start3A_127 = tpu.memref_squeeze %dma_start3A_126 : memref<1x128xi32, #tpu.memory_space<vmem>> -> memref<128xi32, #tpu.memory_space<vmem>>
      %dma_start3A_128 = arith.constant 0 : i32
      %dma_start3A_129 = arith.constant 0 : i32
      %dma_start3A_130 = tpu.memref_slice %arg9[%dma_start3A_128, %dma_start3A_129] : memref<10240x128xf32, #tpu.memory_space<vmem_shared>> -> memref<10240x128xf32, #tpu.memory_space<vmem_shared>>
      tpu.enqueue_indirect_dma source(%dma_start3A_124 : memref<128x128xf32, #tpu.memory_space<vmem>>) target(%dma_start3A_130 : memref<10240x128xf32, #tpu.memory_space<vmem_shared>>) offsets(%dma_start3A_127 : memref<128xi32, #tpu.memory_space<vmem>>) semaphore(%arg14 : memref<!tpu.dma_semaphore, #tpu.memory_space<semaphore_mem>>) {add = true}
      %dma_start3A_131 = arith.constant 1 : i32
      %dma_start3A_132 = arith.constant 0 : i32
      %dma_start3A_133 = tpu.memref_slice %arg11[%dma_start3A_131, %dma_start3A_132] : memref<8x128xi32, #tpu.memory_space<vmem>> -> memref<1x128xi32, #tpu.memory_space<vmem>>
      %dma_start3A_134 = tpu.memref_squeeze %dma_start3A_133 : memref<1x128xi32, #tpu.memory_space<vmem>> -> memref<128xi32, #tpu.memory_space<vmem>>
      %dma_start3A_135 = arith.constant 0 : i32
      %dma_start3A_136 = tpu.memref_slice %arg16[%dma_start3A_135] : memref<10240xf32, #tpu.memory_space<vmem_shared>> -> memref<10240xf32, #tpu.memory_space<vmem_shared>>
      tpu.enqueue_indirect_dma source(%arg17 : memref<128xf32, #tpu.memory_space<vmem>>) target(%dma_start3A_136 : memref<10240xf32, #tpu.memory_space<vmem_shared>>) offsets(%dma_start3A_134 : memref<128xi32, #tpu.memory_space<vmem>>) semaphore(%arg15 : memref<!tpu.dma_semaphore, #tpu.memory_space<semaphore_mem>>) {add = true}
      %dma_wait3A_137 = arith.constant 2 : i32
      %dma_wait3A_138 = arith.constant 0 : i32
      %dma_wait3A_139 = arith.constant 0 : i32
      %dma_wait3A_140 = arith.constant 0 : i32
      %dma_wait3A_141 = tpu.memref_slice %arg12[%dma_wait3A_138, %dma_wait3A_139, %dma_wait3A_140] : memref<2x128x128xf32, #tpu.memory_space<vmem>> -> memref<1x128x128xf32, #tpu.memory_space<vmem>>
      %dma_wait3A_142 = tpu.memref_squeeze %dma_wait3A_141 : memref<1x128x128xf32, #tpu.memory_space<vmem>> -> memref<128x128xf32, #tpu.memory_space<vmem>>
      %dma_wait3A_143 = arith.constant 0 : i32
      %dma_wait3A_144 = tpu.memref_slice %arg10[%dma_wait3A_137, %dma_wait3A_143] : memref<8x128xi32, #tpu.memory_space<vmem>> -> memref<1x128xi32, #tpu.memory_space<vmem>>
      %dma_wait3A_145 = tpu.memref_squeeze %dma_wait3A_144 : memref<1x128xi32, #tpu.memory_space<vmem>> -> memref<128xi32, #tpu.memory_space<vmem>>
      %dma_wait3A_146 = arith.constant 0 : i32
      %dma_wait3A_147 = arith.constant 0 : i32
      %dma_wait3A_148 = tpu.memref_slice %arg2[%dma_wait3A_146, %dma_wait3A_147] : memref<10000x128xf32, #tpu.memory_space<hbm>> -> memref<10000x128xf32, #tpu.memory_space<hbm>>
      tpu.wait_indirect_dma semaphore(%arg13 : memref<!tpu.dma_semaphore, #tpu.memory_space<semaphore_mem>>) src(%dma_wait3A_148 : memref<10000x128xf32, #tpu.memory_space<hbm>>) dst(%dma_wait3A_142 : memref<128x128xf32, #tpu.memory_space<vmem>>)
      %dma_wait3A_149 = arith.constant 1 : i32
      %dma_wait3A_150 = arith.constant 1 : i32
      %dma_wait3A_151 = arith.constant 0 : i32
      %dma_wait3A_152 = arith.constant 0 : i32
      %dma_wait3A_153 = tpu.memref_slice %arg12[%dma_wait3A_149, %dma_wait3A_151, %dma_wait3A_152] : memref<2x128x128xf32, #tpu.memory_space<vmem>> -> memref<1x128x128xf32, #tpu.memory_space<vmem>>
      %dma_wait3A_154 = tpu.memref_squeeze %dma_wait3A_153 : memref<1x128x128xf32, #tpu.memory_space<vmem>> -> memref<128x128xf32, #tpu.memory_space<vmem>>
      %dma_wait3A_155 = arith.constant 0 : i32
      %dma_wait3A_156 = tpu.memref_slice %arg11[%dma_wait3A_150, %dma_wait3A_155] : memref<8x128xi32, #tpu.memory_space<vmem>> -> memref<1x128xi32, #tpu.memory_space<vmem>>
      %dma_wait3A_157 = tpu.memref_squeeze %dma_wait3A_156 : memref<1x128xi32, #tpu.memory_space<vmem>> -> memref<128xi32, #tpu.memory_space<vmem>>
      %dma_wait3A_158 = arith.constant 0 : i32
      %dma_wait3A_159 = arith.constant 0 : i32
      %dma_wait3A_160 = tpu.memref_slice %arg9[%dma_wait3A_158, %dma_wait3A_159] : memref<10240x128xf32, #tpu.memory_space<vmem_shared>> -> memref<10240x128xf32, #tpu.memory_space<vmem_shared>>
      tpu.wait_indirect_dma semaphore(%arg14 : memref<!tpu.dma_semaphore, #tpu.memory_space<semaphore_mem>>) src(%dma_wait3A_154 : memref<128x128xf32, #tpu.memory_space<vmem>>) dst(%dma_wait3A_160 : memref<10240x128xf32, #tpu.memory_space<vmem_shared>>)
      %dma_start3A_161 = arith.constant 3 : i32
      %dma_start3A_162 = arith.constant 1 : i32
      %dma_start3A_163 = arith.constant 0 : i32
      %dma_start3A_164 = arith.constant 0 : i32
      %dma_start3A_165 = tpu.memref_slice %arg12[%dma_start3A_162, %dma_start3A_163, %dma_start3A_164] : memref<2x128x128xf32, #tpu.memory_space<vmem>> -> memref<1x128x128xf32, #tpu.memory_space<vmem>>
      %dma_start3A_166 = tpu.memref_squeeze %dma_start3A_165 : memref<1x128x128xf32, #tpu.memory_space<vmem>> -> memref<128x128xf32, #tpu.memory_space<vmem>>
      %dma_start3A_167 = arith.constant 0 : i32
      %dma_start3A_168 = tpu.memref_slice %arg10[%dma_start3A_161, %dma_start3A_167] : memref<8x128xi32, #tpu.memory_space<vmem>> -> memref<1x128xi32, #tpu.memory_space<vmem>>
      %dma_start3A_169 = tpu.memref_squeeze %dma_start3A_168 : memref<1x128xi32, #tpu.memory_space<vmem>> -> memref<128xi32, #tpu.memory_space<vmem>>
      %dma_start3A_170 = arith.constant 0 : i32
      %dma_start3A_171 = arith.constant 0 : i32
      %dma_start3A_172 = tpu.memref_slice %arg2[%dma_start3A_170, %dma_start3A_171] : memref<10000x128xf32, #tpu.memory_space<hbm>> -> memref<10000x128xf32, #tpu.memory_space<hbm>>
      tpu.enqueue_indirect_dma source(%dma_start3A_172 : memref<10000x128xf32, #tpu.memory_space<hbm>>) target(%dma_start3A_166 : memref<128x128xf32, #tpu.memory_space<vmem>>) offsets(%dma_start3A_169 : memref<128xi32, #tpu.memory_space<vmem>>) semaphore(%arg13 : memref<!tpu.dma_semaphore, #tpu.memory_space<semaphore_mem>>)
      %dma_start3A_173 = arith.constant 0 : i32
      %dma_start3A_174 = arith.constant 2 : i32
      %dma_start3A_175 = arith.constant 0 : i32
      %dma_start3A_176 = arith.constant 0 : i32
      %dma_start3A_177 = tpu.memref_slice %arg12[%dma_start3A_173, %dma_start3A_175, %dma_start3A_176] : memref<2x128x128xf32, #tpu.memory_space<vmem>> -> memref<1x128x128xf32, #tpu.memory_space<vmem>>
      %dma_start3A_178 = tpu.memref_squeeze %dma_start3A_177 : memref<1x128x128xf32, #tpu.memory_space<vmem>> -> memref<128x128xf32, #tpu.memory_space<vmem>>
      %dma_start3A_179 = arith.constant 0 : i32
      %dma_start3A_180 = tpu.memref_slice %arg11[%dma_start3A_174, %dma_start3A_179] : memref<8x128xi32, #tpu.memory_space<vmem>> -> memref<1x128xi32, #tpu.memory_space<vmem>>
      %dma_start3A_181 = tpu.memref_squeeze %dma_start3A_180 : memref<1x128xi32, #tpu.memory_space<vmem>> -> memref<128xi32, #tpu.memory_space<vmem>>
      %dma_start3A_182 = arith.constant 0 : i32
      %dma_start3A_183 = arith.constant 0 : i32
      %dma_start3A_184 = tpu.memref_slice %arg9[%dma_start3A_182, %dma_start3A_183] : memref<10240x128xf32, #tpu.memory_space<vmem_shared>> -> memref<10240x128xf32, #tpu.memory_space<vmem_shared>>
      tpu.enqueue_indirect_dma source(%dma_start3A_178 : memref<128x128xf32, #tpu.memory_space<vmem>>) target(%dma_start3A_184 : memref<10240x128xf32, #tpu.memory_space<vmem_shared>>) offsets(%dma_start3A_181 : memref<128xi32, #tpu.memory_space<vmem>>) semaphore(%arg14 : memref<!tpu.dma_semaphore, #tpu.memory_space<semaphore_mem>>) {add = true}
      %dma_start3A_185 = arith.constant 2 : i32
      %dma_start3A_186 = arith.constant 0 : i32
      %dma_start3A_187 = tpu.memref_slice %arg11[%dma_start3A_185, %dma_start3A_186] : memref<8x128xi32, #tpu.memory_space<vmem>> -> memref<1x128xi32, #tpu.memory_space<vmem>>
      %dma_start3A_188 = tpu.memref_squeeze %dma_start3A_187 : memref<1x128xi32, #tpu.memory_space<vmem>> -> memref<128xi32, #tpu.memory_space<vmem>>
      %dma_start3A_189 = arith.constant 0 : i32
      %dma_start3A_190 = tpu.memref_slice %arg16[%dma_start3A_189] : memref<10240xf32, #tpu.memory_space<vmem_shared>> -> memref<10240xf32, #tpu.memory_space<vmem_shared>>
      tpu.enqueue_indirect_dma source(%arg17 : memref<128xf32, #tpu.memory_space<vmem>>) target(%dma_start3A_190 : memref<10240xf32, #tpu.memory_space<vmem_shared>>) offsets(%dma_start3A_188 : memref<128xi32, #tpu.memory_space<vmem>>) semaphore(%arg15 : memref<!tpu.dma_semaphore, #tpu.memory_space<semaphore_mem>>) {add = true}
      %dma_wait3A_191 = arith.constant 3 : i32
      %dma_wait3A_192 = arith.constant 1 : i32
      %dma_wait3A_193 = arith.constant 0 : i32
      %dma_wait3A_194 = arith.constant 0 : i32
      %dma_wait3A_195 = tpu.memref_slice %arg12[%dma_wait3A_192, %dma_wait3A_193, %dma_wait3A_194] : memref<2x128x128xf32, #tpu.memory_space<vmem>> -> memref<1x128x128xf32, #tpu.memory_space<vmem>>
      %dma_wait3A_196 = tpu.memref_squeeze %dma_wait3A_195 : memref<1x128x128xf32, #tpu.memory_space<vmem>> -> memref<128x128xf32, #tpu.memory_space<vmem>>
      %dma_wait3A_197 = arith.constant 0 : i32
      %dma_wait3A_198 = tpu.memref_slice %arg10[%dma_wait3A_191, %dma_wait3A_197] : memref<8x128xi32, #tpu.memory_space<vmem>> -> memref<1x128xi32, #tpu.memory_space<vmem>>
      %dma_wait3A_199 = tpu.memref_squeeze %dma_wait3A_198 : memref<1x128xi32, #tpu.memory_space<vmem>> -> memref<128xi32, #tpu.memory_space<vmem>>
      %dma_wait3A_200 = arith.constant 0 : i32
      %dma_wait3A_201 = arith.constant 0 : i32
      %dma_wait3A_202 = tpu.memref_slice %arg2[%dma_wait3A_200, %dma_wait3A_201] : memref<10000x128xf32, #tpu.memory_space<hbm>> -> memref<10000x128xf32, #tpu.memory_space<hbm>>
      tpu.wait_indirect_dma semaphore(%arg13 : memref<!tpu.dma_semaphore, #tpu.memory_space<semaphore_mem>>) src(%dma_wait3A_202 : memref<10000x128xf32, #tpu.memory_space<hbm>>) dst(%dma_wait3A_196 : memref<128x128xf32, #tpu.memory_space<vmem>>)
      %dma_wait3A_203 = arith.constant 0 : i32
      %dma_wait3A_204 = arith.constant 2 : i32
      %dma_wait3A_205 = arith.constant 0 : i32
      %dma_wait3A_206 = arith.constant 0 : i32
      %dma_wait3A_207 = tpu.memref_slice %arg12[%dma_wait3A_203, %dma_wait3A_205, %dma_wait3A_206] : memref<2x128x128xf32, #tpu.memory_space<vmem>> -> memref<1x128x128xf32, #tpu.memory_space<vmem>>
      %dma_wait3A_208 = tpu.memref_squeeze %dma_wait3A_207 : memref<1x128x128xf32, #tpu.memory_space<vmem>> -> memref<128x128xf32, #tpu.memory_space<vmem>>
      %dma_wait3A_209 = arith.constant 0 : i32
      %dma_wait3A_210 = tpu.memref_slice %arg11[%dma_wait3A_204, %dma_wait3A_209] : memref<8x128xi32, #tpu.memory_space<vmem>> -> memref<1x128xi32, #tpu.memory_space<vmem>>
      %dma_wait3A_211 = tpu.memref_squeeze %dma_wait3A_210 : memref<1x128xi32, #tpu.memory_space<vmem>> -> memref<128xi32, #tpu.memory_space<vmem>>
      %dma_wait3A_212 = arith.constant 0 : i32
      %dma_wait3A_213 = arith.constant 0 : i32
      %dma_wait3A_214 = tpu.memref_slice %arg9[%dma_wait3A_212, %dma_wait3A_213] : memref<10240x128xf32, #tpu.memory_space<vmem_shared>> -> memref<10240x128xf32, #tpu.memory_space<vmem_shared>>
      tpu.wait_indirect_dma semaphore(%arg14 : memref<!tpu.dma_semaphore, #tpu.memory_space<semaphore_mem>>) src(%dma_wait3A_208 : memref<128x128xf32, #tpu.memory_space<vmem>>) dst(%dma_wait3A_214 : memref<10240x128xf32, #tpu.memory_space<vmem_shared>>)
      %dma_start3A_215 = arith.constant 4 : i32
      %dma_start3A_216 = arith.constant 0 : i32
      %dma_start3A_217 = arith.constant 0 : i32
      %dma_start3A_218 = arith.constant 0 : i32
      %dma_start3A_219 = tpu.memref_slice %arg12[%dma_start3A_216, %dma_start3A_217, %dma_start3A_218] : memref<2x128x128xf32, #tpu.memory_space<vmem>> -> memref<1x128x128xf32, #tpu.memory_space<vmem>>
      %dma_start3A_220 = tpu.memref_squeeze %dma_start3A_219 : memref<1x128x128xf32, #tpu.memory_space<vmem>> -> memref<128x128xf32, #tpu.memory_space<vmem>>
      %dma_start3A_221 = arith.constant 0 : i32
      %dma_start3A_222 = tpu.memref_slice %arg10[%dma_start3A_215, %dma_start3A_221] : memref<8x128xi32, #tpu.memory_space<vmem>> -> memref<1x128xi32, #tpu.memory_space<vmem>>
      %dma_start3A_223 = tpu.memref_squeeze %dma_start3A_222 : memref<1x128xi32, #tpu.memory_space<vmem>> -> memref<128xi32, #tpu.memory_space<vmem>>
      %dma_start3A_224 = arith.constant 0 : i32
      %dma_start3A_225 = arith.constant 0 : i32
      %dma_start3A_226 = tpu.memref_slice %arg2[%dma_start3A_224, %dma_start3A_225] : memref<10000x128xf32, #tpu.memory_space<hbm>> -> memref<10000x128xf32, #tpu.memory_space<hbm>>
      tpu.enqueue_indirect_dma source(%dma_start3A_226 : memref<10000x128xf32, #tpu.memory_space<hbm>>) target(%dma_start3A_220 : memref<128x128xf32, #tpu.memory_space<vmem>>) offsets(%dma_start3A_223 : memref<128xi32, #tpu.memory_space<vmem>>) semaphore(%arg13 : memref<!tpu.dma_semaphore, #tpu.memory_space<semaphore_mem>>)
      %dma_start3A_227 = arith.constant 1 : i32
      %dma_start3A_228 = arith.constant 3 : i32
      %dma_start3A_229 = arith.constant 0 : i32
      %dma_start3A_230 = arith.constant 0 : i32
      %dma_start3A_231 = tpu.memref_slice %arg12[%dma_start3A_227, %dma_start3A_229, %dma_start3A_230] : memref<2x128x128xf32, #tpu.memory_space<vmem>> -> memref<1x128x128xf32, #tpu.memory_space<vmem>>
      %dma_start3A_232 = tpu.memref_squeeze %dma_start3A_231 : memref<1x128x128xf32, #tpu.memory_space<vmem>> -> memref<128x128xf32, #tpu.memory_space<vmem>>
      %dma_start3A_233 = arith.constant 0 : i32
      %dma_start3A_234 = tpu.memref_slice %arg11[%dma_start3A_228, %dma_start3A_233] : memref<8x128xi32, #tpu.memory_space<vmem>> -> memref<1x128xi32, #tpu.memory_space<vmem>>
      %dma_start3A_235 = tpu.memref_squeeze %dma_start3A_234 : memref<1x128xi32, #tpu.memory_space<vmem>> -> memref<128xi32, #tpu.memory_space<vmem>>
      %dma_start3A_236 = arith.constant 0 : i32
      %dma_start3A_237 = arith.constant 0 : i32
      %dma_start3A_238 = tpu.memref_slice %arg9[%dma_start3A_236, %dma_start3A_237] : memref<10240x128xf32, #tpu.memory_space<vmem_shared>> -> memref<10240x128xf32, #tpu.memory_space<vmem_shared>>
      tpu.enqueue_indirect_dma source(%dma_start3A_232 : memref<128x128xf32, #tpu.memory_space<vmem>>) target(%dma_start3A_238 : memref<10240x128xf32, #tpu.memory_space<vmem_shared>>) offsets(%dma_start3A_235 : memref<128xi32, #tpu.memory_space<vmem>>) semaphore(%arg14 : memref<!tpu.dma_semaphore, #tpu.memory_space<semaphore_mem>>) {add = true}
      %dma_start3A_239 = arith.constant 3 : i32
      %dma_start3A_240 = arith.constant 0 : i32
      %dma_start3A_241 = tpu.memref_slice %arg11[%dma_start3A_239, %dma_start3A_240] : memref<8x128xi32, #tpu.memory_space<vmem>> -> memref<1x128xi32, #tpu.memory_space<vmem>>
      %dma_start3A_242 = tpu.memref_squeeze %dma_start3A_241 : memref<1x128xi32, #tpu.memory_space<vmem>> -> memref<128xi32, #tpu.memory_space<vmem>>
      %dma_start3A_243 = arith.constant 0 : i32
      %dma_start3A_244 = tpu.memref_slice %arg16[%dma_start3A_243] : memref<10240xf32, #tpu.memory_space<vmem_shared>> -> memref<10240xf32, #tpu.memory_space<vmem_shared>>
      tpu.enqueue_indirect_dma source(%arg17 : memref<128xf32, #tpu.memory_space<vmem>>) target(%dma_start3A_244 : memref<10240xf32, #tpu.memory_space<vmem_shared>>) offsets(%dma_start3A_242 : memref<128xi32, #tpu.memory_space<vmem>>) semaphore(%arg15 : memref<!tpu.dma_semaphore, #tpu.memory_space<semaphore_mem>>) {add = true}
      %dma_wait3A_245 = arith.constant 4 : i32
      %dma_wait3A_246 = arith.constant 0 : i32
      %dma_wait3A_247 = arith.constant 0 : i32
      %dma_wait3A_248 = arith.constant 0 : i32
      %dma_wait3A_249 = tpu.memref_slice %arg12[%dma_wait3A_246, %dma_wait3A_247, %dma_wait3A_248] : memref<2x128x128xf32, #tpu.memory_space<vmem>> -> memref<1x128x128xf32, #tpu.memory_space<vmem>>
      %dma_wait3A_250 = tpu.memref_squeeze %dma_wait3A_249 : memref<1x128x128xf32, #tpu.memory_space<vmem>> -> memref<128x128xf32, #tpu.memory_space<vmem>>
      %dma_wait3A_251 = arith.constant 0 : i32
      %dma_wait3A_252 = tpu.memref_slice %arg10[%dma_wait3A_245, %dma_wait3A_251] : memref<8x128xi32, #tpu.memory_space<vmem>> -> memref<1x128xi32, #tpu.memory_space<vmem>>
      %dma_wait3A_253 = tpu.memref_squeeze %dma_wait3A_252 : memref<1x128xi32, #tpu.memory_space<vmem>> -> memref<128xi32, #tpu.memory_space<vmem>>
      %dma_wait3A_254 = arith.constant 0 : i32
      %dma_wait3A_255 = arith.constant 0 : i32
      %dma_wait3A_256 = tpu.memref_slice %arg2[%dma_wait3A_254, %dma_wait3A_255] : memref<10000x128xf32, #tpu.memory_space<hbm>> -> memref<10000x128xf32, #tpu.memory_space<hbm>>
      tpu.wait_indirect_dma semaphore(%arg13 : memref<!tpu.dma_semaphore, #tpu.memory_space<semaphore_mem>>) src(%dma_wait3A_256 : memref<10000x128xf32, #tpu.memory_space<hbm>>) dst(%dma_wait3A_250 : memref<128x128xf32, #tpu.memory_space<vmem>>)
      %dma_wait3A_257 = arith.constant 1 : i32
      %dma_wait3A_258 = arith.constant 3 : i32
      %dma_wait3A_259 = arith.constant 0 : i32
      %dma_wait3A_260 = arith.constant 0 : i32
      %dma_wait3A_261 = tpu.memref_slice %arg12[%dma_wait3A_257, %dma_wait3A_259, %dma_wait3A_260] : memref<2x128x128xf32, #tpu.memory_space<vmem>> -> memref<1x128x128xf32, #tpu.memory_space<vmem>>
      %dma_wait3A_262 = tpu.memref_squeeze %dma_wait3A_261 : memref<1x128x128xf32, #tpu.memory_space<vmem>> -> memref<128x128xf32, #tpu.memory_space<vmem>>
      %dma_wait3A_263 = arith.constant 0 : i32
      %dma_wait3A_264 = tpu.memref_slice %arg11[%dma_wait3A_258, %dma_wait3A_263] : memref<8x128xi32, #tpu.memory_space<vmem>> -> memref<1x128xi32, #tpu.memory_space<vmem>>
      %dma_wait3A_265 = tpu.memref_squeeze %dma_wait3A_264 : memref<1x128xi32, #tpu.memory_space<vmem>> -> memref<128xi32, #tpu.memory_space<vmem>>
      %dma_wait3A_266 = arith.constant 0 : i32
      %dma_wait3A_267 = arith.constant 0 : i32
      %dma_wait3A_268 = tpu.memref_slice %arg9[%dma_wait3A_266, %dma_wait3A_267] : memref<10240x128xf32, #tpu.memory_space<vmem_shared>> -> memref<10240x128xf32, #tpu.memory_space<vmem_shared>>
      tpu.wait_indirect_dma semaphore(%arg14 : memref<!tpu.dma_semaphore, #tpu.memory_space<semaphore_mem>>) src(%dma_wait3A_262 : memref<128x128xf32, #tpu.memory_space<vmem>>) dst(%dma_wait3A_268 : memref<10240x128xf32, #tpu.memory_space<vmem_shared>>)
      %dma_start3A_269 = arith.constant 5 : i32
      %dma_start3A_270 = arith.constant 1 : i32
      %dma_start3A_271 = arith.constant 0 : i32
      %dma_start3A_272 = arith.constant 0 : i32
      %dma_start3A_273 = tpu.memref_slice %arg12[%dma_start3A_270, %dma_start3A_271, %dma_start3A_272] : memref<2x128x128xf32, #tpu.memory_space<vmem>> -> memref<1x128x128xf32, #tpu.memory_space<vmem>>
      %dma_start3A_274 = tpu.memref_squeeze %dma_start3A_273 : memref<1x128x128xf32, #tpu.memory_space<vmem>> -> memref<128x128xf32, #tpu.memory_space<vmem>>
      %dma_start3A_275 = arith.constant 0 : i32
      %dma_start3A_276 = tpu.memref_slice %arg10[%dma_start3A_269, %dma_start3A_275] : memref<8x128xi32, #tpu.memory_space<vmem>> -> memref<1x128xi32, #tpu.memory_space<vmem>>
      %dma_start3A_277 = tpu.memref_squeeze %dma_start3A_276 : memref<1x128xi32, #tpu.memory_space<vmem>> -> memref<128xi32, #tpu.memory_space<vmem>>
      %dma_start3A_278 = arith.constant 0 : i32
      %dma_start3A_279 = arith.constant 0 : i32
      %dma_start3A_280 = tpu.memref_slice %arg2[%dma_start3A_278, %dma_start3A_279] : memref<10000x128xf32, #tpu.memory_space<hbm>> -> memref<10000x128xf32, #tpu.memory_space<hbm>>
      tpu.enqueue_indirect_dma source(%dma_start3A_280 : memref<10000x128xf32, #tpu.memory_space<hbm>>) target(%dma_start3A_274 : memref<128x128xf32, #tpu.memory_space<vmem>>) offsets(%dma_start3A_277 : memref<128xi32, #tpu.memory_space<vmem>>) semaphore(%arg13 : memref<!tpu.dma_semaphore, #tpu.memory_space<semaphore_mem>>)
      %dma_start3A_281 = arith.constant 0 : i32
      %dma_start3A_282 = arith.constant 4 : i32
      %dma_start3A_283 = arith.constant 0 : i32
      %dma_start3A_284 = arith.constant 0 : i32
      %dma_start3A_285 = tpu.memref_slice %arg12[%dma_start3A_281, %dma_start3A_283, %dma_start3A_284] : memref<2x128x128xf32, #tpu.memory_space<vmem>> -> memref<1x128x128xf32, #tpu.memory_space<vmem>>
      %dma_start3A_286 = tpu.memref_squeeze %dma_start3A_285 : memref<1x128x128xf32, #tpu.memory_space<vmem>> -> memref<128x128xf32, #tpu.memory_space<vmem>>
      %dma_start3A_287 = arith.constant 0 : i32
      %dma_start3A_288 = tpu.memref_slice %arg11[%dma_start3A_282, %dma_start3A_287] : memref<8x128xi32, #tpu.memory_space<vmem>> -> memref<1x128xi32, #tpu.memory_space<vmem>>
      %dma_start3A_289 = tpu.memref_squeeze %dma_start3A_288 : memref<1x128xi32, #tpu.memory_space<vmem>> -> memref<128xi32, #tpu.memory_space<vmem>>
      %dma_start3A_290 = arith.constant 0 : i32
      %dma_start3A_291 = arith.constant 0 : i32
      %dma_start3A_292 = tpu.memref_slice %arg9[%dma_start3A_290, %dma_start3A_291] : memref<10240x128xf32, #tpu.memory_space<vmem_shared>> -> memref<10240x128xf32, #tpu.memory_space<vmem_shared>>
      tpu.enqueue_indirect_dma source(%dma_start3A_286 : memref<128x128xf32, #tpu.memory_space<vmem>>) target(%dma_start3A_292 : memref<10240x128xf32, #tpu.memory_space<vmem_shared>>) offsets(%dma_start3A_289 : memref<128xi32, #tpu.memory_space<vmem>>) semaphore(%arg14 : memref<!tpu.dma_semaphore, #tpu.memory_space<semaphore_mem>>) {add = true}
      %dma_start3A_293 = arith.constant 4 : i32
      %dma_start3A_294 = arith.constant 0 : i32
      %dma_start3A_295 = tpu.memref_slice %arg11[%dma_start3A_293, %dma_start3A_294] : memref<8x128xi32, #tpu.memory_space<vmem>> -> memref<1x128xi32, #tpu.memory_space<vmem>>
      %dma_start3A_296 = tpu.memref_squeeze %dma_start3A_295 : memref<1x128xi32, #tpu.memory_space<vmem>> -> memref<128xi32, #tpu.memory_space<vmem>>
      %dma_start3A_297 = arith.constant 0 : i32
      %dma_start3A_298 = tpu.memref_slice %arg16[%dma_start3A_297] : memref<10240xf32, #tpu.memory_space<vmem_shared>> -> memref<10240xf32, #tpu.memory_space<vmem_shared>>
      tpu.enqueue_indirect_dma source(%arg17 : memref<128xf32, #tpu.memory_space<vmem>>) target(%dma_start3A_298 : memref<10240xf32, #tpu.memory_space<vmem_shared>>) offsets(%dma_start3A_296 : memref<128xi32, #tpu.memory_space<vmem>>) semaphore(%arg15 : memref<!tpu.dma_semaphore, #tpu.memory_space<semaphore_mem>>) {add = true}
      %dma_wait3A_299 = arith.constant 5 : i32
      %dma_wait3A_300 = arith.constant 1 : i32
      %dma_wait3A_301 = arith.constant 0 : i32
      %dma_wait3A_302 = arith.constant 0 : i32
      %dma_wait3A_303 = tpu.memref_slice %arg12[%dma_wait3A_300, %dma_wait3A_301, %dma_wait3A_302] : memref<2x128x128xf32, #tpu.memory_space<vmem>> -> memref<1x128x128xf32, #tpu.memory_space<vmem>>
      %dma_wait3A_304 = tpu.memref_squeeze %dma_wait3A_303 : memref<1x128x128xf32, #tpu.memory_space<vmem>> -> memref<128x128xf32, #tpu.memory_space<vmem>>
      %dma_wait3A_305 = arith.constant 0 : i32
      %dma_wait3A_306 = tpu.memref_slice %arg10[%dma_wait3A_299, %dma_wait3A_305] : memref<8x128xi32, #tpu.memory_space<vmem>> -> memref<1x128xi32, #tpu.memory_space<vmem>>
      %dma_wait3A_307 = tpu.memref_squeeze %dma_wait3A_306 : memref<1x128xi32, #tpu.memory_space<vmem>> -> memref<128xi32, #tpu.memory_space<vmem>>
      %dma_wait3A_308 = arith.constant 0 : i32
      %dma_wait3A_309 = arith.constant 0 : i32
      %dma_wait3A_310 = tpu.memref_slice %arg2[%dma_wait3A_308, %dma_wait3A_309] : memref<10000x128xf32, #tpu.memory_space<hbm>> -> memref<10000x128xf32, #tpu.memory_space<hbm>>
      tpu.wait_indirect_dma semaphore(%arg13 : memref<!tpu.dma_semaphore, #tpu.memory_space<semaphore_mem>>) src(%dma_wait3A_310 : memref<10000x128xf32, #tpu.memory_space<hbm>>) dst(%dma_wait3A_304 : memref<128x128xf32, #tpu.memory_space<vmem>>)
      %dma_wait3A_311 = arith.constant 0 : i32
      %dma_wait3A_312 = arith.constant 4 : i32
      %dma_wait3A_313 = arith.constant 0 : i32
      %dma_wait3A_314 = arith.constant 0 : i32
      %dma_wait3A_315 = tpu.memref_slice %arg12[%dma_wait3A_311, %dma_wait3A_313, %dma_wait3A_314] : memref<2x128x128xf32, #tpu.memory_space<vmem>> -> memref<1x128x128xf32, #tpu.memory_space<vmem>>
      %dma_wait3A_316 = tpu.memref_squeeze %dma_wait3A_315 : memref<1x128x128xf32, #tpu.memory_space<vmem>> -> memref<128x128xf32, #tpu.memory_space<vmem>>
      %dma_wait3A_317 = arith.constant 0 : i32
      %dma_wait3A_318 = tpu.memref_slice %arg11[%dma_wait3A_312, %dma_wait3A_317] : memref<8x128xi32, #tpu.memory_space<vmem>> -> memref<1x128xi32, #tpu.memory_space<vmem>>
      %dma_wait3A_319 = tpu.memref_squeeze %dma_wait3A_318 : memref<1x128xi32, #tpu.memory_space<vmem>> -> memref<128xi32, #tpu.memory_space<vmem>>
      %dma_wait3A_320 = arith.constant 0 : i32
      %dma_wait3A_321 = arith.constant 0 : i32
      %dma_wait3A_322 = tpu.memref_slice %arg9[%dma_wait3A_320, %dma_wait3A_321] : memref<10240x128xf32, #tpu.memory_space<vmem_shared>> -> memref<10240x128xf32, #tpu.memory_space<vmem_shared>>
      tpu.wait_indirect_dma semaphore(%arg14 : memref<!tpu.dma_semaphore, #tpu.memory_space<semaphore_mem>>) src(%dma_wait3A_316 : memref<128x128xf32, #tpu.memory_space<vmem>>) dst(%dma_wait3A_322 : memref<10240x128xf32, #tpu.memory_space<vmem_shared>>)
      %dma_start3A_323 = arith.constant 6 : i32
      %dma_start3A_324 = arith.constant 0 : i32
      %dma_start3A_325 = arith.constant 0 : i32
      %dma_start3A_326 = arith.constant 0 : i32
      %dma_start3A_327 = tpu.memref_slice %arg12[%dma_start3A_324, %dma_start3A_325, %dma_start3A_326] : memref<2x128x128xf32, #tpu.memory_space<vmem>> -> memref<1x128x128xf32, #tpu.memory_space<vmem>>
      %dma_start3A_328 = tpu.memref_squeeze %dma_start3A_327 : memref<1x128x128xf32, #tpu.memory_space<vmem>> -> memref<128x128xf32, #tpu.memory_space<vmem>>
      %dma_start3A_329 = arith.constant 0 : i32
      %dma_start3A_330 = tpu.memref_slice %arg10[%dma_start3A_323, %dma_start3A_329] : memref<8x128xi32, #tpu.memory_space<vmem>> -> memref<1x128xi32, #tpu.memory_space<vmem>>
      %dma_start3A_331 = tpu.memref_squeeze %dma_start3A_330 : memref<1x128xi32, #tpu.memory_space<vmem>> -> memref<128xi32, #tpu.memory_space<vmem>>
      %dma_start3A_332 = arith.constant 0 : i32
      %dma_start3A_333 = arith.constant 0 : i32
      %dma_start3A_334 = tpu.memref_slice %arg2[%dma_start3A_332, %dma_start3A_333] : memref<10000x128xf32, #tpu.memory_space<hbm>> -> memref<10000x128xf32, #tpu.memory_space<hbm>>
      tpu.enqueue_indirect_dma source(%dma_start3A_334 : memref<10000x128xf32, #tpu.memory_space<hbm>>) target(%dma_start3A_328 : memref<128x128xf32, #tpu.memory_space<vmem>>) offsets(%dma_start3A_331 : memref<128xi32, #tpu.memory_space<vmem>>) semaphore(%arg13 : memref<!tpu.dma_semaphore, #tpu.memory_space<semaphore_mem>>)
      %dma_start3A_335 = arith.constant 1 : i32
      %dma_start3A_336 = arith.constant 5 : i32
      %dma_start3A_337 = arith.constant 0 : i32
      %dma_start3A_338 = arith.constant 0 : i32
      %dma_start3A_339 = tpu.memref_slice %arg12[%dma_start3A_335, %dma_start3A_337, %dma_start3A_338] : memref<2x128x128xf32, #tpu.memory_space<vmem>> -> memref<1x128x128xf32, #tpu.memory_space<vmem>>
      %dma_start3A_340 = tpu.memref_squeeze %dma_start3A_339 : memref<1x128x128xf32, #tpu.memory_space<vmem>> -> memref<128x128xf32, #tpu.memory_space<vmem>>
      %dma_start3A_341 = arith.constant 0 : i32
      %dma_start3A_342 = tpu.memref_slice %arg11[%dma_start3A_336, %dma_start3A_341] : memref<8x128xi32, #tpu.memory_space<vmem>> -> memref<1x128xi32, #tpu.memory_space<vmem>>
      %dma_start3A_343 = tpu.memref_squeeze %dma_start3A_342 : memref<1x128xi32, #tpu.memory_space<vmem>> -> memref<128xi32, #tpu.memory_space<vmem>>
      %dma_start3A_344 = arith.constant 0 : i32
      %dma_start3A_345 = arith.constant 0 : i32
      %dma_start3A_346 = tpu.memref_slice %arg9[%dma_start3A_344, %dma_start3A_345] : memref<10240x128xf32, #tpu.memory_space<vmem_shared>> -> memref<10240x128xf32, #tpu.memory_space<vmem_shared>>
      tpu.enqueue_indirect_dma source(%dma_start3A_340 : memref<128x128xf32, #tpu.memory_space<vmem>>) target(%dma_start3A_346 : memref<10240x128xf32, #tpu.memory_space<vmem_shared>>) offsets(%dma_start3A_343 : memref<128xi32, #tpu.memory_space<vmem>>) semaphore(%arg14 : memref<!tpu.dma_semaphore, #tpu.memory_space<semaphore_mem>>) {add = true}
      %dma_start3A_347 = arith.constant 5 : i32
      %dma_start3A_348 = arith.constant 0 : i32
      %dma_start3A_349 = tpu.memref_slice %arg11[%dma_start3A_347, %dma_start3A_348] : memref<8x128xi32, #tpu.memory_space<vmem>> -> memref<1x128xi32, #tpu.memory_space<vmem>>
      %dma_start3A_350 = tpu.memref_squeeze %dma_start3A_349 : memref<1x128xi32, #tpu.memory_space<vmem>> -> memref<128xi32, #tpu.memory_space<vmem>>
      %dma_start3A_351 = arith.constant 0 : i32
      %dma_start3A_352 = tpu.memref_slice %arg16[%dma_start3A_351] : memref<10240xf32, #tpu.memory_space<vmem_shared>> -> memref<10240xf32, #tpu.memory_space<vmem_shared>>
      tpu.enqueue_indirect_dma source(%arg17 : memref<128xf32, #tpu.memory_space<vmem>>) target(%dma_start3A_352 : memref<10240xf32, #tpu.memory_space<vmem_shared>>) offsets(%dma_start3A_350 : memref<128xi32, #tpu.memory_space<vmem>>) semaphore(%arg15 : memref<!tpu.dma_semaphore, #tpu.memory_space<semaphore_mem>>) {add = true}
      %dma_wait3A_353 = arith.constant 6 : i32
      %dma_wait3A_354 = arith.constant 0 : i32
      %dma_wait3A_355 = arith.constant 0 : i32
      %dma_wait3A_356 = arith.constant 0 : i32
      %dma_wait3A_357 = tpu.memref_slice %arg12[%dma_wait3A_354, %dma_wait3A_355, %dma_wait3A_356] : memref<2x128x128xf32, #tpu.memory_space<vmem>> -> memref<1x128x128xf32, #tpu.memory_space<vmem>>
      %dma_wait3A_358 = tpu.memref_squeeze %dma_wait3A_357 : memref<1x128x128xf32, #tpu.memory_space<vmem>> -> memref<128x128xf32, #tpu.memory_space<vmem>>
      %dma_wait3A_359 = arith.constant 0 : i32
      %dma_wait3A_360 = tpu.memref_slice %arg10[%dma_wait3A_353, %dma_wait3A_359] : memref<8x128xi32, #tpu.memory_space<vmem>> -> memref<1x128xi32, #tpu.memory_space<vmem>>
      %dma_wait3A_361 = tpu.memref_squeeze %dma_wait3A_360 : memref<1x128xi32, #tpu.memory_space<vmem>> -> memref<128xi32, #tpu.memory_space<vmem>>
      %dma_wait3A_362 = arith.constant 0 : i32
      %dma_wait3A_363 = arith.constant 0 : i32
      %dma_wait3A_364 = tpu.memref_slice %arg2[%dma_wait3A_362, %dma_wait3A_363] : memref<10000x128xf32, #tpu.memory_space<hbm>> -> memref<10000x128xf32, #tpu.memory_space<hbm>>
      tpu.wait_indirect_dma semaphore(%arg13 : memref<!tpu.dma_semaphore, #tpu.memory_space<semaphore_mem>>) src(%dma_wait3A_364 : memref<10000x128xf32, #tpu.memory_space<hbm>>) dst(%dma_wait3A_358 : memref<128x128xf32, #tpu.memory_space<vmem>>)
      %dma_wait3A_365 = arith.constant 1 : i32
      %dma_wait3A_366 = arith.constant 5 : i32
      %dma_wait3A_367 = arith.constant 0 : i32
      %dma_wait3A_368 = arith.constant 0 : i32
      %dma_wait3A_369 = tpu.memref_slice %arg12[%dma_wait3A_365, %dma_wait3A_367, %dma_wait3A_368] : memref<2x128x128xf32, #tpu.memory_space<vmem>> -> memref<1x128x128xf32, #tpu.memory_space<vmem>>
      %dma_wait3A_370 = tpu.memref_squeeze %dma_wait3A_369 : memref<1x128x128xf32, #tpu.memory_space<vmem>> -> memref<128x128xf32, #tpu.memory_space<vmem>>
      %dma_wait3A_371 = arith.constant 0 : i32
      %dma_wait3A_372 = tpu.memref_slice %arg11[%dma_wait3A_366, %dma_wait3A_371] : memref<8x128xi32, #tpu.memory_space<vmem>> -> memref<1x128xi32, #tpu.memory_space<vmem>>
      %dma_wait3A_373 = tpu.memref_squeeze %dma_wait3A_372 : memref<1x128xi32, #tpu.memory_space<vmem>> -> memref<128xi32, #tpu.memory_space<vmem>>
      %dma_wait3A_374 = arith.constant 0 : i32
      %dma_wait3A_375 = arith.constant 0 : i32
      %dma_wait3A_376 = tpu.memref_slice %arg9[%dma_wait3A_374, %dma_wait3A_375] : memref<10240x128xf32, #tpu.memory_space<vmem_shared>> -> memref<10240x128xf32, #tpu.memory_space<vmem_shared>>
      tpu.wait_indirect_dma semaphore(%arg14 : memref<!tpu.dma_semaphore, #tpu.memory_space<semaphore_mem>>) src(%dma_wait3A_370 : memref<128x128xf32, #tpu.memory_space<vmem>>) dst(%dma_wait3A_376 : memref<10240x128xf32, #tpu.memory_space<vmem_shared>>)
      %dma_start3A_377 = arith.constant 7 : i32
      %dma_start3A_378 = arith.constant 1 : i32
      %dma_start3A_379 = arith.constant 0 : i32
      %dma_start3A_380 = arith.constant 0 : i32
      %dma_start3A_381 = tpu.memref_slice %arg12[%dma_start3A_378, %dma_start3A_379, %dma_start3A_380] : memref<2x128x128xf32, #tpu.memory_space<vmem>> -> memref<1x128x128xf32, #tpu.memory_space<vmem>>
      %dma_start3A_382 = tpu.memref_squeeze %dma_start3A_381 : memref<1x128x128xf32, #tpu.memory_space<vmem>> -> memref<128x128xf32, #tpu.memory_space<vmem>>
      %dma_start3A_383 = arith.constant 0 : i32
      %dma_start3A_384 = tpu.memref_slice %arg10[%dma_start3A_377, %dma_start3A_383] : memref<8x128xi32, #tpu.memory_space<vmem>> -> memref<1x128xi32, #tpu.memory_space<vmem>>
      %dma_start3A_385 = tpu.memref_squeeze %dma_start3A_384 : memref<1x128xi32, #tpu.memory_space<vmem>> -> memref<128xi32, #tpu.memory_space<vmem>>
      %dma_start3A_386 = arith.constant 0 : i32
      %dma_start3A_387 = arith.constant 0 : i32
      %dma_start3A_388 = tpu.memref_slice %arg2[%dma_start3A_386, %dma_start3A_387] : memref<10000x128xf32, #tpu.memory_space<hbm>> -> memref<10000x128xf32, #tpu.memory_space<hbm>>
      tpu.enqueue_indirect_dma source(%dma_start3A_388 : memref<10000x128xf32, #tpu.memory_space<hbm>>) target(%dma_start3A_382 : memref<128x128xf32, #tpu.memory_space<vmem>>) offsets(%dma_start3A_385 : memref<128xi32, #tpu.memory_space<vmem>>) semaphore(%arg13 : memref<!tpu.dma_semaphore, #tpu.memory_space<semaphore_mem>>)
      %dma_start3A_389 = arith.constant 0 : i32
      %dma_start3A_390 = arith.constant 6 : i32
      %dma_start3A_391 = arith.constant 0 : i32
      %dma_start3A_392 = arith.constant 0 : i32
      %dma_start3A_393 = tpu.memref_slice %arg12[%dma_start3A_389, %dma_start3A_391, %dma_start3A_392] : memref<2x128x128xf32, #tpu.memory_space<vmem>> -> memref<1x128x128xf32, #tpu.memory_space<vmem>>
      %dma_start3A_394 = tpu.memref_squeeze %dma_start3A_393 : memref<1x128x128xf32, #tpu.memory_space<vmem>> -> memref<128x128xf32, #tpu.memory_space<vmem>>
      %dma_start3A_395 = arith.constant 0 : i32
      %dma_start3A_396 = tpu.memref_slice %arg11[%dma_start3A_390, %dma_start3A_395] : memref<8x128xi32, #tpu.memory_space<vmem>> -> memref<1x128xi32, #tpu.memory_space<vmem>>
      %dma_start3A_397 = tpu.memref_squeeze %dma_start3A_396 : memref<1x128xi32, #tpu.memory_space<vmem>> -> memref<128xi32, #tpu.memory_space<vmem>>
      %dma_start3A_398 = arith.constant 0 : i32
      %dma_start3A_399 = arith.constant 0 : i32
      %dma_start3A_400 = tpu.memref_slice %arg9[%dma_start3A_398, %dma_start3A_399] : memref<10240x128xf32, #tpu.memory_space<vmem_shared>> -> memref<10240x128xf32, #tpu.memory_space<vmem_shared>>
      tpu.enqueue_indirect_dma source(%dma_start3A_394 : memref<128x128xf32, #tpu.memory_space<vmem>>) target(%dma_start3A_400 : memref<10240x128xf32, #tpu.memory_space<vmem_shared>>) offsets(%dma_start3A_397 : memref<128xi32, #tpu.memory_space<vmem>>) semaphore(%arg14 : memref<!tpu.dma_semaphore, #tpu.memory_space<semaphore_mem>>) {add = true}
      %dma_start3A_401 = arith.constant 6 : i32
      %dma_start3A_402 = arith.constant 0 : i32
      %dma_start3A_403 = tpu.memref_slice %arg11[%dma_start3A_401, %dma_start3A_402] : memref<8x128xi32, #tpu.memory_space<vmem>> -> memref<1x128xi32, #tpu.memory_space<vmem>>
      %dma_start3A_404 = tpu.memref_squeeze %dma_start3A_403 : memref<1x128xi32, #tpu.memory_space<vmem>> -> memref<128xi32, #tpu.memory_space<vmem>>
      %dma_start3A_405 = arith.constant 0 : i32
      %dma_start3A_406 = tpu.memref_slice %arg16[%dma_start3A_405] : memref<10240xf32, #tpu.memory_space<vmem_shared>> -> memref<10240xf32, #tpu.memory_space<vmem_shared>>
      tpu.enqueue_indirect_dma source(%arg17 : memref<128xf32, #tpu.memory_space<vmem>>) target(%dma_start3A_406 : memref<10240xf32, #tpu.memory_space<vmem_shared>>) offsets(%dma_start3A_404 : memref<128xi32, #tpu.memory_space<vmem>>) semaphore(%arg15 : memref<!tpu.dma_semaphore, #tpu.memory_space<semaphore_mem>>) {add = true}
      %dma_wait3A_407 = arith.constant 7 : i32
      %dma_wait3A_408 = arith.constant 1 : i32
      %dma_wait3A_409 = arith.constant 0 : i32
      %dma_wait3A_410 = arith.constant 0 : i32
      %dma_wait3A_411 = tpu.memref_slice %arg12[%dma_wait3A_408, %dma_wait3A_409, %dma_wait3A_410] : memref<2x128x128xf32, #tpu.memory_space<vmem>> -> memref<1x128x128xf32, #tpu.memory_space<vmem>>
      %dma_wait3A_412 = tpu.memref_squeeze %dma_wait3A_411 : memref<1x128x128xf32, #tpu.memory_space<vmem>> -> memref<128x128xf32, #tpu.memory_space<vmem>>
      %dma_wait3A_413 = arith.constant 0 : i32
      %dma_wait3A_414 = tpu.memref_slice %arg10[%dma_wait3A_407, %dma_wait3A_413] : memref<8x128xi32, #tpu.memory_space<vmem>> -> memref<1x128xi32, #tpu.memory_space<vmem>>
      %dma_wait3A_415 = tpu.memref_squeeze %dma_wait3A_414 : memref<1x128xi32, #tpu.memory_space<vmem>> -> memref<128xi32, #tpu.memory_space<vmem>>
      %dma_wait3A_416 = arith.constant 0 : i32
      %dma_wait3A_417 = arith.constant 0 : i32
      %dma_wait3A_418 = tpu.memref_slice %arg2[%dma_wait3A_416, %dma_wait3A_417] : memref<10000x128xf32, #tpu.memory_space<hbm>> -> memref<10000x128xf32, #tpu.memory_space<hbm>>
      tpu.wait_indirect_dma semaphore(%arg13 : memref<!tpu.dma_semaphore, #tpu.memory_space<semaphore_mem>>) src(%dma_wait3A_418 : memref<10000x128xf32, #tpu.memory_space<hbm>>) dst(%dma_wait3A_412 : memref<128x128xf32, #tpu.memory_space<vmem>>)
      %dma_wait3A_419 = arith.constant 0 : i32
      %dma_wait3A_420 = arith.constant 6 : i32
      %dma_wait3A_421 = arith.constant 0 : i32
      %dma_wait3A_422 = arith.constant 0 : i32
      %dma_wait3A_423 = tpu.memref_slice %arg12[%dma_wait3A_419, %dma_wait3A_421, %dma_wait3A_422] : memref<2x128x128xf32, #tpu.memory_space<vmem>> -> memref<1x128x128xf32, #tpu.memory_space<vmem>>
      %dma_wait3A_424 = tpu.memref_squeeze %dma_wait3A_423 : memref<1x128x128xf32, #tpu.memory_space<vmem>> -> memref<128x128xf32, #tpu.memory_space<vmem>>
      %dma_wait3A_425 = arith.constant 0 : i32
      %dma_wait3A_426 = tpu.memref_slice %arg11[%dma_wait3A_420, %dma_wait3A_425] : memref<8x128xi32, #tpu.memory_space<vmem>> -> memref<1x128xi32, #tpu.memory_space<vmem>>
      %dma_wait3A_427 = tpu.memref_squeeze %dma_wait3A_426 : memref<1x128xi32, #tpu.memory_space<vmem>> -> memref<128xi32, #tpu.memory_space<vmem>>
      %dma_wait3A_428 = arith.constant 0 : i32
      %dma_wait3A_429 = arith.constant 0 : i32
      %dma_wait3A_430 = tpu.memref_slice %arg9[%dma_wait3A_428, %dma_wait3A_429] : memref<10240x128xf32, #tpu.memory_space<vmem_shared>> -> memref<10240x128xf32, #tpu.memory_space<vmem_shared>>
      tpu.wait_indirect_dma semaphore(%arg14 : memref<!tpu.dma_semaphore, #tpu.memory_space<semaphore_mem>>) src(%dma_wait3A_424 : memref<128x128xf32, #tpu.memory_space<vmem>>) dst(%dma_wait3A_430 : memref<10240x128xf32, #tpu.memory_space<vmem_shared>>)
      %dma_start3A_431 = arith.constant 1 : i32
      %dma_start3A_432 = arith.constant 7 : i32
      %dma_start3A_433 = arith.constant 0 : i32
      %dma_start3A_434 = arith.constant 0 : i32
      %dma_start3A_435 = tpu.memref_slice %arg12[%dma_start3A_431, %dma_start3A_433, %dma_start3A_434] : memref<2x128x128xf32, #tpu.memory_space<vmem>> -> memref<1x128x128xf32, #tpu.memory_space<vmem>>
      %dma_start3A_436 = tpu.memref_squeeze %dma_start3A_435 : memref<1x128x128xf32, #tpu.memory_space<vmem>> -> memref<128x128xf32, #tpu.memory_space<vmem>>
      %dma_start3A_437 = arith.constant 0 : i32
      %dma_start3A_438 = tpu.memref_slice %arg11[%dma_start3A_432, %dma_start3A_437] : memref<8x128xi32, #tpu.memory_space<vmem>> -> memref<1x128xi32, #tpu.memory_space<vmem>>
      %dma_start3A_439 = tpu.memref_squeeze %dma_start3A_438 : memref<1x128xi32, #tpu.memory_space<vmem>> -> memref<128xi32, #tpu.memory_space<vmem>>
      %dma_start3A_440 = arith.constant 0 : i32
      %dma_start3A_441 = arith.constant 0 : i32
      %dma_start3A_442 = tpu.memref_slice %arg9[%dma_start3A_440, %dma_start3A_441] : memref<10240x128xf32, #tpu.memory_space<vmem_shared>> -> memref<10240x128xf32, #tpu.memory_space<vmem_shared>>
      tpu.enqueue_indirect_dma source(%dma_start3A_436 : memref<128x128xf32, #tpu.memory_space<vmem>>) target(%dma_start3A_442 : memref<10240x128xf32, #tpu.memory_space<vmem_shared>>) offsets(%dma_start3A_439 : memref<128xi32, #tpu.memory_space<vmem>>) semaphore(%arg14 : memref<!tpu.dma_semaphore, #tpu.memory_space<semaphore_mem>>) {add = true}
      %dma_start3A_443 = arith.constant 7 : i32
      %dma_start3A_444 = arith.constant 0 : i32
      %dma_start3A_445 = tpu.memref_slice %arg11[%dma_start3A_443, %dma_start3A_444] : memref<8x128xi32, #tpu.memory_space<vmem>> -> memref<1x128xi32, #tpu.memory_space<vmem>>
      %dma_start3A_446 = tpu.memref_squeeze %dma_start3A_445 : memref<1x128xi32, #tpu.memory_space<vmem>> -> memref<128xi32, #tpu.memory_space<vmem>>
      %dma_start3A_447 = arith.constant 0 : i32
      %dma_start3A_448 = tpu.memref_slice %arg16[%dma_start3A_447] : memref<10240xf32, #tpu.memory_space<vmem_shared>> -> memref<10240xf32, #tpu.memory_space<vmem_shared>>
      tpu.enqueue_indirect_dma source(%arg17 : memref<128xf32, #tpu.memory_space<vmem>>) target(%dma_start3A_448 : memref<10240xf32, #tpu.memory_space<vmem_shared>>) offsets(%dma_start3A_446 : memref<128xi32, #tpu.memory_space<vmem>>) semaphore(%arg15 : memref<!tpu.dma_semaphore, #tpu.memory_space<semaphore_mem>>) {add = true}
      %dma_wait3A_449 = arith.constant 1 : i32
      %dma_wait3A_450 = arith.constant 7 : i32
      %dma_wait3A_451 = arith.constant 0 : i32
      %dma_wait3A_452 = arith.constant 0 : i32
      %dma_wait3A_453 = tpu.memref_slice %arg12[%dma_wait3A_449, %dma_wait3A_451, %dma_wait3A_452] : memref<2x128x128xf32, #tpu.memory_space<vmem>> -> memref<1x128x128xf32, #tpu.memory_space<vmem>>
      %dma_wait3A_454 = tpu.memref_squeeze %dma_wait3A_453 : memref<1x128x128xf32, #tpu.memory_space<vmem>> -> memref<128x128xf32, #tpu.memory_space<vmem>>
      %dma_wait3A_455 = arith.constant 0 : i32
      %dma_wait3A_456 = tpu.memref_slice %arg11[%dma_wait3A_450, %dma_wait3A_455] : memref<8x128xi32, #tpu.memory_space<vmem>> -> memref<1x128xi32, #tpu.memory_space<vmem>>
      %dma_wait3A_457 = tpu.memref_squeeze %dma_wait3A_456 : memref<1x128xi32, #tpu.memory_space<vmem>> -> memref<128xi32, #tpu.memory_space<vmem>>
      %dma_wait3A_458 = arith.constant 0 : i32
      %dma_wait3A_459 = arith.constant 0 : i32
      %dma_wait3A_460 = tpu.memref_slice %arg9[%dma_wait3A_458, %dma_wait3A_459] : memref<10240x128xf32, #tpu.memory_space<vmem_shared>> -> memref<10240x128xf32, #tpu.memory_space<vmem_shared>>
      tpu.wait_indirect_dma semaphore(%arg14 : memref<!tpu.dma_semaphore, #tpu.memory_space<semaphore_mem>>) src(%dma_wait3A_454 : memref<128x128xf32, #tpu.memory_space<vmem>>) dst(%dma_wait3A_460 : memref<10240x128xf32, #tpu.memory_space<vmem_shared>>)
      %dma_wait3A_461 = arith.constant 0 : i32
      %dma_wait3A_462 = arith.constant 0 : i32
      %dma_wait3A_463 = tpu.memref_slice %arg11[%dma_wait3A_461, %dma_wait3A_462] : memref<8x128xi32, #tpu.memory_space<vmem>> -> memref<1x128xi32, #tpu.memory_space<vmem>>
      %dma_wait3A_464 = tpu.memref_squeeze %dma_wait3A_463 : memref<1x128xi32, #tpu.memory_space<vmem>> -> memref<128xi32, #tpu.memory_space<vmem>>
      %dma_wait3A_465 = arith.constant 0 : i32
      %dma_wait3A_466 = tpu.memref_slice %arg16[%dma_wait3A_465] : memref<10240xf32, #tpu.memory_space<vmem_shared>> -> memref<10240xf32, #tpu.memory_space<vmem_shared>>
      tpu.wait_indirect_dma semaphore(%arg15 : memref<!tpu.dma_semaphore, #tpu.memory_space<semaphore_mem>>) src(%arg17 : memref<128xf32, #tpu.memory_space<vmem>>) dst(%dma_wait3A_466 : memref<10240xf32, #tpu.memory_space<vmem_shared>>)
      %dma_wait3A_467 = arith.constant 1 : i32
      %dma_wait3A_468 = arith.constant 0 : i32
      %dma_wait3A_469 = tpu.memref_slice %arg11[%dma_wait3A_467, %dma_wait3A_468] : memref<8x128xi32, #tpu.memory_space<vmem>> -> memref<1x128xi32, #tpu.memory_space<vmem>>
      %dma_wait3A_470 = tpu.memref_squeeze %dma_wait3A_469 : memref<1x128xi32, #tpu.memory_space<vmem>> -> memref<128xi32, #tpu.memory_space<vmem>>
      %dma_wait3A_471 = arith.constant 0 : i32
      %dma_wait3A_472 = tpu.memref_slice %arg16[%dma_wait3A_471] : memref<10240xf32, #tpu.memory_space<vmem_shared>> -> memref<10240xf32, #tpu.memory_space<vmem_shared>>
      tpu.wait_indirect_dma semaphore(%arg15 : memref<!tpu.dma_semaphore, #tpu.memory_space<semaphore_mem>>) src(%arg17 : memref<128xf32, #tpu.memory_space<vmem>>) dst(%dma_wait3A_472 : memref<10240xf32, #tpu.memory_space<vmem_shared>>)
      %dma_wait3A_473 = arith.constant 2 : i32
      %dma_wait3A_474 = arith.constant 0 : i32
      %dma_wait3A_475 = tpu.memref_slice %arg11[%dma_wait3A_473, %dma_wait3A_474] : memref<8x128xi32, #tpu.memory_space<vmem>> -> memref<1x128xi32, #tpu.memory_space<vmem>>
      %dma_wait3A_476 = tpu.memref_squeeze %dma_wait3A_475 : memref<1x128xi32, #tpu.memory_space<vmem>> -> memref<128xi32, #tpu.memory_space<vmem>>
      %dma_wait3A_477 = arith.constant 0 : i32
      %dma_wait3A_478 = tpu.memref_slice %arg16[%dma_wait3A_477] : memref<10240xf32, #tpu.memory_space<vmem_shared>> -> memref<10240xf32, #tpu.memory_space<vmem_shared>>
      tpu.wait_indirect_dma semaphore(%arg15 : memref<!tpu.dma_semaphore, #tpu.memory_space<semaphore_mem>>) src(%arg17 : memref<128xf32, #tpu.memory_space<vmem>>) dst(%dma_wait3A_478 : memref<10240xf32, #tpu.memory_space<vmem_shared>>)
      %dma_wait3A_479 = arith.constant 3 : i32
      %dma_wait3A_480 = arith.constant 0 : i32
      %dma_wait3A_481 = tpu.memref_slice %arg11[%dma_wait3A_479, %dma_wait3A_480] : memref<8x128xi32, #tpu.memory_space<vmem>> -> memref<1x128xi32, #tpu.memory_space<vmem>>
      %dma_wait3A_482 = tpu.memref_squeeze %dma_wait3A_481 : memref<1x128xi32, #tpu.memory_space<vmem>> -> memref<128xi32, #tpu.memory_space<vmem>>
      %dma_wait3A_483 = arith.constant 0 : i32
      %dma_wait3A_484 = tpu.memref_slice %arg16[%dma_wait3A_483] : memref<10240xf32, #tpu.memory_space<vmem_shared>> -> memref<10240xf32, #tpu.memory_space<vmem_shared>>
      tpu.wait_indirect_dma semaphore(%arg15 : memref<!tpu.dma_semaphore, #tpu.memory_space<semaphore_mem>>) src(%arg17 : memref<128xf32, #tpu.memory_space<vmem>>) dst(%dma_wait3A_484 : memref<10240xf32, #tpu.memory_space<vmem_shared>>)
      %dma_wait3A_485 = arith.constant 4 : i32
      %dma_wait3A_486 = arith.constant 0 : i32
      %dma_wait3A_487 = tpu.memref_slice %arg11[%dma_wait3A_485, %dma_wait3A_486] : memref<8x128xi32, #tpu.memory_space<vmem>> -> memref<1x128xi32, #tpu.memory_space<vmem>>
      %dma_wait3A_488 = tpu.memref_squeeze %dma_wait3A_487 : memref<1x128xi32, #tpu.memory_space<vmem>> -> memref<128xi32, #tpu.memory_space<vmem>>
      %dma_wait3A_489 = arith.constant 0 : i32
      %dma_wait3A_490 = tpu.memref_slice %arg16[%dma_wait3A_489] : memref<10240xf32, #tpu.memory_space<vmem_shared>> -> memref<10240xf32, #tpu.memory_space<vmem_shared>>
      tpu.wait_indirect_dma semaphore(%arg15 : memref<!tpu.dma_semaphore, #tpu.memory_space<semaphore_mem>>) src(%arg17 : memref<128xf32, #tpu.memory_space<vmem>>) dst(%dma_wait3A_490 : memref<10240xf32, #tpu.memory_space<vmem_shared>>)
      %dma_wait3A_491 = arith.constant 5 : i32
      %dma_wait3A_492 = arith.constant 0 : i32
      %dma_wait3A_493 = tpu.memref_slice %arg11[%dma_wait3A_491, %dma_wait3A_492] : memref<8x128xi32, #tpu.memory_space<vmem>> -> memref<1x128xi32, #tpu.memory_space<vmem>>
      %dma_wait3A_494 = tpu.memref_squeeze %dma_wait3A_493 : memref<1x128xi32, #tpu.memory_space<vmem>> -> memref<128xi32, #tpu.memory_space<vmem>>
      %dma_wait3A_495 = arith.constant 0 : i32
      %dma_wait3A_496 = tpu.memref_slice %arg16[%dma_wait3A_495] : memref<10240xf32, #tpu.memory_space<vmem_shared>> -> memref<10240xf32, #tpu.memory_space<vmem_shared>>
      tpu.wait_indirect_dma semaphore(%arg15 : memref<!tpu.dma_semaphore, #tpu.memory_space<semaphore_mem>>) src(%arg17 : memref<128xf32, #tpu.memory_space<vmem>>) dst(%dma_wait3A_496 : memref<10240xf32, #tpu.memory_space<vmem_shared>>)
      %dma_wait3A_497 = arith.constant 6 : i32
      %dma_wait3A_498 = arith.constant 0 : i32
      %dma_wait3A_499 = tpu.memref_slice %arg11[%dma_wait3A_497, %dma_wait3A_498] : memref<8x128xi32, #tpu.memory_space<vmem>> -> memref<1x128xi32, #tpu.memory_space<vmem>>
      %dma_wait3A_500 = tpu.memref_squeeze %dma_wait3A_499 : memref<1x128xi32, #tpu.memory_space<vmem>> -> memref<128xi32, #tpu.memory_space<vmem>>
      %dma_wait3A_501 = arith.constant 0 : i32
      %dma_wait3A_502 = tpu.memref_slice %arg16[%dma_wait3A_501] : memref<10240xf32, #tpu.memory_space<vmem_shared>> -> memref<10240xf32, #tpu.memory_space<vmem_shared>>
      tpu.wait_indirect_dma semaphore(%arg15 : memref<!tpu.dma_semaphore, #tpu.memory_space<semaphore_mem>>) src(%arg17 : memref<128xf32, #tpu.memory_space<vmem>>) dst(%dma_wait3A_502 : memref<10240xf32, #tpu.memory_space<vmem_shared>>)
      %dma_wait3A_503 = arith.constant 7 : i32
      %dma_wait3A_504 = arith.constant 0 : i32
      %dma_wait3A_505 = tpu.memref_slice %arg11[%dma_wait3A_503, %dma_wait3A_504] : memref<8x128xi32, #tpu.memory_space<vmem>> -> memref<1x128xi32, #tpu.memory_space<vmem>>
      %dma_wait3A_506 = tpu.memref_squeeze %dma_wait3A_505 : memref<1x128xi32, #tpu.memory_space<vmem>> -> memref<128xi32, #tpu.memory_space<vmem>>
      %dma_wait3A_507 = arith.constant 0 : i32
      %dma_wait3A_508 = tpu.memref_slice %arg16[%dma_wait3A_507] : memref<10240xf32, #tpu.memory_space<vmem_shared>> -> memref<10240xf32, #tpu.memory_space<vmem_shared>>
      tpu.wait_indirect_dma semaphore(%arg15 : memref<!tpu.dma_semaphore, #tpu.memory_space<semaphore_mem>>) src(%arg17 : memref<128xf32, #tpu.memory_space<vmem>>) dst(%dma_wait3A_508 : memref<10240xf32, #tpu.memory_space<vmem_shared>>)
    }
    %while3A_19 = arith.constant 1 : i32
    scf.for %while3A_26 = %while3A_17 to %while3A_13 step %while3A_19  : i32 {
      %mul3A_27 = arith.constant 8 : i32
      %mul3A_28 = arith.muli %while3A_26, %mul3A_27 : i32
      "tpu.region"() ({
        %run_scoped3A = tpu.sem_alloc : memref<!tpu.dma_semaphore, #tpu.memory_space<semaphore_mem>>
        %dma_start3A_509 = arith.constant 0 : i32
        %dma_start3A_510 = tpu.memref_slice %arg3[%add3A, %mul3A_28, %dma_start3A_509] : memref<32x120x128xi32, #tpu.memory_space<hbm>> -> memref<1x8x128xi32, #tpu.memory_space<hbm>>
        %dma_start3A_511 = tpu.memref_squeeze %dma_start3A_510 : memref<1x8x128xi32, #tpu.memory_space<hbm>> -> memref<8x128xi32, #tpu.memory_space<hbm>>
        %dma_start3A_512 = arith.constant 0 : i32
        %dma_start3A_513 = tpu.memref_slice %arg3[%add3A, %mul3A_28, %dma_start3A_512] : memref<32x120x128xi32, #tpu.memory_space<hbm>> -> memref<1x8x128xi32, #tpu.memory_space<hbm>>
        %dma_start3A_514 = tpu.memref_squeeze %dma_start3A_513 : memref<1x8x128xi32, #tpu.memory_space<hbm>> -> memref<8x128xi32, #tpu.memory_space<hbm>>
        tpu.enqueue_dma source(%dma_start3A_514 : memref<8x128xi32, #tpu.memory_space<hbm>>) target(%arg10 : memref<8x128xi32, #tpu.memory_space<vmem>>) target_semaphore(%run_scoped3A : memref<!tpu.dma_semaphore, #tpu.memory_space<semaphore_mem>>)
        %dma_wait3A_515 = arith.constant 0 : i32
        %dma_wait3A_516 = tpu.memref_slice %arg3[%add3A, %mul3A_28, %dma_wait3A_515] : memref<32x120x128xi32, #tpu.memory_space<hbm>> -> memref<1x8x128xi32, #tpu.memory_space<hbm>>
        %dma_wait3A_517 = tpu.memref_squeeze %dma_wait3A_516 : memref<1x8x128xi32, #tpu.memory_space<hbm>> -> memref<8x128xi32, #tpu.memory_space<hbm>>
        %dma_wait3A_518 = arith.constant 0 : i32
        %dma_wait3A_519 = tpu.memref_slice %arg3[%add3A, %mul3A_28, %dma_wait3A_518] : memref<32x120x128xi32, #tpu.memory_space<hbm>> -> memref<1x8x128xi32, #tpu.memory_space<hbm>>
        %dma_wait3A_520 = tpu.memref_squeeze %dma_wait3A_519 : memref<1x8x128xi32, #tpu.memory_space<hbm>> -> memref<8x128xi32, #tpu.memory_space<hbm>>
        tpu.wait_dma2 semaphore(%run_scoped3A : memref<!tpu.dma_semaphore, #tpu.memory_space<semaphore_mem>>) src(%dma_wait3A_520 : memref<8x128xi32, #tpu.memory_space<hbm>>) dst(%arg10 : memref<8x128xi32, #tpu.memory_space<vmem>>)
        tpu.yield
      }) : () -> ()
      %mul3A_29 = arith.constant 8 : i32
      %mul3A_30 = arith.muli %while3A_26, %mul3A_29 : i32
      "tpu.region"() ({
        %run_scoped3A = tpu.sem_alloc : memref<!tpu.dma_semaphore, #tpu.memory_space<semaphore_mem>>
        %dma_start3A_509 = arith.constant 0 : i32
        %dma_start3A_510 = tpu.memref_slice %arg4[%add3A, %mul3A_30, %dma_start3A_509] : memref<32x120x128xi32, #tpu.memory_space<hbm>> -> memref<1x8x128xi32, #tpu.memory_space<hbm>>
        %dma_start3A_511 = tpu.memref_squeeze %dma_start3A_510 : memref<1x8x128xi32, #tpu.memory_space<hbm>> -> memref<8x128xi32, #tpu.memory_space<hbm>>
        %dma_start3A_512 = arith.constant 0 : i32
        %dma_start3A_513 = tpu.memref_slice %arg4[%add3A, %mul3A_30, %dma_start3A_512] : memref<32x120x128xi32, #tpu.memory_space<hbm>> -> memref<1x8x128xi32, #tpu.memory_space<hbm>>
        %dma_start3A_514 = tpu.memref_squeeze %dma_start3A_513 : memref<1x8x128xi32, #tpu.memory_space<hbm>> -> memref<8x128xi32, #tpu.memory_space<hbm>>
        tpu.enqueue_dma source(%dma_start3A_514 : memref<8x128xi32, #tpu.memory_space<hbm>>) target(%arg11 : memref<8x128xi32, #tpu.memory_space<vmem>>) target_semaphore(%run_scoped3A : memref<!tpu.dma_semaphore, #tpu.memory_space<semaphore_mem>>)
        %dma_wait3A_515 = arith.constant 0 : i32
        %dma_wait3A_516 = tpu.memref_slice %arg4[%add3A, %mul3A_30, %dma_wait3A_515] : memref<32x120x128xi32, #tpu.memory_space<hbm>> -> memref<1x8x128xi32, #tpu.memory_space<hbm>>
        %dma_wait3A_517 = tpu.memref_squeeze %dma_wait3A_516 : memref<1x8x128xi32, #tpu.memory_space<hbm>> -> memref<8x128xi32, #tpu.memory_space<hbm>>
        %dma_wait3A_518 = arith.constant 0 : i32
        %dma_wait3A_519 = tpu.memref_slice %arg4[%add3A, %mul3A_30, %dma_wait3A_518] : memref<32x120x128xi32, #tpu.memory_space<hbm>> -> memref<1x8x128xi32, #tpu.memory_space<hbm>>
        %dma_wait3A_520 = tpu.memref_squeeze %dma_wait3A_519 : memref<1x8x128xi32, #tpu.memory_space<hbm>> -> memref<8x128xi32, #tpu.memory_space<hbm>>
        tpu.wait_dma2 semaphore(%run_scoped3A : memref<!tpu.dma_semaphore, #tpu.memory_space<semaphore_mem>>) src(%dma_wait3A_520 : memref<8x128xi32, #tpu.memory_space<hbm>>) dst(%arg11 : memref<8x128xi32, #tpu.memory_space<vmem>>)
        tpu.yield
      }) : () -> ()
      %dma_start3A = arith.constant 0 : i32
      %dma_start3A_31 = arith.constant 0 : i32
      %dma_start3A_32 = arith.constant 0 : i32
      %dma_start3A_33 = arith.constant 0 : i32
      %dma_start3A_34 = tpu.memref_slice %arg12[%dma_start3A_31, %dma_start3A_32, %dma_start3A_33] : memref<2x128x128xf32, #tpu.memory_space<vmem>> -> memref<1x128x128xf32, #tpu.memory_space<vmem>>
      %dma_start3A_35 = tpu.memref_squeeze %dma_start3A_34 : memref<1x128x128xf32, #tpu.memory_space<vmem>> -> memref<128x128xf32, #tpu.memory_space<vmem>>
      %dma_start3A_36 = arith.constant 0 : i32
      %dma_start3A_37 = tpu.memref_slice %arg10[%dma_start3A, %dma_start3A_36] : memref<8x128xi32, #tpu.memory_space<vmem>> -> memref<1x128xi32, #tpu.memory_space<vmem>>
      %dma_start3A_38 = tpu.memref_squeeze %dma_start3A_37 : memref<1x128xi32, #tpu.memory_space<vmem>> -> memref<128xi32, #tpu.memory_space<vmem>>
      %dma_start3A_39 = arith.constant 0 : i32
      %dma_start3A_40 = arith.constant 0 : i32
      %dma_start3A_41 = tpu.memref_slice %arg2[%dma_start3A_39, %dma_start3A_40] : memref<10000x128xf32, #tpu.memory_space<hbm>> -> memref<10000x128xf32, #tpu.memory_space<hbm>>
      tpu.enqueue_indirect_dma source(%dma_start3A_41 : memref<10000x128xf32, #tpu.memory_space<hbm>>) target(%dma_start3A_35 : memref<128x128xf32, #tpu.memory_space<vmem>>) offsets(%dma_start3A_38 : memref<128xi32, #tpu.memory_space<vmem>>) semaphore(%arg13 : memref<!tpu.dma_semaphore, #tpu.memory_space<semaphore_mem>>)
      %dma_wait3A = arith.constant 0 : i32
      %dma_wait3A_42 = arith.constant 0 : i32
      %dma_wait3A_43 = arith.constant 0 : i32
      %dma_wait3A_44 = arith.constant 0 : i32
      %dma_wait3A_45 = tpu.memref_slice %arg12[%dma_wait3A_42, %dma_wait3A_43, %dma_wait3A_44] : memref<2x128x128xf32, #tpu.memory_space<vmem>> -> memref<1x128x128xf32, #tpu.memory_space<vmem>>
      %dma_wait3A_46 = tpu.memref_squeeze %dma_wait3A_45 : memref<1x128x128xf32, #tpu.memory_space<vmem>> -> memref<128x128xf32, #tpu.memory_space<vmem>>
      %dma_wait3A_47 = arith.constant 0 : i32
      %dma_wait3A_48 = tpu.memref_slice %arg10[%dma_wait3A, %dma_wait3A_47] : memref<8x128xi32, #tpu.memory_space<vmem>> -> memref<1x128xi32, #tpu.memory_space<vmem>>
      %dma_wait3A_49 = tpu.memref_squeeze %dma_wait3A_48 : memref<1x128xi32, #tpu.memory_space<vmem>> -> memref<128xi32, #tpu.memory_space<vmem>>
      %dma_wait3A_50 = arith.constant 0 : i32
      %dma_wait3A_51 = arith.constant 0 : i32
      %dma_wait3A_52 = tpu.memref_slice %arg2[%dma_wait3A_50, %dma_wait3A_51] : memref<10000x128xf32, #tpu.memory_space<hbm>> -> memref<10000x128xf32, #tpu.memory_space<hbm>>
      tpu.wait_indirect_dma semaphore(%arg13 : memref<!tpu.dma_semaphore, #tpu.memory_space<semaphore_mem>>) src(%dma_wait3A_52 : memref<10000x128xf32, #tpu.memory_space<hbm>>) dst(%dma_wait3A_46 : memref<128x128xf32, #tpu.memory_space<vmem>>)
      %dma_start3A_53 = arith.constant 1 : i32
      %dma_start3A_54 = arith.constant 1 : i32
      %dma_start3A_55 = arith.constant 0 : i32
      %dma_start3A_56 = arith.constant 0 : i32
      %dma_start3A_57 = tpu.memref_slice %arg12[%dma_start3A_54, %dma_start3A_55, %dma_start3A_56] : memref<2x128x128xf32, #tpu.memory_space<vmem>> -> memref<1x128x128xf32, #tpu.memory_space<vmem>>
      %dma_start3A_58 = tpu.memref_squeeze %dma_start3A_57 : memref<1x128x128xf32, #tpu.memory_space<vmem>> -> memref<128x128xf32, #tpu.memory_space<vmem>>
      %dma_start3A_59 = arith.constant 0 : i32
      %dma_start3A_60 = tpu.memref_slice %arg10[%dma_start3A_53, %dma_start3A_59] : memref<8x128xi32, #tpu.memory_space<vmem>> -> memref<1x128xi32, #tpu.memory_space<vmem>>
      %dma_start3A_61 = tpu.memref_squeeze %dma_start3A_60 : memref<1x128xi32, #tpu.memory_space<vmem>> -> memref<128xi32, #tpu.memory_space<vmem>>
      %dma_start3A_62 = arith.constant 0 : i32
      %dma_start3A_63 = arith.constant 0 : i32
      %dma_start3A_64 = tpu.memref_slice %arg2[%dma_start3A_62, %dma_start3A_63] : memref<10000x128xf32, #tpu.memory_space<hbm>> -> memref<10000x128xf32, #tpu.memory_space<hbm>>
      tpu.enqueue_indirect_dma source(%dma_start3A_64 : memref<10000x128xf32, #tpu.memory_space<hbm>>) target(%dma_start3A_58 : memref<128x128xf32, #tpu.memory_space<vmem>>) offsets(%dma_start3A_61 : memref<128xi32, #tpu.memory_space<vmem>>) semaphore(%arg13 : memref<!tpu.dma_semaphore, #tpu.memory_space<semaphore_mem>>)
      %dma_start3A_65 = arith.constant 0 : i32
      %dma_start3A_66 = arith.constant 0 : i32
      %dma_start3A_67 = arith.constant 0 : i32
      %dma_start3A_68 = arith.constant 0 : i32
      %dma_start3A_69 = tpu.memref_slice %arg12[%dma_start3A_65, %dma_start3A_67, %dma_start3A_68] : memref<2x128x128xf32, #tpu.memory_space<vmem>> -> memref<1x128x128xf32, #tpu.memory_space<vmem>>
      %dma_start3A_70 = tpu.memref_squeeze %dma_start3A_69 : memref<1x128x128xf32, #tpu.memory_space<vmem>> -> memref<128x128xf32, #tpu.memory_space<vmem>>
      %dma_start3A_71 = arith.constant 0 : i32
      %dma_start3A_72 = tpu.memref_slice %arg11[%dma_start3A_66, %dma_start3A_71] : memref<8x128xi32, #tpu.memory_space<vmem>> -> memref<1x128xi32, #tpu.memory_space<vmem>>
      %dma_start3A_73 = tpu.memref_squeeze %dma_start3A_72 : memref<1x128xi32, #tpu.memory_space<vmem>> -> memref<128xi32, #tpu.memory_space<vmem>>
      %dma_start3A_74 = arith.constant 0 : i32
      %dma_start3A_75 = arith.constant 0 : i32
      %dma_start3A_76 = tpu.memref_slice %arg9[%dma_start3A_74, %dma_start3A_75] : memref<10240x128xf32, #tpu.memory_space<vmem_shared>> -> memref<10240x128xf32, #tpu.memory_space<vmem_shared>>
      tpu.enqueue_indirect_dma source(%dma_start3A_70 : memref<128x128xf32, #tpu.memory_space<vmem>>) target(%dma_start3A_76 : memref<10240x128xf32, #tpu.memory_space<vmem_shared>>) offsets(%dma_start3A_73 : memref<128xi32, #tpu.memory_space<vmem>>) semaphore(%arg14 : memref<!tpu.dma_semaphore, #tpu.memory_space<semaphore_mem>>) {add = true}
      %dma_start3A_77 = arith.constant 0 : i32
      %dma_start3A_78 = arith.constant 0 : i32
      %dma_start3A_79 = tpu.memref_slice %arg11[%dma_start3A_77, %dma_start3A_78] : memref<8x128xi32, #tpu.memory_space<vmem>> -> memref<1x128xi32, #tpu.memory_space<vmem>>
      %dma_start3A_80 = tpu.memref_squeeze %dma_start3A_79 : memref<1x128xi32, #tpu.memory_space<vmem>> -> memref<128xi32, #tpu.memory_space<vmem>>
      %dma_start3A_81 = arith.constant 0 : i32
      %dma_start3A_82 = tpu.memref_slice %arg16[%dma_start3A_81] : memref<10240xf32, #tpu.memory_space<vmem_shared>> -> memref<10240xf32, #tpu.memory_space<vmem_shared>>
      tpu.enqueue_indirect_dma source(%arg17 : memref<128xf32, #tpu.memory_space<vmem>>) target(%dma_start3A_82 : memref<10240xf32, #tpu.memory_space<vmem_shared>>) offsets(%dma_start3A_80 : memref<128xi32, #tpu.memory_space<vmem>>) semaphore(%arg15 : memref<!tpu.dma_semaphore, #tpu.memory_space<semaphore_mem>>) {add = true}
      %dma_wait3A_83 = arith.constant 1 : i32
      %dma_wait3A_84 = arith.constant 1 : i32
      %dma_wait3A_85 = arith.constant 0 : i32
      %dma_wait3A_86 = arith.constant 0 : i32
      %dma_wait3A_87 = tpu.memref_slice %arg12[%dma_wait3A_84, %dma_wait3A_85, %dma_wait3A_86] : memref<2x128x128xf32, #tpu.memory_space<vmem>> -> memref<1x128x128xf32, #tpu.memory_space<vmem>>
      %dma_wait3A_88 = tpu.memref_squeeze %dma_wait3A_87 : memref<1x128x128xf32, #tpu.memory_space<vmem>> -> memref<128x128xf32, #tpu.memory_space<vmem>>
      %dma_wait3A_89 = arith.constant 0 : i32
      %dma_wait3A_90 = tpu.memref_slice %arg10[%dma_wait3A_83, %dma_wait3A_89] : memref<8x128xi32, #tpu.memory_space<vmem>> -> memref<1x128xi32, #tpu.memory_space<vmem>>
      %dma_wait3A_91 = tpu.memref_squeeze %dma_wait3A_90 : memref<1x128xi32, #tpu.memory_space<vmem>> -> memref<128xi32, #tpu.memory_space<vmem>>
      %dma_wait3A_92 = arith.constant 0 : i32
      %dma_wait3A_93 = arith.constant 0 : i32
      %dma_wait3A_94 = tpu.memref_slice %arg2[%dma_wait3A_92, %dma_wait3A_93] : memref<10000x128xf32, #tpu.memory_space<hbm>> -> memref<10000x128xf32, #tpu.memory_space<hbm>>
      tpu.wait_indirect_dma semaphore(%arg13 : memref<!tpu.dma_semaphore, #tpu.memory_space<semaphore_mem>>) src(%dma_wait3A_94 : memref<10000x128xf32, #tpu.memory_space<hbm>>) dst(%dma_wait3A_88 : memref<128x128xf32, #tpu.memory_space<vmem>>)
      %dma_wait3A_95 = arith.constant 0 : i32
      %dma_wait3A_96 = arith.constant 0 : i32
      %dma_wait3A_97 = arith.constant 0 : i32
      %dma_wait3A_98 = arith.constant 0 : i32
      %dma_wait3A_99 = tpu.memref_slice %arg12[%dma_wait3A_95, %dma_wait3A_97, %dma_wait3A_98] : memref<2x128x128xf32, #tpu.memory_space<vmem>> -> memref<1x128x128xf32, #tpu.memory_space<vmem>>
      %dma_wait3A_100 = tpu.memref_squeeze %dma_wait3A_99 : memref<1x128x128xf32, #tpu.memory_space<vmem>> -> memref<128x128xf32, #tpu.memory_space<vmem>>
      %dma_wait3A_101 = arith.constant 0 : i32
      %dma_wait3A_102 = tpu.memref_slice %arg11[%dma_wait3A_96, %dma_wait3A_101] : memref<8x128xi32, #tpu.memory_space<vmem>> -> memref<1x128xi32, #tpu.memory_space<vmem>>
      %dma_wait3A_103 = tpu.memref_squeeze %dma_wait3A_102 : memref<1x128xi32, #tpu.memory_space<vmem>> -> memref<128xi32, #tpu.memory_space<vmem>>
      %dma_wait3A_104 = arith.constant 0 : i32
      %dma_wait3A_105 = arith.constant 0 : i32
      %dma_wait3A_106 = tpu.memref_slice %arg9[%dma_wait3A_104, %dma_wait3A_105] : memref<10240x128xf32, #tpu.memory_space<vmem_shared>> -> memref<10240x128xf32, #tpu.memory_space<vmem_shared>>
      tpu.wait_indirect_dma semaphore(%arg14 : memref<!tpu.dma_semaphore, #tpu.memory_space<semaphore_mem>>) src(%dma_wait3A_100 : memref<128x128xf32, #tpu.memory_space<vmem>>) dst(%dma_wait3A_106 : memref<10240x128xf32, #tpu.memory_space<vmem_shared>>)
      %dma_start3A_107 = arith.constant 2 : i32
      %dma_start3A_108 = arith.constant 0 : i32
      %dma_start3A_109 = arith.constant 0 : i32
      %dma_start3A_110 = arith.constant 0 : i32
      %dma_start3A_111 = tpu.memref_slice %arg12[%dma_start3A_108, %dma_start3A_109, %dma_start3A_110] : memref<2x128x128xf32, #tpu.memory_space<vmem>> -> memref<1x128x128xf32, #tpu.memory_space<vmem>>
      %dma_start3A_112 = tpu.memref_squeeze %dma_start3A_111 : memref<1x128x128xf32, #tpu.memory_space<vmem>> -> memref<128x128xf32, #tpu.memory_space<vmem>>
      %dma_start3A_113 = arith.constant 0 : i32
      %dma_start3A_114 = tpu.memref_slice %arg10[%dma_start3A_107, %dma_start3A_113] : memref<8x128xi32, #tpu.memory_space<vmem>> -> memref<1x128xi32, #tpu.memory_space<vmem>>
      %dma_start3A_115 = tpu.memref_squeeze %dma_start3A_114 : memref<1x128xi32, #tpu.memory_space<vmem>> -> memref<128xi32, #tpu.memory_space<vmem>>
      %dma_start3A_116 = arith.constant 0 : i32
      %dma_start3A_117 = arith.constant 0 : i32
      %dma_start3A_118 = tpu.memref_slice %arg2[%dma_start3A_116, %dma_start3A_117] : memref<10000x128xf32, #tpu.memory_space<hbm>> -> memref<10000x128xf32, #tpu.memory_space<hbm>>
      tpu.enqueue_indirect_dma source(%dma_start3A_118 : memref<10000x128xf32, #tpu.memory_space<hbm>>) target(%dma_start3A_112 : memref<128x128xf32, #tpu.memory_space<vmem>>) offsets(%dma_start3A_115 : memref<128xi32, #tpu.memory_space<vmem>>) semaphore(%arg13 : memref<!tpu.dma_semaphore, #tpu.memory_space<semaphore_mem>>)
      %dma_start3A_119 = arith.constant 1 : i32
      %dma_start3A_120 = arith.constant 1 : i32
      %dma_start3A_121 = arith.constant 0 : i32
      %dma_start3A_122 = arith.constant 0 : i32
      %dma_start3A_123 = tpu.memref_slice %arg12[%dma_start3A_119, %dma_start3A_121, %dma_start3A_122] : memref<2x128x128xf32, #tpu.memory_space<vmem>> -> memref<1x128x128xf32, #tpu.memory_space<vmem>>
      %dma_start3A_124 = tpu.memref_squeeze %dma_start3A_123 : memref<1x128x128xf32, #tpu.memory_space<vmem>> -> memref<128x128xf32, #tpu.memory_space<vmem>>
      %dma_start3A_125 = arith.constant 0 : i32
      %dma_start3A_126 = tpu.memref_slice %arg11[%dma_start3A_120, %dma_start3A_125] : memref<8x128xi32, #tpu.memory_space<vmem>> -> memref<1x128xi32, #tpu.memory_space<vmem>>
      %dma_start3A_127 = tpu.memref_squeeze %dma_start3A_126 : memref<1x128xi32, #tpu.memory_space<vmem>> -> memref<128xi32, #tpu.memory_space<vmem>>
      %dma_start3A_128 = arith.constant 0 : i32
      %dma_start3A_129 = arith.constant 0 : i32
      %dma_start3A_130 = tpu.memref_slice %arg9[%dma_start3A_128, %dma_start3A_129] : memref<10240x128xf32, #tpu.memory_space<vmem_shared>> -> memref<10240x128xf32, #tpu.memory_space<vmem_shared>>
      tpu.enqueue_indirect_dma source(%dma_start3A_124 : memref<128x128xf32, #tpu.memory_space<vmem>>) target(%dma_start3A_130 : memref<10240x128xf32, #tpu.memory_space<vmem_shared>>) offsets(%dma_start3A_127 : memref<128xi32, #tpu.memory_space<vmem>>) semaphore(%arg14 : memref<!tpu.dma_semaphore, #tpu.memory_space<semaphore_mem>>) {add = true}
      %dma_start3A_131 = arith.constant 1 : i32
      %dma_start3A_132 = arith.constant 0 : i32
      %dma_start3A_133 = tpu.memref_slice %arg11[%dma_start3A_131, %dma_start3A_132] : memref<8x128xi32, #tpu.memory_space<vmem>> -> memref<1x128xi32, #tpu.memory_space<vmem>>
      %dma_start3A_134 = tpu.memref_squeeze %dma_start3A_133 : memref<1x128xi32, #tpu.memory_space<vmem>> -> memref<128xi32, #tpu.memory_space<vmem>>
      %dma_start3A_135 = arith.constant 0 : i32
      %dma_start3A_136 = tpu.memref_slice %arg16[%dma_start3A_135] : memref<10240xf32, #tpu.memory_space<vmem_shared>> -> memref<10240xf32, #tpu.memory_space<vmem_shared>>
      tpu.enqueue_indirect_dma source(%arg17 : memref<128xf32, #tpu.memory_space<vmem>>) target(%dma_start3A_136 : memref<10240xf32, #tpu.memory_space<vmem_shared>>) offsets(%dma_start3A_134 : memref<128xi32, #tpu.memory_space<vmem>>) semaphore(%arg15 : memref<!tpu.dma_semaphore, #tpu.memory_space<semaphore_mem>>) {add = true}
      %dma_wait3A_137 = arith.constant 2 : i32
      %dma_wait3A_138 = arith.constant 0 : i32
      %dma_wait3A_139 = arith.constant 0 : i32
      %dma_wait3A_140 = arith.constant 0 : i32
      %dma_wait3A_141 = tpu.memref_slice %arg12[%dma_wait3A_138, %dma_wait3A_139, %dma_wait3A_140] : memref<2x128x128xf32, #tpu.memory_space<vmem>> -> memref<1x128x128xf32, #tpu.memory_space<vmem>>
      %dma_wait3A_142 = tpu.memref_squeeze %dma_wait3A_141 : memref<1x128x128xf32, #tpu.memory_space<vmem>> -> memref<128x128xf32, #tpu.memory_space<vmem>>
      %dma_wait3A_143 = arith.constant 0 : i32
      %dma_wait3A_144 = tpu.memref_slice %arg10[%dma_wait3A_137, %dma_wait3A_143] : memref<8x128xi32, #tpu.memory_space<vmem>> -> memref<1x128xi32, #tpu.memory_space<vmem>>
      %dma_wait3A_145 = tpu.memref_squeeze %dma_wait3A_144 : memref<1x128xi32, #tpu.memory_space<vmem>> -> memref<128xi32, #tpu.memory_space<vmem>>
      %dma_wait3A_146 = arith.constant 0 : i32
      %dma_wait3A_147 = arith.constant 0 : i32
      %dma_wait3A_148 = tpu.memref_slice %arg2[%dma_wait3A_146, %dma_wait3A_147] : memref<10000x128xf32, #tpu.memory_space<hbm>> -> memref<10000x128xf32, #tpu.memory_space<hbm>>
      tpu.wait_indirect_dma semaphore(%arg13 : memref<!tpu.dma_semaphore, #tpu.memory_space<semaphore_mem>>) src(%dma_wait3A_148 : memref<10000x128xf32, #tpu.memory_space<hbm>>) dst(%dma_wait3A_142 : memref<128x128xf32, #tpu.memory_space<vmem>>)
      %dma_wait3A_149 = arith.constant 1 : i32
      %dma_wait3A_150 = arith.constant 1 : i32
      %dma_wait3A_151 = arith.constant 0 : i32
      %dma_wait3A_152 = arith.constant 0 : i32
      %dma_wait3A_153 = tpu.memref_slice %arg12[%dma_wait3A_149, %dma_wait3A_151, %dma_wait3A_152] : memref<2x128x128xf32, #tpu.memory_space<vmem>> -> memref<1x128x128xf32, #tpu.memory_space<vmem>>
      %dma_wait3A_154 = tpu.memref_squeeze %dma_wait3A_153 : memref<1x128x128xf32, #tpu.memory_space<vmem>> -> memref<128x128xf32, #tpu.memory_space<vmem>>
      %dma_wait3A_155 = arith.constant 0 : i32
      %dma_wait3A_156 = tpu.memref_slice %arg11[%dma_wait3A_150, %dma_wait3A_155] : memref<8x128xi32, #tpu.memory_space<vmem>> -> memref<1x128xi32, #tpu.memory_space<vmem>>
      %dma_wait3A_157 = tpu.memref_squeeze %dma_wait3A_156 : memref<1x128xi32, #tpu.memory_space<vmem>> -> memref<128xi32, #tpu.memory_space<vmem>>
      %dma_wait3A_158 = arith.constant 0 : i32
      %dma_wait3A_159 = arith.constant 0 : i32
      %dma_wait3A_160 = tpu.memref_slice %arg9[%dma_wait3A_158, %dma_wait3A_159] : memref<10240x128xf32, #tpu.memory_space<vmem_shared>> -> memref<10240x128xf32, #tpu.memory_space<vmem_shared>>
      tpu.wait_indirect_dma semaphore(%arg14 : memref<!tpu.dma_semaphore, #tpu.memory_space<semaphore_mem>>) src(%dma_wait3A_154 : memref<128x128xf32, #tpu.memory_space<vmem>>) dst(%dma_wait3A_160 : memref<10240x128xf32, #tpu.memory_space<vmem_shared>>)
      %dma_start3A_161 = arith.constant 3 : i32
      %dma_start3A_162 = arith.constant 1 : i32
      %dma_start3A_163 = arith.constant 0 : i32
      %dma_start3A_164 = arith.constant 0 : i32
      %dma_start3A_165 = tpu.memref_slice %arg12[%dma_start3A_162, %dma_start3A_163, %dma_start3A_164] : memref<2x128x128xf32, #tpu.memory_space<vmem>> -> memref<1x128x128xf32, #tpu.memory_space<vmem>>
      %dma_start3A_166 = tpu.memref_squeeze %dma_start3A_165 : memref<1x128x128xf32, #tpu.memory_space<vmem>> -> memref<128x128xf32, #tpu.memory_space<vmem>>
      %dma_start3A_167 = arith.constant 0 : i32
      %dma_start3A_168 = tpu.memref_slice %arg10[%dma_start3A_161, %dma_start3A_167] : memref<8x128xi32, #tpu.memory_space<vmem>> -> memref<1x128xi32, #tpu.memory_space<vmem>>
      %dma_start3A_169 = tpu.memref_squeeze %dma_start3A_168 : memref<1x128xi32, #tpu.memory_space<vmem>> -> memref<128xi32, #tpu.memory_space<vmem>>
      %dma_start3A_170 = arith.constant 0 : i32
      %dma_start3A_171 = arith.constant 0 : i32
      %dma_start3A_172 = tpu.memref_slice %arg2[%dma_start3A_170, %dma_start3A_171] : memref<10000x128xf32, #tpu.memory_space<hbm>> -> memref<10000x128xf32, #tpu.memory_space<hbm>>
      tpu.enqueue_indirect_dma source(%dma_start3A_172 : memref<10000x128xf32, #tpu.memory_space<hbm>>) target(%dma_start3A_166 : memref<128x128xf32, #tpu.memory_space<vmem>>) offsets(%dma_start3A_169 : memref<128xi32, #tpu.memory_space<vmem>>) semaphore(%arg13 : memref<!tpu.dma_semaphore, #tpu.memory_space<semaphore_mem>>)
      %dma_start3A_173 = arith.constant 0 : i32
      %dma_start3A_174 = arith.constant 2 : i32
      %dma_start3A_175 = arith.constant 0 : i32
      %dma_start3A_176 = arith.constant 0 : i32
      %dma_start3A_177 = tpu.memref_slice %arg12[%dma_start3A_173, %dma_start3A_175, %dma_start3A_176] : memref<2x128x128xf32, #tpu.memory_space<vmem>> -> memref<1x128x128xf32, #tpu.memory_space<vmem>>
      %dma_start3A_178 = tpu.memref_squeeze %dma_start3A_177 : memref<1x128x128xf32, #tpu.memory_space<vmem>> -> memref<128x128xf32, #tpu.memory_space<vmem>>
      %dma_start3A_179 = arith.constant 0 : i32
      %dma_start3A_180 = tpu.memref_slice %arg11[%dma_start3A_174, %dma_start3A_179] : memref<8x128xi32, #tpu.memory_space<vmem>> -> memref<1x128xi32, #tpu.memory_space<vmem>>
      %dma_start3A_181 = tpu.memref_squeeze %dma_start3A_180 : memref<1x128xi32, #tpu.memory_space<vmem>> -> memref<128xi32, #tpu.memory_space<vmem>>
      %dma_start3A_182 = arith.constant 0 : i32
      %dma_start3A_183 = arith.constant 0 : i32
      %dma_start3A_184 = tpu.memref_slice %arg9[%dma_start3A_182, %dma_start3A_183] : memref<10240x128xf32, #tpu.memory_space<vmem_shared>> -> memref<10240x128xf32, #tpu.memory_space<vmem_shared>>
      tpu.enqueue_indirect_dma source(%dma_start3A_178 : memref<128x128xf32, #tpu.memory_space<vmem>>) target(%dma_start3A_184 : memref<10240x128xf32, #tpu.memory_space<vmem_shared>>) offsets(%dma_start3A_181 : memref<128xi32, #tpu.memory_space<vmem>>) semaphore(%arg14 : memref<!tpu.dma_semaphore, #tpu.memory_space<semaphore_mem>>) {add = true}
      %dma_start3A_185 = arith.constant 2 : i32
      %dma_start3A_186 = arith.constant 0 : i32
      %dma_start3A_187 = tpu.memref_slice %arg11[%dma_start3A_185, %dma_start3A_186] : memref<8x128xi32, #tpu.memory_space<vmem>> -> memref<1x128xi32, #tpu.memory_space<vmem>>
      %dma_start3A_188 = tpu.memref_squeeze %dma_start3A_187 : memref<1x128xi32, #tpu.memory_space<vmem>> -> memref<128xi32, #tpu.memory_space<vmem>>
      %dma_start3A_189 = arith.constant 0 : i32
      %dma_start3A_190 = tpu.memref_slice %arg16[%dma_start3A_189] : memref<10240xf32, #tpu.memory_space<vmem_shared>> -> memref<10240xf32, #tpu.memory_space<vmem_shared>>
      tpu.enqueue_indirect_dma source(%arg17 : memref<128xf32, #tpu.memory_space<vmem>>) target(%dma_start3A_190 : memref<10240xf32, #tpu.memory_space<vmem_shared>>) offsets(%dma_start3A_188 : memref<128xi32, #tpu.memory_space<vmem>>) semaphore(%arg15 : memref<!tpu.dma_semaphore, #tpu.memory_space<semaphore_mem>>) {add = true}
      %dma_wait3A_191 = arith.constant 3 : i32
      %dma_wait3A_192 = arith.constant 1 : i32
      %dma_wait3A_193 = arith.constant 0 : i32
      %dma_wait3A_194 = arith.constant 0 : i32
      %dma_wait3A_195 = tpu.memref_slice %arg12[%dma_wait3A_192, %dma_wait3A_193, %dma_wait3A_194] : memref<2x128x128xf32, #tpu.memory_space<vmem>> -> memref<1x128x128xf32, #tpu.memory_space<vmem>>
      %dma_wait3A_196 = tpu.memref_squeeze %dma_wait3A_195 : memref<1x128x128xf32, #tpu.memory_space<vmem>> -> memref<128x128xf32, #tpu.memory_space<vmem>>
      %dma_wait3A_197 = arith.constant 0 : i32
      %dma_wait3A_198 = tpu.memref_slice %arg10[%dma_wait3A_191, %dma_wait3A_197] : memref<8x128xi32, #tpu.memory_space<vmem>> -> memref<1x128xi32, #tpu.memory_space<vmem>>
      %dma_wait3A_199 = tpu.memref_squeeze %dma_wait3A_198 : memref<1x128xi32, #tpu.memory_space<vmem>> -> memref<128xi32, #tpu.memory_space<vmem>>
      %dma_wait3A_200 = arith.constant 0 : i32
      %dma_wait3A_201 = arith.constant 0 : i32
      %dma_wait3A_202 = tpu.memref_slice %arg2[%dma_wait3A_200, %dma_wait3A_201] : memref<10000x128xf32, #tpu.memory_space<hbm>> -> memref<10000x128xf32, #tpu.memory_space<hbm>>
      tpu.wait_indirect_dma semaphore(%arg13 : memref<!tpu.dma_semaphore, #tpu.memory_space<semaphore_mem>>) src(%dma_wait3A_202 : memref<10000x128xf32, #tpu.memory_space<hbm>>) dst(%dma_wait3A_196 : memref<128x128xf32, #tpu.memory_space<vmem>>)
      %dma_wait3A_203 = arith.constant 0 : i32
      %dma_wait3A_204 = arith.constant 2 : i32
      %dma_wait3A_205 = arith.constant 0 : i32
      %dma_wait3A_206 = arith.constant 0 : i32
      %dma_wait3A_207 = tpu.memref_slice %arg12[%dma_wait3A_203, %dma_wait3A_205, %dma_wait3A_206] : memref<2x128x128xf32, #tpu.memory_space<vmem>> -> memref<1x128x128xf32, #tpu.memory_space<vmem>>
      %dma_wait3A_208 = tpu.memref_squeeze %dma_wait3A_207 : memref<1x128x128xf32, #tpu.memory_space<vmem>> -> memref<128x128xf32, #tpu.memory_space<vmem>>
      %dma_wait3A_209 = arith.constant 0 : i32
      %dma_wait3A_210 = tpu.memref_slice %arg11[%dma_wait3A_204, %dma_wait3A_209] : memref<8x128xi32, #tpu.memory_space<vmem>> -> memref<1x128xi32, #tpu.memory_space<vmem>>
      %dma_wait3A_211 = tpu.memref_squeeze %dma_wait3A_210 : memref<1x128xi32, #tpu.memory_space<vmem>> -> memref<128xi32, #tpu.memory_space<vmem>>
      %dma_wait3A_212 = arith.constant 0 : i32
      %dma_wait3A_213 = arith.constant 0 : i32
      %dma_wait3A_214 = tpu.memref_slice %arg9[%dma_wait3A_212, %dma_wait3A_213] : memref<10240x128xf32, #tpu.memory_space<vmem_shared>> -> memref<10240x128xf32, #tpu.memory_space<vmem_shared>>
      tpu.wait_indirect_dma semaphore(%arg14 : memref<!tpu.dma_semaphore, #tpu.memory_space<semaphore_mem>>) src(%dma_wait3A_208 : memref<128x128xf32, #tpu.memory_space<vmem>>) dst(%dma_wait3A_214 : memref<10240x128xf32, #tpu.memory_space<vmem_shared>>)
      %dma_start3A_215 = arith.constant 4 : i32
      %dma_start3A_216 = arith.constant 0 : i32
      %dma_start3A_217 = arith.constant 0 : i32
      %dma_start3A_218 = arith.constant 0 : i32
      %dma_start3A_219 = tpu.memref_slice %arg12[%dma_start3A_216, %dma_start3A_217, %dma_start3A_218] : memref<2x128x128xf32, #tpu.memory_space<vmem>> -> memref<1x128x128xf32, #tpu.memory_space<vmem>>
      %dma_start3A_220 = tpu.memref_squeeze %dma_start3A_219 : memref<1x128x128xf32, #tpu.memory_space<vmem>> -> memref<128x128xf32, #tpu.memory_space<vmem>>
      %dma_start3A_221 = arith.constant 0 : i32
      %dma_start3A_222 = tpu.memref_slice %arg10[%dma_start3A_215, %dma_start3A_221] : memref<8x128xi32, #tpu.memory_space<vmem>> -> memref<1x128xi32, #tpu.memory_space<vmem>>
      %dma_start3A_223 = tpu.memref_squeeze %dma_start3A_222 : memref<1x128xi32, #tpu.memory_space<vmem>> -> memref<128xi32, #tpu.memory_space<vmem>>
      %dma_start3A_224 = arith.constant 0 : i32
      %dma_start3A_225 = arith.constant 0 : i32
      %dma_start3A_226 = tpu.memref_slice %arg2[%dma_start3A_224, %dma_start3A_225] : memref<10000x128xf32, #tpu.memory_space<hbm>> -> memref<10000x128xf32, #tpu.memory_space<hbm>>
      tpu.enqueue_indirect_dma source(%dma_start3A_226 : memref<10000x128xf32, #tpu.memory_space<hbm>>) target(%dma_start3A_220 : memref<128x128xf32, #tpu.memory_space<vmem>>) offsets(%dma_start3A_223 : memref<128xi32, #tpu.memory_space<vmem>>) semaphore(%arg13 : memref<!tpu.dma_semaphore, #tpu.memory_space<semaphore_mem>>)
      %dma_start3A_227 = arith.constant 1 : i32
      %dma_start3A_228 = arith.constant 3 : i32
      %dma_start3A_229 = arith.constant 0 : i32
      %dma_start3A_230 = arith.constant 0 : i32
      %dma_start3A_231 = tpu.memref_slice %arg12[%dma_start3A_227, %dma_start3A_229, %dma_start3A_230] : memref<2x128x128xf32, #tpu.memory_space<vmem>> -> memref<1x128x128xf32, #tpu.memory_space<vmem>>
      %dma_start3A_232 = tpu.memref_squeeze %dma_start3A_231 : memref<1x128x128xf32, #tpu.memory_space<vmem>> -> memref<128x128xf32, #tpu.memory_space<vmem>>
      %dma_start3A_233 = arith.constant 0 : i32
      %dma_start3A_234 = tpu.memref_slice %arg11[%dma_start3A_228, %dma_start3A_233] : memref<8x128xi32, #tpu.memory_space<vmem>> -> memref<1x128xi32, #tpu.memory_space<vmem>>
      %dma_start3A_235 = tpu.memref_squeeze %dma_start3A_234 : memref<1x128xi32, #tpu.memory_space<vmem>> -> memref<128xi32, #tpu.memory_space<vmem>>
      %dma_start3A_236 = arith.constant 0 : i32
      %dma_start3A_237 = arith.constant 0 : i32
      %dma_start3A_238 = tpu.memref_slice %arg9[%dma_start3A_236, %dma_start3A_237] : memref<10240x128xf32, #tpu.memory_space<vmem_shared>> -> memref<10240x128xf32, #tpu.memory_space<vmem_shared>>
      tpu.enqueue_indirect_dma source(%dma_start3A_232 : memref<128x128xf32, #tpu.memory_space<vmem>>) target(%dma_start3A_238 : memref<10240x128xf32, #tpu.memory_space<vmem_shared>>) offsets(%dma_start3A_235 : memref<128xi32, #tpu.memory_space<vmem>>) semaphore(%arg14 : memref<!tpu.dma_semaphore, #tpu.memory_space<semaphore_mem>>) {add = true}
      %dma_start3A_239 = arith.constant 3 : i32
      %dma_start3A_240 = arith.constant 0 : i32
      %dma_start3A_241 = tpu.memref_slice %arg11[%dma_start3A_239, %dma_start3A_240] : memref<8x128xi32, #tpu.memory_space<vmem>> -> memref<1x128xi32, #tpu.memory_space<vmem>>
      %dma_start3A_242 = tpu.memref_squeeze %dma_start3A_241 : memref<1x128xi32, #tpu.memory_space<vmem>> -> memref<128xi32, #tpu.memory_space<vmem>>
      %dma_start3A_243 = arith.constant 0 : i32
      %dma_start3A_244 = tpu.memref_slice %arg16[%dma_start3A_243] : memref<10240xf32, #tpu.memory_space<vmem_shared>> -> memref<10240xf32, #tpu.memory_space<vmem_shared>>
      tpu.enqueue_indirect_dma source(%arg17 : memref<128xf32, #tpu.memory_space<vmem>>) target(%dma_start3A_244 : memref<10240xf32, #tpu.memory_space<vmem_shared>>) offsets(%dma_start3A_242 : memref<128xi32, #tpu.memory_space<vmem>>) semaphore(%arg15 : memref<!tpu.dma_semaphore, #tpu.memory_space<semaphore_mem>>) {add = true}
      %dma_wait3A_245 = arith.constant 4 : i32
      %dma_wait3A_246 = arith.constant 0 : i32
      %dma_wait3A_247 = arith.constant 0 : i32
      %dma_wait3A_248 = arith.constant 0 : i32
      %dma_wait3A_249 = tpu.memref_slice %arg12[%dma_wait3A_246, %dma_wait3A_247, %dma_wait3A_248] : memref<2x128x128xf32, #tpu.memory_space<vmem>> -> memref<1x128x128xf32, #tpu.memory_space<vmem>>
      %dma_wait3A_250 = tpu.memref_squeeze %dma_wait3A_249 : memref<1x128x128xf32, #tpu.memory_space<vmem>> -> memref<128x128xf32, #tpu.memory_space<vmem>>
      %dma_wait3A_251 = arith.constant 0 : i32
      %dma_wait3A_252 = tpu.memref_slice %arg10[%dma_wait3A_245, %dma_wait3A_251] : memref<8x128xi32, #tpu.memory_space<vmem>> -> memref<1x128xi32, #tpu.memory_space<vmem>>
      %dma_wait3A_253 = tpu.memref_squeeze %dma_wait3A_252 : memref<1x128xi32, #tpu.memory_space<vmem>> -> memref<128xi32, #tpu.memory_space<vmem>>
      %dma_wait3A_254 = arith.constant 0 : i32
      %dma_wait3A_255 = arith.constant 0 : i32
      %dma_wait3A_256 = tpu.memref_slice %arg2[%dma_wait3A_254, %dma_wait3A_255] : memref<10000x128xf32, #tpu.memory_space<hbm>> -> memref<10000x128xf32, #tpu.memory_space<hbm>>
      tpu.wait_indirect_dma semaphore(%arg13 : memref<!tpu.dma_semaphore, #tpu.memory_space<semaphore_mem>>) src(%dma_wait3A_256 : memref<10000x128xf32, #tpu.memory_space<hbm>>) dst(%dma_wait3A_250 : memref<128x128xf32, #tpu.memory_space<vmem>>)
      %dma_wait3A_257 = arith.constant 1 : i32
      %dma_wait3A_258 = arith.constant 3 : i32
      %dma_wait3A_259 = arith.constant 0 : i32
      %dma_wait3A_260 = arith.constant 0 : i32
      %dma_wait3A_261 = tpu.memref_slice %arg12[%dma_wait3A_257, %dma_wait3A_259, %dma_wait3A_260] : memref<2x128x128xf32, #tpu.memory_space<vmem>> -> memref<1x128x128xf32, #tpu.memory_space<vmem>>
      %dma_wait3A_262 = tpu.memref_squeeze %dma_wait3A_261 : memref<1x128x128xf32, #tpu.memory_space<vmem>> -> memref<128x128xf32, #tpu.memory_space<vmem>>
      %dma_wait3A_263 = arith.constant 0 : i32
      %dma_wait3A_264 = tpu.memref_slice %arg11[%dma_wait3A_258, %dma_wait3A_263] : memref<8x128xi32, #tpu.memory_space<vmem>> -> memref<1x128xi32, #tpu.memory_space<vmem>>
      %dma_wait3A_265 = tpu.memref_squeeze %dma_wait3A_264 : memref<1x128xi32, #tpu.memory_space<vmem>> -> memref<128xi32, #tpu.memory_space<vmem>>
      %dma_wait3A_266 = arith.constant 0 : i32
      %dma_wait3A_267 = arith.constant 0 : i32
      %dma_wait3A_268 = tpu.memref_slice %arg9[%dma_wait3A_266, %dma_wait3A_267] : memref<10240x128xf32, #tpu.memory_space<vmem_shared>> -> memref<10240x128xf32, #tpu.memory_space<vmem_shared>>
      tpu.wait_indirect_dma semaphore(%arg14 : memref<!tpu.dma_semaphore, #tpu.memory_space<semaphore_mem>>) src(%dma_wait3A_262 : memref<128x128xf32, #tpu.memory_space<vmem>>) dst(%dma_wait3A_268 : memref<10240x128xf32, #tpu.memory_space<vmem_shared>>)
      %dma_start3A_269 = arith.constant 5 : i32
      %dma_start3A_270 = arith.constant 1 : i32
      %dma_start3A_271 = arith.constant 0 : i32
      %dma_start3A_272 = arith.constant 0 : i32
      %dma_start3A_273 = tpu.memref_slice %arg12[%dma_start3A_270, %dma_start3A_271, %dma_start3A_272] : memref<2x128x128xf32, #tpu.memory_space<vmem>> -> memref<1x128x128xf32, #tpu.memory_space<vmem>>
      %dma_start3A_274 = tpu.memref_squeeze %dma_start3A_273 : memref<1x128x128xf32, #tpu.memory_space<vmem>> -> memref<128x128xf32, #tpu.memory_space<vmem>>
      %dma_start3A_275 = arith.constant 0 : i32
      %dma_start3A_276 = tpu.memref_slice %arg10[%dma_start3A_269, %dma_start3A_275] : memref<8x128xi32, #tpu.memory_space<vmem>> -> memref<1x128xi32, #tpu.memory_space<vmem>>
      %dma_start3A_277 = tpu.memref_squeeze %dma_start3A_276 : memref<1x128xi32, #tpu.memory_space<vmem>> -> memref<128xi32, #tpu.memory_space<vmem>>
      %dma_start3A_278 = arith.constant 0 : i32
      %dma_start3A_279 = arith.constant 0 : i32
      %dma_start3A_280 = tpu.memref_slice %arg2[%dma_start3A_278, %dma_start3A_279] : memref<10000x128xf32, #tpu.memory_space<hbm>> -> memref<10000x128xf32, #tpu.memory_space<hbm>>
      tpu.enqueue_indirect_dma source(%dma_start3A_280 : memref<10000x128xf32, #tpu.memory_space<hbm>>) target(%dma_start3A_274 : memref<128x128xf32, #tpu.memory_space<vmem>>) offsets(%dma_start3A_277 : memref<128xi32, #tpu.memory_space<vmem>>) semaphore(%arg13 : memref<!tpu.dma_semaphore, #tpu.memory_space<semaphore_mem>>)
      %dma_start3A_281 = arith.constant 0 : i32
      %dma_start3A_282 = arith.constant 4 : i32
      %dma_start3A_283 = arith.constant 0 : i32
      %dma_start3A_284 = arith.constant 0 : i32
      %dma_start3A_285 = tpu.memref_slice %arg12[%dma_start3A_281, %dma_start3A_283, %dma_start3A_284] : memref<2x128x128xf32, #tpu.memory_space<vmem>> -> memref<1x128x128xf32, #tpu.memory_space<vmem>>
      %dma_start3A_286 = tpu.memref_squeeze %dma_start3A_285 : memref<1x128x128xf32, #tpu.memory_space<vmem>> -> memref<128x128xf32, #tpu.memory_space<vmem>>
      %dma_start3A_287 = arith.constant 0 : i32
      %dma_start3A_288 = tpu.memref_slice %arg11[%dma_start3A_282, %dma_start3A_287] : memref<8x128xi32, #tpu.memory_space<vmem>> -> memref<1x128xi32, #tpu.memory_space<vmem>>
      %dma_start3A_289 = tpu.memref_squeeze %dma_start3A_288 : memref<1x128xi32, #tpu.memory_space<vmem>> -> memref<128xi32, #tpu.memory_space<vmem>>
      %dma_start3A_290 = arith.constant 0 : i32
      %dma_start3A_291 = arith.constant 0 : i32
      %dma_start3A_292 = tpu.memref_slice %arg9[%dma_start3A_290, %dma_start3A_291] : memref<10240x128xf32, #tpu.memory_space<vmem_shared>> -> memref<10240x128xf32, #tpu.memory_space<vmem_shared>>
      tpu.enqueue_indirect_dma source(%dma_start3A_286 : memref<128x128xf32, #tpu.memory_space<vmem>>) target(%dma_start3A_292 : memref<10240x128xf32, #tpu.memory_space<vmem_shared>>) offsets(%dma_start3A_289 : memref<128xi32, #tpu.memory_space<vmem>>) semaphore(%arg14 : memref<!tpu.dma_semaphore, #tpu.memory_space<semaphore_mem>>) {add = true}
      %dma_start3A_293 = arith.constant 4 : i32
      %dma_start3A_294 = arith.constant 0 : i32
      %dma_start3A_295 = tpu.memref_slice %arg11[%dma_start3A_293, %dma_start3A_294] : memref<8x128xi32, #tpu.memory_space<vmem>> -> memref<1x128xi32, #tpu.memory_space<vmem>>
      %dma_start3A_296 = tpu.memref_squeeze %dma_start3A_295 : memref<1x128xi32, #tpu.memory_space<vmem>> -> memref<128xi32, #tpu.memory_space<vmem>>
      %dma_start3A_297 = arith.constant 0 : i32
      %dma_start3A_298 = tpu.memref_slice %arg16[%dma_start3A_297] : memref<10240xf32, #tpu.memory_space<vmem_shared>> -> memref<10240xf32, #tpu.memory_space<vmem_shared>>
      tpu.enqueue_indirect_dma source(%arg17 : memref<128xf32, #tpu.memory_space<vmem>>) target(%dma_start3A_298 : memref<10240xf32, #tpu.memory_space<vmem_shared>>) offsets(%dma_start3A_296 : memref<128xi32, #tpu.memory_space<vmem>>) semaphore(%arg15 : memref<!tpu.dma_semaphore, #tpu.memory_space<semaphore_mem>>) {add = true}
      %dma_wait3A_299 = arith.constant 5 : i32
      %dma_wait3A_300 = arith.constant 1 : i32
      %dma_wait3A_301 = arith.constant 0 : i32
      %dma_wait3A_302 = arith.constant 0 : i32
      %dma_wait3A_303 = tpu.memref_slice %arg12[%dma_wait3A_300, %dma_wait3A_301, %dma_wait3A_302] : memref<2x128x128xf32, #tpu.memory_space<vmem>> -> memref<1x128x128xf32, #tpu.memory_space<vmem>>
      %dma_wait3A_304 = tpu.memref_squeeze %dma_wait3A_303 : memref<1x128x128xf32, #tpu.memory_space<vmem>> -> memref<128x128xf32, #tpu.memory_space<vmem>>
      %dma_wait3A_305 = arith.constant 0 : i32
      %dma_wait3A_306 = tpu.memref_slice %arg10[%dma_wait3A_299, %dma_wait3A_305] : memref<8x128xi32, #tpu.memory_space<vmem>> -> memref<1x128xi32, #tpu.memory_space<vmem>>
      %dma_wait3A_307 = tpu.memref_squeeze %dma_wait3A_306 : memref<1x128xi32, #tpu.memory_space<vmem>> -> memref<128xi32, #tpu.memory_space<vmem>>
      %dma_wait3A_308 = arith.constant 0 : i32
      %dma_wait3A_309 = arith.constant 0 : i32
      %dma_wait3A_310 = tpu.memref_slice %arg2[%dma_wait3A_308, %dma_wait3A_309] : memref<10000x128xf32, #tpu.memory_space<hbm>> -> memref<10000x128xf32, #tpu.memory_space<hbm>>
      tpu.wait_indirect_dma semaphore(%arg13 : memref<!tpu.dma_semaphore, #tpu.memory_space<semaphore_mem>>) src(%dma_wait3A_310 : memref<10000x128xf32, #tpu.memory_space<hbm>>) dst(%dma_wait3A_304 : memref<128x128xf32, #tpu.memory_space<vmem>>)
      %dma_wait3A_311 = arith.constant 0 : i32
      %dma_wait3A_312 = arith.constant 4 : i32
      %dma_wait3A_313 = arith.constant 0 : i32
      %dma_wait3A_314 = arith.constant 0 : i32
      %dma_wait3A_315 = tpu.memref_slice %arg12[%dma_wait3A_311, %dma_wait3A_313, %dma_wait3A_314] : memref<2x128x128xf32, #tpu.memory_space<vmem>> -> memref<1x128x128xf32, #tpu.memory_space<vmem>>
      %dma_wait3A_316 = tpu.memref_squeeze %dma_wait3A_315 : memref<1x128x128xf32, #tpu.memory_space<vmem>> -> memref<128x128xf32, #tpu.memory_space<vmem>>
      %dma_wait3A_317 = arith.constant 0 : i32
      %dma_wait3A_318 = tpu.memref_slice %arg11[%dma_wait3A_312, %dma_wait3A_317] : memref<8x128xi32, #tpu.memory_space<vmem>> -> memref<1x128xi32, #tpu.memory_space<vmem>>
      %dma_wait3A_319 = tpu.memref_squeeze %dma_wait3A_318 : memref<1x128xi32, #tpu.memory_space<vmem>> -> memref<128xi32, #tpu.memory_space<vmem>>
      %dma_wait3A_320 = arith.constant 0 : i32
      %dma_wait3A_321 = arith.constant 0 : i32
      %dma_wait3A_322 = tpu.memref_slice %arg9[%dma_wait3A_320, %dma_wait3A_321] : memref<10240x128xf32, #tpu.memory_space<vmem_shared>> -> memref<10240x128xf32, #tpu.memory_space<vmem_shared>>
      tpu.wait_indirect_dma semaphore(%arg14 : memref<!tpu.dma_semaphore, #tpu.memory_space<semaphore_mem>>) src(%dma_wait3A_316 : memref<128x128xf32, #tpu.memory_space<vmem>>) dst(%dma_wait3A_322 : memref<10240x128xf32, #tpu.memory_space<vmem_shared>>)
      %dma_start3A_323 = arith.constant 6 : i32
      %dma_start3A_324 = arith.constant 0 : i32
      %dma_start3A_325 = arith.constant 0 : i32
      %dma_start3A_326 = arith.constant 0 : i32
      %dma_start3A_327 = tpu.memref_slice %arg12[%dma_start3A_324, %dma_start3A_325, %dma_start3A_326] : memref<2x128x128xf32, #tpu.memory_space<vmem>> -> memref<1x128x128xf32, #tpu.memory_space<vmem>>
      %dma_start3A_328 = tpu.memref_squeeze %dma_start3A_327 : memref<1x128x128xf32, #tpu.memory_space<vmem>> -> memref<128x128xf32, #tpu.memory_space<vmem>>
      %dma_start3A_329 = arith.constant 0 : i32
      %dma_start3A_330 = tpu.memref_slice %arg10[%dma_start3A_323, %dma_start3A_329] : memref<8x128xi32, #tpu.memory_space<vmem>> -> memref<1x128xi32, #tpu.memory_space<vmem>>
      %dma_start3A_331 = tpu.memref_squeeze %dma_start3A_330 : memref<1x128xi32, #tpu.memory_space<vmem>> -> memref<128xi32, #tpu.memory_space<vmem>>
      %dma_start3A_332 = arith.constant 0 : i32
      %dma_start3A_333 = arith.constant 0 : i32
      %dma_start3A_334 = tpu.memref_slice %arg2[%dma_start3A_332, %dma_start3A_333] : memref<10000x128xf32, #tpu.memory_space<hbm>> -> memref<10000x128xf32, #tpu.memory_space<hbm>>
      tpu.enqueue_indirect_dma source(%dma_start3A_334 : memref<10000x128xf32, #tpu.memory_space<hbm>>) target(%dma_start3A_328 : memref<128x128xf32, #tpu.memory_space<vmem>>) offsets(%dma_start3A_331 : memref<128xi32, #tpu.memory_space<vmem>>) semaphore(%arg13 : memref<!tpu.dma_semaphore, #tpu.memory_space<semaphore_mem>>)
      %dma_start3A_335 = arith.constant 1 : i32
      %dma_start3A_336 = arith.constant 5 : i32
      %dma_start3A_337 = arith.constant 0 : i32
      %dma_start3A_338 = arith.constant 0 : i32
      %dma_start3A_339 = tpu.memref_slice %arg12[%dma_start3A_335, %dma_start3A_337, %dma_start3A_338] : memref<2x128x128xf32, #tpu.memory_space<vmem>> -> memref<1x128x128xf32, #tpu.memory_space<vmem>>
      %dma_start3A_340 = tpu.memref_squeeze %dma_start3A_339 : memref<1x128x128xf32, #tpu.memory_space<vmem>> -> memref<128x128xf32, #tpu.memory_space<vmem>>
      %dma_start3A_341 = arith.constant 0 : i32
      %dma_start3A_342 = tpu.memref_slice %arg11[%dma_start3A_336, %dma_start3A_341] : memref<8x128xi32, #tpu.memory_space<vmem>> -> memref<1x128xi32, #tpu.memory_space<vmem>>
      %dma_start3A_343 = tpu.memref_squeeze %dma_start3A_342 : memref<1x128xi32, #tpu.memory_space<vmem>> -> memref<128xi32, #tpu.memory_space<vmem>>
      %dma_start3A_344 = arith.constant 0 : i32
      %dma_start3A_345 = arith.constant 0 : i32
      %dma_start3A_346 = tpu.memref_slice %arg9[%dma_start3A_344, %dma_start3A_345] : memref<10240x128xf32, #tpu.memory_space<vmem_shared>> -> memref<10240x128xf32, #tpu.memory_space<vmem_shared>>
      tpu.enqueue_indirect_dma source(%dma_start3A_340 : memref<128x128xf32, #tpu.memory_space<vmem>>) target(%dma_start3A_346 : memref<10240x128xf32, #tpu.memory_space<vmem_shared>>) offsets(%dma_start3A_343 : memref<128xi32, #tpu.memory_space<vmem>>) semaphore(%arg14 : memref<!tpu.dma_semaphore, #tpu.memory_space<semaphore_mem>>) {add = true}
      %dma_start3A_347 = arith.constant 5 : i32
      %dma_start3A_348 = arith.constant 0 : i32
      %dma_start3A_349 = tpu.memref_slice %arg11[%dma_start3A_347, %dma_start3A_348] : memref<8x128xi32, #tpu.memory_space<vmem>> -> memref<1x128xi32, #tpu.memory_space<vmem>>
      %dma_start3A_350 = tpu.memref_squeeze %dma_start3A_349 : memref<1x128xi32, #tpu.memory_space<vmem>> -> memref<128xi32, #tpu.memory_space<vmem>>
      %dma_start3A_351 = arith.constant 0 : i32
      %dma_start3A_352 = tpu.memref_slice %arg16[%dma_start3A_351] : memref<10240xf32, #tpu.memory_space<vmem_shared>> -> memref<10240xf32, #tpu.memory_space<vmem_shared>>
      tpu.enqueue_indirect_dma source(%arg17 : memref<128xf32, #tpu.memory_space<vmem>>) target(%dma_start3A_352 : memref<10240xf32, #tpu.memory_space<vmem_shared>>) offsets(%dma_start3A_350 : memref<128xi32, #tpu.memory_space<vmem>>) semaphore(%arg15 : memref<!tpu.dma_semaphore, #tpu.memory_space<semaphore_mem>>) {add = true}
      %dma_wait3A_353 = arith.constant 6 : i32
      %dma_wait3A_354 = arith.constant 0 : i32
      %dma_wait3A_355 = arith.constant 0 : i32
      %dma_wait3A_356 = arith.constant 0 : i32
      %dma_wait3A_357 = tpu.memref_slice %arg12[%dma_wait3A_354, %dma_wait3A_355, %dma_wait3A_356] : memref<2x128x128xf32, #tpu.memory_space<vmem>> -> memref<1x128x128xf32, #tpu.memory_space<vmem>>
      %dma_wait3A_358 = tpu.memref_squeeze %dma_wait3A_357 : memref<1x128x128xf32, #tpu.memory_space<vmem>> -> memref<128x128xf32, #tpu.memory_space<vmem>>
      %dma_wait3A_359 = arith.constant 0 : i32
      %dma_wait3A_360 = tpu.memref_slice %arg10[%dma_wait3A_353, %dma_wait3A_359] : memref<8x128xi32, #tpu.memory_space<vmem>> -> memref<1x128xi32, #tpu.memory_space<vmem>>
      %dma_wait3A_361 = tpu.memref_squeeze %dma_wait3A_360 : memref<1x128xi32, #tpu.memory_space<vmem>> -> memref<128xi32, #tpu.memory_space<vmem>>
      %dma_wait3A_362 = arith.constant 0 : i32
      %dma_wait3A_363 = arith.constant 0 : i32
      %dma_wait3A_364 = tpu.memref_slice %arg2[%dma_wait3A_362, %dma_wait3A_363] : memref<10000x128xf32, #tpu.memory_space<hbm>> -> memref<10000x128xf32, #tpu.memory_space<hbm>>
      tpu.wait_indirect_dma semaphore(%arg13 : memref<!tpu.dma_semaphore, #tpu.memory_space<semaphore_mem>>) src(%dma_wait3A_364 : memref<10000x128xf32, #tpu.memory_space<hbm>>) dst(%dma_wait3A_358 : memref<128x128xf32, #tpu.memory_space<vmem>>)
      %dma_wait3A_365 = arith.constant 1 : i32
      %dma_wait3A_366 = arith.constant 5 : i32
      %dma_wait3A_367 = arith.constant 0 : i32
      %dma_wait3A_368 = arith.constant 0 : i32
      %dma_wait3A_369 = tpu.memref_slice %arg12[%dma_wait3A_365, %dma_wait3A_367, %dma_wait3A_368] : memref<2x128x128xf32, #tpu.memory_space<vmem>> -> memref<1x128x128xf32, #tpu.memory_space<vmem>>
      %dma_wait3A_370 = tpu.memref_squeeze %dma_wait3A_369 : memref<1x128x128xf32, #tpu.memory_space<vmem>> -> memref<128x128xf32, #tpu.memory_space<vmem>>
      %dma_wait3A_371 = arith.constant 0 : i32
      %dma_wait3A_372 = tpu.memref_slice %arg11[%dma_wait3A_366, %dma_wait3A_371] : memref<8x128xi32, #tpu.memory_space<vmem>> -> memref<1x128xi32, #tpu.memory_space<vmem>>
      %dma_wait3A_373 = tpu.memref_squeeze %dma_wait3A_372 : memref<1x128xi32, #tpu.memory_space<vmem>> -> memref<128xi32, #tpu.memory_space<vmem>>
      %dma_wait3A_374 = arith.constant 0 : i32
      %dma_wait3A_375 = arith.constant 0 : i32
      %dma_wait3A_376 = tpu.memref_slice %arg9[%dma_wait3A_374, %dma_wait3A_375] : memref<10240x128xf32, #tpu.memory_space<vmem_shared>> -> memref<10240x128xf32, #tpu.memory_space<vmem_shared>>
      tpu.wait_indirect_dma semaphore(%arg14 : memref<!tpu.dma_semaphore, #tpu.memory_space<semaphore_mem>>) src(%dma_wait3A_370 : memref<128x128xf32, #tpu.memory_space<vmem>>) dst(%dma_wait3A_376 : memref<10240x128xf32, #tpu.memory_space<vmem_shared>>)
      %dma_start3A_377 = arith.constant 7 : i32
      %dma_start3A_378 = arith.constant 1 : i32
      %dma_start3A_379 = arith.constant 0 : i32
      %dma_start3A_380 = arith.constant 0 : i32
      %dma_start3A_381 = tpu.memref_slice %arg12[%dma_start3A_378, %dma_start3A_379, %dma_start3A_380] : memref<2x128x128xf32, #tpu.memory_space<vmem>> -> memref<1x128x128xf32, #tpu.memory_space<vmem>>
      %dma_start3A_382 = tpu.memref_squeeze %dma_start3A_381 : memref<1x128x128xf32, #tpu.memory_space<vmem>> -> memref<128x128xf32, #tpu.memory_space<vmem>>
      %dma_start3A_383 = arith.constant 0 : i32
      %dma_start3A_384 = tpu.memref_slice %arg10[%dma_start3A_377, %dma_start3A_383] : memref<8x128xi32, #tpu.memory_space<vmem>> -> memref<1x128xi32, #tpu.memory_space<vmem>>
      %dma_start3A_385 = tpu.memref_squeeze %dma_start3A_384 : memref<1x128xi32, #tpu.memory_space<vmem>> -> memref<128xi32, #tpu.memory_space<vmem>>
      %dma_start3A_386 = arith.constant 0 : i32
      %dma_start3A_387 = arith.constant 0 : i32
      %dma_start3A_388 = tpu.memref_slice %arg2[%dma_start3A_386, %dma_start3A_387] : memref<10000x128xf32, #tpu.memory_space<hbm>> -> memref<10000x128xf32, #tpu.memory_space<hbm>>
      tpu.enqueue_indirect_dma source(%dma_start3A_388 : memref<10000x128xf32, #tpu.memory_space<hbm>>) target(%dma_start3A_382 : memref<128x128xf32, #tpu.memory_space<vmem>>) offsets(%dma_start3A_385 : memref<128xi32, #tpu.memory_space<vmem>>) semaphore(%arg13 : memref<!tpu.dma_semaphore, #tpu.memory_space<semaphore_mem>>)
      %dma_start3A_389 = arith.constant 0 : i32
      %dma_start3A_390 = arith.constant 6 : i32
      %dma_start3A_391 = arith.constant 0 : i32
      %dma_start3A_392 = arith.constant 0 : i32
      %dma_start3A_393 = tpu.memref_slice %arg12[%dma_start3A_389, %dma_start3A_391, %dma_start3A_392] : memref<2x128x128xf32, #tpu.memory_space<vmem>> -> memref<1x128x128xf32, #tpu.memory_space<vmem>>
      %dma_start3A_394 = tpu.memref_squeeze %dma_start3A_393 : memref<1x128x128xf32, #tpu.memory_space<vmem>> -> memref<128x128xf32, #tpu.memory_space<vmem>>
      %dma_start3A_395 = arith.constant 0 : i32
      %dma_start3A_396 = tpu.memref_slice %arg11[%dma_start3A_390, %dma_start3A_395] : memref<8x128xi32, #tpu.memory_space<vmem>> -> memref<1x128xi32, #tpu.memory_space<vmem>>
      %dma_start3A_397 = tpu.memref_squeeze %dma_start3A_396 : memref<1x128xi32, #tpu.memory_space<vmem>> -> memref<128xi32, #tpu.memory_space<vmem>>
      %dma_start3A_398 = arith.constant 0 : i32
      %dma_start3A_399 = arith.constant 0 : i32
      %dma_start3A_400 = tpu.memref_slice %arg9[%dma_start3A_398, %dma_start3A_399] : memref<10240x128xf32, #tpu.memory_space<vmem_shared>> -> memref<10240x128xf32, #tpu.memory_space<vmem_shared>>
      tpu.enqueue_indirect_dma source(%dma_start3A_394 : memref<128x128xf32, #tpu.memory_space<vmem>>) target(%dma_start3A_400 : memref<10240x128xf32, #tpu.memory_space<vmem_shared>>) offsets(%dma_start3A_397 : memref<128xi32, #tpu.memory_space<vmem>>) semaphore(%arg14 : memref<!tpu.dma_semaphore, #tpu.memory_space<semaphore_mem>>) {add = true}
      %dma_start3A_401 = arith.constant 6 : i32
      %dma_start3A_402 = arith.constant 0 : i32
      %dma_start3A_403 = tpu.memref_slice %arg11[%dma_start3A_401, %dma_start3A_402] : memref<8x128xi32, #tpu.memory_space<vmem>> -> memref<1x128xi32, #tpu.memory_space<vmem>>
      %dma_start3A_404 = tpu.memref_squeeze %dma_start3A_403 : memref<1x128xi32, #tpu.memory_space<vmem>> -> memref<128xi32, #tpu.memory_space<vmem>>
      %dma_start3A_405 = arith.constant 0 : i32
      %dma_start3A_406 = tpu.memref_slice %arg16[%dma_start3A_405] : memref<10240xf32, #tpu.memory_space<vmem_shared>> -> memref<10240xf32, #tpu.memory_space<vmem_shared>>
      tpu.enqueue_indirect_dma source(%arg17 : memref<128xf32, #tpu.memory_space<vmem>>) target(%dma_start3A_406 : memref<10240xf32, #tpu.memory_space<vmem_shared>>) offsets(%dma_start3A_404 : memref<128xi32, #tpu.memory_space<vmem>>) semaphore(%arg15 : memref<!tpu.dma_semaphore, #tpu.memory_space<semaphore_mem>>) {add = true}
      %dma_wait3A_407 = arith.constant 7 : i32
      %dma_wait3A_408 = arith.constant 1 : i32
      %dma_wait3A_409 = arith.constant 0 : i32
      %dma_wait3A_410 = arith.constant 0 : i32
      %dma_wait3A_411 = tpu.memref_slice %arg12[%dma_wait3A_408, %dma_wait3A_409, %dma_wait3A_410] : memref<2x128x128xf32, #tpu.memory_space<vmem>> -> memref<1x128x128xf32, #tpu.memory_space<vmem>>
      %dma_wait3A_412 = tpu.memref_squeeze %dma_wait3A_411 : memref<1x128x128xf32, #tpu.memory_space<vmem>> -> memref<128x128xf32, #tpu.memory_space<vmem>>
      %dma_wait3A_413 = arith.constant 0 : i32
      %dma_wait3A_414 = tpu.memref_slice %arg10[%dma_wait3A_407, %dma_wait3A_413] : memref<8x128xi32, #tpu.memory_space<vmem>> -> memref<1x128xi32, #tpu.memory_space<vmem>>
      %dma_wait3A_415 = tpu.memref_squeeze %dma_wait3A_414 : memref<1x128xi32, #tpu.memory_space<vmem>> -> memref<128xi32, #tpu.memory_space<vmem>>
      %dma_wait3A_416 = arith.constant 0 : i32
      %dma_wait3A_417 = arith.constant 0 : i32
      %dma_wait3A_418 = tpu.memref_slice %arg2[%dma_wait3A_416, %dma_wait3A_417] : memref<10000x128xf32, #tpu.memory_space<hbm>> -> memref<10000x128xf32, #tpu.memory_space<hbm>>
      tpu.wait_indirect_dma semaphore(%arg13 : memref<!tpu.dma_semaphore, #tpu.memory_space<semaphore_mem>>) src(%dma_wait3A_418 : memref<10000x128xf32, #tpu.memory_space<hbm>>) dst(%dma_wait3A_412 : memref<128x128xf32, #tpu.memory_space<vmem>>)
      %dma_wait3A_419 = arith.constant 0 : i32
      %dma_wait3A_420 = arith.constant 6 : i32
      %dma_wait3A_421 = arith.constant 0 : i32
      %dma_wait3A_422 = arith.constant 0 : i32
      %dma_wait3A_423 = tpu.memref_slice %arg12[%dma_wait3A_419, %dma_wait3A_421, %dma_wait3A_422] : memref<2x128x128xf32, #tpu.memory_space<vmem>> -> memref<1x128x128xf32, #tpu.memory_space<vmem>>
      %dma_wait3A_424 = tpu.memref_squeeze %dma_wait3A_423 : memref<1x128x128xf32, #tpu.memory_space<vmem>> -> memref<128x128xf32, #tpu.memory_space<vmem>>
      %dma_wait3A_425 = arith.constant 0 : i32
      %dma_wait3A_426 = tpu.memref_slice %arg11[%dma_wait3A_420, %dma_wait3A_425] : memref<8x128xi32, #tpu.memory_space<vmem>> -> memref<1x128xi32, #tpu.memory_space<vmem>>
      %dma_wait3A_427 = tpu.memref_squeeze %dma_wait3A_426 : memref<1x128xi32, #tpu.memory_space<vmem>> -> memref<128xi32, #tpu.memory_space<vmem>>
      %dma_wait3A_428 = arith.constant 0 : i32
      %dma_wait3A_429 = arith.constant 0 : i32
      %dma_wait3A_430 = tpu.memref_slice %arg9[%dma_wait3A_428, %dma_wait3A_429] : memref<10240x128xf32, #tpu.memory_space<vmem_shared>> -> memref<10240x128xf32, #tpu.memory_space<vmem_shared>>
      tpu.wait_indirect_dma semaphore(%arg14 : memref<!tpu.dma_semaphore, #tpu.memory_space<semaphore_mem>>) src(%dma_wait3A_424 : memref<128x128xf32, #tpu.memory_space<vmem>>) dst(%dma_wait3A_430 : memref<10240x128xf32, #tpu.memory_space<vmem_shared>>)
      %dma_start3A_431 = arith.constant 1 : i32
      %dma_start3A_432 = arith.constant 7 : i32
      %dma_start3A_433 = arith.constant 0 : i32
      %dma_start3A_434 = arith.constant 0 : i32
      %dma_start3A_435 = tpu.memref_slice %arg12[%dma_start3A_431, %dma_start3A_433, %dma_start3A_434] : memref<2x128x128xf32, #tpu.memory_space<vmem>> -> memref<1x128x128xf32, #tpu.memory_space<vmem>>
      %dma_start3A_436 = tpu.memref_squeeze %dma_start3A_435 : memref<1x128x128xf32, #tpu.memory_space<vmem>> -> memref<128x128xf32, #tpu.memory_space<vmem>>
      %dma_start3A_437 = arith.constant 0 : i32
      %dma_start3A_438 = tpu.memref_slice %arg11[%dma_start3A_432, %dma_start3A_437] : memref<8x128xi32, #tpu.memory_space<vmem>> -> memref<1x128xi32, #tpu.memory_space<vmem>>
      %dma_start3A_439 = tpu.memref_squeeze %dma_start3A_438 : memref<1x128xi32, #tpu.memory_space<vmem>> -> memref<128xi32, #tpu.memory_space<vmem>>
      %dma_start3A_440 = arith.constant 0 : i32
      %dma_start3A_441 = arith.constant 0 : i32
      %dma_start3A_442 = tpu.memref_slice %arg9[%dma_start3A_440, %dma_start3A_441] : memref<10240x128xf32, #tpu.memory_space<vmem_shared>> -> memref<10240x128xf32, #tpu.memory_space<vmem_shared>>
      tpu.enqueue_indirect_dma source(%dma_start3A_436 : memref<128x128xf32, #tpu.memory_space<vmem>>) target(%dma_start3A_442 : memref<10240x128xf32, #tpu.memory_space<vmem_shared>>) offsets(%dma_start3A_439 : memref<128xi32, #tpu.memory_space<vmem>>) semaphore(%arg14 : memref<!tpu.dma_semaphore, #tpu.memory_space<semaphore_mem>>) {add = true}
      %dma_start3A_443 = arith.constant 7 : i32
      %dma_start3A_444 = arith.constant 0 : i32
      %dma_start3A_445 = tpu.memref_slice %arg11[%dma_start3A_443, %dma_start3A_444] : memref<8x128xi32, #tpu.memory_space<vmem>> -> memref<1x128xi32, #tpu.memory_space<vmem>>
      %dma_start3A_446 = tpu.memref_squeeze %dma_start3A_445 : memref<1x128xi32, #tpu.memory_space<vmem>> -> memref<128xi32, #tpu.memory_space<vmem>>
      %dma_start3A_447 = arith.constant 0 : i32
      %dma_start3A_448 = tpu.memref_slice %arg16[%dma_start3A_447] : memref<10240xf32, #tpu.memory_space<vmem_shared>> -> memref<10240xf32, #tpu.memory_space<vmem_shared>>
      tpu.enqueue_indirect_dma source(%arg17 : memref<128xf32, #tpu.memory_space<vmem>>) target(%dma_start3A_448 : memref<10240xf32, #tpu.memory_space<vmem_shared>>) offsets(%dma_start3A_446 : memref<128xi32, #tpu.memory_space<vmem>>) semaphore(%arg15 : memref<!tpu.dma_semaphore, #tpu.memory_space<semaphore_mem>>) {add = true}
      %dma_wait3A_449 = arith.constant 1 : i32
      %dma_wait3A_450 = arith.constant 7 : i32
      %dma_wait3A_451 = arith.constant 0 : i32
      %dma_wait3A_452 = arith.constant 0 : i32
      %dma_wait3A_453 = tpu.memref_slice %arg12[%dma_wait3A_449, %dma_wait3A_451, %dma_wait3A_452] : memref<2x128x128xf32, #tpu.memory_space<vmem>> -> memref<1x128x128xf32, #tpu.memory_space<vmem>>
      %dma_wait3A_454 = tpu.memref_squeeze %dma_wait3A_453 : memref<1x128x128xf32, #tpu.memory_space<vmem>> -> memref<128x128xf32, #tpu.memory_space<vmem>>
      %dma_wait3A_455 = arith.constant 0 : i32
      %dma_wait3A_456 = tpu.memref_slice %arg11[%dma_wait3A_450, %dma_wait3A_455] : memref<8x128xi32, #tpu.memory_space<vmem>> -> memref<1x128xi32, #tpu.memory_space<vmem>>
      %dma_wait3A_457 = tpu.memref_squeeze %dma_wait3A_456 : memref<1x128xi32, #tpu.memory_space<vmem>> -> memref<128xi32, #tpu.memory_space<vmem>>
      %dma_wait3A_458 = arith.constant 0 : i32
      %dma_wait3A_459 = arith.constant 0 : i32
      %dma_wait3A_460 = tpu.memref_slice %arg9[%dma_wait3A_458, %dma_wait3A_459] : memref<10240x128xf32, #tpu.memory_space<vmem_shared>> -> memref<10240x128xf32, #tpu.memory_space<vmem_shared>>
      tpu.wait_indirect_dma semaphore(%arg14 : memref<!tpu.dma_semaphore, #tpu.memory_space<semaphore_mem>>) src(%dma_wait3A_454 : memref<128x128xf32, #tpu.memory_space<vmem>>) dst(%dma_wait3A_460 : memref<10240x128xf32, #tpu.memory_space<vmem_shared>>)
      %dma_wait3A_461 = arith.constant 0 : i32
      %dma_wait3A_462 = arith.constant 0 : i32
      %dma_wait3A_463 = tpu.memref_slice %arg11[%dma_wait3A_461, %dma_wait3A_462] : memref<8x128xi32, #tpu.memory_space<vmem>> -> memref<1x128xi32, #tpu.memory_space<vmem>>
      %dma_wait3A_464 = tpu.memref_squeeze %dma_wait3A_463 : memref<1x128xi32, #tpu.memory_space<vmem>> -> memref<128xi32, #tpu.memory_space<vmem>>
      %dma_wait3A_465 = arith.constant 0 : i32
      %dma_wait3A_466 = tpu.memref_slice %arg16[%dma_wait3A_465] : memref<10240xf32, #tpu.memory_space<vmem_shared>> -> memref<10240xf32, #tpu.memory_space<vmem_shared>>
      tpu.wait_indirect_dma semaphore(%arg15 : memref<!tpu.dma_semaphore, #tpu.memory_space<semaphore_mem>>) src(%arg17 : memref<128xf32, #tpu.memory_space<vmem>>) dst(%dma_wait3A_466 : memref<10240xf32, #tpu.memory_space<vmem_shared>>)
      %dma_wait3A_467 = arith.constant 1 : i32
      %dma_wait3A_468 = arith.constant 0 : i32
      %dma_wait3A_469 = tpu.memref_slice %arg11[%dma_wait3A_467, %dma_wait3A_468] : memref<8x128xi32, #tpu.memory_space<vmem>> -> memref<1x128xi32, #tpu.memory_space<vmem>>
      %dma_wait3A_470 = tpu.memref_squeeze %dma_wait3A_469 : memref<1x128xi32, #tpu.memory_space<vmem>> -> memref<128xi32, #tpu.memory_space<vmem>>
      %dma_wait3A_471 = arith.constant 0 : i32
      %dma_wait3A_472 = tpu.memref_slice %arg16[%dma_wait3A_471] : memref<10240xf32, #tpu.memory_space<vmem_shared>> -> memref<10240xf32, #tpu.memory_space<vmem_shared>>
      tpu.wait_indirect_dma semaphore(%arg15 : memref<!tpu.dma_semaphore, #tpu.memory_space<semaphore_mem>>) src(%arg17 : memref<128xf32, #tpu.memory_space<vmem>>) dst(%dma_wait3A_472 : memref<10240xf32, #tpu.memory_space<vmem_shared>>)
      %dma_wait3A_473 = arith.constant 2 : i32
      %dma_wait3A_474 = arith.constant 0 : i32
      %dma_wait3A_475 = tpu.memref_slice %arg11[%dma_wait3A_473, %dma_wait3A_474] : memref<8x128xi32, #tpu.memory_space<vmem>> -> memref<1x128xi32, #tpu.memory_space<vmem>>
      %dma_wait3A_476 = tpu.memref_squeeze %dma_wait3A_475 : memref<1x128xi32, #tpu.memory_space<vmem>> -> memref<128xi32, #tpu.memory_space<vmem>>
      %dma_wait3A_477 = arith.constant 0 : i32
      %dma_wait3A_478 = tpu.memref_slice %arg16[%dma_wait3A_477] : memref<10240xf32, #tpu.memory_space<vmem_shared>> -> memref<10240xf32, #tpu.memory_space<vmem_shared>>
      tpu.wait_indirect_dma semaphore(%arg15 : memref<!tpu.dma_semaphore, #tpu.memory_space<semaphore_mem>>) src(%arg17 : memref<128xf32, #tpu.memory_space<vmem>>) dst(%dma_wait3A_478 : memref<10240xf32, #tpu.memory_space<vmem_shared>>)
      %dma_wait3A_479 = arith.constant 3 : i32
      %dma_wait3A_480 = arith.constant 0 : i32
      %dma_wait3A_481 = tpu.memref_slice %arg11[%dma_wait3A_479, %dma_wait3A_480] : memref<8x128xi32, #tpu.memory_space<vmem>> -> memref<1x128xi32, #tpu.memory_space<vmem>>
      %dma_wait3A_482 = tpu.memref_squeeze %dma_wait3A_481 : memref<1x128xi32, #tpu.memory_space<vmem>> -> memref<128xi32, #tpu.memory_space<vmem>>
      %dma_wait3A_483 = arith.constant 0 : i32
      %dma_wait3A_484 = tpu.memref_slice %arg16[%dma_wait3A_483] : memref<10240xf32, #tpu.memory_space<vmem_shared>> -> memref<10240xf32, #tpu.memory_space<vmem_shared>>
      tpu.wait_indirect_dma semaphore(%arg15 : memref<!tpu.dma_semaphore, #tpu.memory_space<semaphore_mem>>) src(%arg17 : memref<128xf32, #tpu.memory_space<vmem>>) dst(%dma_wait3A_484 : memref<10240xf32, #tpu.memory_space<vmem_shared>>)
      %dma_wait3A_485 = arith.constant 4 : i32
      %dma_wait3A_486 = arith.constant 0 : i32
      %dma_wait3A_487 = tpu.memref_slice %arg11[%dma_wait3A_485, %dma_wait3A_486] : memref<8x128xi32, #tpu.memory_space<vmem>> -> memref<1x128xi32, #tpu.memory_space<vmem>>
      %dma_wait3A_488 = tpu.memref_squeeze %dma_wait3A_487 : memref<1x128xi32, #tpu.memory_space<vmem>> -> memref<128xi32, #tpu.memory_space<vmem>>
      %dma_wait3A_489 = arith.constant 0 : i32
      %dma_wait3A_490 = tpu.memref_slice %arg16[%dma_wait3A_489] : memref<10240xf32, #tpu.memory_space<vmem_shared>> -> memref<10240xf32, #tpu.memory_space<vmem_shared>>
      tpu.wait_indirect_dma semaphore(%arg15 : memref<!tpu.dma_semaphore, #tpu.memory_space<semaphore_mem>>) src(%arg17 : memref<128xf32, #tpu.memory_space<vmem>>) dst(%dma_wait3A_490 : memref<10240xf32, #tpu.memory_space<vmem_shared>>)
      %dma_wait3A_491 = arith.constant 5 : i32
      %dma_wait3A_492 = arith.constant 0 : i32
      %dma_wait3A_493 = tpu.memref_slice %arg11[%dma_wait3A_491, %dma_wait3A_492] : memref<8x128xi32, #tpu.memory_space<vmem>> -> memref<1x128xi32, #tpu.memory_space<vmem>>
      %dma_wait3A_494 = tpu.memref_squeeze %dma_wait3A_493 : memref<1x128xi32, #tpu.memory_space<vmem>> -> memref<128xi32, #tpu.memory_space<vmem>>
      %dma_wait3A_495 = arith.constant 0 : i32
      %dma_wait3A_496 = tpu.memref_slice %arg16[%dma_wait3A_495] : memref<10240xf32, #tpu.memory_space<vmem_shared>> -> memref<10240xf32, #tpu.memory_space<vmem_shared>>
      tpu.wait_indirect_dma semaphore(%arg15 : memref<!tpu.dma_semaphore, #tpu.memory_space<semaphore_mem>>) src(%arg17 : memref<128xf32, #tpu.memory_space<vmem>>) dst(%dma_wait3A_496 : memref<10240xf32, #tpu.memory_space<vmem_shared>>)
      %dma_wait3A_497 = arith.constant 6 : i32
      %dma_wait3A_498 = arith.constant 0 : i32
      %dma_wait3A_499 = tpu.memref_slice %arg11[%dma_wait3A_497, %dma_wait3A_498] : memref<8x128xi32, #tpu.memory_space<vmem>> -> memref<1x128xi32, #tpu.memory_space<vmem>>
      %dma_wait3A_500 = tpu.memref_squeeze %dma_wait3A_499 : memref<1x128xi32, #tpu.memory_space<vmem>> -> memref<128xi32, #tpu.memory_space<vmem>>
      %dma_wait3A_501 = arith.constant 0 : i32
      %dma_wait3A_502 = tpu.memref_slice %arg16[%dma_wait3A_501] : memref<10240xf32, #tpu.memory_space<vmem_shared>> -> memref<10240xf32, #tpu.memory_space<vmem_shared>>
      tpu.wait_indirect_dma semaphore(%arg15 : memref<!tpu.dma_semaphore, #tpu.memory_space<semaphore_mem>>) src(%arg17 : memref<128xf32, #tpu.memory_space<vmem>>) dst(%dma_wait3A_502 : memref<10240xf32, #tpu.memory_space<vmem_shared>>)
      %dma_wait3A_503 = arith.constant 7 : i32
      %dma_wait3A_504 = arith.constant 0 : i32
      %dma_wait3A_505 = tpu.memref_slice %arg11[%dma_wait3A_503, %dma_wait3A_504] : memref<8x128xi32, #tpu.memory_space<vmem>> -> memref<1x128xi32, #tpu.memory_space<vmem>>
      %dma_wait3A_506 = tpu.memref_squeeze %dma_wait3A_505 : memref<1x128xi32, #tpu.memory_space<vmem>> -> memref<128xi32, #tpu.memory_space<vmem>>
      %dma_wait3A_507 = arith.constant 0 : i32
      %dma_wait3A_508 = tpu.memref_slice %arg16[%dma_wait3A_507] : memref<10240xf32, #tpu.memory_space<vmem_shared>> -> memref<10240xf32, #tpu.memory_space<vmem_shared>>
      tpu.wait_indirect_dma semaphore(%arg15 : memref<!tpu.dma_semaphore, #tpu.memory_space<semaphore_mem>>) src(%arg17 : memref<128xf32, #tpu.memory_space<vmem>>) dst(%dma_wait3A_508 : memref<10240xf32, #tpu.memory_space<vmem_shared>>)
    }
    %barrier3A_20 = arith.constant 0 : index
    tpu.barrier barrier_id(%barrier3A_20)
    "tpu.region"() ({
      %run_scoped3A = tpu.sem_alloc : memref<!tpu.dma_semaphore, #tpu.memory_space<semaphore_mem>>
      %dma_start3A = arith.constant 0 : i32
      %dma_start3A_26 = tpu.memref_slice %arg7[%arg0, %mul3A_2, %dma_start3A] : memref<2x10240x128xf32, #tpu.memory_space<hbm>> -> memref<1x640x128xf32, #tpu.memory_space<hbm>>
      %dma_start3A_27 = tpu.memref_squeeze %dma_start3A_26 : memref<1x640x128xf32, #tpu.memory_space<hbm>> -> memref<640x128xf32, #tpu.memory_space<hbm>>
      %dma_start3A_28 = arith.constant 0 : i32
      %dma_start3A_29 = tpu.memref_slice %arg9[%mul3A_2, %dma_start3A_28] : memref<10240x128xf32, #tpu.memory_space<vmem_shared>> -> memref<640x128xf32, #tpu.memory_space<vmem_shared>>
      tpu.enqueue_dma source(%dma_start3A_29 : memref<640x128xf32, #tpu.memory_space<vmem_shared>>) target(%dma_start3A_27 : memref<640x128xf32, #tpu.memory_space<hbm>>) target_semaphore(%run_scoped3A : memref<!tpu.dma_semaphore, #tpu.memory_space<semaphore_mem>>)
      %dma_wait3A = arith.constant 0 : i32
      %dma_wait3A_30 = tpu.memref_slice %arg7[%arg0, %mul3A_2, %dma_wait3A] : memref<2x10240x128xf32, #tpu.memory_space<hbm>> -> memref<1x640x128xf32, #tpu.memory_space<hbm>>
      %dma_wait3A_31 = tpu.memref_squeeze %dma_wait3A_30 : memref<1x640x128xf32, #tpu.memory_space<hbm>> -> memref<640x128xf32, #tpu.memory_space<hbm>>
      %dma_wait3A_32 = arith.constant 0 : i32
      %dma_wait3A_33 = tpu.memref_slice %arg9[%mul3A_2, %dma_wait3A_32] : memref<10240x128xf32, #tpu.memory_space<vmem_shared>> -> memref<640x128xf32, #tpu.memory_space<vmem_shared>>
      tpu.wait_dma2 semaphore(%run_scoped3A : memref<!tpu.dma_semaphore, #tpu.memory_space<semaphore_mem>>) src(%dma_wait3A_33 : memref<640x128xf32, #tpu.memory_space<vmem_shared>>) dst(%dma_wait3A_31 : memref<640x128xf32, #tpu.memory_space<hbm>>)
      tpu.yield
    }) : () -> ()
    %mul3A_21 = arith.constant 10240 : i32
    %mul3A_22 = arith.muli %arg0, %mul3A_21 : i32
    %mul3A_23 = arith.constant 640 : i32
    %mul3A_24 = arith.muli %arg1, %mul3A_23 : i32
    %add3A_25 = arith.addi %mul3A_22, %mul3A_24 : i32
    "tpu.region"() ({
      %run_scoped3A = tpu.sem_alloc : memref<!tpu.dma_semaphore, #tpu.memory_space<semaphore_mem>>
      %dma_start3A = tpu.memref_slice %arg8[%add3A_25] : memref<20480xf32, #tpu.memory_space<hbm>> -> memref<640xf32, #tpu.memory_space<hbm>>
      %dma_start3A_26 = tpu.memref_slice %arg16[%mul3A_2] : memref<10240xf32, #tpu.memory_space<vmem_shared>> -> memref<640xf32, #tpu.memory_space<vmem_shared>>
      tpu.enqueue_dma source(%dma_start3A_26 : memref<640xf32, #tpu.memory_space<vmem_shared>>) target(%dma_start3A : memref<640xf32, #tpu.memory_space<hbm>>) target_semaphore(%run_scoped3A : memref<!tpu.dma_semaphore, #tpu.memory_space<semaphore_mem>>)
      %dma_wait3A = tpu.memref_slice %arg8[%add3A_25] : memref<20480xf32, #tpu.memory_space<hbm>> -> memref<640xf32, #tpu.memory_space<hbm>>
      %dma_wait3A_27 = tpu.memref_slice %arg16[%mul3A_2] : memref<10240xf32, #tpu.memory_space<vmem_shared>> -> memref<640xf32, #tpu.memory_space<vmem_shared>>
      tpu.wait_dma2 semaphore(%run_scoped3A : memref<!tpu.dma_semaphore, #tpu.memory_space<semaphore_mem>>) src(%dma_wait3A_27 : memref<640xf32, #tpu.memory_space<vmem_shared>>) dst(%dma_wait3A : memref<640xf32, #tpu.memory_space<hbm>>)
      tpu.yield
    }) : () -> ()
    return
  }
}

module attributes {stable_mosaic.version = 14 : i64} {
  func.func @_tc_body(%arg0: i32, %arg1: memref<1024x128xf32, #tpu.memory_space<vmem>>, %arg2: memref<1024x128xf32, #tpu.memory_space<vmem>>, %arg3: memref<2x1024xf32, #tpu.memory_space<vmem>>, %arg4: memref<1024x128xf32, #tpu.memory_space<vmem>>, %arg5: memref<128x128xf32, #tpu.memory_space<vmem>>, %arg6: memref<128x128xf32, #tpu.memory_space<vmem>>, %arg7: memref<1x128xf32, #tpu.memory_space<vmem>>, %arg8: memref<1024x128xf32, #tpu.memory_space<vmem>>) attributes {dimension_semantics = [#tpu.dimension_semantics<arbitrary>], iteration_bounds = array<i64: 10>, scalar_prefetch = 0 : i64, scratch_operands = 0 : i64, tpu.core_type = #tpu.core_type<tc>, window_params = [{transform_indices = @transform_0, window_bounds = array<i64: 1024, 128>}, {transform_indices = @transform_1, window_bounds = array<i64: 1024, 128>}, {transform_indices = @transform_2, window_bounds = array<i64: 2, 1024>}, {transform_indices = @transform_3, window_bounds = array<i64: 1024, 128>}, {pipeline_mode = #tpu.pipeline_mode<synchronous>, transform_indices = @transform_4, window_bounds = array<i64: 128, 128>}, {pipeline_mode = #tpu.pipeline_mode<synchronous>, transform_indices = @transform_5, window_bounds = array<i64: 128, 128>}, {pipeline_mode = #tpu.pipeline_mode<synchronous>, transform_indices = @transform_6, window_bounds = array<i64: 1, 128>}, {transform_indices = @transform_7, window_bounds = array<i64: 1024, 128>}]} {
    %get3A = arith.constant 0 : index
    %get3A_0 = arith.constant 0 : index
    %get3A_1 = vector.load %arg3[%get3A, %get3A_0] : memref<2x1024xf32, #tpu.memory_space<vmem>>, vector<2x1024xf32>
    %reduce_sum3A = arith.constant dense<0.000000e+00> : vector<1024xf32>
    %reduce_sum3A_2 = vector.multi_reduction <add>, %get3A_1, %reduce_sum3A [0] : vector<2x1024xf32> to vector<1024xf32>
    %max3A = arith.constant 1.000000e+00 : f32
    %max3A_3 = vector.broadcast %max3A : f32 to vector<1024xf32>
    %max3A_4 = arith.maximumf %reduce_sum3A_2, %max3A_3 : vector<1024xf32>
    %div3A = arith.constant 1.000000e+00 : f32
    %div3A_5 = vector.broadcast %div3A : f32 to vector<1024xf32>
    %div3A_6 = arith.divf %div3A_5, %max3A_4 : vector<1024xf32>
    %get3A_7 = arith.constant 0 : index
    %get3A_8 = arith.constant 0 : index
    %get3A_9 = vector.load %arg1[%get3A_7, %get3A_8] : memref<1024x128xf32, #tpu.memory_space<vmem>>, vector<1024x128xf32>
    %get3A_10 = arith.constant 0 : index
    %get3A_11 = arith.constant 0 : index
    %get3A_12 = vector.load %arg2[%get3A_10, %get3A_11] : memref<1024x128xf32, #tpu.memory_space<vmem>>, vector<1024x128xf32>
    %add3A = arith.addf %get3A_9, %get3A_12 : vector<1024x128xf32>
    %broadcast_in_dim3A = vector.shape_cast %div3A_6 : vector<1024xf32> to vector<1024x1xf32>
    %mul3A = vector.broadcast %broadcast_in_dim3A : vector<1024x1xf32> to vector<1024x128xf32>
    %mul3A_13 = arith.mulf %add3A, %mul3A : vector<1024x128xf32>
    %get3A_14 = arith.constant 0 : index
    %get3A_15 = arith.constant 0 : index
    %get3A_16 = vector.load %arg5[%get3A_14, %get3A_15] : memref<128x128xf32, #tpu.memory_space<vmem>>, vector<128x128xf32>
    %dot_general3A = arith.constant dense<0.000000e+00> : vector<1024x128xf32>
    %dot_general3A_17 = tpu.matmul %mul3A_13, %get3A_16, %dot_general3A {dimension_numbers = #tpu.dot_dimension_numbers<[1], [0], [0], [1], [0, 0, 1, 1], [], []>, transpose_lhs_hint = false} : vector<1024x128xf32>, vector<128x128xf32>, vector<1024x128xf32> -> vector<1024x128xf32>
    %get3A_18 = arith.constant 0 : index
    %get3A_19 = arith.constant 0 : index
    %get3A_20 = vector.load %arg4[%get3A_18, %get3A_19] : memref<1024x128xf32, #tpu.memory_space<vmem>>, vector<1024x128xf32>
    %get3A_21 = arith.constant 0 : index
    %get3A_22 = arith.constant 0 : index
    %get3A_23 = vector.load %arg6[%get3A_21, %get3A_22] : memref<128x128xf32, #tpu.memory_space<vmem>>, vector<128x128xf32>
    %dot_general3A_24 = arith.constant dense<0.000000e+00> : vector<1024x128xf32>
    %dot_general3A_25 = tpu.matmul %get3A_20, %get3A_23, %dot_general3A_24 {dimension_numbers = #tpu.dot_dimension_numbers<[1], [0], [0], [1], [0, 0, 1, 1], [], []>, transpose_lhs_hint = false} : vector<1024x128xf32>, vector<128x128xf32>, vector<1024x128xf32> -> vector<1024x128xf32>
    %add3A_26 = arith.addf %dot_general3A_17, %dot_general3A_25 : vector<1024x128xf32>
    %get3A_27 = arith.constant 0 : index
    %get3A_28 = arith.constant 0 : index
    %get3A_29 = vector.load %arg7[%get3A_27, %get3A_28] : memref<1x128xf32, #tpu.memory_space<vmem>>, vector<1x128xf32>
    %add3A_30 = vector.broadcast %get3A_29 : vector<1x128xf32> to vector<1024x128xf32>
    %add3A_31 = arith.addf %add3A_26, %add3A_30 : vector<1024x128xf32>
    %max3A_32 = arith.constant 0.000000e+00 : f32
    %max3A_33 = vector.broadcast %max3A_32 : f32 to vector<1024x128xf32>
    %max3A_34 = arith.maximumf %add3A_31, %max3A_33 : vector<1024x128xf32>
    %swap3A = arith.constant 0 : index
    %swap3A_35 = arith.constant 0 : index
    %swap3A_36 = vector.load %arg8[%swap3A, %swap3A_35] : memref<1024x128xf32, #tpu.memory_space<vmem>>, vector<1024x128xf32>
    tpu.vector_store %arg8[%swap3A, %swap3A_35], %max3A_34 {strides = array<i32>} : memref<1024x128xf32, #tpu.memory_space<vmem>>, vector<1024x128xf32>,
    return
  }
  func.func @transform_0(%arg0: i32) -> (i32, i32) {
    %c0_i32 = arith.constant 0 : i32
    %c0_i32_0 = arith.constant 0 : i32
    return %arg0, %c0_i32 : i32, i32
  }
  func.func @transform_1(%arg0: i32) -> (i32, i32) {
    %c0_i32 = arith.constant 0 : i32
    %c0_i32_0 = arith.constant 0 : i32
    return %arg0, %c0_i32 : i32, i32
  }
  func.func @transform_2(%arg0: i32) -> (i32, i32) {
    %c0_i32 = arith.constant 0 : i32
    %c0_i32_0 = arith.constant 0 : i32
    return %c0_i32, %arg0 : i32, i32
  }
  func.func @transform_3(%arg0: i32) -> (i32, i32) {
    %c0_i32 = arith.constant 0 : i32
    %c0_i32_0 = arith.constant 0 : i32
    return %arg0, %c0_i32 : i32, i32
  }
  func.func @transform_4(%arg0: i32) -> (i32, i32) {
    %c0_i32 = arith.constant 0 : i32
    %c0_i32_0 = arith.constant 0 : i32
    %c0_i32_1 = arith.constant 0 : i32
    return %c0_i32, %c0_i32_0 : i32, i32
  }
  func.func @transform_5(%arg0: i32) -> (i32, i32) {
    %c0_i32 = arith.constant 0 : i32
    %c0_i32_0 = arith.constant 0 : i32
    %c0_i32_1 = arith.constant 0 : i32
    return %c0_i32, %c0_i32_0 : i32, i32
  }
  func.func @transform_6(%arg0: i32) -> (i32, i32) {
    %c0_i32 = arith.constant 0 : i32
    %c0_i32_0 = arith.constant 0 : i32
    %c0_i32_1 = arith.constant 0 : i32
    return %c0_i32, %c0_i32_0 : i32, i32
  }
  func.func @transform_7(%arg0: i32) -> (i32, i32) {
    %c0_i32 = arith.constant 0 : i32
    %c0_i32_0 = arith.constant 0 : i32
    return %arg0, %c0_i32 : i32, i32
  }
}

module attributes {stable_mosaic.version = 14 : i64} {
  func.func @_tc_body(%arg0: i32, %arg1: memref<1024x128xf32, #tpu.memory_space<vmem>>, %arg2: memref<1024x128xf32, #tpu.memory_space<vmem>>, %arg3: memref<2x1024xf32, #tpu.memory_space<vmem>>, %arg4: memref<1024x128xf32, #tpu.memory_space<vmem>>, %arg5: memref<128x128xf32, #tpu.memory_space<vmem>>, %arg6: memref<128x128xf32, #tpu.memory_space<vmem>>, %arg7: memref<1x128xf32, #tpu.memory_space<vmem>>, %arg8: memref<1024x128xf32, #tpu.memory_space<vmem>>) attributes {dimension_semantics = [#tpu.dimension_semantics<arbitrary>], iteration_bounds = array<i64: 10>, scalar_prefetch = 0 : i64, scratch_operands = 0 : i64, tpu.core_type = #tpu.core_type<tc>, window_params = [{transform_indices = @transform_0, window_bounds = array<i64: 1024, 128>}, {transform_indices = @transform_1, window_bounds = array<i64: 1024, 128>}, {transform_indices = @transform_2, window_bounds = array<i64: 2, 1024>}, {transform_indices = @transform_3, window_bounds = array<i64: 1024, 128>}, {pipeline_mode = #tpu.pipeline_mode<synchronous>, transform_indices = @transform_4, window_bounds = array<i64: 128, 128>}, {pipeline_mode = #tpu.pipeline_mode<synchronous>, transform_indices = @transform_5, window_bounds = array<i64: 128, 128>}, {pipeline_mode = #tpu.pipeline_mode<synchronous>, transform_indices = @transform_6, window_bounds = array<i64: 1, 128>}, {transform_indices = @transform_7, window_bounds = array<i64: 1024, 128>}]} {
    %get3A = arith.constant 0 : index
    %get3A_0 = arith.constant 0 : index
    %get3A_1 = vector.load %arg3[%get3A, %get3A_0] : memref<2x1024xf32, #tpu.memory_space<vmem>>, vector<2x1024xf32>
    %reduce_sum3A = arith.constant dense<0.000000e+00> : vector<1024xf32>
    %reduce_sum3A_2 = vector.multi_reduction <add>, %get3A_1, %reduce_sum3A [0] : vector<2x1024xf32> to vector<1024xf32>
    %max3A = arith.constant 1.000000e+00 : f32
    %max3A_3 = vector.broadcast %max3A : f32 to vector<1024xf32>
    %max3A_4 = arith.maximumf %reduce_sum3A_2, %max3A_3 : vector<1024xf32>
    %div3A = arith.constant 1.000000e+00 : f32
    %div3A_5 = vector.broadcast %div3A : f32 to vector<1024xf32>
    %div3A_6 = arith.divf %div3A_5, %max3A_4 : vector<1024xf32>
    %get3A_7 = arith.constant 0 : index
    %get3A_8 = arith.constant 0 : index
    %get3A_9 = vector.load %arg1[%get3A_7, %get3A_8] : memref<1024x128xf32, #tpu.memory_space<vmem>>, vector<1024x128xf32>
    %get3A_10 = arith.constant 0 : index
    %get3A_11 = arith.constant 0 : index
    %get3A_12 = vector.load %arg2[%get3A_10, %get3A_11] : memref<1024x128xf32, #tpu.memory_space<vmem>>, vector<1024x128xf32>
    %add3A = arith.addf %get3A_9, %get3A_12 : vector<1024x128xf32>
    %broadcast_in_dim3A = vector.shape_cast %div3A_6 : vector<1024xf32> to vector<1024x1xf32>
    %mul3A = vector.broadcast %broadcast_in_dim3A : vector<1024x1xf32> to vector<1024x128xf32>
    %mul3A_13 = arith.mulf %add3A, %mul3A : vector<1024x128xf32>
    %get3A_14 = arith.constant 0 : index
    %get3A_15 = arith.constant 0 : index
    %get3A_16 = vector.load %arg5[%get3A_14, %get3A_15] : memref<128x128xf32, #tpu.memory_space<vmem>>, vector<128x128xf32>
    %dot_general3A = arith.constant dense<0.000000e+00> : vector<1024x128xf32>
    %dot_general3A_17 = tpu.matmul %mul3A_13, %get3A_16, %dot_general3A {dimension_numbers = #tpu.dot_dimension_numbers<[1], [0], [0], [1], [0, 0, 1, 1], [], []>, transpose_lhs_hint = false} : vector<1024x128xf32>, vector<128x128xf32>, vector<1024x128xf32> -> vector<1024x128xf32>
    %get3A_18 = arith.constant 0 : index
    %get3A_19 = arith.constant 0 : index
    %get3A_20 = vector.load %arg4[%get3A_18, %get3A_19] : memref<1024x128xf32, #tpu.memory_space<vmem>>, vector<1024x128xf32>
    %get3A_21 = arith.constant 0 : index
    %get3A_22 = arith.constant 0 : index
    %get3A_23 = vector.load %arg6[%get3A_21, %get3A_22] : memref<128x128xf32, #tpu.memory_space<vmem>>, vector<128x128xf32>
    %dot_general3A_24 = arith.constant dense<0.000000e+00> : vector<1024x128xf32>
    %dot_general3A_25 = tpu.matmul %get3A_20, %get3A_23, %dot_general3A_24 {dimension_numbers = #tpu.dot_dimension_numbers<[1], [0], [0], [1], [0, 0, 1, 1], [], []>, transpose_lhs_hint = false} : vector<1024x128xf32>, vector<128x128xf32>, vector<1024x128xf32> -> vector<1024x128xf32>
    %add3A_26 = arith.addf %dot_general3A_17, %dot_general3A_25 : vector<1024x128xf32>
    %get3A_27 = arith.constant 0 : index
    %get3A_28 = arith.constant 0 : index
    %get3A_29 = vector.load %arg7[%get3A_27, %get3A_28] : memref<1x128xf32, #tpu.memory_space<vmem>>, vector<1x128xf32>
    %add3A_30 = vector.broadcast %get3A_29 : vector<1x128xf32> to vector<1024x128xf32>
    %add3A_31 = arith.addf %add3A_26, %add3A_30 : vector<1024x128xf32>
    %swap3A = arith.constant 0 : index
    %swap3A_32 = arith.constant 0 : index
    %swap3A_33 = vector.load %arg8[%swap3A, %swap3A_32] : memref<1024x128xf32, #tpu.memory_space<vmem>>, vector<1024x128xf32>
    tpu.vector_store %arg8[%swap3A, %swap3A_32], %add3A_31 {strides = array<i32>} : memref<1024x128xf32, #tpu.memory_space<vmem>>, vector<1024x128xf32>,
    return
  }
  func.func @transform_0(%arg0: i32) -> (i32, i32) {
    %c0_i32 = arith.constant 0 : i32
    %c0_i32_0 = arith.constant 0 : i32
    return %arg0, %c0_i32 : i32, i32
  }
  func.func @transform_1(%arg0: i32) -> (i32, i32) {
    %c0_i32 = arith.constant 0 : i32
    %c0_i32_0 = arith.constant 0 : i32
    return %arg0, %c0_i32 : i32, i32
  }
  func.func @transform_2(%arg0: i32) -> (i32, i32) {
    %c0_i32 = arith.constant 0 : i32
    %c0_i32_0 = arith.constant 0 : i32
    return %c0_i32, %arg0 : i32, i32
  }
  func.func @transform_3(%arg0: i32) -> (i32, i32) {
    %c0_i32 = arith.constant 0 : i32
    %c0_i32_0 = arith.constant 0 : i32
    return %arg0, %c0_i32 : i32, i32
  }
  func.func @transform_4(%arg0: i32) -> (i32, i32) {
    %c0_i32 = arith.constant 0 : i32
    %c0_i32_0 = arith.constant 0 : i32
    %c0_i32_1 = arith.constant 0 : i32
    return %c0_i32, %c0_i32_0 : i32, i32
  }
  func.func @transform_5(%arg0: i32) -> (i32, i32) {
    %c0_i32 = arith.constant 0 : i32
    %c0_i32_0 = arith.constant 0 : i32
    %c0_i32_1 = arith.constant 0 : i32
    return %c0_i32, %c0_i32_0 : i32, i32
  }
  func.func @transform_6(%arg0: i32) -> (i32, i32) {
    %c0_i32 = arith.constant 0 : i32
    %c0_i32_0 = arith.constant 0 : i32
    %c0_i32_1 = arith.constant 0 : i32
    return %c0_i32, %c0_i32_0 : i32, i32
  }
  func.func @transform_7(%arg0: i32) -> (i32, i32) {
    %c0_i32 = arith.constant 0 : i32
    %c0_i32_0 = arith.constant 0 : i32
    return %arg0, %c0_i32 : i32, i32
  }
}

</mosaic_0001>

<sc_bundles>
// kernel: kernel.6.cloned.1.call-start
scs
__scs_entry_jumppad:
0x0: {  	(pc) =	sbr.rel $0x88, $3  }
0x1: {  	(tag) =	ssettag $0x0;
	lr =	simm.s32 $0x1  }
0x2: {  	[smem:$0x3F99] =	sst lr;
	_ =	strace $0xD0000000  }
0x3: {  	_ = 	snop  }
0x4: {  	_ = 	snop  }
0x5: {  	_ = 	snop  }
0x6: {  	_ = 	snop  }
0x7: {  	_ = 	snop  }
__scs_overlays_trampoline_lowered:
0x8: {  	[smem:$0x3FA8] =	sst s0  }
0x9: {  	[smem:$0x3FA9] =	sst s1  }
0xa: {  	[smem:$0x3FAA] =	sst s2  }
0xb: {  	[smem:$0x3FAB] =	sst s3  }
0xc: {  	[smem:$0x3FAC] =	sst s4  }
0xd: {  	[smem:$0x3FAD] =	sst s5  }
0xe: {  	[smem:$0x3FAE] =	sst s6  }
0xf: {  	[smem:$0x3FAF] =	sst s7  }
0x10: {  	[smem:$0x3FB0] =	sst s8  }
0x11: {  	[smem:$0x3FB1] =	sst s9;
	s0 =	simm.s32 @!p0 $0x0  }
0x12: {  	s1 =	sld [smem:$0x3F97];
	s0 =	simm.s32 @p0 $0x1  }
0x13: {  	[smem:$0x3FB2] =	sst s0;
	s0 =	simm.s32 @!p1 $0x0  }
0x14: {  	s2 =	sld [smem:$0x3F96];
	s0 =	simm.s32 @p1 $0x1  }
0x15: {  	[smem:$0x3FB3] =	sst s0;
	s0 =	simm.s32 @!p2 $0x0  }
0x16: {  	s3 =	sld [smem:$0x3FDB];
	s0 =	simm.s32 @p2 $0x1  }
0x17: {  	s4 =	simm.s32 $0x1BF5;
	[smem:$0x3FB5] =	sst s0  }
0x18: {  	s0 =	sld [smem:$0x3F98];
	_ =	swait.ge [sflag:s4], $0x0  }
0x19: {  	s7 =	sld [smem:$0x3F99]  }
0x1a: {  	s8 =	sadd.s32 $0xFFFFE003, lr  }
0x1b: {  	s9 =	sadd.s32 $0xFFFFFEF7, lr;
	s5 =	simm.s32 $0xFFFFFFFF;
	p2 =	slt.u32 s8, $0xFFFFF086  }
0x1c: {  	p1 =	slt.u32 s9, $0xF7A;
	s5 =	simm.s32 @!p2 $0x0  }
0x1d: {  	s5 =	simm.s32 @p1 $0x1;
	p0 =	seq.s32 s7, s2  }
0x1e: {  	s7 =	smul.u32 @!p0 $0xF7A, s2;
	p2 =	seq.s32 @!p0 s5, $0x0  }
0x1f: {  	s9 =	smul.u32 $0xF7A, s1;
	s8 =	simm.s32 @!p0 $0x1BF5;
	p2 =	por !p2, p0  }
0x20: {  	[sflag:s8] =	ssyncset.s32 @!p0 $0xFFFFF086;
	s6 =	sadd.s32 @!p0 s3, s7;
	s7 =	simm.s32 @!p0 $0x108  }
0x21: {  	s3 =	sadd.s32 s3, s9;
	s6 =	sadd.s32 @!p0 $0x88, s6;
	s7 =	simm.s32 @p2 $0x1082  }
0x22: {  	[simem:s7], [sflag:s8] =	dma.local @!p0 [hbm:s6], $0xF7A  }
0x23: {  	s9 =	sor.u32 $0xD0000000, s2;
	s6 =	simm.s32 $0x108;
	_ =	swait.ge @!p0 [sflag:s8], $0x0  }
0x24: {  	s3 =	sadd.s32 $0x88, s3;
	s6 =	simm.s32 @!p1 $0x1082;
	[sflag:s4] =	ssyncset.s32 $0xFFFFF086  }
0x25: {  	[simem:s6], [sflag:s4] =	dma.local [hbm:s3], $0xF7A  }
0x26: {  	[smem:$0x3F99] =	sst s1;
	(tag) =	ssettag s2;
	_ =	strace s9  }
0x27: {  	s1 =	sld [smem:$0x3FA9]  }
0x28: {  	s2 =	sld [smem:$0x3FAA]  }
0x29: {  	s4 =	sld [smem:$0x3FAC]  }
0x2a: {  	p0 =	seq.s32 s5, $0x0;
	s5 =	sld [smem:$0x3FAD]  }
0x2b: {  	s6 =	sld [smem:$0x3FAE]  }
0x2c: {  	s7 =	sld [smem:$0x3FAF]  }
0x2d: {  	s3 =	simm.s32 $0x108;
	s8 =	sld [smem:$0x3FB0]  }
0x2e: {  	s3 =	simm.s32 @!p0 $0x1082;
	s9 =	sld [smem:$0x3FB1]  }
0x2f: {  	lr =	sadd.s32 s0, s3;
	s0 =	sld [smem:$0x3FA8]  }
0x30: {  	s3 =	sld [smem:$0x3FAB]  }
0x31: {  	[smem:$0x3FB4] =	sst s10  }
0x32: {  	s10 =	sld [smem:$0x3FB2];
	_ =	sdelay $0x3  }
0x33: {  	p0 =	seq.s32 s10, $0x1;
	s10 =	sld [smem:$0x3FB4];
	_ =	sdelay $0x3  }
0x34: {  	[smem:$0x3FB4] =	sst s10  }
0x35: {  	s10 =	sld [smem:$0x3FB3];
	_ =	sdelay $0x3  }
0x36: {  	p1 =	seq.s32 s10, $0x1;
	s10 =	sld [smem:$0x3FB4];
	_ =	sdelay $0x3  }
0x37: {  	[smem:$0x3FB4] =	sst s10  }
0x38: {  	s10 =	sld [smem:$0x3FB5]  }
0x39: {  	_ = 	snop;
	(pc) =	sbr.ind lr, $3  }
0x3a: {  	_ = 	snop  }
0x3b: {  	_ = 	snop  }
0x3c: {  	p2 =	seq.s32 s10, $0x1;
	s10 =	sld [smem:$0x3FB4]  }
0x3d: {  	_ =	shalt  }
0x3e: {  	_ =	shalt  }
0x3f: {  	_ =	shalt  }
0x40: {  	_ =	shalt  }
0x41: {  	_ =	shalt  }
0x42: {  	_ =	shalt  }
0x43: {  	_ =	shalt  }
0x44: {  	_ =	shalt  }
0x45: {  	_ =	shalt  }
0x46: {  	_ =	shalt  }
0x47: {  	_ =	shalt  }
0x48: {  	_ =	shalt  }
0x49: {  	_ =	shalt  }
0x4a: {  	_ =	shalt  }
0x4b: {  	_ =	shalt  }
0x4c: {  	_ =	shalt  }
0x4d: {  	_ =	shalt  }
0x4e: {  	_ =	shalt  }
0x4f: {  	_ =	shalt  }
0x50: {  	_ =	shalt  }
0x51: {  	_ =	shalt  }
0x52: {  	_ =	shalt  }
0x53: {  	_ =	shalt  }
0x54: {  	_ =	shalt  }
0x55: {  	_ =	shalt  }
0x56: {  	_ =	shalt  }
0x57: {  	_ =	shalt  }
0x58: {  	_ =	shalt  }
0x59: {  	_ =	shalt  }
0x5a: {  	_ =	shalt  }
0x5b: {  	_ =	shalt  }
0x5c: {  	_ =	shalt  }
0x5d: {  	_ =	shalt  }
0x5e: {  	_ =	shalt  }
0x5f: {  	_ =	shalt  }
0x60: {  	_ =	shalt  }
0x61: {  	_ =	shalt  }
0x62: {  	_ =	shalt  }
0x63: {  	_ =	shalt  }
0x64: {  	_ =	shalt  }
0x65: {  	_ =	shalt  }
0x66: {  	_ =	shalt  }
0x67: {  	_ =	shalt  }
0x68: {  	_ =	shalt  }
0x69: {  	_ =	shalt  }
0x6a: {  	_ =	shalt  }
0x6b: {  	_ =	shalt  }
0x6c: {  	_ =	shalt  }
0x6d: {  	_ =	shalt  }
0x6e: {  	_ =	shalt  }
0x6f: {  	_ =	shalt  }
0x70: {  	_ =	shalt  }
0x71: {  	_ =	shalt  }
0x72: {  	_ =	shalt  }
0x73: {  	_ =	shalt  }
0x74: {  	_ =	shalt  }
0x75: {  	_ =	shalt  }
0x76: {  	_ =	shalt  }
0x77: {  	_ =	shalt  }
0x78: {  	_ =	shalt  }
0x79: {  	_ =	shalt  }
0x7a: {  	_ =	shalt  }
0x7b: {  	_ =	shalt  }
0x7c: {  	_ =	shalt  }
0x7d: {  	_ =	shalt  }
0x7e: {  	_ =	shalt  }
0x7f: {  	_ =	shalt  }
0x80: {  	_ =	shalt  }
0x81: {  	_ =	shalt  }
0x82: {  	_ =	shalt  }
0x83: {  	_ =	shalt  }
0x84: {  	_ =	shalt  }
0x85: {  	_ =	shalt  }
0x86: {  	_ =	shalt  }
0x87: {  	_ =	shalt  }
.Lfunc_end0:
.L_simem_size_0:
called_computation_lowered:
.L_overlay_start_0:
0x88: {  	s2 =	sld [smem:$0x3FD9]  }
0x89: {  	s3 =	sld [smem:$0x3FFE];
	_ =	sdelay $0x1  }
0x8a: {  	s1 =	srdreg.scid  }
0x8b: {  	s0 =	sand.u32 $0x1, s1  }
0x8c: {  	s17 =	sshll.u32 s0, $0xA;
	s2 =	sadd.s32 s3, s2  }
0x8d: {  	s2 =	sadd.s32 s2, s17  }
0x8e: {  	[smem:$0x3FC0] =	sst s2  }
0x8f: {  	_ = 	snop  }
0x90: {  	s2 =	sld [smem:$0x3FC9]  }
0x91: {  	s18 =	sld [smem:$0x3FD0];
	(tm) =	ssettm $0x1  }
0x92: {  	s4 =	sld [smem:$0x3FFB];
	_ =	sdelay $0x3  }
0x93: {  	_ =	strace s4  }
0x94: {  	s4 =	sld [smem:$0x3FFC];
	_ =	sdelay $0x3  }
0x95: {  	_ =	strace s4  }
0x96: {  	s4 =	sld [smem:$0x3FFD];
	_ =	sdelay $0x3  }
0x97: {  	_ =	strace s4  }
0x98: {  	_ =	strace $0x8FFFFFFF  }
0x99: {  	s19 =	sld [smem:$0x3FDB];
	_ =	sdelay $0x1  }
0x9a: {  	s5 =	simm.s32 $_scs_section_size  }
0x9b: {  	s6 =	simm.s32 $_size__tile_overlayer_lowered;
	s7 =	simm.s32 $_tile_overlayer_lowered  }
0x9c: {  	s22 =	simm.s32 $0x1BFF;
	s21 =	sshll.u32 s7, $0x1;
	s4 =	sadd.s32 s5, s19  }
0x9d: {  	s8 =	simm.s32 $0x0;
	s20 =	sshll.u32 s6, $0x1;
	s6 =	sadd.s32 s21, s4  }
0x9e: {  	[timem:s8], [sflag:s22] =	dma.local [hbm:s6], s20  }
0x9f: {  	_ =	swait.ge [sflag:s22], s20  }
0xa0: {  	s5 =	ssub.s32 $0x0, s20;
	[sflag:s22] =	ssyncset.done $0x0  }
0xa1: {  	[sflag:s22] =	ssyncadd.s32 s5;
	_ =	sdelay $0x1  }
0xa2: {  	s23 =	simm.s32 $0x1B8B  }
0xa3: {  	_ =	swait.ge [sflag:s23], $0x1  }
0xa4: {  	[sflag:s23] =	ssyncset.done $0x0  }
0xa5: {  	s25 =	simm.s32 $0x1B8E;
	s24 =	sld [smem:$0x3FFE];
	[sflag:s23] =	ssyncadd.s32 $0xFFFFFFFF  }
0xa6: {  	s26 =	simm.s32 $execute0_lowered;
	[smem:$0x3FD2] =	sst s25  }
0xa7: {  	s6 =	sshll.u32 s26, $0x1;
	_ =	strace $0x80000046;
	[dreg:$0x1] =	wrdreg $0xFFFFFFFF  }
0xa8: {  	s28 =	simm.s32 $_size_execute0_lowered;
	s4 =	sadd.s32 s4, s6;
	[dreg:$0x0] =	wrdreg $0x0  }
0xa9: {  	s6 =	sshll.u32 s28, $0x1;
	[dreg:$0x2] =	wrdreg s4  }
0xaa: {  	[dreg:$0x3] =	wrdreg s6  }
0xab: {  	[dreg:$0x4] =	wrdreg $0xC0  }
0xac: {  	_ =	task [dreg:s8], $0x5FFFF  }
0xad: {  	[dreg:$0x1] =	wrdreg $0xFFFFFFFF  }
0xae: {  	[dreg:$0x0] =	wrdreg $0x60  }
0xaf: {  	[dreg:$0x2] =	wrdreg s2  }
0xb0: {  	[dreg:$0x3] =	wrdreg s18  }
0xb1: {  	[dreg:$0x4] =	wrdreg s24  }
0xb2: {  	[dreg:$0x5] =	wrdreg $0x0  }
0xb3: {  	[dreg:$0x6] =	wrdreg $0x1C8000  }
0xb4: {  	[dreg:$0x7] =	wrdreg $0x9  }
0xb5: {  	_ =	task.clear_ibuf [dreg:s8], $0x8FFFF;
	_ =	strace $0x90000046  }
0xb6: {  	s29 =	simm.s32 $0x9;
	_ =	strace $0x80000048  }
0xb7: {  	_ =	swait.ge [sflag:s29], $0x1  }
0xb8: {  	[sflag:s29] =	ssyncadd.s32 $0xFFFFFFFF  }
0xb9: {  	_ =	strace $0x90000048  }
0xba: {  	_ =	sfence  }
0xbb: {  	s30 =	sld [smem:$0x0];
	_ =	sdelay $0x2  }
0xbc: {  	s31 =	sshll.u32 s1, $0xD;
	s1 =	sshrl.u32 s1, $0x2  }
0xbd: {  	s3 =	sand.u32 $0x4000, s31;
	s1 =	sadd.s32 s1, s30  }
0xbe: {  	s0 =	sor.u32 s3, s0;
	s1 =	sshll.u32 s1, $0x11  }
0xbf: {  	s0 =	sor.u32 s1, s0  }
0xc0: {  	s0 =	sadd.s32 $0x8F2B, s0  }
0xc1: {  	[sflag:s0] =	ssyncadd.remote.s32 $0x1  }
0xc2: {  	_ =	sfence.sel $0xFFFF  }
0xc3: {  	[dreg:$0x0] =	wrdreg $0xFFFFFFFF;
	(pc) =	sbr.abs _section_cstart, $3  }
0xc4: {  	[dreg:$0x1] =	wrdreg $0xFFFFFFFF  }
0xc5: {  	_ =	task.clear_ibuf [dreg:s8], $0x2FFFF;
	_ =	strace $0x9FFFFFFF  }
0xc6: {  	(tm) =	ssettm $0x7FFFFFFF  }
0xc7: {  	_ =	shalt  }
tec
execute0_lowered:
.L_overlay_start_1:
0x0: {  	(tag) =	ssettag $0x1  }
0x1: {  	s1 =	rddreg [dreg:$0x0]  }
0x2: {  	s0 =	rddreg [dreg:$0x1]  }
0x3: {  	s6 =	rddreg [dreg:$0x2]  }
0x4: {  	s2 =	srdreg.scid;
	s3 =	rddreg [dreg:$0x3]  }
0x5: {  	s14 =	stileid.u32;
	s4 =	rddreg [dreg:$0x4];
	s5 =	simm.s32 $0x0  }
0x6: {  	s24 =	simm.s32 $0x14080;
	s25 =	simm.s32 $0x14100;
	s7 =	smul.u32 $0x7800, s14  }
0x7: {  	s28 =	simm.s32 $0x14500;
	s29 =	simm.s32 $0x14200;
	s10 =	smul.u32 $0x14000, s14  }
0x8: {  	s30 =	simm.s32 $0x14580;
	s31 =	simm.s32 $0x14280;
	s11 =	smul.u32 $0x280, s14  }
0x9: {  	s2 =	sand.u32 $0x1, s2;
	[smem:$0x7FF] =	sst s5;
	s16 =	smul.u32 $0x50000, s14  }
0xa: {  	s13 =	sadd.s32 $0x11600, s6;
	s15 =	sadd.s32 $0x13E00, s6;
	s8 =	smul.u32 $0x3C00, s2  }
0xb: {  	s9 =	smul.u32 $0x140000, s2;
	_ =	strace $0x80000047;
	[dreg:$0x9] =	wrdreg s13  }
0xc: {  	s14 =	sshll.u32 s14, $0x6;
	s26 =	smul.u32 $0x2800, s2;
	[dreg:$0xa] =	wrdreg s15  }
0xd: {  	s18 =	ssub.s32 $0x2, s2;
	p0 =	seq.s32 s2, $0x0;
	[dreg:$0x6] =	wrdreg s24  }
0xe: {  	s2 =	simm.s32 $0xF;
	s24 =	simm.s32 $0x1CA80;
	[dreg:$0x7] =	wrdreg s25  }
0xf: {  	s25 =	simm.s32 $0x2;
	s19 =	sshrl.u32 s18, $0x1;
	s2 =	simm.s32 @!p0 $0x5  }
0x10: {  	s7 =	sadd.s32 s8, s7;
	s9 =	sadd.s32 s10, s9;
	s8 =	sadd.s32 s11, s26  }
0x11: {  	s10 =	sshrl.u32 s16, $0x2;
	s15 =	ssub.s32 s18, s19;
	s11 =	sadd.s32 s11, s4  }
0x12: {  	[dreg:$0xb] =	wrdreg s2;
	s16 =	simm.s32 $0x4;
	s18 =	simm.s32 $0x14000  }
0x13: {  	s19 =	simm.s32 $0x14400;
	s26 =	simm.s32 $0x14180;
	s2 =	simm.s32 $0x14600  }
0x14: {  	s7 =	sshrl.u32 s7, $0x3;
	s9 =	sshrl.u32 s9, $0x3;
	s8 =	sshrl.u32 s8, $0x3  }
0x15: {  	s10 =	sadd.s32 s10, s3;
	s22 =	smax.u32 s15, $0x1;
	[dreg:$0x8] =	wrdreg s26  }
0x16: {  	s26 =	simm.s32 $0x14480;
	s15 =	simm.s32 $0x0;
	s12 =	sadd.s32 s7, s6  }
0x17: {  	s17 =	sadd.s32 s9, s6;
	[dreg:$0xe] =	wrdreg s22;
	s0 =	sadd.s32 s7, s0  }
0x18: {  	s6 =	sadd.s32 s8, s6;
	s8 =	sor.u32 $0x1C04, s14;
	[dreg:$0x10] =	wrdreg s0  }
0x19: {  	s13 =	sshrl.u32 s10, $0x3;
	s14 =	sshrl.u32 s11, $0x3;
	[dreg:$0x11] =	wrdreg s8  }
0x1a: {  	s22 =	simm.s32 $0x1;
	s7 =	simm.s32 $0x14380;
	[dreg:$0x12] =	wrdreg s13  }
0x1b: {  	s10 =	simm.s32 $0x14700;
	s20 =	sadd.s32 $0x14000, s17;
	[dreg:$0x13] =	wrdreg s14  }
0x1c: {  	s11 =	simm.s32 $0x14780;
	s21 =	sadd.s32 $0x64000, s6;
	[dreg:$0xc] =	wrdreg s20  }
0x1d: {  	s23 =	sadd.s32 $0x2600, s12;
	s0 =	simm.s32 $0x14300;
	[dreg:$0xd] =	wrdreg s21  }
0x1e: {  	s6 =	simm.s32 $0x14680;
	s12 =	simm.s32 $0x3;
	[dreg:$0xf] =	wrdreg s23  }
0x1f: {  	v0 =	vimm.f32 $1.000000000e+00;
	s20 =	simm.s32 $0x80;
	s21 =	simm.s32 $0x14800;
	s23 =	simm.s32 $0x18800  }
.LBB2_1:
0x20: {  	s9 =	rddreg [dreg:$0x9]  }
0x21: {  	[spmem:s13], [sflag:s8] =	dma.local [hbm:s9], $0x2800  }
0x22: {  	_ =	swait.ge [sflag:s16], $0x2800  }
0x23: {  	[sflag:s16] =	ssyncset.done $0x0  }
0x24: {  	s17 =	rddreg [dreg:$0xa];
	[sflag:s16] =	ssyncadd.s32 $0xFFFFD800  }
0x25: {  	[spmem:s14], [sflag:s8] =	dma.local [hbm:s17], $0x50  }
0x26: {  	_ =	swait.ge [sflag:s16], $0x50  }
0x27: {  	[sflag:s16] =	ssyncset.done $0x0  }
0x28: {  	[sflag:s16] =	ssyncadd.s32 $0xFFFFFFB0  }
0x29: {  	[tilespmem:$0x1CA80] =	vst v0  }
0x2a: {  	[tilespmem:$0x1CA90] =	vst v0  }
0x2b: {  	[tilespmem:$0x1CAA0] =	vst v0  }
0x2c: {  	[tilespmem:$0x1CAB0] =	vst v0  }
0x2d: {  	[tilespmem:$0x1CAC0] =	vst v0  }
0x2e: {  	[tilespmem:$0x1CAD0] =	vst v0  }
0x2f: {  	[tilespmem:$0x1CAE0] =	vst v0  }
0x30: {  	[tilespmem:$0x1CAF0] =	vst v0  }
0x31: {  	[bflag:$0x0] =	sbarrier.arrive $0xFFFF  }
0x32: {  	s8 =	rddreg [dreg:$0x10]  }
0x33: {  	[tilespmem:s18], [sflag:$0x4] =	stream.linear.gather [hbm4b:s8+s5], $0x400, $0x38;
	[tilespmem:$0x1CB00] =	vst v63  }
0x34: {  	_ =	swait.ge [sflag:s16], $0x400  }
0x35: {  	[sflag:s16] =	ssyncset.done $0x0  }
0x36: {  	s14 =	rddreg [dreg:$0xf];
	[sflag:s16] =	ssyncadd.s32 $0xFFFFFC00  }
0x37: {  	[tilespmem:s19], [sflag:$0x4] =	stream.linear.gather [hbm4b:s14+s5], $0x400, $0x38;
	[tilespmem:$0x1CB00] =	vst v63  }
0x38: {  	_ =	swait.ge [sflag:s16], $0x400  }
0x39: {  	[sflag:s16] =	ssyncset.done $0x0  }
0x3a: {  	[sflag:s16] =	ssyncadd.s32 $0xFFFFFC00  }
0x3b: {  	[tilespmem:s21], [sflag:$0x1] =	stream.indirect.gather [hbm4b:s1+s20], $0x80, s18, s20, $0xb8;
	[tilespmem:$0x1CB00] =	vst v63  }
0x3c: {  	_ =	swait.ge [sflag:s22], $0x4000  }
0x3d: {  	[sflag:s22] =	ssyncset.done $0x0  }
0x3e: {  	s9 =	rddreg [dreg:$0x6];
	[sflag:s22] =	ssyncadd.s32 $0xFFFFC000  }
0x3f: {  	[tilespmem:s23], [sflag:$0x1] =	stream.indirect.gather [hbm4b:s1+s20], $0x80, s9, s20, $0xb8;
	[tilespmem:$0x1CB00] =	vst v63  }
0x40: {  	_ = 	snop  }
0x41: {  	[spmem:s3] =	stream.indirect.scatter.add.f32 [tilespmem:s21], [sflag:$0x2], $0x80, s19, s20, $0xb8;
	[tilespmem:$0x1CB00] =	vst v63  }
0x42: {  	_ = 	snop  }
0x43: {  	[spmem:s4] =	stream.indirect.scatter.add.f32 [tilespmem:s24], [sflag:$0x3], $0x1, s19, s20, $0xb8;
	[tilespmem:$0x1CB00] =	vst v63  }
0x44: {  	_ =	swait.ge [sflag:s22], $0x4000  }
0x45: {  	[sflag:s22] =	ssyncset.done $0x0  }
0x46: {  	[sflag:s22] =	ssyncadd.s32 $0xFFFFC000  }
0x47: {  	_ =	swait.ge [sflag:s25], $0x4000  }
0x48: {  	[sflag:s25] =	ssyncset.done $0x0  }
0x49: {  	s17 =	rddreg [dreg:$0x7];
	[sflag:s25] =	ssyncadd.s32 $0xFFFFC000  }
0x4a: {  	[tilespmem:s21], [sflag:$0x1] =	stream.indirect.gather [hbm4b:s1+s20], $0x80, s17, s20, $0xb8;
	[tilespmem:$0x1CB00] =	vst v63  }
0x4b: {  	_ = 	snop  }
0x4c: {  	[spmem:s3] =	stream.indirect.scatter.add.f32 [tilespmem:s23], [sflag:$0x2], $0x80, s26, s20, $0xb8;
	[tilespmem:$0x1CB00] =	vst v63  }
0x4d: {  	_ = 	snop  }
0x4e: {  	[spmem:s4] =	stream.indirect.scatter.add.f32 [tilespmem:s24], [sflag:$0x3], $0x1, s26, s20, $0xb8;
	[tilespmem:$0x1CB00] =	vst v63  }
0x4f: {  	_ =	swait.ge [sflag:s22], $0x4000  }
0x50: {  	[sflag:s22] =	ssyncset.done $0x0  }
0x51: {  	[sflag:s22] =	ssyncadd.s32 $0xFFFFC000  }
0x52: {  	_ =	swait.ge [sflag:s25], $0x4000  }
0x53: {  	[sflag:s25] =	ssyncset.done $0x0  }
0x54: {  	s9 =	rddreg [dreg:$0x8];
	[sflag:s25] =	ssyncadd.s32 $0xFFFFC000  }
0x55: {  	[tilespmem:s23], [sflag:$0x1] =	stream.indirect.gather [hbm4b:s1+s20], $0x80, s9, s20, $0xb8;
	[tilespmem:$0x1CB00] =	vst v63  }
0x56: {  	_ = 	snop  }
0x57: {  	[spmem:s3] =	stream.indirect.scatter.add.f32 [tilespmem:s21], [sflag:$0x2], $0x80, s28, s20, $0xb8;
	[tilespmem:$0x1CB00] =	vst v63  }
0x58: {  	_ = 	snop  }
0x59: {  	[spmem:s4] =	stream.indirect.scatter.add.f32 [tilespmem:s24], [sflag:$0x3], $0x1, s28, s20, $0xb8;
	[tilespmem:$0x1CB00] =	vst v63  }
0x5a: {  	_ =	swait.ge [sflag:s22], $0x4000  }
0x5b: {  	[sflag:s22] =	ssyncset.done $0x0  }
0x5c: {  	[sflag:s22] =	ssyncadd.s32 $0xFFFFC000  }
0x5d: {  	_ =	swait.ge [sflag:s25], $0x4000  }
0x5e: {  	[sflag:s25] =	ssyncset.done $0x0  }
0x5f: {  	[sflag:s25] =	ssyncadd.s32 $0xFFFFC000  }
0x60: {  	[tilespmem:s21], [sflag:$0x1] =	stream.indirect.gather [hbm4b:s1+s20], $0x80, s29, s20, $0xb8;
	[tilespmem:$0x1CB00] =	vst v63  }
0x61: {  	_ = 	snop  }
0x62: {  	[spmem:s3] =	stream.indirect.scatter.add.f32 [tilespmem:s23], [sflag:$0x2], $0x80, s30, s20, $0xb8;
	[tilespmem:$0x1CB00] =	vst v63  }
0x63: {  	_ = 	snop  }
0x64: {  	[spmem:s4] =	stream.indirect.scatter.add.f32 [tilespmem:s24], [sflag:$0x3], $0x1, s30, s20, $0xb8;
	[tilespmem:$0x1CB00] =	vst v63  }
0x65: {  	_ =	swait.ge [sflag:s22], $0x4000  }
0x66: {  	[sflag:s22] =	ssyncset.done $0x0  }
0x67: {  	[sflag:s22] =	ssyncadd.s32 $0xFFFFC000  }
0x68: {  	_ =	swait.ge [sflag:s25], $0x4000  }
0x69: {  	[sflag:s25] =	ssyncset.done $0x0  }
0x6a: {  	[sflag:s25] =	ssyncadd.s32 $0xFFFFC000  }
0x6b: {  	[tilespmem:s23], [sflag:$0x1] =	stream.indirect.gather [hbm4b:s1+s20], $0x80, s31, s20, $0xb8;
	[tilespmem:$0x1CB00] =	vst v63  }
0x6c: {  	_ = 	snop  }
0x6d: {  	[spmem:s3] =	stream.indirect.scatter.add.f32 [tilespmem:s21], [sflag:$0x2], $0x80, s2, s20, $0xb8;
	[tilespmem:$0x1CB00] =	vst v63  }
0x6e: {  	_ = 	snop  }
0x6f: {  	[spmem:s4] =	stream.indirect.scatter.add.f32 [tilespmem:s24], [sflag:$0x3], $0x1, s2, s20, $0xb8;
	[tilespmem:$0x1CB00] =	vst v63  }
0x70: {  	_ =	swait.ge [sflag:s22], $0x4000  }
0x71: {  	[sflag:s22] =	ssyncset.done $0x0  }
0x72: {  	[sflag:s22] =	ssyncadd.s32 $0xFFFFC000  }
0x73: {  	_ =	swait.ge [sflag:s25], $0x4000  }
0x74: {  	[sflag:s25] =	ssyncset.done $0x0  }
0x75: {  	[sflag:s25] =	ssyncadd.s32 $0xFFFFC000  }
0x76: {  	[tilespmem:s21], [sflag:$0x1] =	stream.indirect.gather [hbm4b:s1+s20], $0x80, s0, s20, $0xb8;
	[tilespmem:$0x1CB00] =	vst v63  }
0x77: {  	_ = 	snop  }
0x78: {  	[spmem:s3] =	stream.indirect.scatter.add.f32 [tilespmem:s23], [sflag:$0x2], $0x80, s6, s20, $0xb8;
	[tilespmem:$0x1CB00] =	vst v63  }
0x79: {  	_ = 	snop  }
0x7a: {  	[spmem:s4] =	stream.indirect.scatter.add.f32 [tilespmem:s24], [sflag:$0x3], $0x1, s6, s20, $0xb8;
	[tilespmem:$0x1CB00] =	vst v63  }
0x7b: {  	_ =	swait.ge [sflag:s22], $0x4000  }
0x7c: {  	[sflag:s22] =	ssyncset.done $0x0  }
0x7d: {  	[sflag:s22] =	ssyncadd.s32 $0xFFFFC000  }
0x7e: {  	_ =	swait.ge [sflag:s25], $0x4000  }
0x7f: {  	[sflag:s25] =	ssyncset.done $0x0  }
0x80: {  	[sflag:s25] =	ssyncadd.s32 $0xFFFFC000  }
0x81: {  	[tilespmem:s23], [sflag:$0x1] =	stream.indirect.gather [hbm4b:s1+s20], $0x80, s7, s20, $0xb8;
	[tilespmem:$0x1CB00] =	vst v63  }
0x82: {  	_ = 	snop  }
0x83: {  	[spmem:s3] =	stream.indirect.scatter.add.f32 [tilespmem:s21], [sflag:$0x2], $0x80, s10, s20, $0xb8;
	[tilespmem:$0x1CB00] =	vst v63  }
0x84: {  	_ = 	snop  }
0x85: {  	[spmem:s4] =	stream.indirect.scatter.add.f32 [tilespmem:s24], [sflag:$0x3], $0x1, s10, s20, $0xb8;
	[tilespmem:$0x1CB00] =	vst v63  }
0x86: {  	_ =	swait.ge [sflag:s22], $0x4000  }
0x87: {  	[sflag:s22] =	ssyncset.done $0x0  }
0x88: {  	[sflag:s22] =	ssyncadd.s32 $0xFFFFC000  }
0x89: {  	_ =	swait.ge [sflag:s25], $0x4000  }
0x8a: {  	[sflag:s25] =	ssyncset.done $0x0  }
0x8b: {  	[sflag:s25] =	ssyncadd.s32 $0xFFFFC000  }
0x8c: {  	[spmem:s3] =	stream.indirect.scatter.add.f32 [tilespmem:s23], [sflag:$0x2], $0x80, s11, s20, $0xb8;
	[tilespmem:$0x1CB00] =	vst v63  }
0x8d: {  	_ = 	snop  }
0x8e: {  	[spmem:s4] =	stream.indirect.scatter.add.f32 [tilespmem:s24], [sflag:$0x3], $0x1, s11, s20, $0xb8;
	[tilespmem:$0x1CB00] =	vst v63  }
0x8f: {  	_ =	swait.ge [sflag:s25], $0x4000  }
0x90: {  	[sflag:s25] =	ssyncset.done $0x0  }
0x91: {  	[sflag:s25] =	ssyncadd.s32 $0xFFFFC000  }
0x92: {  	_ =	swait.ge [sflag:s12], $0x80  }
0x93: {  	[sflag:s12] =	ssyncset.done $0x0  }
0x94: {  	[sflag:s12] =	ssyncadd.s32 $0xFFFFFF80  }
0x95: {  	_ =	swait.ge [sflag:s12], $0x80  }
0x96: {  	[sflag:s12] =	ssyncset.done $0x0  }
0x97: {  	[sflag:s12] =	ssyncadd.s32 $0xFFFFFF80  }
0x98: {  	_ =	swait.ge [sflag:s12], $0x80  }
0x99: {  	[sflag:s12] =	ssyncset.done $0x0  }
0x9a: {  	[sflag:s12] =	ssyncadd.s32 $0xFFFFFF80  }
0x9b: {  	_ =	swait.ge [sflag:s12], $0x80  }
0x9c: {  	[sflag:s12] =	ssyncset.done $0x0  }
0x9d: {  	[sflag:s12] =	ssyncadd.s32 $0xFFFFFF80  }
0x9e: {  	_ =	swait.ge [sflag:s12], $0x80  }
0x9f: {  	[sflag:s12] =	ssyncset.done $0x0  }
0xa0: {  	[sflag:s12] =	ssyncadd.s32 $0xFFFFFF80  }
0xa1: {  	_ =	swait.ge [sflag:s12], $0x80  }
0xa2: {  	[sflag:s12] =	ssyncset.done $0x0  }
0xa3: {  	[sflag:s12] =	ssyncadd.s32 $0xFFFFFF80  }
0xa4: {  	_ =	swait.ge [sflag:s12], $0x80  }
0xa5: {  	s17 =	rddreg [dreg:$0xb]  }
0xa6: {  	p0 =	sne.s32 s17, $0x1  }
.Ltmp0:
0xa7: {  	_ = 	snop;
	(pc) =	sbr.rel @!p0 .LBB2_3-.Ltmp0, $4  }
0xa8: {  	[sflag:s12] =	ssyncset.done $0x0  }
0xa9: {  	[sflag:s12] =	ssyncadd.s32 $0xFFFFFF80  }
0xaa: {  	_ =	swait.ge [sflag:s12], $0x80  }
0xab: {  	s13 =	smov.u32 s14;
	s17 =	sadd.s32 $0xFFFFFFFF, s17;
	[sflag:s12] =	ssyncset.done $0x0  }
.LBB2_2:
0xac: {  	[sflag:s12] =	ssyncadd.s32 $0xFFFFFF80;
	s8 =	sadd.s32 $0x80, s8  }
0xad: {  	[tilespmem:s18], [sflag:$0x4] =	stream.linear.gather [hbm4b:s8+s5], $0x400, $0x38;
	[tilespmem:$0x1CB00] =	vst v63  }
0xae: {  	_ =	swait.ge [sflag:s16], $0x400  }
0xaf: {  	[sflag:s16] =	ssyncset.done $0x0  }
0xb0: {  	s13 =	sadd.s32 $0x80, s13;
	[sflag:s16] =	ssyncadd.s32 $0xFFFFFC00  }
0xb1: {  	[tilespmem:s19], [sflag:$0x4] =	stream.linear.gather [hbm4b:s13+s5], $0x400, $0x38;
	[tilespmem:$0x1CB00] =	vst v63  }
0xb2: {  	_ =	swait.ge [sflag:s16], $0x400  }
0xb3: {  	[sflag:s16] =	ssyncset.done $0x0  }
0xb4: {  	[sflag:s16] =	ssyncadd.s32 $0xFFFFFC00  }
0xb5: {  	[tilespmem:s21], [sflag:$0x1] =	stream.indirect.gather [hbm4b:s1+s20], $0x80, s18, s20, $0xb8;
	[tilespmem:$0x1CB00] =	vst v63  }
0xb6: {  	_ =	swait.ge [sflag:s22], $0x4000  }
0xb7: {  	[sflag:s22] =	ssyncset.done $0x0  }
0xb8: {  	s9 =	rddreg [dreg:$0x6];
	[sflag:s22] =	ssyncadd.s32 $0xFFFFC000  }
0xb9: {  	[tilespmem:s23], [sflag:$0x1] =	stream.indirect.gather [hbm4b:s1+s20], $0x80, s9, s20, $0xb8;
	[tilespmem:$0x1CB00] =	vst v63  }
0xba: {  	_ = 	snop  }
0xbb: {  	[spmem:s3] =	stream.indirect.scatter.add.f32 [tilespmem:s21], [sflag:$0x2], $0x80, s19, s20, $0xb8;
	[tilespmem:$0x1CB00] =	vst v63  }
0xbc: {  	_ = 	snop  }
0xbd: {  	[spmem:s4] =	stream.indirect.scatter.add.f32 [tilespmem:s24], [sflag:$0x3], $0x1, s19, s20, $0xb8;
	[tilespmem:$0x1CB00] =	vst v63  }
0xbe: {  	_ =	swait.ge [sflag:s22], $0x4000  }
0xbf: {  	[sflag:s22] =	ssyncset.done $0x0  }
0xc0: {  	[sflag:s22] =	ssyncadd.s32 $0xFFFFC000  }
0xc1: {  	_ =	swait.ge [sflag:s25], $0x4000  }
0xc2: {  	[sflag:s25] =	ssyncset.done $0x0  }
0xc3: {  	s14 =	rddreg [dreg:$0x7];
	[sflag:s25] =	ssyncadd.s32 $0xFFFFC000  }
0xc4: {  	[tilespmem:s21], [sflag:$0x1] =	stream.indirect.gather [hbm4b:s1+s20], $0x80, s14, s20, $0xb8;
	[tilespmem:$0x1CB00] =	vst v63  }
0xc5: {  	_ = 	snop  }
0xc6: {  	[spmem:s3] =	stream.indirect.scatter.add.f32 [tilespmem:s23], [sflag:$0x2], $0x80, s26, s20, $0xb8;
	[tilespmem:$0x1CB00] =	vst v63  }
0xc7: {  	_ = 	snop  }
0xc8: {  	[spmem:s4] =	stream.indirect.scatter.add.f32 [tilespmem:s24], [sflag:$0x3], $0x1, s26, s20, $0xb8;
	[tilespmem:$0x1CB00] =	vst v63  }
0xc9: {  	_ =	swait.ge [sflag:s22], $0x4000  }
0xca: {  	[sflag:s22] =	ssyncset.done $0x0  }
0xcb: {  	[sflag:s22] =	ssyncadd.s32 $0xFFFFC000  }
0xcc: {  	_ =	swait.ge [sflag:s25], $0x4000  }
0xcd: {  	[sflag:s25] =	ssyncset.done $0x0  }
0xce: {  	s14 =	rddreg [dreg:$0x8];
	[sflag:s25] =	ssyncadd.s32 $0xFFFFC000  }
0xcf: {  	[tilespmem:s23], [sflag:$0x1] =	stream.indirect.gather [hbm4b:s1+s20], $0x80, s14, s20, $0xb8;
	[tilespmem:$0x1CB00] =	vst v63  }
0xd0: {  	_ = 	snop  }
0xd1: {  	[spmem:s3] =	stream.indirect.scatter.add.f32 [tilespmem:s21], [sflag:$0x2], $0x80, s28, s20, $0xb8;
	[tilespmem:$0x1CB00] =	vst v63  }
0xd2: {  	_ = 	snop  }
0xd3: {  	[spmem:s4] =	stream.indirect.scatter.add.f32 [tilespmem:s24], [sflag:$0x3], $0x1, s28, s20, $0xb8;
	[tilespmem:$0x1CB00] =	vst v63  }
0xd4: {  	_ =	swait.ge [sflag:s22], $0x4000  }
0xd5: {  	[sflag:s22] =	ssyncset.done $0x0  }
0xd6: {  	[sflag:s22] =	ssyncadd.s32 $0xFFFFC000  }
0xd7: {  	_ =	swait.ge [sflag:s25], $0x4000  }
0xd8: {  	[sflag:s25] =	ssyncset.done $0x0  }
0xd9: {  	[sflag:s25] =	ssyncadd.s32 $0xFFFFC000  }
0xda: {  	[tilespmem:s21], [sflag:$0x1] =	stream.indirect.gather [hbm4b:s1+s20], $0x80, s29, s20, $0xb8;
	[tilespmem:$0x1CB00] =	vst v63  }
0xdb: {  	_ = 	snop  }
0xdc: {  	[spmem:s3] =	stream.indirect.scatter.add.f32 [tilespmem:s23], [sflag:$0x2], $0x80, s30, s20, $0xb8;
	[tilespmem:$0x1CB00] =	vst v63  }
0xdd: {  	_ = 	snop  }
0xde: {  	[spmem:s4] =	stream.indirect.scatter.add.f32 [tilespmem:s24], [sflag:$0x3], $0x1, s30, s20, $0xb8;
	[tilespmem:$0x1CB00] =	vst v63  }
0xdf: {  	_ =	swait.ge [sflag:s22], $0x4000  }
0xe0: {  	[sflag:s22] =	ssyncset.done $0x0  }
0xe1: {  	[sflag:s22] =	ssyncadd.s32 $0xFFFFC000  }
0xe2: {  	_ =	swait.ge [sflag:s25], $0x4000  }
0xe3: {  	[sflag:s25] =	ssyncset.done $0x0  }
0xe4: {  	[sflag:s25] =	ssyncadd.s32 $0xFFFFC000  }
0xe5: {  	[tilespmem:s23], [sflag:$0x1] =	stream.indirect.gather [hbm4b:s1+s20], $0x80, s31, s20, $0xb8;
	[tilespmem:$0x1CB00] =	vst v63  }
0xe6: {  	_ = 	snop  }
0xe7: {  	[spmem:s3] =	stream.indirect.scatter.add.f32 [tilespmem:s21], [sflag:$0x2], $0x80, s2, s20, $0xb8;
	[tilespmem:$0x1CB00] =	vst v63  }
0xe8: {  	_ = 	snop  }
0xe9: {  	[spmem:s4] =	stream.indirect.scatter.add.f32 [tilespmem:s24], [sflag:$0x3], $0x1, s2, s20, $0xb8;
	[tilespmem:$0x1CB00] =	vst v63  }
0xea: {  	_ =	swait.ge [sflag:s22], $0x4000  }
0xeb: {  	[sflag:s22] =	ssyncset.done $0x0  }
0xec: {  	[sflag:s22] =	ssyncadd.s32 $0xFFFFC000  }
0xed: {  	_ =	swait.ge [sflag:s25], $0x4000  }
0xee: {  	[sflag:s25] =	ssyncset.done $0x0  }
0xef: {  	[sflag:s25] =	ssyncadd.s32 $0xFFFFC000  }
0xf0: {  	[tilespmem:s21], [sflag:$0x1] =	stream.indirect.gather [hbm4b:s1+s20], $0x80, s0, s20, $0xb8;
	[tilespmem:$0x1CB00] =	vst v63  }
0xf1: {  	_ = 	snop  }
0xf2: {  	[spmem:s3] =	stream.indirect.scatter.add.f32 [tilespmem:s23], [sflag:$0x2], $0x80, s6, s20, $0xb8;
	[tilespmem:$0x1CB00] =	vst v63  }
0xf3: {  	_ = 	snop  }
0xf4: {  	[spmem:s4] =	stream.indirect.scatter.add.f32 [tilespmem:s24], [sflag:$0x3], $0x1, s6, s20, $0xb8;
	[tilespmem:$0x1CB00] =	vst v63  }
0xf5: {  	_ =	swait.ge [sflag:s22], $0x4000  }
0xf6: {  	[sflag:s22] =	ssyncset.done $0x0  }
0xf7: {  	[sflag:s22] =	ssyncadd.s32 $0xFFFFC000  }
0xf8: {  	_ =	swait.ge [sflag:s25], $0x4000  }
0xf9: {  	[sflag:s25] =	ssyncset.done $0x0  }
0xfa: {  	[sflag:s25] =	ssyncadd.s32 $0xFFFFC000  }
0xfb: {  	[tilespmem:s23], [sflag:$0x1] =	stream.indirect.gather [hbm4b:s1+s20], $0x80, s7, s20, $0xb8;
	[tilespmem:$0x1CB00] =	vst v63  }
0xfc: {  	_ = 	snop  }
0xfd: {  	[spmem:s3] =	stream.indirect.scatter.add.f32 [tilespmem:s21], [sflag:$0x2], $0x80, s10, s20, $0xb8;
	[tilespmem:$0x1CB00] =	vst v63  }
0xfe: {  	_ = 	snop  }
0xff: {  	[spmem:s4] =	stream.indirect.scatter.add.f32 [tilespmem:s24], [sflag:$0x3], $0x1, s10, s20, $0xb8;
	[tilespmem:$0x1CB00] =	vst v63  }
0x100: {  	_ =	swait.ge [sflag:s22], $0x4000  }
0x101: {  	[sflag:s22] =	ssyncset.done $0x0  }
0x102: {  	[sflag:s22] =	ssyncadd.s32 $0xFFFFC000  }
0x103: {  	_ =	swait.ge [sflag:s25], $0x4000  }
0x104: {  	[sflag:s25] =	ssyncset.done $0x0  }
0x105: {  	[sflag:s25] =	ssyncadd.s32 $0xFFFFC000  }
0x106: {  	[spmem:s3] =	stream.indirect.scatter.add.f32 [tilespmem:s23], [sflag:$0x2], $0x80, s11, s20, $0xb8;
	[tilespmem:$0x1CB00] =	vst v63  }
0x107: {  	_ = 	snop  }
0x108: {  	[spmem:s4] =	stream.indirect.scatter.add.f32 [tilespmem:s24], [sflag:$0x3], $0x1, s11, s20, $0xb8;
	[tilespmem:$0x1CB00] =	vst v63  }
0x109: {  	_ =	swait.ge [sflag:s25], $0x4000  }
0x10a: {  	[sflag:s25] =	ssyncset.done $0x0  }
0x10b: {  	[sflag:s25] =	ssyncadd.s32 $0xFFFFC000  }
0x10c: {  	_ =	swait.ge [sflag:s12], $0x80  }
0x10d: {  	[sflag:s12] =	ssyncset.done $0x0  }
0x10e: {  	[sflag:s12] =	ssyncadd.s32 $0xFFFFFF80  }
0x10f: {  	_ =	swait.ge [sflag:s12], $0x80  }
0x110: {  	[sflag:s12] =	ssyncset.done $0x0  }
0x111: {  	[sflag:s12] =	ssyncadd.s32 $0xFFFFFF80  }
0x112: {  	_ =	swait.ge [sflag:s12], $0x80  }
0x113: {  	[sflag:s12] =	ssyncset.done $0x0  }
0x114: {  	[sflag:s12] =	ssyncadd.s32 $0xFFFFFF80  }
0x115: {  	_ =	swait.ge [sflag:s12], $0x80  }
0x116: {  	[sflag:s12] =	ssyncset.done $0x0  }
0x117: {  	[sflag:s12] =	ssyncadd.s32 $0xFFFFFF80  }
0x118: {  	_ =	swait.ge [sflag:s12], $0x80  }
0x119: {  	[sflag:s12] =	ssyncset.done $0x0  }
0x11a: {  	[sflag:s12] =	ssyncadd.s32 $0xFFFFFF80  }
0x11b: {  	_ =	swait.ge [sflag:s12], $0x80  }
0x11c: {  	[sflag:s12] =	ssyncset.done $0x0  }
0x11d: {  	p0 =	sne.s32 s17, $0x1;
	[sflag:s12] =	ssyncadd.s32 $0xFFFFFF80  }
.Ltmp1:
0x11e: {  	_ =	swait.ge [sflag:s12], $0x80;
	(pc) =	sbr.rel @p0 .LBB2_2-.Ltmp1, $4  }
0x11f: {  	[sflag:s12] =	ssyncset.done $0x0  }
0x120: {  	[sflag:s12] =	ssyncadd.s32 $0xFFFFFF80  }
0x121: {  	_ =	swait.ge [sflag:s12], $0x80  }
0x122: {  	s17 =	sadd.s32 $0xFFFFFFFF, s17;
	[sflag:s12] =	ssyncset.done $0x0  }
.LBB2_3:
0x123: {  	[sflag:s12] =	ssyncadd.s32 $0xFFFFFF80  }
0x124: {  	[bflag:$0x0] =	sbarrier.arrive $0xFFFF  }
0x125: {  	s9 =	rddreg [dreg:$0xc]  }
0x126: {  	s8 =	rddreg [dreg:$0x11]  }
0x127: {  	s13 =	rddreg [dreg:$0x12]  }
0x128: {  	[hbm:s9], [sflag:s8] =	dma.local [spmem:s13], $0x2800  }
0x129: {  	_ =	swait.ge [sflag:s16], $0x2800  }
0x12a: {  	[sflag:s16] =	ssyncset.done $0x0;
	s17 =	rddreg [dreg:$0xd]  }
0x12b: {  	s14 =	rddreg [dreg:$0x13];
	[sflag:s16] =	ssyncadd.s32 $0xFFFFD800  }
0x12c: {  	[hbm:s17], [sflag:s8] =	dma.local [spmem:s14], $0x50  }
0x12d: {  	_ =	swait.ge [sflag:s16], $0x50  }
0x12e: {  	s15 =	sadd.s32 $0x1, s15;
	s17 =	rddreg [dreg:$0xe]  }
0x12f: {  	p0 =	sne.s32 s15, s17  }
.Ltmp2:
0x130: {  	_ = 	snop;
	(pc) =	sbr.rel @p0 .LBB2_1-.Ltmp2, $3  }
0x131: {  	_ =	sdelay $0x1  }
0x132: {  	[sflag:s16] =	ssyncset.done $0x0  }
0x133: {  	[sflag:s16] =	ssyncadd.s32 $0xFFFFFFB0  }
0x134: {  	_ =	sfence.sel $0x180000  }
0x135: {  	[bflag:$0x0] =	sbarrier.arrive $0xFFFF  }
0x136: {  	_ =	strace $0x90000047  }
0x137: {  	s0 =	stileid.u32;
	[bflag:$0x2] =	sbarrier.arrive $0xFFFF  }
0x138: {  	p0 =	sne.s32 s0, $0x0;
	s0 =	rddreg [dreg:$0x5]  }
0x139: {  	s0 =	sadd.s32 @!p0 $0x100000, s0  }
0x13a: {  	[sflag:s0] =	ssyncadd.tile.s32 @!p0 $0x1;
	_ =	shalt  }
.Lfunc_end2:
_tile_overlayer_lowered:
.L_overlay_start_2:
0x13b: {  	(tag) =	ssettag $0x2  }
0x13c: {  	s0 =	rddreg [dreg:$0x0];
	s2 =	stileid.u32  }
0x13d: {  	s1 =	rddreg [dreg:$0x1];
	p0 =	sne.s32 s2, $0x0  }
0x13e: {  	s3 =	rddreg [dreg:$0x2];
	[bflag:$0x3] =	sbarrier.arrive $0xFFFF;
	s2 =	simm.s32 @!p0 $0x1C04  }
0x13f: {  	[timem:s3], [sflag:s2] =	dma.local @!p0 [hbm:s0], s1  }
0x140: {  	s0 =	simm.s32 @!p0 $0x4  }
0x141: {  	_ =	swait.ge @!p0 [sflag:s0], s1  }
0x142: {  	s1 =	ssub.s32 @!p0 $0x0, s1;
	[sflag:s0] =	ssyncset.done @!p0 $0x0  }
0x143: {  	[sflag:s0] =	ssyncadd.s32 @!p0 s1  }
0x144: {  	[bflag:$0x3] =	sbarrier.arrive $0xFFFF  }
0x145: {  	_ =	shalt  }

// kernel: kernel.9.cloned.1.call-start
scs
__scs_entry_jumppad:
0x0: {  	(pc) =	sbr.rel $0x88, $3  }
0x1: {  	(tag) =	ssettag $0x0;
	lr =	simm.s32 $0x1  }
0x2: {  	[smem:$0x3F99] =	sst lr;
	_ =	strace $0xD0000000  }
0x3: {  	_ = 	snop  }
0x4: {  	_ = 	snop  }
0x5: {  	_ = 	snop  }
0x6: {  	_ = 	snop  }
0x7: {  	_ = 	snop  }
__scs_overlays_trampoline_lowered:
0x8: {  	[smem:$0x3FA8] =	sst s0  }
0x9: {  	[smem:$0x3FA9] =	sst s1  }
0xa: {  	[smem:$0x3FAA] =	sst s2  }
0xb: {  	[smem:$0x3FAB] =	sst s3  }
0xc: {  	[smem:$0x3FAC] =	sst s4  }
0xd: {  	[smem:$0x3FAD] =	sst s5  }
0xe: {  	[smem:$0x3FAE] =	sst s6  }
0xf: {  	[smem:$0x3FAF] =	sst s7  }
0x10: {  	[smem:$0x3FB0] =	sst s8  }
0x11: {  	[smem:$0x3FB1] =	sst s9;
	s0 =	simm.s32 @!p0 $0x0  }
0x12: {  	s1 =	sld [smem:$0x3F97];
	s0 =	simm.s32 @p0 $0x1  }
0x13: {  	[smem:$0x3FB2] =	sst s0;
	s0 =	simm.s32 @!p1 $0x0  }
0x14: {  	s2 =	sld [smem:$0x3F96];
	s0 =	simm.s32 @p1 $0x1  }
0x15: {  	[smem:$0x3FB3] =	sst s0;
	s0 =	simm.s32 @!p2 $0x0  }
0x16: {  	s3 =	sld [smem:$0x3FDB];
	s0 =	simm.s32 @p2 $0x1  }
0x17: {  	s4 =	simm.s32 $0x1BF5;
	[smem:$0x3FB5] =	sst s0  }
0x18: {  	s0 =	sld [smem:$0x3F98];
	_ =	swait.ge [sflag:s4], $0x0  }
0x19: {  	s7 =	sld [smem:$0x3F99]  }
0x1a: {  	s8 =	sadd.s32 $0xFFFFE003, lr  }
0x1b: {  	s9 =	sadd.s32 $0xFFFFFEF7, lr;
	s5 =	simm.s32 $0xFFFFFFFF;
	p2 =	slt.u32 s8, $0xFFFFF086  }
0x1c: {  	p1 =	slt.u32 s9, $0xF7A;
	s5 =	simm.s32 @!p2 $0x0  }
0x1d: {  	s5 =	simm.s32 @p1 $0x1;
	p0 =	seq.s32 s7, s2  }
0x1e: {  	s7 =	smul.u32 @!p0 $0xF7A, s2;
	p2 =	seq.s32 @!p0 s5, $0x0  }
0x1f: {  	s9 =	smul.u32 $0xF7A, s1;
	s8 =	simm.s32 @!p0 $0x1BF5;
	p2 =	por !p2, p0  }
0x20: {  	[sflag:s8] =	ssyncset.s32 @!p0 $0xFFFFF086;
	s6 =	sadd.s32 @!p0 s3, s7;
	s7 =	simm.s32 @!p0 $0x108  }
0x21: {  	s3 =	sadd.s32 s3, s9;
	s6 =	sadd.s32 @!p0 $0x88, s6;
	s7 =	simm.s32 @p2 $0x1082  }
0x22: {  	[simem:s7], [sflag:s8] =	dma.local @!p0 [hbm:s6], $0xF7A  }
0x23: {  	s9 =	sor.u32 $0xD0000000, s2;
	s6 =	simm.s32 $0x108;
	_ =	swait.ge @!p0 [sflag:s8], $0x0  }
0x24: {  	s3 =	sadd.s32 $0x88, s3;
	s6 =	simm.s32 @!p1 $0x1082;
	[sflag:s4] =	ssyncset.s32 $0xFFFFF086  }
0x25: {  	[simem:s6], [sflag:s4] =	dma.local [hbm:s3], $0xF7A  }
0x26: {  	[smem:$0x3F99] =	sst s1;
	(tag) =	ssettag s2;
	_ =	strace s9  }
0x27: {  	s1 =	sld [smem:$0x3FA9]  }
0x28: {  	s2 =	sld [smem:$0x3FAA]  }
0x29: {  	s4 =	sld [smem:$0x3FAC]  }
0x2a: {  	p0 =	seq.s32 s5, $0x0;
	s5 =	sld [smem:$0x3FAD]  }
0x2b: {  	s6 =	sld [smem:$0x3FAE]  }
0x2c: {  	s7 =	sld [smem:$0x3FAF]  }
0x2d: {  	s3 =	simm.s32 $0x108;
	s8 =	sld [smem:$0x3FB0]  }
0x2e: {  	s3 =	simm.s32 @!p0 $0x1082;
	s9 =	sld [smem:$0x3FB1]  }
0x2f: {  	lr =	sadd.s32 s0, s3;
	s0 =	sld [smem:$0x3FA8]  }
0x30: {  	s3 =	sld [smem:$0x3FAB]  }
0x31: {  	[smem:$0x3FB4] =	sst s10  }
0x32: {  	s10 =	sld [smem:$0x3FB2];
	_ =	sdelay $0x3  }
0x33: {  	p0 =	seq.s32 s10, $0x1;
	s10 =	sld [smem:$0x3FB4];
	_ =	sdelay $0x3  }
0x34: {  	[smem:$0x3FB4] =	sst s10  }
0x35: {  	s10 =	sld [smem:$0x3FB3];
	_ =	sdelay $0x3  }
0x36: {  	p1 =	seq.s32 s10, $0x1;
	s10 =	sld [smem:$0x3FB4];
	_ =	sdelay $0x3  }
0x37: {  	[smem:$0x3FB4] =	sst s10  }
0x38: {  	s10 =	sld [smem:$0x3FB5]  }
0x39: {  	_ = 	snop;
	(pc) =	sbr.ind lr, $3  }
0x3a: {  	_ = 	snop  }
0x3b: {  	_ = 	snop  }
0x3c: {  	p2 =	seq.s32 s10, $0x1;
	s10 =	sld [smem:$0x3FB4]  }
0x3d: {  	_ =	shalt  }
0x3e: {  	_ =	shalt  }
0x3f: {  	_ =	shalt  }
0x40: {  	_ =	shalt  }
0x41: {  	_ =	shalt  }
0x42: {  	_ =	shalt  }
0x43: {  	_ =	shalt  }
0x44: {  	_ =	shalt  }
0x45: {  	_ =	shalt  }
0x46: {  	_ =	shalt  }
0x47: {  	_ =	shalt  }
0x48: {  	_ =	shalt  }
0x49: {  	_ =	shalt  }
0x4a: {  	_ =	shalt  }
0x4b: {  	_ =	shalt  }
0x4c: {  	_ =	shalt  }
0x4d: {  	_ =	shalt  }
0x4e: {  	_ =	shalt  }
0x4f: {  	_ =	shalt  }
0x50: {  	_ =	shalt  }
0x51: {  	_ =	shalt  }
0x52: {  	_ =	shalt  }
0x53: {  	_ =	shalt  }
0x54: {  	_ =	shalt  }
0x55: {  	_ =	shalt  }
0x56: {  	_ =	shalt  }
0x57: {  	_ =	shalt  }
0x58: {  	_ =	shalt  }
0x59: {  	_ =	shalt  }
0x5a: {  	_ =	shalt  }
0x5b: {  	_ =	shalt  }
0x5c: {  	_ =	shalt  }
0x5d: {  	_ =	shalt  }
0x5e: {  	_ =	shalt  }
0x5f: {  	_ =	shalt  }
0x60: {  	_ =	shalt  }
0x61: {  	_ =	shalt  }
0x62: {  	_ =	shalt  }
0x63: {  	_ =	shalt  }
0x64: {  	_ =	shalt  }
0x65: {  	_ =	shalt  }
0x66: {  	_ =	shalt  }
0x67: {  	_ =	shalt  }
0x68: {  	_ =	shalt  }
0x69: {  	_ =	shalt  }
0x6a: {  	_ =	shalt  }
0x6b: {  	_ =	shalt  }
0x6c: {  	_ =	shalt  }
0x6d: {  	_ =	shalt  }
0x6e: {  	_ =	shalt  }
0x6f: {  	_ =	shalt  }
0x70: {  	_ =	shalt  }
0x71: {  	_ =	shalt  }
0x72: {  	_ =	shalt  }
0x73: {  	_ =	shalt  }
0x74: {  	_ =	shalt  }
0x75: {  	_ =	shalt  }
0x76: {  	_ =	shalt  }
0x77: {  	_ =	shalt  }
0x78: {  	_ =	shalt  }
0x79: {  	_ =	shalt  }
0x7a: {  	_ =	shalt  }
0x7b: {  	_ =	shalt  }
0x7c: {  	_ =	shalt  }
0x7d: {  	_ =	shalt  }
0x7e: {  	_ =	shalt  }
0x7f: {  	_ =	shalt  }
0x80: {  	_ =	shalt  }
0x81: {  	_ =	shalt  }
0x82: {  	_ =	shalt  }
0x83: {  	_ =	shalt  }
0x84: {  	_ =	shalt  }
0x85: {  	_ =	shalt  }
0x86: {  	_ =	shalt  }
0x87: {  	_ =	shalt  }
.Lfunc_end0:
.L_simem_size_0:
called_computation.1_lowered:
.L_overlay_start_0:
0x88: {  	s2 =	sld [smem:$0x3FD9]  }
0x89: {  	s3 =	sld [smem:$0x3FFE];
	_ =	sdelay $0x1  }
0x8a: {  	s1 =	srdreg.scid  }
0x8b: {  	s0 =	sand.u32 $0x1, s1  }
0x8c: {  	s17 =	sshll.u32 s0, $0xA;
	s2 =	sadd.s32 s3, s2  }
0x8d: {  	s2 =	sadd.s32 s2, s17  }
0x8e: {  	[smem:$0x3FC0] =	sst s2  }
0x8f: {  	_ = 	snop  }
0x90: {  	s2 =	sld [smem:$0x3FD0];
	(tm) =	ssettm $0x1  }
0x91: {  	s18 =	sld [smem:$0x3FFB];
	_ =	sdelay $0x3  }
0x92: {  	_ =	strace s18  }
0x93: {  	s3 =	sld [smem:$0x3FFC];
	_ =	sdelay $0x3  }
0x94: {  	_ =	strace s3  }
0x95: {  	s3 =	sld [smem:$0x3FFD];
	_ =	sdelay $0x3  }
0x96: {  	_ =	strace s3  }
0x97: {  	_ =	strace $0x8FFFFFFF  }
0x98: {  	s19 =	sld [smem:$0x3FDB];
	_ =	sdelay $0x1  }
0x99: {  	s4 =	simm.s32 $_scs_section_size  }
0x9a: {  	s5 =	simm.s32 $_size__tile_overlayer_lowered;
	s6 =	simm.s32 $_tile_overlayer_lowered  }
0x9b: {  	s22 =	simm.s32 $0x1BFF;
	s21 =	sshll.u32 s6, $0x1;
	s3 =	sadd.s32 s4, s19  }
0x9c: {  	s7 =	simm.s32 $0x0;
	s20 =	sshll.u32 s5, $0x1;
	s5 =	sadd.s32 s21, s3  }
0x9d: {  	[timem:s7], [sflag:s22] =	dma.local [hbm:s5], s20  }
0x9e: {  	_ =	swait.ge [sflag:s22], s20  }
0x9f: {  	s4 =	ssub.s32 $0x0, s20;
	[sflag:s22] =	ssyncset.done $0x0  }
0xa0: {  	[sflag:s22] =	ssyncadd.s32 s4;
	_ =	sdelay $0x1  }
0xa1: {  	s23 =	simm.s32 $0x1B8B  }
0xa2: {  	_ =	swait.ge [sflag:s23], $0x1  }
0xa3: {  	[sflag:s23] =	ssyncset.done $0x0  }
0xa4: {  	s25 =	simm.s32 $0x1B8E;
	s24 =	sld [smem:$0x3FFE];
	[sflag:s23] =	ssyncadd.s32 $0xFFFFFFFF  }
0xa5: {  	s26 =	simm.s32 $execute0_lowered;
	[smem:$0x3FD2] =	sst s25  }
0xa6: {  	s5 =	sshll.u32 s26, $0x1;
	_ =	strace $0x80000049;
	[dreg:$0x1] =	wrdreg $0xFFFFFFFF  }
0xa7: {  	s28 =	simm.s32 $_size_execute0_lowered;
	s3 =	sadd.s32 s3, s5;
	[dreg:$0x0] =	wrdreg $0x0  }
0xa8: {  	s5 =	sshll.u32 s28, $0x1;
	[dreg:$0x2] =	wrdreg s3  }
0xa9: {  	[dreg:$0x3] =	wrdreg s5  }
0xaa: {  	[dreg:$0x4] =	wrdreg $0xC0  }
0xab: {  	_ =	task [dreg:s7], $0x5FFFF  }
0xac: {  	[dreg:$0x1] =	wrdreg $0xFFFFFFFF  }
0xad: {  	[dreg:$0x0] =	wrdreg $0x60  }
0xae: {  	[dreg:$0x2] =	wrdreg s24  }
0xaf: {  	[dreg:$0x3] =	wrdreg s2  }
0xb0: {  	[dreg:$0x4] =	wrdreg $0x0  }
0xb1: {  	[dreg:$0x5] =	wrdreg $0x9  }
0xb2: {  	_ =	task.clear_ibuf [dreg:s7], $0x6FFFF;
	_ =	strace $0x90000049  }
0xb3: {  	s29 =	simm.s32 $0x9;
	_ =	strace $0x8000004B  }
0xb4: {  	_ =	swait.ge [sflag:s29], $0x1  }
0xb5: {  	[sflag:s29] =	ssyncadd.s32 $0xFFFFFFFF  }
0xb6: {  	_ =	strace $0x9000004B  }
0xb7: {  	_ =	sfence  }
0xb8: {  	s30 =	sld [smem:$0x0];
	_ =	sdelay $0x2  }
0xb9: {  	s31 =	sshll.u32 s1, $0xD;
	s1 =	sshrl.u32 s1, $0x2  }
0xba: {  	s3 =	sand.u32 $0x4000, s31;
	s1 =	sadd.s32 s1, s30  }
0xbb: {  	s0 =	sor.u32 s3, s0;
	s1 =	sshll.u32 s1, $0x11  }
0xbc: {  	s0 =	sor.u32 s1, s0  }
0xbd: {  	s0 =	sadd.s32 $0x8F2B, s0  }
0xbe: {  	[sflag:s0] =	ssyncadd.remote.s32 $0x1  }
0xbf: {  	_ =	sfence.sel $0xFFFF  }
0xc0: {  	[dreg:$0x0] =	wrdreg $0xFFFFFFFF;
	(pc) =	sbr.abs _section_cstart, $3  }
0xc1: {  	[dreg:$0x1] =	wrdreg $0xFFFFFFFF  }
0xc2: {  	_ =	task.clear_ibuf [dreg:s7], $0x2FFFF;
	_ =	strace $0x9FFFFFFF  }
0xc3: {  	(tm) =	ssettm $0x7FFFFFFF  }
tec
execute0_lowered:
.L_overlay_start_1:
0x0: {  	(tag) =	ssettag $0x1  }
0x1: {  	s0 =	rddreg [dreg:$0x0];
	s1 =	srdreg.scid  }
0x2: {  	s11 =	stileid.u32;
	s5 =	rddreg [dreg:$0x1]  }
0x3: {  	s2 =	rddreg [dreg:$0x2];
	s3 =	simm.s32 $0x0;
	s13 =	simm.s32 $0x3  }
0x4: {  	s14 =	simm.s32 $0x14000;
	s15 =	simm.s32 $0x14400;
	s16 =	simm.s32 $0x80  }
0x5: {  	s17 =	simm.s32 $0x14800;
	s26 =	simm.s32 $0x14080;
	s18 =	simm.s32 $0x1  }
0x6: {  	s28 =	simm.s32 $0x14280;
	s29 =	simm.s32 $0x14600;
	s4 =	smul.u32 $0x7800, s11  }
0x7: {  	s30 =	simm.s32 $0x14300;
	s31 =	simm.s32 $0x14680;
	s8 =	smul.u32 $0x14000, s11  }
0x8: {  	s1 =	sand.u32 $0x1, s1;
	[smem:$0x7FF] =	sst s3;
	s19 =	smul.u32 $0x50000, s11  }
0x9: {  	s10 =	sadd.s32 $0x11600, s0;
	s22 =	sshll.u32 s11, $0x6;
	s6 =	smul.u32 $0x3C00, s1  }
0xa: {  	s7 =	smul.u32 $0x140000, s1;
	_ =	strace $0x8000004A;
	[dreg:$0x5] =	wrdreg s10  }
0xb: {  	s20 =	ssub.s32 $0x2, s1;
	s11 =	sor.u32 $0x1C03, s22;
	p0 =	seq.s32 s1, $0x0  }
0xc: {  	s1 =	simm.s32 $0xF;
	[dreg:$0x4] =	wrdreg s26;
	s22 =	simm.s32 $0x14480  }
0xd: {  	s26 =	simm.s32 $0x14580;
	s21 =	sshrl.u32 s20, $0x1;
	s1 =	simm.s32 @!p0 $0x5  }
0xe: {  	s6 =	sadd.s32 s6, s4;
	s4 =	sadd.s32 $0x14000, s0;
	s7 =	sadd.s32 s8, s7  }
0xf: {  	s8 =	sshrl.u32 s19, $0x2;
	s10 =	ssub.s32 s20, s21;
	[dreg:$0xa] =	wrdreg s1  }
0x10: {  	s19 =	simm.s32 $0x18800;
	s20 =	simm.s32 $0x2;
	s21 =	simm.s32 $0x14100  }
0x11: {  	s1 =	simm.s32 $0x14380;
	s9 =	sshrl.u32 s6, $0x3;
	s7 =	sshrl.u32 s7, $0x3  }
0x12: {  	s8 =	sadd.s32 s8, s2;
	s23 =	smax.u32 s10, $0x1;
	s6 =	sadd.s32 s9, s0  }
0x13: {  	s0 =	sadd.s32 s7, s0;
	[dreg:$0x7] =	wrdreg s23;
	s25 =	sadd.s32 s9, s5  }
0x14: {  	s9 =	sshrl.u32 s8, $0x3;
	s23 =	simm.s32 $0x14180;
	s5 =	simm.s32 $0x14780  }
0x15: {  	s8 =	simm.s32 $0x0;
	s0 =	sadd.s32 $0x3C000, s0;
	[dreg:$0x9] =	wrdreg s25  }
0x16: {  	s24 =	sadd.s32 $0x2600, s6;
	s25 =	simm.s32 $0x14200;
	[dreg:$0x6] =	wrdreg s0  }
0x17: {  	[dreg:$0x8] =	wrdreg s24;
	s24 =	simm.s32 $0x14500;
	s0 =	simm.s32 $0x14700  }
.LBB2_1:
0x18: {  	s6 =	rddreg [dreg:$0x5]  }
0x19: {  	[spmem:s9], [sflag:s11] =	dma.local [hbm:s6], $0x2800  }
0x1a: {  	_ =	swait.ge [sflag:s13], $0x2800  }
0x1b: {  	[sflag:s13] =	ssyncset.done $0x0  }
0x1c: {  	[sflag:s13] =	ssyncadd.s32 $0xFFFFD800  }
0x1d: {  	[bflag:$0x0] =	sbarrier.arrive $0xFFFF  }
0x1e: {  	s12 =	smov.u32 s11;
	s11 =	rddreg [dreg:$0x9]  }
0x1f: {  	[tilespmem:s14], [sflag:$0x3] =	stream.linear.gather [hbm4b:s11+s3], $0x400, $0x38;
	[tilespmem:$0x1C800] =	vst v63  }
0x20: {  	_ =	swait.ge [sflag:s13], $0x400  }
0x21: {  	[sflag:s13] =	ssyncset.done $0x0  }
0x22: {  	s10 =	rddreg [dreg:$0x8];
	[sflag:s13] =	ssyncadd.s32 $0xFFFFFC00  }
0x23: {  	[tilespmem:s15], [sflag:$0x3] =	stream.linear.gather [hbm4b:s10+s3], $0x400, $0x38;
	[tilespmem:$0x1C800] =	vst v63  }
0x24: {  	_ =	swait.ge [sflag:s13], $0x400  }
0x25: {  	[sflag:s13] =	ssyncset.done $0x0  }
0x26: {  	[sflag:s13] =	ssyncadd.s32 $0xFFFFFC00  }
0x27: {  	[tilespmem:s17], [sflag:$0x1] =	stream.indirect.gather [hbm4b:s4+s16], $0x80, s14, s16, $0xb8;
	[tilespmem:$0x1C800] =	vst v63  }
0x28: {  	_ =	swait.ge [sflag:s18], $0x4000  }
0x29: {  	[sflag:s18] =	ssyncset.done $0x0  }
0x2a: {  	s6 =	rddreg [dreg:$0x4];
	[sflag:s18] =	ssyncadd.s32 $0xFFFFC000  }
0x2b: {  	[tilespmem:s19], [sflag:$0x1] =	stream.indirect.gather [hbm4b:s4+s16], $0x80, s6, s16, $0xb8;
	[tilespmem:$0x1C800] =	vst v63  }
0x2c: {  	_ = 	snop  }
0x2d: {  	[spmem:s2] =	stream.indirect.scatter.add.f32 [tilespmem:s17], [sflag:$0x2], $0x80, s15, s16, $0xb8;
	[tilespmem:$0x1C800] =	vst v63  }
0x2e: {  	_ =	swait.ge [sflag:s18], $0x4000  }
0x2f: {  	[sflag:s18] =	ssyncset.done $0x0  }
0x30: {  	[sflag:s18] =	ssyncadd.s32 $0xFFFFC000  }
0x31: {  	_ =	swait.ge [sflag:s20], $0x4000  }
0x32: {  	[sflag:s20] =	ssyncset.done $0x0  }
0x33: {  	[sflag:s20] =	ssyncadd.s32 $0xFFFFC000  }
0x34: {  	[tilespmem:s17], [sflag:$0x1] =	stream.indirect.gather [hbm4b:s4+s16], $0x80, s21, s16, $0xb8;
	[tilespmem:$0x1C800] =	vst v63  }
0x35: {  	_ = 	snop  }
0x36: {  	[spmem:s2] =	stream.indirect.scatter.add.f32 [tilespmem:s19], [sflag:$0x2], $0x80, s22, s16, $0xb8;
	[tilespmem:$0x1C800] =	vst v63  }
0x37: {  	_ =	swait.ge [sflag:s18], $0x4000  }
0x38: {  	[sflag:s18] =	ssyncset.done $0x0  }
0x39: {  	[sflag:s18] =	ssyncadd.s32 $0xFFFFC000  }
0x3a: {  	_ =	swait.ge [sflag:s20], $0x4000  }
0x3b: {  	[sflag:s20] =	ssyncset.done $0x0  }
0x3c: {  	[sflag:s20] =	ssyncadd.s32 $0xFFFFC000  }
0x3d: {  	[tilespmem:s19], [sflag:$0x1] =	stream.indirect.gather [hbm4b:s4+s16], $0x80, s23, s16, $0xb8;
	[tilespmem:$0x1C800] =	vst v63  }
0x3e: {  	_ = 	snop  }
0x3f: {  	[spmem:s2] =	stream.indirect.scatter.add.f32 [tilespmem:s17], [sflag:$0x2], $0x80, s24, s16, $0xb8;
	[tilespmem:$0x1C800] =	vst v63  }
0x40: {  	_ =	swait.ge [sflag:s18], $0x4000  }
0x41: {  	[sflag:s18] =	ssyncset.done $0x0  }
0x42: {  	[sflag:s18] =	ssyncadd.s32 $0xFFFFC000  }
0x43: {  	_ =	swait.ge [sflag:s20], $0x4000  }
0x44: {  	[sflag:s20] =	ssyncset.done $0x0  }
0x45: {  	[sflag:s20] =	ssyncadd.s32 $0xFFFFC000  }
0x46: {  	[tilespmem:s17], [sflag:$0x1] =	stream.indirect.gather [hbm4b:s4+s16], $0x80, s25, s16, $0xb8;
	[tilespmem:$0x1C800] =	vst v63  }
0x47: {  	_ = 	snop  }
0x48: {  	[spmem:s2] =	stream.indirect.scatter.add.f32 [tilespmem:s19], [sflag:$0x2], $0x80, s26, s16, $0xb8;
	[tilespmem:$0x1C800] =	vst v63  }
0x49: {  	_ =	swait.ge [sflag:s18], $0x4000  }
0x4a: {  	[sflag:s18] =	ssyncset.done $0x0  }
0x4b: {  	[sflag:s18] =	ssyncadd.s32 $0xFFFFC000  }
0x4c: {  	_ =	swait.ge [sflag:s20], $0x4000  }
0x4d: {  	[sflag:s20] =	ssyncset.done $0x0  }
0x4e: {  	[sflag:s20] =	ssyncadd.s32 $0xFFFFC000  }
0x4f: {  	[tilespmem:s19], [sflag:$0x1] =	stream.indirect.gather [hbm4b:s4+s16], $0x80, s28, s16, $0xb8;
	[tilespmem:$0x1C800] =	vst v63  }
0x50: {  	_ = 	snop  }
0x51: {  	[spmem:s2] =	stream.indirect.scatter.add.f32 [tilespmem:s17], [sflag:$0x2], $0x80, s29, s16, $0xb8;
	[tilespmem:$0x1C800] =	vst v63  }
0x52: {  	_ =	swait.ge [sflag:s18], $0x4000  }
0x53: {  	[sflag:s18] =	ssyncset.done $0x0  }
0x54: {  	[sflag:s18] =	ssyncadd.s32 $0xFFFFC000  }
0x55: {  	_ =	swait.ge [sflag:s20], $0x4000  }
0x56: {  	[sflag:s20] =	ssyncset.done $0x0  }
0x57: {  	[sflag:s20] =	ssyncadd.s32 $0xFFFFC000  }
0x58: {  	[tilespmem:s17], [sflag:$0x1] =	stream.indirect.gather [hbm4b:s4+s16], $0x80, s30, s16, $0xb8;
	[tilespmem:$0x1C800] =	vst v63  }
0x59: {  	_ = 	snop  }
0x5a: {  	[spmem:s2] =	stream.indirect.scatter.add.f32 [tilespmem:s19], [sflag:$0x2], $0x80, s31, s16, $0xb8;
	[tilespmem:$0x1C800] =	vst v63  }
0x5b: {  	_ =	swait.ge [sflag:s18], $0x4000  }
0x5c: {  	[sflag:s18] =	ssyncset.done $0x0  }
0x5d: {  	[sflag:s18] =	ssyncadd.s32 $0xFFFFC000  }
0x5e: {  	_ =	swait.ge [sflag:s20], $0x4000  }
0x5f: {  	[sflag:s20] =	ssyncset.done $0x0  }
0x60: {  	[sflag:s20] =	ssyncadd.s32 $0xFFFFC000  }
0x61: {  	[tilespmem:s19], [sflag:$0x1] =	stream.indirect.gather [hbm4b:s4+s16], $0x80, s1, s16, $0xb8;
	[tilespmem:$0x1C800] =	vst v63  }
0x62: {  	_ = 	snop  }
0x63: {  	[spmem:s2] =	stream.indirect.scatter.add.f32 [tilespmem:s17], [sflag:$0x2], $0x80, s0, s16, $0xb8;
	[tilespmem:$0x1C800] =	vst v63  }
0x64: {  	_ =	swait.ge [sflag:s18], $0x4000  }
0x65: {  	[sflag:s18] =	ssyncset.done $0x0  }
0x66: {  	[sflag:s18] =	ssyncadd.s32 $0xFFFFC000  }
0x67: {  	_ =	swait.ge [sflag:s20], $0x4000  }
0x68: {  	s7 =	smov.u32 s9;
	s9 =	rddreg [dreg:$0xa]  }
0x69: {  	p0 =	sne.s32 s9, $0x1  }
.Ltmp0:
0x6a: {  	[sflag:s20] =	ssyncset.done $0x0;
	(pc) =	sbr.rel @!p0 .LBB2_3-.Ltmp0, $4  }
0x6b: {  	[sflag:s20] =	ssyncadd.s32 $0xFFFFC000  }
0x6c: {  	[spmem:s2] =	stream.indirect.scatter.add.f32 [tilespmem:s19], [sflag:$0x2], $0x80, s5, s16, $0xb8;
	[tilespmem:$0x1C800] =	vst v63  }
0x6d: {  	_ =	swait.ge [sflag:s20], $0x4000  }
0x6e: {  	s9 =	sadd.s32 $0xFFFFFFFF, s9;
	[sflag:s20] =	ssyncset.done $0x0  }
.LBB2_2:
0x6f: {  	[sflag:s20] =	ssyncadd.s32 $0xFFFFC000;
	s11 =	sadd.s32 $0x80, s11  }
0x70: {  	[tilespmem:s14], [sflag:$0x3] =	stream.linear.gather [hbm4b:s11+s3], $0x400, $0x38;
	[tilespmem:$0x1C800] =	vst v63  }
0x71: {  	_ =	swait.ge [sflag:s13], $0x400  }
0x72: {  	[sflag:s13] =	ssyncset.done $0x0  }
0x73: {  	s10 =	sadd.s32 $0x80, s10;
	[sflag:s13] =	ssyncadd.s32 $0xFFFFFC00  }
0x74: {  	[tilespmem:s15], [sflag:$0x3] =	stream.linear.gather [hbm4b:s10+s3], $0x400, $0x38;
	[tilespmem:$0x1C800] =	vst v63  }
0x75: {  	_ =	swait.ge [sflag:s13], $0x400  }
0x76: {  	[sflag:s13] =	ssyncset.done $0x0  }
0x77: {  	[sflag:s13] =	ssyncadd.s32 $0xFFFFFC00  }
0x78: {  	[tilespmem:s17], [sflag:$0x1] =	stream.indirect.gather [hbm4b:s4+s16], $0x80, s14, s16, $0xb8;
	[tilespmem:$0x1C800] =	vst v63  }
0x79: {  	_ =	swait.ge [sflag:s18], $0x4000  }
0x7a: {  	[sflag:s18] =	ssyncset.done $0x0  }
0x7b: {  	s6 =	rddreg [dreg:$0x4];
	[sflag:s18] =	ssyncadd.s32 $0xFFFFC000  }
0x7c: {  	[tilespmem:s19], [sflag:$0x1] =	stream.indirect.gather [hbm4b:s4+s16], $0x80, s6, s16, $0xb8;
	[tilespmem:$0x1C800] =	vst v63  }
0x7d: {  	_ = 	snop  }
0x7e: {  	[spmem:s2] =	stream.indirect.scatter.add.f32 [tilespmem:s17], [sflag:$0x2], $0x80, s15, s16, $0xb8;
	[tilespmem:$0x1C800] =	vst v63  }
0x7f: {  	_ =	swait.ge [sflag:s18], $0x4000  }
0x80: {  	[sflag:s18] =	ssyncset.done $0x0  }
0x81: {  	[sflag:s18] =	ssyncadd.s32 $0xFFFFC000  }
0x82: {  	_ =	swait.ge [sflag:s20], $0x4000  }
0x83: {  	[sflag:s20] =	ssyncset.done $0x0  }
0x84: {  	[sflag:s20] =	ssyncadd.s32 $0xFFFFC000  }
0x85: {  	[tilespmem:s17], [sflag:$0x1] =	stream.indirect.gather [hbm4b:s4+s16], $0x80, s21, s16, $0xb8;
	[tilespmem:$0x1C800] =	vst v63  }
0x86: {  	_ = 	snop  }
0x87: {  	[spmem:s2] =	stream.indirect.scatter.add.f32 [tilespmem:s19], [sflag:$0x2], $0x80, s22, s16, $0xb8;
	[tilespmem:$0x1C800] =	vst v63  }
0x88: {  	_ =	swait.ge [sflag:s18], $0x4000  }
0x89: {  	[sflag:s18] =	ssyncset.done $0x0  }
0x8a: {  	[sflag:s18] =	ssyncadd.s32 $0xFFFFC000  }
0x8b: {  	_ =	swait.ge [sflag:s20], $0x4000  }
0x8c: {  	[sflag:s20] =	ssyncset.done $0x0  }
0x8d: {  	[sflag:s20] =	ssyncadd.s32 $0xFFFFC000  }
0x8e: {  	[tilespmem:s19], [sflag:$0x1] =	stream.indirect.gather [hbm4b:s4+s16], $0x80, s23, s16, $0xb8;
	[tilespmem:$0x1C800] =	vst v63  }
0x8f: {  	_ = 	snop  }
0x90: {  	[spmem:s2] =	stream.indirect.scatter.add.f32 [tilespmem:s17], [sflag:$0x2], $0x80, s24, s16, $0xb8;
	[tilespmem:$0x1C800] =	vst v63  }
0x91: {  	_ =	swait.ge [sflag:s18], $0x4000  }
0x92: {  	[sflag:s18] =	ssyncset.done $0x0  }
0x93: {  	[sflag:s18] =	ssyncadd.s32 $0xFFFFC000  }
0x94: {  	_ =	swait.ge [sflag:s20], $0x4000  }
0x95: {  	[sflag:s20] =	ssyncset.done $0x0  }
0x96: {  	[sflag:s20] =	ssyncadd.s32 $0xFFFFC000  }
0x97: {  	[tilespmem:s17], [sflag:$0x1] =	stream.indirect.gather [hbm4b:s4+s16], $0x80, s25, s16, $0xb8;
	[tilespmem:$0x1C800] =	vst v63  }
0x98: {  	_ = 	snop  }
0x99: {  	[spmem:s2] =	stream.indirect.scatter.add.f32 [tilespmem:s19], [sflag:$0x2], $0x80, s26, s16, $0xb8;
	[tilespmem:$0x1C800] =	vst v63  }
0x9a: {  	_ =	swait.ge [sflag:s18], $0x4000  }
0x9b: {  	[sflag:s18] =	ssyncset.done $0x0  }
0x9c: {  	[sflag:s18] =	ssyncadd.s32 $0xFFFFC000  }
0x9d: {  	_ =	swait.ge [sflag:s20], $0x4000  }
0x9e: {  	[sflag:s20] =	ssyncset.done $0x0  }
0x9f: {  	[sflag:s20] =	ssyncadd.s32 $0xFFFFC000  }
0xa0: {  	[tilespmem:s19], [sflag:$0x1] =	stream.indirect.gather [hbm4b:s4+s16], $0x80, s28, s16, $0xb8;
	[tilespmem:$0x1C800] =	vst v63  }
0xa1: {  	_ = 	snop  }
0xa2: {  	[spmem:s2] =	stream.indirect.scatter.add.f32 [tilespmem:s17], [sflag:$0x2], $0x80, s29, s16, $0xb8;
	[tilespmem:$0x1C800] =	vst v63  }
0xa3: {  	_ =	swait.ge [sflag:s18], $0x4000  }
0xa4: {  	[sflag:s18] =	ssyncset.done $0x0  }
0xa5: {  	[sflag:s18] =	ssyncadd.s32 $0xFFFFC000  }
0xa6: {  	_ =	swait.ge [sflag:s20], $0x4000  }
0xa7: {  	[sflag:s20] =	ssyncset.done $0x0  }
0xa8: {  	[sflag:s20] =	ssyncadd.s32 $0xFFFFC000  }
0xa9: {  	[tilespmem:s17], [sflag:$0x1] =	stream.indirect.gather [hbm4b:s4+s16], $0x80, s30, s16, $0xb8;
	[tilespmem:$0x1C800] =	vst v63  }
0xaa: {  	_ = 	snop  }
0xab: {  	[spmem:s2] =	stream.indirect.scatter.add.f32 [tilespmem:s19], [sflag:$0x2], $0x80, s31, s16, $0xb8;
	[tilespmem:$0x1C800] =	vst v63  }
0xac: {  	_ =	swait.ge [sflag:s18], $0x4000  }
0xad: {  	[sflag:s18] =	ssyncset.done $0x0  }
0xae: {  	[sflag:s18] =	ssyncadd.s32 $0xFFFFC000  }
0xaf: {  	_ =	swait.ge [sflag:s20], $0x4000  }
0xb0: {  	[sflag:s20] =	ssyncset.done $0x0  }
0xb1: {  	[sflag:s20] =	ssyncadd.s32 $0xFFFFC000  }
0xb2: {  	[tilespmem:s19], [sflag:$0x1] =	stream.indirect.gather [hbm4b:s4+s16], $0x80, s1, s16, $0xb8;
	[tilespmem:$0x1C800] =	vst v63  }
0xb3: {  	_ = 	snop  }
0xb4: {  	[spmem:s2] =	stream.indirect.scatter.add.f32 [tilespmem:s17], [sflag:$0x2], $0x80, s0, s16, $0xb8;
	[tilespmem:$0x1C800] =	vst v63  }
0xb5: {  	_ =	swait.ge [sflag:s18], $0x4000  }
0xb6: {  	[sflag:s18] =	ssyncset.done $0x0  }
0xb7: {  	[sflag:s18] =	ssyncadd.s32 $0xFFFFC000  }
0xb8: {  	p0 =	sne.s32 s9, $0x1;
	_ =	swait.ge [sflag:s20], $0x4000  }
.Ltmp1:
0xb9: {  	[sflag:s20] =	ssyncset.done $0x0;
	(pc) =	sbr.rel @p0 .LBB2_2-.Ltmp1, $4  }
0xba: {  	[sflag:s20] =	ssyncadd.s32 $0xFFFFC000  }
0xbb: {  	[spmem:s2] =	stream.indirect.scatter.add.f32 [tilespmem:s19], [sflag:$0x2], $0x80, s5, s16, $0xb8;
	[tilespmem:$0x1C800] =	vst v63  }
0xbc: {  	_ =	swait.ge [sflag:s20], $0x4000  }
0xbd: {  	s9 =	sadd.s32 $0xFFFFFFFF, s9;
	[sflag:s20] =	ssyncset.done $0x0  }
.LBB2_3:
0xbe: {  	[sflag:s20] =	ssyncadd.s32 $0xFFFFC000  }
0xbf: {  	[bflag:$0x0] =	sbarrier.arrive $0xFFFF  }
0xc0: {  	s6 =	rddreg [dreg:$0x6]  }
0xc1: {  	[hbm:s6], [sflag:s12] =	dma.local [spmem:s7], $0x2800  }
0xc2: {  	_ =	swait.ge [sflag:s13], $0x2800  }
0xc3: {  	s11 =	smov.u32 s12;
	s8 =	sadd.s32 $0x1, s8;
	s12 =	rddreg [dreg:$0x7]  }
0xc4: {  	p0 =	sne.s32 s8, s12  }
.Ltmp2:
0xc5: {  	_ = 	snop;
	(pc) =	sbr.rel @p0 .LBB2_1-.Ltmp2, $3  }
0xc6: {  	_ =	sdelay $0x1  }
0xc7: {  	[sflag:s13] =	ssyncset.done $0x0  }
0xc8: {  	s9 =	smov.u32 s7;
	[sflag:s13] =	ssyncadd.s32 $0xFFFFD800  }
0xc9: {  	_ =	sfence.sel $0x180000  }
0xca: {  	[bflag:$0x0] =	sbarrier.arrive $0xFFFF  }
0xcb: {  	_ =	strace $0x9000004A  }
0xcc: {  	s0 =	stileid.u32;
	[bflag:$0x2] =	sbarrier.arrive $0xFFFF  }
0xcd: {  	p0 =	sne.s32 s0, $0x0;
	s0 =	rddreg [dreg:$0x3]  }
0xce: {  	s0 =	sadd.s32 @!p0 $0x100000, s0  }
0xcf: {  	[sflag:s0] =	ssyncadd.tile.s32 @!p0 $0x1;
	_ =	shalt  }
.Lfunc_end2:
_tile_overlayer_lowered:
.L_overlay_start_2:
0xd0: {  	(tag) =	ssettag $0x2  }
0xd1: {  	s0 =	rddreg [dreg:$0x0];
	s2 =	stileid.u32  }
0xd2: {  	s1 =	rddreg [dreg:$0x1];
	p0 =	sne.s32 s2, $0x0  }
0xd3: {  	s3 =	rddreg [dreg:$0x2];
	[bflag:$0x3] =	sbarrier.arrive $0xFFFF;
	s2 =	simm.s32 @!p0 $0x1C03  }
0xd4: {  	[timem:s3], [sflag:s2] =	dma.local @!p0 [hbm:s0], s1  }
0xd5: {  	s0 =	simm.s32 @!p0 $0x3  }
0xd6: {  	_ =	swait.ge @!p0 [sflag:s0], s1  }
0xd7: {  	s1 =	ssub.s32 @!p0 $0x0, s1;
	[sflag:s0] =	ssyncset.done @!p0 $0x0  }
0xd8: {  	[sflag:s0] =	ssyncadd.s32 @!p0 s1  }
0xd9: {  	[bflag:$0x3] =	sbarrier.arrive $0xFFFF  }
0xda: {  	_ =	shalt  }

</sc_bundles>
